<compile_context>
chip_gen: v7x
topology: tpu7x:2x2x1
jax: 0.10.2.dev20260603
libtpu: 0.0.44.dev20260713+nightly
codegen_flags: <defaults>
</compile_context>

<pallas_src>
import functools

import jax
import jax.numpy as jnp
from jax import lax
from jax.experimental import pallas as pl
from jax.experimental.pallas import tpu as pltpu
from jax.experimental.pallas import tpu_sc as plsc

N = 10000
E = 320000
D = 128
G = 64
NCLS = 10

NC = 2
NS = 16
NW = NC * NS

CHUNK = 128
HALF = 40
PCHUNKS = 2 * HALF
E_PAD = PCHUNKS * CHUNK * NW
PAD = E_PAD - E

R_SUB = 624


def _slice_phase(s, copy_chunk):
    base = s * R_SUB

    @pl.when(s < NS - 1)
    def _():
        def blk(k, _):
            copy_chunk(base + k * 104, 104)
            return _
        lax.fori_loop(0, 6, blk, 0)

    @pl.when(s == NS - 1)
    def _():
        def blk(k, _):
            copy_chunk(base + k * 128, 128)
            return _
        lax.fori_loop(0, 5, blk, 0)


@functools.cache
def _make_agg():
    mesh = plsc.VectorSubcoreMesh(core_axis_name="c", subcore_axis_name="s")
    scratch = [
        pltpu.VMEM((HALF, CHUNK), jnp.int32),
        pltpu.VMEM((HALF, CHUNK), jnp.int32),
        pltpu.VMEM((CHUNK, D), jnp.float32),
        pltpu.VMEM((CHUNK, D), jnp.float32),
        pltpu.VMEM_SHARED((N + CHUNK, D), jnp.float32),
        pltpu.SemaphoreType.DMA,
        pltpu.SemaphoreType.DMA,
    ]

    def body(h_hbm, src_hbm, dst_hbm, z128_hbm, acc_out, srcb, dstb, b0, b1,
             acc_sh, sem0, sem1):
        c = lax.axis_index("c")
        s = lax.axis_index("s")
        w = c * NS + s

        pltpu.sync_copy(z128_hbm, b0)
        _slice_phase(s, lambda r0, nr: pltpu.sync_copy(
            b0.at[pl.ds(0, nr)], acc_sh.at[pl.ds(r0, nr)]))
        plsc.subcore_barrier()

        def gather(chunk, buf, sem):
            return pltpu.make_async_copy(h_hbm.at[srcb.at[chunk]], buf, sem)

        def scatter(chunk, buf):
            pltpu.sync_copy(buf, acc_sh.at[dstb.at[chunk]], add=True)

        for hh in range(2):
            pltpu.sync_copy(src_hbm.at[w].at[pl.ds(hh * HALF, HALF)], srcb)
            pltpu.sync_copy(dst_hbm.at[w].at[pl.ds(hh * HALF, HALF)], dstb)
            gather(0, b0, sem0).start()

            def loop_body(k, _):
                c0 = 2 * k
                gather(c0 + 1, b1, sem1).start()
                gather(c0, b0, sem0).wait()
                scatter(c0, b0)
                gather(c0 + 2, b0, sem0).start()
                gather(c0 + 1, b1, sem1).wait()
                scatter(c0 + 1, b1)
                return _

            lax.fori_loop(0, HALF // 2 - 1, loop_body, 0)
            gather(HALF - 1, b1, sem1).start()
            gather(HALF - 2, b0, sem0).wait()
            scatter(HALF - 2, b0)
            gather(HALF - 1, b1, sem1).wait()
            scatter(HALF - 1, b1)

        plsc.subcore_barrier()

        def out_chunk(r0, nr):
            pltpu.sync_copy(acc_sh.at[pl.ds(r0, nr)], b0.at[pl.ds(0, nr)])
            pltpu.sync_copy(b0.at[pl.ds(0, nr)],
                            acc_out.at[c].at[pl.ds(r0, nr)])

        _slice_phase(s, out_chunk)

    return pl.kernel(body,
                     out_type=jax.ShapeDtypeStruct((NC, N, D), jnp.float32),
                     mesh=mesh, scratch_types=scratch, name="sage_agg")


@functools.cache
def _make_deg():
    mesh = plsc.VectorSubcoreMesh(core_axis_name="c", subcore_axis_name="s")
    scratch = [
        pltpu.VMEM((PCHUNKS, CHUNK), jnp.int32),
        pltpu.VMEM((CHUNK, D), jnp.float32),
        pltpu.VMEM((CHUNK, D), jnp.float32),
        pltpu.VMEM_SHARED((N + CHUNK, D), jnp.float32),
        pltpu.SemaphoreType.DMA,
        pltpu.SemaphoreType.DMA,
    ]

    def body(dst_hbm, z128_hbm, ones128_hbm, deg_out, dstb, onesr,
             zrows, deg_sh, sem0, sem1):
        c = lax.axis_index("c")
        s = lax.axis_index("s")
        w = c * NS + s

        pltpu.sync_copy(z128_hbm, zrows)
        _slice_phase(s, lambda r0, nr: pltpu.sync_copy(
            zrows.at[pl.ds(0, nr)], deg_sh.at[pl.ds(r0, nr)]))
        pltpu.sync_copy(ones128_hbm, onesr)
        pltpu.sync_copy(dst_hbm.at[w], dstb)
        plsc.subcore_barrier()

        def dscat(i, sem):
            pltpu.async_copy(onesr, deg_sh.at[dstb.at[i]], sem, add=True)

        def dwait(i, sem):
            pltpu.make_async_copy(onesr, deg_sh.at[dstb.at[i]], sem).wait()

        dscat(0, sem0)

        def loop_body(k, _):
            c0 = 2 * k
            dscat(c0 + 1, sem1)
            dwait(c0, sem0)
            dscat(c0 + 2, sem0)
            dwait(c0 + 1, sem1)
            return _

        lax.fori_loop(0, PCHUNKS // 2 - 1, loop_body, 0)
        dscat(PCHUNKS - 1, sem1)
        dwait(PCHUNKS - 2, sem0)
        dwait(PCHUNKS - 1, sem1)

        plsc.subcore_barrier()

        def outd_chunk(r0, nr):
            pltpu.sync_copy(deg_sh.at[pl.ds(r0, nr)], zrows.at[pl.ds(0, nr)])
            pltpu.sync_copy(zrows.at[pl.ds(0, nr)],
                            deg_out.at[c].at[pl.ds(r0, nr)])

        _slice_phase(s, outd_chunk)

    return pl.kernel(body,
                     out_type=jax.ShapeDtypeStruct((NC, N, D), jnp.float32),
                     mesh=mesh, scratch_types=scratch, name="sage_deg")


BLK = 2000
NBLK = N // BLK


def _layer0_body(a0, a1, d0, d1, h, wl, wr, b, out, rout):
    deg = (d0[:, 0:1] + d1[:, 0:1]).astype(jnp.float32)
    r = 1.0 / jnp.maximum(deg, 1.0)
    mean = (a0[...] + a1[...]) * r
    y = (jnp.dot(mean, wl[...], preferred_element_type=jnp.float32)
         + jnp.dot(h[...], wr[...], preferred_element_type=jnp.float32)
         + b[...])
    out[...] = jnp.maximum(y, 0.0)
    rout[...] = r


def _layer_body(a0, a1, r, h, wl, wr, b, out):
    mean = (a0[...] + a1[...]) * r[...]
    y = (jnp.dot(mean, wl[...], preferred_element_type=jnp.float32)
         + jnp.dot(h[...], wr[...], preferred_element_type=jnp.float32)
         + b[...])
    out[...] = jnp.maximum(y, 0.0)


def _final_body(a0, a1, r, h, wl, wr, b, batch, wout, bout, logits,
                s_scr, c_scr):
    i = pl.program_id(0)
    mean = (a0[...] + a1[...]) * r[...]
    y = (jnp.dot(mean, wl[...], preferred_element_type=jnp.float32)
         + jnp.dot(h[...], wr[...], preferred_element_type=jnp.float32)
         + b[...])
    out = jnp.maximum(y, 0.0)
    onehot = (batch[...] == lax.broadcasted_iota(jnp.int32, (1, G), 1)
              ).astype(jnp.float32)
    contract = (((0,), (0,)), ((), ()))
    s_blk = lax.dot_general(onehot, out, contract,
                            preferred_element_type=jnp.float32)
    c_blk = lax.dot_general(onehot, jnp.ones((BLK, D), jnp.float32), contract,
                            preferred_element_type=jnp.float32)

    @pl.when(i == 0)
    def _():
        s_scr[...] = jnp.zeros((G, D), jnp.float32)
        c_scr[...] = jnp.zeros((G, D), jnp.float32)

    s_scr[...] += s_blk
    c_scr[...] += c_blk

    @pl.when(i == NBLK - 1)
    def _():
        pooled = s_scr[...] / jnp.maximum(c_scr[...], 1.0)
        logits[...] = (jnp.dot(pooled, wout[...],
                               preferred_element_type=jnp.float32) + bout[...])


def _row_spec(width):
    return pl.BlockSpec((BLK, width), lambda i: (i, 0))


def _const_spec(shape):
    return pl.BlockSpec(shape, lambda i: (0, 0))


_layer0_call = pl.pallas_call(
    _layer0_body,
    grid=(NBLK,),
    in_specs=[_row_spec(D), _row_spec(D), _row_spec(D), _row_spec(D),
              _row_spec(D), _const_spec((D, D)), _const_spec((D, D)),
              _const_spec((1, D))],
    out_specs=[_row_spec(D), _row_spec(1)],
    out_shape=[jax.ShapeDtypeStruct((N, D), jnp.float32),
               jax.ShapeDtypeStruct((N, 1), jnp.float32)],
)

_layer_call = pl.pallas_call(
    _layer_body,
    grid=(NBLK,),
    in_specs=[_row_spec(D), _row_spec(D), _row_spec(1), _row_spec(D),
              _const_spec((D, D)), _const_spec((D, D)), _const_spec((1, D))],
    out_specs=_row_spec(D),
    out_shape=jax.ShapeDtypeStruct((N, D), jnp.float32),
)

_final_call = pl.pallas_call(
    _final_body,
    grid=(NBLK,),
    in_specs=[_row_spec(D), _row_spec(D), _row_spec(1), _row_spec(D),
              _const_spec((D, D)), _const_spec((D, D)), _const_spec((1, D)),
              _row_spec(1), _const_spec((D, NCLS)), _const_spec((1, NCLS))],
    out_specs=_const_spec((G, NCLS)),
    out_shape=jax.ShapeDtypeStruct((G, NCLS), jnp.float32),
    scratch_shapes=[pltpu.VMEM((G, D), jnp.float32),
                    pltpu.VMEM((G, D), jnp.float32)],
)


def kernel(x, edge_index, batch, Wl0, Wr0, b0, Wl1, Wr1, b1, Wl2, Wr2, b2,
           Wout, bout):
    spread = jnp.arange(PAD, dtype=jnp.int32) % CHUNK
    src = jnp.reshape(
        jnp.concatenate([edge_index[0], spread]), (NW, PCHUNKS, CHUNK))
    dst = jnp.reshape(
        jnp.concatenate([edge_index[1], N + spread]), (NW, PCHUNKS, CHUNK))
    z128 = jnp.zeros((CHUNK, D), jnp.float32)
    ones128 = jnp.ones((CHUNK, D), jnp.float32)
    b0r = jnp.reshape(b0, (1, D))
    b1r = jnp.reshape(b1, (1, D))
    b2r = jnp.reshape(b2, (1, D))
    boutr = jnp.reshape(bout, (1, NCLS))
    batch2 = jnp.reshape(batch, (N, 1))

    deg = _make_deg()(dst, z128, ones128)
    agg = _make_agg()

    acc = agg(x, src, dst, z128)
    h1, r = _layer0_call(acc[0], acc[1], deg[0], deg[1], x, Wl0, Wr0, b0r)
    acc1 = agg(h1, src, dst, z128)
    h2 = _layer_call(acc1[0], acc1[1], r, h1, Wl1, Wr1, b1r)
    acc2 = agg(h2, src, dst, z128)
    logits = _final_call(acc2[0], acc2[1], r, h2, Wl2, Wr2, b2r,
                         batch2, Wout, boutr)
    return logits

# --- scband reference (transcript-rebuilt; emitter-appended) ---
"""Pipeline reference for scband-net-9320079032817 (READ-ONLY COPY).

The authoritative reference and input builder live on the scoring server;
editing this copy changes nothing except your own understanding.
"""

import jax, jax.numpy as jnp
import numpy as np

N = 10000
E = 320000
D_IN = 128
D_H = 128
N_CLASSES = 10
N_GRAPHS = 64


def setup_inputs(seed: int = 0) -> dict:
    key = jax.random.key(seed)
    ks = jax.random.split(key, 16)
    x = jax.random.normal(ks[0], (N, D_IN), dtype=jnp.float32)
    edge_index = jax.random.randint(ks[1], (2, E), 0, N, dtype=jnp.int32)
    batch = jnp.sort(jax.random.randint(ks[2], (N,), 0, N_GRAPHS, dtype=jnp.int32))
    s_in = 1.0 / np.sqrt(D_IN)
    s_h = 1.0 / np.sqrt(D_H)
    Wl0 = jax.random.normal(ks[3], (D_IN, D_H), dtype=jnp.float32) * s_in
    Wr0 = jax.random.normal(ks[4], (D_IN, D_H), dtype=jnp.float32) * s_in
    b0 = jnp.zeros((D_H,), dtype=jnp.float32)
    Wl1 = jax.random.normal(ks[5], (D_H, D_H), dtype=jnp.float32) * s_h
    Wr1 = jax.random.normal(ks[6], (D_H, D_H), dtype=jnp.float32) * s_h
    b1 = jnp.zeros((D_H,), dtype=jnp.float32)
    Wl2 = jax.random.normal(ks[7], (D_H, D_H), dtype=jnp.float32) * s_h
    Wr2 = jax.random.normal(ks[8], (D_H, D_H), dtype=jnp.float32) * s_h
    b2 = jnp.zeros((D_H,), dtype=jnp.float32)
    Wout = jax.random.normal(ks[9], (D_H, N_CLASSES), dtype=jnp.float32) * s_h
    bout = jnp.zeros((N_CLASSES,), dtype=jnp.float32)
    return {
        "x": x, "edge_index": edge_index, "batch": batch,
        "Wl0": Wl0, "Wr0": Wr0, "b0": b0,
        "Wl1": Wl1, "Wr1": Wr1, "b1": b1,
        "Wl2": Wl2, "Wr2": Wr2, "b2": b2,
        "Wout": Wout, "bout": bout,
    }


def _sage_conv(x, edge_index, Wl, Wr, b):
    # PyG SAGEConv with mean aggregation: lin_l(mean_{j in N(i)} x_j) + lin_r(x_i)
    src = edge_index[0]
    dst = edge_index[1]
    msg = x[src]  # gather (SparseCore)
    agg = jax.ops.segment_sum(msg, dst, num_segments=x.shape[0])  # scatter-add
    deg = jax.ops.segment_sum(jnp.ones((edge_index.shape[1],), dtype=x.dtype), dst,
                              num_segments=x.shape[0])
    mean = agg / jnp.clip(deg, 1.0)[:, None]
    return mean @ Wl + x @ Wr + b


def _global_mean_pool(h, batch, num_graphs):
    s = jax.ops.segment_sum(h, batch, num_segments=num_graphs)
    cnt = jax.ops.segment_sum(jnp.ones((h.shape[0],), dtype=h.dtype), batch,
                              num_segments=num_graphs)
    return s / jnp.clip(cnt, 1.0)[:, None]


def reference(x, edge_index, batch, Wl0, Wr0, b0, Wl1, Wr1, b1, Wl2, Wr2, b2, Wout, bout):
    # Sequential container: conv0 -> act -> conv1 -> act -> conv2 (num_layer=4)
    h = _sage_conv(x, edge_index, Wl0, Wr0, b0)
    h = jax.nn.relu(h)  # activation stand-in (RationalOnCluster approximated)
    h = _sage_conv(h, edge_index, Wl1, Wr1, b1)
    h = jax.nn.relu(h)
    h = _sage_conv(h, edge_index, Wl2, Wr2, b2)
    # forward(): h.relu() then global_mean_pool, dropout (eval: identity), out_layer
    out = jax.nn.relu(h)
    pooled = _global_mean_pool(out, batch, N_GRAPHS)
    logits = pooled @ Wout + bout
    return logits

if __name__ == "__main__":
    import jax
    _d = setup_inputs()
    print(jax.jit(kernel)(*tuple(_d.values())))

</pallas_src>

<mosaic_0001>
#map = affine_map<(d0, d1) -> (0, 0, 0)>
#map1 = affine_map<(d0, d1) -> (0, 0)>
module attributes {stable_mosaic.version = 14 : i64} {
  func.func @sage_deg(%arg0: i32, %arg1: i32, %arg2: memref<32x80x128xi32, #tpu.memory_space<hbm>>, %arg3: memref<128x128xf32, #tpu.memory_space<hbm>>, %arg4: memref<128x128xf32, #tpu.memory_space<hbm>>, %arg5: memref<2x10000x128xf32, #tpu.memory_space<hbm>>, %arg6: memref<80x128xi32, #tpu.memory_space<vmem>>, %arg7: memref<128x128xf32, #tpu.memory_space<vmem>>, %arg8: memref<128x128xf32, #tpu.memory_space<vmem>>, %arg9: memref<10128x128xf32, #tpu.memory_space<vmem_shared>>, %arg10: memref<!tpu.dma_semaphore, #tpu.memory_space<semaphore_mem>>, %arg11: memref<!tpu.dma_semaphore, #tpu.memory_space<semaphore_mem>>) attributes {dimension_semantics = [#tpu.dimension_semantics<core_parallel>, #tpu.dimension_semantics<subcore_parallel>], iteration_bounds = array<i64: 2, 16>, scalar_prefetch = 0 : i64, scratch_operands = 6 : i64, tpu.core_type = #tpu.core_type<sc_vector_subcore>, window_params = [{transform_indices = #map}, {transform_indices = #map1}, {transform_indices = #map1}, {transform_indices = #map}]} {
    %mul3A = arith.constant 16 : i32
    %mul3A_0 = arith.muli %arg0, %mul3A : i32
    %add3A = arith.addi %mul3A_0, %arg1 : i32
    "tpu.region"() ({
      %run_scoped3A = tpu.sem_alloc : memref<!tpu.dma_semaphore, #tpu.memory_space<semaphore_mem>>
      tpu.enqueue_dma source(%arg3 : memref<128x128xf32, #tpu.memory_space<hbm>>) target(%arg8 : memref<128x128xf32, #tpu.memory_space<vmem>>) target_semaphore(%run_scoped3A : memref<!tpu.dma_semaphore, #tpu.memory_space<semaphore_mem>>)
      tpu.wait_dma2 semaphore(%run_scoped3A : memref<!tpu.dma_semaphore, #tpu.memory_space<semaphore_mem>>) src(%arg3 : memref<128x128xf32, #tpu.memory_space<hbm>>) dst(%arg8 : memref<128x128xf32, #tpu.memory_space<vmem>>)
      tpu.yield
    }) : () -> ()
    %mul3A_1 = arith.constant 624 : i32
    %mul3A_2 = arith.muli %arg1, %mul3A_1 : i32
    %lt3A = arith.constant 15 : i32
    %lt3A_3 = arith.cmpi slt, %arg1, %lt3A : i32
    %convert_element_type3A = arith.extui %lt3A_3 : i1 to i32
    %cond3A = arith.constant 0 : i32
    %cond3A_4 = arith.cmpi ne, %convert_element_type3A, %cond3A : i32
    scf.if %cond3A_4 {
      %scan3A_53 = arith.constant 0 : i32
      %scan3A_54 = arith.constant 0 : i32
      %scan3A_55 = arith.constant 6 : i32
      %scan3A_56 = arith.addi %scan3A_54, %scan3A_55 : i32
      %scan3A_57 = arith.constant 1 : i32
      scf.for %scan3A_59 = %scan3A_54 to %scan3A_56 step %scan3A_57  : i32 {
        %mul3A_60 = arith.constant 104 : i32
        %mul3A_61 = arith.muli %scan3A_59, %mul3A_60 : i32
        %add3A_62 = arith.addi %mul3A_2, %mul3A_61 : i32
        "tpu.region"() ({
          %run_scoped3A = tpu.sem_alloc : memref<!tpu.dma_semaphore, #tpu.memory_space<semaphore_mem>>
          %dma_start3A_63 = arith.constant 0 : i32
          %dma_start3A_64 = arith.constant 0 : i32
          %dma_start3A_65 = tpu.memref_slice %arg8[%dma_start3A_63, %dma_start3A_64] : memref<128x128xf32, #tpu.memory_space<vmem>> -> memref<104x128xf32, #tpu.memory_space<vmem>>
          %dma_start3A_66 = arith.constant 0 : i32
          %dma_start3A_67 = tpu.memref_slice %arg9[%add3A_62, %dma_start3A_66] : memref<10128x128xf32, #tpu.memory_space<vmem_shared>> -> memref<104x128xf32, #tpu.memory_space<vmem_shared>>
          %dma_start3A_68 = arith.constant 0 : i32
          %dma_start3A_69 = tpu.memref_slice %arg9[%add3A_62, %dma_start3A_68] : memref<10128x128xf32, #tpu.memory_space<vmem_shared>> -> memref<104x128xf32, #tpu.memory_space<vmem_shared>>
          %dma_start3A_70 = arith.constant 0 : i32
          %dma_start3A_71 = arith.constant 0 : i32
          %dma_start3A_72 = tpu.memref_slice %arg8[%dma_start3A_70, %dma_start3A_71] : memref<128x128xf32, #tpu.memory_space<vmem>> -> memref<104x128xf32, #tpu.memory_space<vmem>>
          tpu.enqueue_dma source(%dma_start3A_72 : memref<104x128xf32, #tpu.memory_space<vmem>>) target(%dma_start3A_69 : memref<104x128xf32, #tpu.memory_space<vmem_shared>>) target_semaphore(%run_scoped3A : memref<!tpu.dma_semaphore, #tpu.memory_space<semaphore_mem>>)
          %dma_wait3A_73 = arith.constant 0 : i32
          %dma_wait3A_74 = arith.constant 0 : i32
          %dma_wait3A_75 = tpu.memref_slice %arg8[%dma_wait3A_73, %dma_wait3A_74] : memref<128x128xf32, #tpu.memory_space<vmem>> -> memref<104x128xf32, #tpu.memory_space<vmem>>
          %dma_wait3A_76 = arith.constant 0 : i32
          %dma_wait3A_77 = tpu.memref_slice %arg9[%add3A_62, %dma_wait3A_76] : memref<10128x128xf32, #tpu.memory_space<vmem_shared>> -> memref<104x128xf32, #tpu.memory_space<vmem_shared>>
          %dma_wait3A_78 = arith.constant 0 : i32
          %dma_wait3A_79 = tpu.memref_slice %arg9[%add3A_62, %dma_wait3A_78] : memref<10128x128xf32, #tpu.memory_space<vmem_shared>> -> memref<104x128xf32, #tpu.memory_space<vmem_shared>>
          %dma_wait3A_80 = arith.constant 0 : i32
          %dma_wait3A_81 = arith.constant 0 : i32
          %dma_wait3A_82 = tpu.memref_slice %arg8[%dma_wait3A_80, %dma_wait3A_81] : memref<128x128xf32, #tpu.memory_space<vmem>> -> memref<104x128xf32, #tpu.memory_space<vmem>>
          tpu.wait_dma2 semaphore(%run_scoped3A : memref<!tpu.dma_semaphore, #tpu.memory_space<semaphore_mem>>) src(%dma_wait3A_82 : memref<104x128xf32, #tpu.memory_space<vmem>>) dst(%dma_wait3A_79 : memref<104x128xf32, #tpu.memory_space<vmem_shared>>)
          tpu.yield
        }) : () -> ()
      }
      %scan3A_58 = arith.constant 6 : i32
    } else {
    }
    %eq3A = arith.constant 15 : i32
    %eq3A_5 = arith.cmpi eq, %arg1, %eq3A : i32
    %convert_element_type3A_6 = arith.extui %eq3A_5 : i1 to i32
    %cond3A_7 = arith.constant 0 : i32
    %cond3A_8 = arith.cmpi ne, %convert_element_type3A_6, %cond3A_7 : i32
    scf.if %cond3A_8 {
      %scan3A_53 = arith.constant 0 : i32
      %scan3A_54 = arith.constant 0 : i32
      %scan3A_55 = arith.constant 5 : i32
      %scan3A_56 = arith.addi %scan3A_54, %scan3A_55 : i32
      %scan3A_57 = arith.constant 1 : i32
      scf.for %scan3A_59 = %scan3A_54 to %scan3A_56 step %scan3A_57  : i32 {
        %mul3A_60 = arith.constant 128 : i32
        %mul3A_61 = arith.muli %scan3A_59, %mul3A_60 : i32
        %add3A_62 = arith.addi %mul3A_2, %mul3A_61 : i32
        "tpu.region"() ({
          %run_scoped3A = tpu.sem_alloc : memref<!tpu.dma_semaphore, #tpu.memory_space<semaphore_mem>>
          %dma_start3A_63 = arith.constant 0 : i32
          %dma_start3A_64 = arith.constant 0 : i32
          %dma_start3A_65 = tpu.memref_slice %arg8[%dma_start3A_63, %dma_start3A_64] : memref<128x128xf32, #tpu.memory_space<vmem>> -> memref<128x128xf32, #tpu.memory_space<vmem>>
          %dma_start3A_66 = arith.constant 0 : i32
          %dma_start3A_67 = tpu.memref_slice %arg9[%add3A_62, %dma_start3A_66] : memref<10128x128xf32, #tpu.memory_space<vmem_shared>> -> memref<128x128xf32, #tpu.memory_space<vmem_shared>>
          %dma_start3A_68 = arith.constant 0 : i32
          %dma_start3A_69 = tpu.memref_slice %arg9[%add3A_62, %dma_start3A_68] : memref<10128x128xf32, #tpu.memory_space<vmem_shared>> -> memref<128x128xf32, #tpu.memory_space<vmem_shared>>
          %dma_start3A_70 = arith.constant 0 : i32
          %dma_start3A_71 = arith.constant 0 : i32
          %dma_start3A_72 = tpu.memref_slice %arg8[%dma_start3A_70, %dma_start3A_71] : memref<128x128xf32, #tpu.memory_space<vmem>> -> memref<128x128xf32, #tpu.memory_space<vmem>>
          tpu.enqueue_dma source(%dma_start3A_72 : memref<128x128xf32, #tpu.memory_space<vmem>>) target(%dma_start3A_69 : memref<128x128xf32, #tpu.memory_space<vmem_shared>>) target_semaphore(%run_scoped3A : memref<!tpu.dma_semaphore, #tpu.memory_space<semaphore_mem>>)
          %dma_wait3A_73 = arith.constant 0 : i32
          %dma_wait3A_74 = arith.constant 0 : i32
          %dma_wait3A_75 = tpu.memref_slice %arg8[%dma_wait3A_73, %dma_wait3A_74] : memref<128x128xf32, #tpu.memory_space<vmem>> -> memref<128x128xf32, #tpu.memory_space<vmem>>
          %dma_wait3A_76 = arith.constant 0 : i32
          %dma_wait3A_77 = tpu.memref_slice %arg9[%add3A_62, %dma_wait3A_76] : memref<10128x128xf32, #tpu.memory_space<vmem_shared>> -> memref<128x128xf32, #tpu.memory_space<vmem_shared>>
          %dma_wait3A_78 = arith.constant 0 : i32
          %dma_wait3A_79 = tpu.memref_slice %arg9[%add3A_62, %dma_wait3A_78] : memref<10128x128xf32, #tpu.memory_space<vmem_shared>> -> memref<128x128xf32, #tpu.memory_space<vmem_shared>>
          %dma_wait3A_80 = arith.constant 0 : i32
          %dma_wait3A_81 = arith.constant 0 : i32
          %dma_wait3A_82 = tpu.memref_slice %arg8[%dma_wait3A_80, %dma_wait3A_81] : memref<128x128xf32, #tpu.memory_space<vmem>> -> memref<128x128xf32, #tpu.memory_space<vmem>>
          tpu.wait_dma2 semaphore(%run_scoped3A : memref<!tpu.dma_semaphore, #tpu.memory_space<semaphore_mem>>) src(%dma_wait3A_82 : memref<128x128xf32, #tpu.memory_space<vmem>>) dst(%dma_wait3A_79 : memref<128x128xf32, #tpu.memory_space<vmem_shared>>)
          tpu.yield
        }) : () -> ()
      }
      %scan3A_58 = arith.constant 5 : i32
    } else {
    }
    "tpu.region"() ({
      %run_scoped3A = tpu.sem_alloc : memref<!tpu.dma_semaphore, #tpu.memory_space<semaphore_mem>>
      tpu.enqueue_dma source(%arg4 : memref<128x128xf32, #tpu.memory_space<hbm>>) target(%arg7 : memref<128x128xf32, #tpu.memory_space<vmem>>) target_semaphore(%run_scoped3A : memref<!tpu.dma_semaphore, #tpu.memory_space<semaphore_mem>>)
      tpu.wait_dma2 semaphore(%run_scoped3A : memref<!tpu.dma_semaphore, #tpu.memory_space<semaphore_mem>>) src(%arg4 : memref<128x128xf32, #tpu.memory_space<hbm>>) dst(%arg7 : memref<128x128xf32, #tpu.memory_space<vmem>>)
      tpu.yield
    }) : () -> ()
    "tpu.region"() ({
      %run_scoped3A = tpu.sem_alloc : memref<!tpu.dma_semaphore, #tpu.memory_space<semaphore_mem>>
      %dma_start3A_53 = arith.constant 0 : i32
      %dma_start3A_54 = arith.constant 0 : i32
      %dma_start3A_55 = tpu.memref_slice %arg2[%add3A, %dma_start3A_53, %dma_start3A_54] : memref<32x80x128xi32, #tpu.memory_space<hbm>> -> memref<1x80x128xi32, #tpu.memory_space<hbm>>
      %dma_start3A_56 = tpu.memref_squeeze %dma_start3A_55 : memref<1x80x128xi32, #tpu.memory_space<hbm>> -> memref<80x128xi32, #tpu.memory_space<hbm>>
      %dma_start3A_57 = arith.constant 0 : i32
      %dma_start3A_58 = arith.constant 0 : i32
      %dma_start3A_59 = tpu.memref_slice %arg2[%add3A, %dma_start3A_57, %dma_start3A_58] : memref<32x80x128xi32, #tpu.memory_space<hbm>> -> memref<1x80x128xi32, #tpu.memory_space<hbm>>
      %dma_start3A_60 = tpu.memref_squeeze %dma_start3A_59 : memref<1x80x128xi32, #tpu.memory_space<hbm>> -> memref<80x128xi32, #tpu.memory_space<hbm>>
      tpu.enqueue_dma source(%dma_start3A_60 : memref<80x128xi32, #tpu.memory_space<hbm>>) target(%arg6 : memref<80x128xi32, #tpu.memory_space<vmem>>) target_semaphore(%run_scoped3A : memref<!tpu.dma_semaphore, #tpu.memory_space<semaphore_mem>>)
      %dma_wait3A_61 = arith.constant 0 : i32
      %dma_wait3A_62 = arith.constant 0 : i32
      %dma_wait3A_63 = tpu.memref_slice %arg2[%add3A, %dma_wait3A_61, %dma_wait3A_62] : memref<32x80x128xi32, #tpu.memory_space<hbm>> -> memref<1x80x128xi32, #tpu.memory_space<hbm>>
      %dma_wait3A_64 = tpu.memref_squeeze %dma_wait3A_63 : memref<1x80x128xi32, #tpu.memory_space<hbm>> -> memref<80x128xi32, #tpu.memory_space<hbm>>
      %dma_wait3A_65 = arith.constant 0 : i32
      %dma_wait3A_66 = arith.constant 0 : i32
      %dma_wait3A_67 = tpu.memref_slice %arg2[%add3A, %dma_wait3A_65, %dma_wait3A_66] : memref<32x80x128xi32, #tpu.memory_space<hbm>> -> memref<1x80x128xi32, #tpu.memory_space<hbm>>
      %dma_wait3A_68 = tpu.memref_squeeze %dma_wait3A_67 : memref<1x80x128xi32, #tpu.memory_space<hbm>> -> memref<80x128xi32, #tpu.memory_space<hbm>>
      tpu.wait_dma2 semaphore(%run_scoped3A : memref<!tpu.dma_semaphore, #tpu.memory_space<semaphore_mem>>) src(%dma_wait3A_68 : memref<80x128xi32, #tpu.memory_space<hbm>>) dst(%arg6 : memref<80x128xi32, #tpu.memory_space<vmem>>)
      tpu.yield
    }) : () -> ()
    %barrier3A = arith.constant 0 : index
    tpu.barrier barrier_id(%barrier3A)
    %dma_start3A = arith.constant 0 : i32
    %dma_start3A_9 = arith.constant 0 : i32
    %dma_start3A_10 = tpu.memref_slice %arg6[%dma_start3A, %dma_start3A_9] : memref<80x128xi32, #tpu.memory_space<vmem>> -> memref<1x128xi32, #tpu.memory_space<vmem>>
    %dma_start3A_11 = tpu.memref_squeeze %dma_start3A_10 : memref<1x128xi32, #tpu.memory_space<vmem>> -> memref<128xi32, #tpu.memory_space<vmem>>
    %dma_start3A_12 = arith.constant 0 : i32
    %dma_start3A_13 = arith.constant 0 : i32
    %dma_start3A_14 = tpu.memref_slice %arg9[%dma_start3A_12, %dma_start3A_13] : memref<10128x128xf32, #tpu.memory_space<vmem_shared>> -> memref<10128x128xf32, #tpu.memory_space<vmem_shared>>
    tpu.enqueue_indirect_dma source(%arg7 : memref<128x128xf32, #tpu.memory_space<vmem>>) target(%dma_start3A_14 : memref<10128x128xf32, #tpu.memory_space<vmem_shared>>) offsets(%dma_start3A_11 : memref<128xi32, #tpu.memory_space<vmem>>) semaphore(%arg10 : memref<!tpu.dma_semaphore, #tpu.memory_space<semaphore_mem>>) {add = true}
    %scan3A = arith.constant 0 : i32
    %scan3A_15 = arith.constant 0 : i32
    %scan3A_16 = arith.constant 39 : i32
    %scan3A_17 = arith.addi %scan3A_15, %scan3A_16 : i32
    %scan3A_18 = arith.constant 1 : i32
    scf.for %scan3A_53 = %scan3A_15 to %scan3A_17 step %scan3A_18  : i32 {
      %mul3A_54 = arith.constant 2 : i32
      %mul3A_55 = arith.muli %mul3A_54, %scan3A_53 : i32
      %add3A_56 = arith.constant 1 : i32
      %add3A_57 = arith.addi %mul3A_55, %add3A_56 : i32
      %dma_start3A_58 = arith.constant 0 : i32
      %dma_start3A_59 = tpu.memref_slice %arg6[%add3A_57, %dma_start3A_58] : memref<80x128xi32, #tpu.memory_space<vmem>> -> memref<1x128xi32, #tpu.memory_space<vmem>>
      %dma_start3A_60 = tpu.memref_squeeze %dma_start3A_59 : memref<1x128xi32, #tpu.memory_space<vmem>> -> memref<128xi32, #tpu.memory_space<vmem>>
      %dma_start3A_61 = arith.constant 0 : i32
      %dma_start3A_62 = arith.constant 0 : i32
      %dma_start3A_63 = tpu.memref_slice %arg9[%dma_start3A_61, %dma_start3A_62] : memref<10128x128xf32, #tpu.memory_space<vmem_shared>> -> memref<10128x128xf32, #tpu.memory_space<vmem_shared>>
      tpu.enqueue_indirect_dma source(%arg7 : memref<128x128xf32, #tpu.memory_space<vmem>>) target(%dma_start3A_63 : memref<10128x128xf32, #tpu.memory_space<vmem_shared>>) offsets(%dma_start3A_60 : memref<128xi32, #tpu.memory_space<vmem>>) semaphore(%arg11 : memref<!tpu.dma_semaphore, #tpu.memory_space<semaphore_mem>>) {add = true}
      %dma_wait3A_64 = arith.constant 0 : i32
      %dma_wait3A_65 = tpu.memref_slice %arg6[%mul3A_55, %dma_wait3A_64] : memref<80x128xi32, #tpu.memory_space<vmem>> -> memref<1x128xi32, #tpu.memory_space<vmem>>
      %dma_wait3A_66 = tpu.memref_squeeze %dma_wait3A_65 : memref<1x128xi32, #tpu.memory_space<vmem>> -> memref<128xi32, #tpu.memory_space<vmem>>
      %dma_wait3A_67 = arith.constant 0 : i32
      %dma_wait3A_68 = arith.constant 0 : i32
      %dma_wait3A_69 = tpu.memref_slice %arg9[%dma_wait3A_67, %dma_wait3A_68] : memref<10128x128xf32, #tpu.memory_space<vmem_shared>> -> memref<10128x128xf32, #tpu.memory_space<vmem_shared>>
      tpu.wait_indirect_dma semaphore(%arg10 : memref<!tpu.dma_semaphore, #tpu.memory_space<semaphore_mem>>) src(%arg7 : memref<128x128xf32, #tpu.memory_space<vmem>>) dst(%dma_wait3A_69 : memref<10128x128xf32, #tpu.memory_space<vmem_shared>>)
      %add3A_70 = arith.constant 2 : i32
      %add3A_71 = arith.addi %mul3A_55, %add3A_70 : i32
      %dma_start3A_72 = arith.constant 0 : i32
      %dma_start3A_73 = tpu.memref_slice %arg6[%add3A_71, %dma_start3A_72] : memref<80x128xi32, #tpu.memory_space<vmem>> -> memref<1x128xi32, #tpu.memory_space<vmem>>
      %dma_start3A_74 = tpu.memref_squeeze %dma_start3A_73 : memref<1x128xi32, #tpu.memory_space<vmem>> -> memref<128xi32, #tpu.memory_space<vmem>>
      %dma_start3A_75 = arith.constant 0 : i32
      %dma_start3A_76 = arith.constant 0 : i32
      %dma_start3A_77 = tpu.memref_slice %arg9[%dma_start3A_75, %dma_start3A_76] : memref<10128x128xf32, #tpu.memory_space<vmem_shared>> -> memref<10128x128xf32, #tpu.memory_space<vmem_shared>>
      tpu.enqueue_indirect_dma source(%arg7 : memref<128x128xf32, #tpu.memory_space<vmem>>) target(%dma_start3A_77 : memref<10128x128xf32, #tpu.memory_space<vmem_shared>>) offsets(%dma_start3A_74 : memref<128xi32, #tpu.memory_space<vmem>>) semaphore(%arg10 : memref<!tpu.dma_semaphore, #tpu.memory_space<semaphore_mem>>) {add = true}
      %add3A_78 = arith.constant 1 : i32
      %add3A_79 = arith.addi %mul3A_55, %add3A_78 : i32
      %dma_wait3A_80 = arith.constant 0 : i32
      %dma_wait3A_81 = tpu.memref_slice %arg6[%add3A_79, %dma_wait3A_80] : memref<80x128xi32, #tpu.memory_space<vmem>> -> memref<1x128xi32, #tpu.memory_space<vmem>>
      %dma_wait3A_82 = tpu.memref_squeeze %dma_wait3A_81 : memref<1x128xi32, #tpu.memory_space<vmem>> -> memref<128xi32, #tpu.memory_space<vmem>>
      %dma_wait3A_83 = arith.constant 0 : i32
      %dma_wait3A_84 = arith.constant 0 : i32
      %dma_wait3A_85 = tpu.memref_slice %arg9[%dma_wait3A_83, %dma_wait3A_84] : memref<10128x128xf32, #tpu.memory_space<vmem_shared>> -> memref<10128x128xf32, #tpu.memory_space<vmem_shared>>
      tpu.wait_indirect_dma semaphore(%arg11 : memref<!tpu.dma_semaphore, #tpu.memory_space<semaphore_mem>>) src(%arg7 : memref<128x128xf32, #tpu.memory_space<vmem>>) dst(%dma_wait3A_85 : memref<10128x128xf32, #tpu.memory_space<vmem_shared>>)
    }
    %scan3A_19 = arith.constant 39 : i32
    %dma_start3A_20 = arith.constant 79 : i32
    %dma_start3A_21 = arith.constant 0 : i32
    %dma_start3A_22 = tpu.memref_slice %arg6[%dma_start3A_20, %dma_start3A_21] : memref<80x128xi32, #tpu.memory_space<vmem>> -> memref<1x128xi32, #tpu.memory_space<vmem>>
    %dma_start3A_23 = tpu.memref_squeeze %dma_start3A_22 : memref<1x128xi32, #tpu.memory_space<vmem>> -> memref<128xi32, #tpu.memory_space<vmem>>
    %dma_start3A_24 = arith.constant 0 : i32
    %dma_start3A_25 = arith.constant 0 : i32
    %dma_start3A_26 = tpu.memref_slice %arg9[%dma_start3A_24, %dma_start3A_25] : memref<10128x128xf32, #tpu.memory_space<vmem_shared>> -> memref<10128x128xf32, #tpu.memory_space<vmem_shared>>
    tpu.enqueue_indirect_dma source(%arg7 : memref<128x128xf32, #tpu.memory_space<vmem>>) target(%dma_start3A_26 : memref<10128x128xf32, #tpu.memory_space<vmem_shared>>) offsets(%dma_start3A_23 : memref<128xi32, #tpu.memory_space<vmem>>) semaphore(%arg11 : memref<!tpu.dma_semaphore, #tpu.memory_space<semaphore_mem>>) {add = true}
    %dma_wait3A = arith.constant 78 : i32
    %dma_wait3A_27 = arith.constant 0 : i32
    %dma_wait3A_28 = tpu.memref_slice %arg6[%dma_wait3A, %dma_wait3A_27] : memref<80x128xi32, #tpu.memory_space<vmem>> -> memref<1x128xi32, #tpu.memory_space<vmem>>
    %dma_wait3A_29 = tpu.memref_squeeze %dma_wait3A_28 : memref<1x128xi32, #tpu.memory_space<vmem>> -> memref<128xi32, #tpu.memory_space<vmem>>
    %dma_wait3A_30 = arith.constant 0 : i32
    %dma_wait3A_31 = arith.constant 0 : i32
    %dma_wait3A_32 = tpu.memref_slice %arg9[%dma_wait3A_30, %dma_wait3A_31] : memref<10128x128xf32, #tpu.memory_space<vmem_shared>> -> memref<10128x128xf32, #tpu.memory_space<vmem_shared>>
    tpu.wait_indirect_dma semaphore(%arg10 : memref<!tpu.dma_semaphore, #tpu.memory_space<semaphore_mem>>) src(%arg7 : memref<128x128xf32, #tpu.memory_space<vmem>>) dst(%dma_wait3A_32 : memref<10128x128xf32, #tpu.memory_space<vmem_shared>>)
    %dma_wait3A_33 = arith.constant 79 : i32
    %dma_wait3A_34 = arith.constant 0 : i32
    %dma_wait3A_35 = tpu.memref_slice %arg6[%dma_wait3A_33, %dma_wait3A_34] : memref<80x128xi32, #tpu.memory_space<vmem>> -> memref<1x128xi32, #tpu.memory_space<vmem>>
    %dma_wait3A_36 = tpu.memref_squeeze %dma_wait3A_35 : memref<1x128xi32, #tpu.memory_space<vmem>> -> memref<128xi32, #tpu.memory_space<vmem>>
    %dma_wait3A_37 = arith.constant 0 : i32
    %dma_wait3A_38 = arith.constant 0 : i32
    %dma_wait3A_39 = tpu.memref_slice %arg9[%dma_wait3A_37, %dma_wait3A_38] : memref<10128x128xf32, #tpu.memory_space<vmem_shared>> -> memref<10128x128xf32, #tpu.memory_space<vmem_shared>>
    tpu.wait_indirect_dma semaphore(%arg11 : memref<!tpu.dma_semaphore, #tpu.memory_space<semaphore_mem>>) src(%arg7 : memref<128x128xf32, #tpu.memory_space<vmem>>) dst(%dma_wait3A_39 : memref<10128x128xf32, #tpu.memory_space<vmem_shared>>)
    %barrier3A_40 = arith.constant 0 : index
    tpu.barrier barrier_id(%barrier3A_40)
    %mul3A_41 = arith.constant 624 : i32
    %mul3A_42 = arith.muli %arg1, %mul3A_41 : i32
    %lt3A_43 = arith.constant 15 : i32
    %lt3A_44 = arith.cmpi slt, %arg1, %lt3A_43 : i32
    %convert_element_type3A_45 = arith.extui %lt3A_44 : i1 to i32
    %cond3A_46 = arith.constant 0 : i32
    %cond3A_47 = arith.cmpi ne, %convert_element_type3A_45, %cond3A_46 : i32
    scf.if %cond3A_47 {
      %scan3A_53 = arith.constant 0 : i32
      %scan3A_54 = arith.constant 0 : i32
      %scan3A_55 = arith.constant 6 : i32
      %scan3A_56 = arith.addi %scan3A_54, %scan3A_55 : i32
      %scan3A_57 = arith.constant 1 : i32
      scf.for %scan3A_59 = %scan3A_54 to %scan3A_56 step %scan3A_57  : i32 {
        %mul3A_60 = arith.constant 104 : i32
        %mul3A_61 = arith.muli %scan3A_59, %mul3A_60 : i32
        %add3A_62 = arith.addi %mul3A_42, %mul3A_61 : i32
        "tpu.region"() ({
          %run_scoped3A = tpu.sem_alloc : memref<!tpu.dma_semaphore, #tpu.memory_space<semaphore_mem>>
          %dma_start3A_63 = arith.constant 0 : i32
          %dma_start3A_64 = arith.constant 0 : i32
          %dma_start3A_65 = tpu.memref_slice %arg8[%dma_start3A_63, %dma_start3A_64] : memref<128x128xf32, #tpu.memory_space<vmem>> -> memref<104x128xf32, #tpu.memory_space<vmem>>
          %dma_start3A_66 = arith.constant 0 : i32
          %dma_start3A_67 = tpu.memref_slice %arg9[%add3A_62, %dma_start3A_66] : memref<10128x128xf32, #tpu.memory_space<vmem_shared>> -> memref<104x128xf32, #tpu.memory_space<vmem_shared>>
          %dma_start3A_68 = arith.constant 0 : i32
          %dma_start3A_69 = arith.constant 0 : i32
          %dma_start3A_70 = tpu.memref_slice %arg8[%dma_start3A_68, %dma_start3A_69] : memref<128x128xf32, #tpu.memory_space<vmem>> -> memref<104x128xf32, #tpu.memory_space<vmem>>
          %dma_start3A_71 = arith.constant 0 : i32
          %dma_start3A_72 = tpu.memref_slice %arg9[%add3A_62, %dma_start3A_71] : memref<10128x128xf32, #tpu.memory_space<vmem_shared>> -> memref<104x128xf32, #tpu.memory_space<vmem_shared>>
          tpu.enqueue_dma source(%dma_start3A_72 : memref<104x128xf32, #tpu.memory_space<vmem_shared>>) target(%dma_start3A_70 : memref<104x128xf32, #tpu.memory_space<vmem>>) target_semaphore(%run_scoped3A : memref<!tpu.dma_semaphore, #tpu.memory_space<semaphore_mem>>)
          %dma_wait3A_73 = arith.constant 0 : i32
          %dma_wait3A_74 = arith.constant 0 : i32
          %dma_wait3A_75 = tpu.memref_slice %arg8[%dma_wait3A_73, %dma_wait3A_74] : memref<128x128xf32, #tpu.memory_space<vmem>> -> memref<104x128xf32, #tpu.memory_space<vmem>>
          %dma_wait3A_76 = arith.constant 0 : i32
          %dma_wait3A_77 = tpu.memref_slice %arg9[%add3A_62, %dma_wait3A_76] : memref<10128x128xf32, #tpu.memory_space<vmem_shared>> -> memref<104x128xf32, #tpu.memory_space<vmem_shared>>
          %dma_wait3A_78 = arith.constant 0 : i32
          %dma_wait3A_79 = arith.constant 0 : i32
          %dma_wait3A_80 = tpu.memref_slice %arg8[%dma_wait3A_78, %dma_wait3A_79] : memref<128x128xf32, #tpu.memory_space<vmem>> -> memref<104x128xf32, #tpu.memory_space<vmem>>
          %dma_wait3A_81 = arith.constant 0 : i32
          %dma_wait3A_82 = tpu.memref_slice %arg9[%add3A_62, %dma_wait3A_81] : memref<10128x128xf32, #tpu.memory_space<vmem_shared>> -> memref<104x128xf32, #tpu.memory_space<vmem_shared>>
          tpu.wait_dma2 semaphore(%run_scoped3A : memref<!tpu.dma_semaphore, #tpu.memory_space<semaphore_mem>>) src(%dma_wait3A_82 : memref<104x128xf32, #tpu.memory_space<vmem_shared>>) dst(%dma_wait3A_80 : memref<104x128xf32, #tpu.memory_space<vmem>>)
          tpu.yield
        }) : () -> ()
        "tpu.region"() ({
          %run_scoped3A = tpu.sem_alloc : memref<!tpu.dma_semaphore, #tpu.memory_space<semaphore_mem>>
          %dma_start3A_63 = arith.constant 0 : i32
          %dma_start3A_64 = arith.constant 0 : i32
          %dma_start3A_65 = tpu.memref_slice %arg8[%dma_start3A_63, %dma_start3A_64] : memref<128x128xf32, #tpu.memory_space<vmem>> -> memref<104x128xf32, #tpu.memory_space<vmem>>
          %dma_start3A_66 = arith.constant 0 : i32
          %dma_start3A_67 = arith.constant 0 : i32
          %dma_start3A_68 = tpu.memref_slice %arg5[%arg0, %dma_start3A_66, %dma_start3A_67] : memref<2x10000x128xf32, #tpu.memory_space<hbm>> -> memref<1x10000x128xf32, #tpu.memory_space<hbm>>
          %dma_start3A_69 = tpu.memref_squeeze %dma_start3A_68 : memref<1x10000x128xf32, #tpu.memory_space<hbm>> -> memref<10000x128xf32, #tpu.memory_space<hbm>>
          %dma_start3A_70 = arith.constant 0 : i32
          %dma_start3A_71 = tpu.memref_slice %dma_start3A_69[%add3A_62, %dma_start3A_70] : memref<10000x128xf32, #tpu.memory_space<hbm>> -> memref<104x128xf32, #tpu.memory_space<hbm>>
          %dma_start3A_72 = arith.constant 0 : i32
          %dma_start3A_73 = arith.constant 0 : i32
          %dma_start3A_74 = tpu.memref_slice %arg5[%arg0, %dma_start3A_72, %dma_start3A_73] : memref<2x10000x128xf32, #tpu.memory_space<hbm>> -> memref<1x10000x128xf32, #tpu.memory_space<hbm>>
          %dma_start3A_75 = tpu.memref_squeeze %dma_start3A_74 : memref<1x10000x128xf32, #tpu.memory_space<hbm>> -> memref<10000x128xf32, #tpu.memory_space<hbm>>
          %dma_start3A_76 = arith.constant 0 : i32
          %dma_start3A_77 = tpu.memref_slice %dma_start3A_75[%add3A_62, %dma_start3A_76] : memref<10000x128xf32, #tpu.memory_space<hbm>> -> memref<104x128xf32, #tpu.memory_space<hbm>>
          %dma_start3A_78 = arith.constant 0 : i32
          %dma_start3A_79 = arith.constant 0 : i32
          %dma_start3A_80 = tpu.memref_slice %arg8[%dma_start3A_78, %dma_start3A_79] : memref<128x128xf32, #tpu.memory_space<vmem>> -> memref<104x128xf32, #tpu.memory_space<vmem>>
          tpu.enqueue_dma source(%dma_start3A_80 : memref<104x128xf32, #tpu.memory_space<vmem>>) target(%dma_start3A_77 : memref<104x128xf32, #tpu.memory_space<hbm>>) target_semaphore(%run_scoped3A : memref<!tpu.dma_semaphore, #tpu.memory_space<semaphore_mem>>)
          %dma_wait3A_81 = arith.constant 0 : i32
          %dma_wait3A_82 = arith.constant 0 : i32
          %dma_wait3A_83 = tpu.memref_slice %arg8[%dma_wait3A_81, %dma_wait3A_82] : memref<128x128xf32, #tpu.memory_space<vmem>> -> memref<104x128xf32, #tpu.memory_space<vmem>>
          %dma_wait3A_84 = arith.constant 0 : i32
          %dma_wait3A_85 = arith.constant 0 : i32
          %dma_wait3A_86 = tpu.memref_slice %arg5[%arg0, %dma_wait3A_84, %dma_wait3A_85] : memref<2x10000x128xf32, #tpu.memory_space<hbm>> -> memref<1x10000x128xf32, #tpu.memory_space<hbm>>
          %dma_wait3A_87 = tpu.memref_squeeze %dma_wait3A_86 : memref<1x10000x128xf32, #tpu.memory_space<hbm>> -> memref<10000x128xf32, #tpu.memory_space<hbm>>
          %dma_wait3A_88 = arith.constant 0 : i32
          %dma_wait3A_89 = tpu.memref_slice %dma_wait3A_87[%add3A_62, %dma_wait3A_88] : memref<10000x128xf32, #tpu.memory_space<hbm>> -> memref<104x128xf32, #tpu.memory_space<hbm>>
          %dma_wait3A_90 = arith.constant 0 : i32
          %dma_wait3A_91 = arith.constant 0 : i32
          %dma_wait3A_92 = tpu.memref_slice %arg5[%arg0, %dma_wait3A_90, %dma_wait3A_91] : memref<2x10000x128xf32, #tpu.memory_space<hbm>> -> memref<1x10000x128xf32, #tpu.memory_space<hbm>>
          %dma_wait3A_93 = tpu.memref_squeeze %dma_wait3A_92 : memref<1x10000x128xf32, #tpu.memory_space<hbm>> -> memref<10000x128xf32, #tpu.memory_space<hbm>>
          %dma_wait3A_94 = arith.constant 0 : i32
          %dma_wait3A_95 = tpu.memref_slice %dma_wait3A_93[%add3A_62, %dma_wait3A_94] : memref<10000x128xf32, #tpu.memory_space<hbm>> -> memref<104x128xf32, #tpu.memory_space<hbm>>
          %dma_wait3A_96 = arith.constant 0 : i32
          %dma_wait3A_97 = arith.constant 0 : i32
          %dma_wait3A_98 = tpu.memref_slice %arg8[%dma_wait3A_96, %dma_wait3A_97] : memref<128x128xf32, #tpu.memory_space<vmem>> -> memref<104x128xf32, #tpu.memory_space<vmem>>
          tpu.wait_dma2 semaphore(%run_scoped3A : memref<!tpu.dma_semaphore, #tpu.memory_space<semaphore_mem>>) src(%dma_wait3A_98 : memref<104x128xf32, #tpu.memory_space<vmem>>) dst(%dma_wait3A_95 : memref<104x128xf32, #tpu.memory_space<hbm>>)
          tpu.yield
        }) : () -> ()
      }
      %scan3A_58 = arith.constant 6 : i32
    } else {
    }
    %eq3A_48 = arith.constant 15 : i32
    %eq3A_49 = arith.cmpi eq, %arg1, %eq3A_48 : i32
    %convert_element_type3A_50 = arith.extui %eq3A_49 : i1 to i32
    %cond3A_51 = arith.constant 0 : i32
    %cond3A_52 = arith.cmpi ne, %convert_element_type3A_50, %cond3A_51 : i32
    scf.if %cond3A_52 {
      %scan3A_53 = arith.constant 0 : i32
      %scan3A_54 = arith.constant 0 : i32
      %scan3A_55 = arith.constant 5 : i32
      %scan3A_56 = arith.addi %scan3A_54, %scan3A_55 : i32
      %scan3A_57 = arith.constant 1 : i32
      scf.for %scan3A_59 = %scan3A_54 to %scan3A_56 step %scan3A_57  : i32 {
        %mul3A_60 = arith.constant 128 : i32
        %mul3A_61 = arith.muli %scan3A_59, %mul3A_60 : i32
        %add3A_62 = arith.addi %mul3A_42, %mul3A_61 : i32
        "tpu.region"() ({
          %run_scoped3A = tpu.sem_alloc : memref<!tpu.dma_semaphore, #tpu.memory_space<semaphore_mem>>
          %dma_start3A_63 = arith.constant 0 : i32
          %dma_start3A_64 = arith.constant 0 : i32
          %dma_start3A_65 = tpu.memref_slice %arg8[%dma_start3A_63, %dma_start3A_64] : memref<128x128xf32, #tpu.memory_space<vmem>> -> memref<128x128xf32, #tpu.memory_space<vmem>>
          %dma_start3A_66 = arith.constant 0 : i32
          %dma_start3A_67 = tpu.memref_slice %arg9[%add3A_62, %dma_start3A_66] : memref<10128x128xf32, #tpu.memory_space<vmem_shared>> -> memref<128x128xf32, #tpu.memory_space<vmem_shared>>
          %dma_start3A_68 = arith.constant 0 : i32
          %dma_start3A_69 = arith.constant 0 : i32
          %dma_start3A_70 = tpu.memref_slice %arg8[%dma_start3A_68, %dma_start3A_69] : memref<128x128xf32, #tpu.memory_space<vmem>> -> memref<128x128xf32, #tpu.memory_space<vmem>>
          %dma_start3A_71 = arith.constant 0 : i32
          %dma_start3A_72 = tpu.memref_slice %arg9[%add3A_62, %dma_start3A_71] : memref<10128x128xf32, #tpu.memory_space<vmem_shared>> -> memref<128x128xf32, #tpu.memory_space<vmem_shared>>
          tpu.enqueue_dma source(%dma_start3A_72 : memref<128x128xf32, #tpu.memory_space<vmem_shared>>) target(%dma_start3A_70 : memref<128x128xf32, #tpu.memory_space<vmem>>) target_semaphore(%run_scoped3A : memref<!tpu.dma_semaphore, #tpu.memory_space<semaphore_mem>>)
          %dma_wait3A_73 = arith.constant 0 : i32
          %dma_wait3A_74 = arith.constant 0 : i32
          %dma_wait3A_75 = tpu.memref_slice %arg8[%dma_wait3A_73, %dma_wait3A_74] : memref<128x128xf32, #tpu.memory_space<vmem>> -> memref<128x128xf32, #tpu.memory_space<vmem>>
          %dma_wait3A_76 = arith.constant 0 : i32
          %dma_wait3A_77 = tpu.memref_slice %arg9[%add3A_62, %dma_wait3A_76] : memref<10128x128xf32, #tpu.memory_space<vmem_shared>> -> memref<128x128xf32, #tpu.memory_space<vmem_shared>>
          %dma_wait3A_78 = arith.constant 0 : i32
          %dma_wait3A_79 = arith.constant 0 : i32
          %dma_wait3A_80 = tpu.memref_slice %arg8[%dma_wait3A_78, %dma_wait3A_79] : memref<128x128xf32, #tpu.memory_space<vmem>> -> memref<128x128xf32, #tpu.memory_space<vmem>>
          %dma_wait3A_81 = arith.constant 0 : i32
          %dma_wait3A_82 = tpu.memref_slice %arg9[%add3A_62, %dma_wait3A_81] : memref<10128x128xf32, #tpu.memory_space<vmem_shared>> -> memref<128x128xf32, #tpu.memory_space<vmem_shared>>
          tpu.wait_dma2 semaphore(%run_scoped3A : memref<!tpu.dma_semaphore, #tpu.memory_space<semaphore_mem>>) src(%dma_wait3A_82 : memref<128x128xf32, #tpu.memory_space<vmem_shared>>) dst(%dma_wait3A_80 : memref<128x128xf32, #tpu.memory_space<vmem>>)
          tpu.yield
        }) : () -> ()
        "tpu.region"() ({
          %run_scoped3A = tpu.sem_alloc : memref<!tpu.dma_semaphore, #tpu.memory_space<semaphore_mem>>
          %dma_start3A_63 = arith.constant 0 : i32
          %dma_start3A_64 = arith.constant 0 : i32
          %dma_start3A_65 = tpu.memref_slice %arg8[%dma_start3A_63, %dma_start3A_64] : memref<128x128xf32, #tpu.memory_space<vmem>> -> memref<128x128xf32, #tpu.memory_space<vmem>>
          %dma_start3A_66 = arith.constant 0 : i32
          %dma_start3A_67 = arith.constant 0 : i32
          %dma_start3A_68 = tpu.memref_slice %arg5[%arg0, %dma_start3A_66, %dma_start3A_67] : memref<2x10000x128xf32, #tpu.memory_space<hbm>> -> memref<1x10000x128xf32, #tpu.memory_space<hbm>>
          %dma_start3A_69 = tpu.memref_squeeze %dma_start3A_68 : memref<1x10000x128xf32, #tpu.memory_space<hbm>> -> memref<10000x128xf32, #tpu.memory_space<hbm>>
          %dma_start3A_70 = arith.constant 0 : i32
          %dma_start3A_71 = tpu.memref_slice %dma_start3A_69[%add3A_62, %dma_start3A_70] : memref<10000x128xf32, #tpu.memory_space<hbm>> -> memref<128x128xf32, #tpu.memory_space<hbm>>
          %dma_start3A_72 = arith.constant 0 : i32
          %dma_start3A_73 = arith.constant 0 : i32
          %dma_start3A_74 = tpu.memref_slice %arg5[%arg0, %dma_start3A_72, %dma_start3A_73] : memref<2x10000x128xf32, #tpu.memory_space<hbm>> -> memref<1x10000x128xf32, #tpu.memory_space<hbm>>
          %dma_start3A_75 = tpu.memref_squeeze %dma_start3A_74 : memref<1x10000x128xf32, #tpu.memory_space<hbm>> -> memref<10000x128xf32, #tpu.memory_space<hbm>>
          %dma_start3A_76 = arith.constant 0 : i32
          %dma_start3A_77 = tpu.memref_slice %dma_start3A_75[%add3A_62, %dma_start3A_76] : memref<10000x128xf32, #tpu.memory_space<hbm>> -> memref<128x128xf32, #tpu.memory_space<hbm>>
          %dma_start3A_78 = arith.constant 0 : i32
          %dma_start3A_79 = arith.constant 0 : i32
          %dma_start3A_80 = tpu.memref_slice %arg8[%dma_start3A_78, %dma_start3A_79] : memref<128x128xf32, #tpu.memory_space<vmem>> -> memref<128x128xf32, #tpu.memory_space<vmem>>
          tpu.enqueue_dma source(%dma_start3A_80 : memref<128x128xf32, #tpu.memory_space<vmem>>) target(%dma_start3A_77 : memref<128x128xf32, #tpu.memory_space<hbm>>) target_semaphore(%run_scoped3A : memref<!tpu.dma_semaphore, #tpu.memory_space<semaphore_mem>>)
          %dma_wait3A_81 = arith.constant 0 : i32
          %dma_wait3A_82 = arith.constant 0 : i32
          %dma_wait3A_83 = tpu.memref_slice %arg8[%dma_wait3A_81, %dma_wait3A_82] : memref<128x128xf32, #tpu.memory_space<vmem>> -> memref<128x128xf32, #tpu.memory_space<vmem>>
          %dma_wait3A_84 = arith.constant 0 : i32
          %dma_wait3A_85 = arith.constant 0 : i32
          %dma_wait3A_86 = tpu.memref_slice %arg5[%arg0, %dma_wait3A_84, %dma_wait3A_85] : memref<2x10000x128xf32, #tpu.memory_space<hbm>> -> memref<1x10000x128xf32, #tpu.memory_space<hbm>>
          %dma_wait3A_87 = tpu.memref_squeeze %dma_wait3A_86 : memref<1x10000x128xf32, #tpu.memory_space<hbm>> -> memref<10000x128xf32, #tpu.memory_space<hbm>>
          %dma_wait3A_88 = arith.constant 0 : i32
          %dma_wait3A_89 = tpu.memref_slice %dma_wait3A_87[%add3A_62, %dma_wait3A_88] : memref<10000x128xf32, #tpu.memory_space<hbm>> -> memref<128x128xf32, #tpu.memory_space<hbm>>
          %dma_wait3A_90 = arith.constant 0 : i32
          %dma_wait3A_91 = arith.constant 0 : i32
          %dma_wait3A_92 = tpu.memref_slice %arg5[%arg0, %dma_wait3A_90, %dma_wait3A_91] : memref<2x10000x128xf32, #tpu.memory_space<hbm>> -> memref<1x10000x128xf32, #tpu.memory_space<hbm>>
          %dma_wait3A_93 = tpu.memref_squeeze %dma_wait3A_92 : memref<1x10000x128xf32, #tpu.memory_space<hbm>> -> memref<10000x128xf32, #tpu.memory_space<hbm>>
          %dma_wait3A_94 = arith.constant 0 : i32
          %dma_wait3A_95 = tpu.memref_slice %dma_wait3A_93[%add3A_62, %dma_wait3A_94] : memref<10000x128xf32, #tpu.memory_space<hbm>> -> memref<128x128xf32, #tpu.memory_space<hbm>>
          %dma_wait3A_96 = arith.constant 0 : i32
          %dma_wait3A_97 = arith.constant 0 : i32
          %dma_wait3A_98 = tpu.memref_slice %arg8[%dma_wait3A_96, %dma_wait3A_97] : memref<128x128xf32, #tpu.memory_space<vmem>> -> memref<128x128xf32, #tpu.memory_space<vmem>>
          tpu.wait_dma2 semaphore(%run_scoped3A : memref<!tpu.dma_semaphore, #tpu.memory_space<semaphore_mem>>) src(%dma_wait3A_98 : memref<128x128xf32, #tpu.memory_space<vmem>>) dst(%dma_wait3A_95 : memref<128x128xf32, #tpu.memory_space<hbm>>)
          tpu.yield
        }) : () -> ()
      }
      %scan3A_58 = arith.constant 5 : i32
    } else {
    }
    return
  }
}

#map = affine_map<(d0, d1) -> (0, 0)>
#map1 = affine_map<(d0, d1) -> (0, 0, 0)>
module attributes {stable_mosaic.version = 14 : i64} {
  func.func @sage_agg(%arg0: i32, %arg1: i32, %arg2: memref<10000x128xf32, #tpu.memory_space<hbm>>, %arg3: memref<32x80x128xi32, #tpu.memory_space<hbm>>, %arg4: memref<32x80x128xi32, #tpu.memory_space<hbm>>, %arg5: memref<128x128xf32, #tpu.memory_space<hbm>>, %arg6: memref<2x10000x128xf32, #tpu.memory_space<hbm>>, %arg7: memref<40x128xi32, #tpu.memory_space<vmem>>, %arg8: memref<40x128xi32, #tpu.memory_space<vmem>>, %arg9: memref<128x128xf32, #tpu.memory_space<vmem>>, %arg10: memref<128x128xf32, #tpu.memory_space<vmem>>, %arg11: memref<10128x128xf32, #tpu.memory_space<vmem_shared>>, %arg12: memref<!tpu.dma_semaphore, #tpu.memory_space<semaphore_mem>>, %arg13: memref<!tpu.dma_semaphore, #tpu.memory_space<semaphore_mem>>) attributes {dimension_semantics = [#tpu.dimension_semantics<core_parallel>, #tpu.dimension_semantics<subcore_parallel>], iteration_bounds = array<i64: 2, 16>, scalar_prefetch = 0 : i64, scratch_operands = 7 : i64, tpu.core_type = #tpu.core_type<sc_vector_subcore>, window_params = [{transform_indices = #map}, {transform_indices = #map1}, {transform_indices = #map1}, {transform_indices = #map}, {transform_indices = #map1}]} {
    %mul3A = arith.constant 16 : i32
    %mul3A_0 = arith.muli %arg0, %mul3A : i32
    %add3A = arith.addi %mul3A_0, %arg1 : i32
    "tpu.region"() ({
      %run_scoped3A_90 = tpu.sem_alloc : memref<!tpu.dma_semaphore, #tpu.memory_space<semaphore_mem>>
      tpu.enqueue_dma source(%arg5 : memref<128x128xf32, #tpu.memory_space<hbm>>) target(%arg9 : memref<128x128xf32, #tpu.memory_space<vmem>>) target_semaphore(%run_scoped3A_90 : memref<!tpu.dma_semaphore, #tpu.memory_space<semaphore_mem>>)
      tpu.wait_dma2 semaphore(%run_scoped3A_90 : memref<!tpu.dma_semaphore, #tpu.memory_space<semaphore_mem>>) src(%arg5 : memref<128x128xf32, #tpu.memory_space<hbm>>) dst(%arg9 : memref<128x128xf32, #tpu.memory_space<vmem>>)
      tpu.yield
    }) : () -> ()
    %mul3A_1 = arith.constant 624 : i32
    %mul3A_2 = arith.muli %arg1, %mul3A_1 : i32
    %lt3A = arith.constant 15 : i32
    %lt3A_3 = arith.cmpi slt, %arg1, %lt3A : i32
    %convert_element_type3A = arith.extui %lt3A_3 : i1 to i32
    %cond3A = arith.constant 0 : i32
    %cond3A_4 = arith.cmpi ne, %convert_element_type3A, %cond3A : i32
    scf.if %cond3A_4 {
      %scan3A_90 = arith.constant 0 : i32
      %scan3A_91 = arith.constant 0 : i32
      %scan3A_92 = arith.constant 6 : i32
      %scan3A_93 = arith.addi %scan3A_91, %scan3A_92 : i32
      %scan3A_94 = arith.constant 1 : i32
      scf.for %scan3A_96 = %scan3A_91 to %scan3A_93 step %scan3A_94  : i32 {
        %mul3A_97 = arith.constant 104 : i32
        %mul3A_98 = arith.muli %scan3A_96, %mul3A_97 : i32
        %add3A_99 = arith.addi %mul3A_2, %mul3A_98 : i32
        "tpu.region"() ({
          %run_scoped3A_100 = tpu.sem_alloc : memref<!tpu.dma_semaphore, #tpu.memory_space<semaphore_mem>>
          %dma_start3A_101 = arith.constant 0 : i32
          %dma_start3A_102 = arith.constant 0 : i32
          %dma_start3A_103 = tpu.memref_slice %arg9[%dma_start3A_101, %dma_start3A_102] : memref<128x128xf32, #tpu.memory_space<vmem>> -> memref<104x128xf32, #tpu.memory_space<vmem>>
          %dma_start3A_104 = arith.constant 0 : i32
          %dma_start3A_105 = tpu.memref_slice %arg11[%add3A_99, %dma_start3A_104] : memref<10128x128xf32, #tpu.memory_space<vmem_shared>> -> memref<104x128xf32, #tpu.memory_space<vmem_shared>>
          %dma_start3A_106 = arith.constant 0 : i32
          %dma_start3A_107 = tpu.memref_slice %arg11[%add3A_99, %dma_start3A_106] : memref<10128x128xf32, #tpu.memory_space<vmem_shared>> -> memref<104x128xf32, #tpu.memory_space<vmem_shared>>
          %dma_start3A_108 = arith.constant 0 : i32
          %dma_start3A_109 = arith.constant 0 : i32
          %dma_start3A_110 = tpu.memref_slice %arg9[%dma_start3A_108, %dma_start3A_109] : memref<128x128xf32, #tpu.memory_space<vmem>> -> memref<104x128xf32, #tpu.memory_space<vmem>>
          tpu.enqueue_dma source(%dma_start3A_110 : memref<104x128xf32, #tpu.memory_space<vmem>>) target(%dma_start3A_107 : memref<104x128xf32, #tpu.memory_space<vmem_shared>>) target_semaphore(%run_scoped3A_100 : memref<!tpu.dma_semaphore, #tpu.memory_space<semaphore_mem>>)
          %dma_wait3A_111 = arith.constant 0 : i32
          %dma_wait3A_112 = arith.constant 0 : i32
          %dma_wait3A_113 = tpu.memref_slice %arg9[%dma_wait3A_111, %dma_wait3A_112] : memref<128x128xf32, #tpu.memory_space<vmem>> -> memref<104x128xf32, #tpu.memory_space<vmem>>
          %dma_wait3A_114 = arith.constant 0 : i32
          %dma_wait3A_115 = tpu.memref_slice %arg11[%add3A_99, %dma_wait3A_114] : memref<10128x128xf32, #tpu.memory_space<vmem_shared>> -> memref<104x128xf32, #tpu.memory_space<vmem_shared>>
          %dma_wait3A_116 = arith.constant 0 : i32
          %dma_wait3A_117 = tpu.memref_slice %arg11[%add3A_99, %dma_wait3A_116] : memref<10128x128xf32, #tpu.memory_space<vmem_shared>> -> memref<104x128xf32, #tpu.memory_space<vmem_shared>>
          %dma_wait3A_118 = arith.constant 0 : i32
          %dma_wait3A_119 = arith.constant 0 : i32
          %dma_wait3A_120 = tpu.memref_slice %arg9[%dma_wait3A_118, %dma_wait3A_119] : memref<128x128xf32, #tpu.memory_space<vmem>> -> memref<104x128xf32, #tpu.memory_space<vmem>>
          tpu.wait_dma2 semaphore(%run_scoped3A_100 : memref<!tpu.dma_semaphore, #tpu.memory_space<semaphore_mem>>) src(%dma_wait3A_120 : memref<104x128xf32, #tpu.memory_space<vmem>>) dst(%dma_wait3A_117 : memref<104x128xf32, #tpu.memory_space<vmem_shared>>)
          tpu.yield
        }) : () -> ()
      }
      %scan3A_95 = arith.constant 6 : i32
    } else {
    }
    %eq3A = arith.constant 15 : i32
    %eq3A_5 = arith.cmpi eq, %arg1, %eq3A : i32
    %convert_element_type3A_6 = arith.extui %eq3A_5 : i1 to i32
    %cond3A_7 = arith.constant 0 : i32
    %cond3A_8 = arith.cmpi ne, %convert_element_type3A_6, %cond3A_7 : i32
    scf.if %cond3A_8 {
      %scan3A_90 = arith.constant 0 : i32
      %scan3A_91 = arith.constant 0 : i32
      %scan3A_92 = arith.constant 5 : i32
      %scan3A_93 = arith.addi %scan3A_91, %scan3A_92 : i32
      %scan3A_94 = arith.constant 1 : i32
      scf.for %scan3A_96 = %scan3A_91 to %scan3A_93 step %scan3A_94  : i32 {
        %mul3A_97 = arith.constant 128 : i32
        %mul3A_98 = arith.muli %scan3A_96, %mul3A_97 : i32
        %add3A_99 = arith.addi %mul3A_2, %mul3A_98 : i32
        "tpu.region"() ({
          %run_scoped3A_100 = tpu.sem_alloc : memref<!tpu.dma_semaphore, #tpu.memory_space<semaphore_mem>>
          %dma_start3A_101 = arith.constant 0 : i32
          %dma_start3A_102 = arith.constant 0 : i32
          %dma_start3A_103 = tpu.memref_slice %arg9[%dma_start3A_101, %dma_start3A_102] : memref<128x128xf32, #tpu.memory_space<vmem>> -> memref<128x128xf32, #tpu.memory_space<vmem>>
          %dma_start3A_104 = arith.constant 0 : i32
          %dma_start3A_105 = tpu.memref_slice %arg11[%add3A_99, %dma_start3A_104] : memref<10128x128xf32, #tpu.memory_space<vmem_shared>> -> memref<128x128xf32, #tpu.memory_space<vmem_shared>>
          %dma_start3A_106 = arith.constant 0 : i32
          %dma_start3A_107 = tpu.memref_slice %arg11[%add3A_99, %dma_start3A_106] : memref<10128x128xf32, #tpu.memory_space<vmem_shared>> -> memref<128x128xf32, #tpu.memory_space<vmem_shared>>
          %dma_start3A_108 = arith.constant 0 : i32
          %dma_start3A_109 = arith.constant 0 : i32
          %dma_start3A_110 = tpu.memref_slice %arg9[%dma_start3A_108, %dma_start3A_109] : memref<128x128xf32, #tpu.memory_space<vmem>> -> memref<128x128xf32, #tpu.memory_space<vmem>>
          tpu.enqueue_dma source(%dma_start3A_110 : memref<128x128xf32, #tpu.memory_space<vmem>>) target(%dma_start3A_107 : memref<128x128xf32, #tpu.memory_space<vmem_shared>>) target_semaphore(%run_scoped3A_100 : memref<!tpu.dma_semaphore, #tpu.memory_space<semaphore_mem>>)
          %dma_wait3A_111 = arith.constant 0 : i32
          %dma_wait3A_112 = arith.constant 0 : i32
          %dma_wait3A_113 = tpu.memref_slice %arg9[%dma_wait3A_111, %dma_wait3A_112] : memref<128x128xf32, #tpu.memory_space<vmem>> -> memref<128x128xf32, #tpu.memory_space<vmem>>
          %dma_wait3A_114 = arith.constant 0 : i32
          %dma_wait3A_115 = tpu.memref_slice %arg11[%add3A_99, %dma_wait3A_114] : memref<10128x128xf32, #tpu.memory_space<vmem_shared>> -> memref<128x128xf32, #tpu.memory_space<vmem_shared>>
          %dma_wait3A_116 = arith.constant 0 : i32
          %dma_wait3A_117 = tpu.memref_slice %arg11[%add3A_99, %dma_wait3A_116] : memref<10128x128xf32, #tpu.memory_space<vmem_shared>> -> memref<128x128xf32, #tpu.memory_space<vmem_shared>>
          %dma_wait3A_118 = arith.constant 0 : i32
          %dma_wait3A_119 = arith.constant 0 : i32
          %dma_wait3A_120 = tpu.memref_slice %arg9[%dma_wait3A_118, %dma_wait3A_119] : memref<128x128xf32, #tpu.memory_space<vmem>> -> memref<128x128xf32, #tpu.memory_space<vmem>>
          tpu.wait_dma2 semaphore(%run_scoped3A_100 : memref<!tpu.dma_semaphore, #tpu.memory_space<semaphore_mem>>) src(%dma_wait3A_120 : memref<128x128xf32, #tpu.memory_space<vmem>>) dst(%dma_wait3A_117 : memref<128x128xf32, #tpu.memory_space<vmem_shared>>)
          tpu.yield
        }) : () -> ()
      }
      %scan3A_95 = arith.constant 5 : i32
    } else {
    }
    %barrier3A = arith.constant 0 : index
    tpu.barrier barrier_id(%barrier3A)
    "tpu.region"() ({
      %run_scoped3A_90 = tpu.sem_alloc : memref<!tpu.dma_semaphore, #tpu.memory_space<semaphore_mem>>
      %dma_start3A_91 = arith.constant 0 : i32
      %dma_start3A_92 = arith.constant 0 : i32
      %dma_start3A_93 = tpu.memref_slice %arg3[%add3A, %dma_start3A_91, %dma_start3A_92] : memref<32x80x128xi32, #tpu.memory_space<hbm>> -> memref<1x80x128xi32, #tpu.memory_space<hbm>>
      %dma_start3A_94 = tpu.memref_squeeze %dma_start3A_93 : memref<1x80x128xi32, #tpu.memory_space<hbm>> -> memref<80x128xi32, #tpu.memory_space<hbm>>
      %dma_start3A_95 = arith.constant 0 : i32
      %dma_start3A_96 = arith.constant 0 : i32
      %dma_start3A_97 = tpu.memref_slice %dma_start3A_94[%dma_start3A_95, %dma_start3A_96] : memref<80x128xi32, #tpu.memory_space<hbm>> -> memref<40x128xi32, #tpu.memory_space<hbm>>
      %dma_start3A_98 = arith.constant 0 : i32
      %dma_start3A_99 = arith.constant 0 : i32
      %dma_start3A_100 = tpu.memref_slice %arg3[%add3A, %dma_start3A_98, %dma_start3A_99] : memref<32x80x128xi32, #tpu.memory_space<hbm>> -> memref<1x80x128xi32, #tpu.memory_space<hbm>>
      %dma_start3A_101 = tpu.memref_squeeze %dma_start3A_100 : memref<1x80x128xi32, #tpu.memory_space<hbm>> -> memref<80x128xi32, #tpu.memory_space<hbm>>
      %dma_start3A_102 = arith.constant 0 : i32
      %dma_start3A_103 = arith.constant 0 : i32
      %dma_start3A_104 = tpu.memref_slice %dma_start3A_101[%dma_start3A_102, %dma_start3A_103] : memref<80x128xi32, #tpu.memory_space<hbm>> -> memref<40x128xi32, #tpu.memory_space<hbm>>
      tpu.enqueue_dma source(%dma_start3A_104 : memref<40x128xi32, #tpu.memory_space<hbm>>) target(%arg7 : memref<40x128xi32, #tpu.memory_space<vmem>>) target_semaphore(%run_scoped3A_90 : memref<!tpu.dma_semaphore, #tpu.memory_space<semaphore_mem>>)
      %dma_wait3A_105 = arith.constant 0 : i32
      %dma_wait3A_106 = arith.constant 0 : i32
      %dma_wait3A_107 = tpu.memref_slice %arg3[%add3A, %dma_wait3A_105, %dma_wait3A_106] : memref<32x80x128xi32, #tpu.memory_space<hbm>> -> memref<1x80x128xi32, #tpu.memory_space<hbm>>
      %dma_wait3A_108 = tpu.memref_squeeze %dma_wait3A_107 : memref<1x80x128xi32, #tpu.memory_space<hbm>> -> memref<80x128xi32, #tpu.memory_space<hbm>>
      %dma_wait3A_109 = arith.constant 0 : i32
      %dma_wait3A_110 = arith.constant 0 : i32
      %dma_wait3A_111 = tpu.memref_slice %dma_wait3A_108[%dma_wait3A_109, %dma_wait3A_110] : memref<80x128xi32, #tpu.memory_space<hbm>> -> memref<40x128xi32, #tpu.memory_space<hbm>>
      %dma_wait3A_112 = arith.constant 0 : i32
      %dma_wait3A_113 = arith.constant 0 : i32
      %dma_wait3A_114 = tpu.memref_slice %arg3[%add3A, %dma_wait3A_112, %dma_wait3A_113] : memref<32x80x128xi32, #tpu.memory_space<hbm>> -> memref<1x80x128xi32, #tpu.memory_space<hbm>>
      %dma_wait3A_115 = tpu.memref_squeeze %dma_wait3A_114 : memref<1x80x128xi32, #tpu.memory_space<hbm>> -> memref<80x128xi32, #tpu.memory_space<hbm>>
      %dma_wait3A_116 = arith.constant 0 : i32
      %dma_wait3A_117 = arith.constant 0 : i32
      %dma_wait3A_118 = tpu.memref_slice %dma_wait3A_115[%dma_wait3A_116, %dma_wait3A_117] : memref<80x128xi32, #tpu.memory_space<hbm>> -> memref<40x128xi32, #tpu.memory_space<hbm>>
      tpu.wait_dma2 semaphore(%run_scoped3A_90 : memref<!tpu.dma_semaphore, #tpu.memory_space<semaphore_mem>>) src(%dma_wait3A_118 : memref<40x128xi32, #tpu.memory_space<hbm>>) dst(%arg7 : memref<40x128xi32, #tpu.memory_space<vmem>>)
      tpu.yield
    }) : () -> ()
    "tpu.region"() ({
      %run_scoped3A_90 = tpu.sem_alloc : memref<!tpu.dma_semaphore, #tpu.memory_space<semaphore_mem>>
      %dma_start3A_91 = arith.constant 0 : i32
      %dma_start3A_92 = arith.constant 0 : i32
      %dma_start3A_93 = tpu.memref_slice %arg4[%add3A, %dma_start3A_91, %dma_start3A_92] : memref<32x80x128xi32, #tpu.memory_space<hbm>> -> memref<1x80x128xi32, #tpu.memory_space<hbm>>
      %dma_start3A_94 = tpu.memref_squeeze %dma_start3A_93 : memref<1x80x128xi32, #tpu.memory_space<hbm>> -> memref<80x128xi32, #tpu.memory_space<hbm>>
      %dma_start3A_95 = arith.constant 0 : i32
      %dma_start3A_96 = arith.constant 0 : i32
      %dma_start3A_97 = tpu.memref_slice %dma_start3A_94[%dma_start3A_95, %dma_start3A_96] : memref<80x128xi32, #tpu.memory_space<hbm>> -> memref<40x128xi32, #tpu.memory_space<hbm>>
      %dma_start3A_98 = arith.constant 0 : i32
      %dma_start3A_99 = arith.constant 0 : i32
      %dma_start3A_100 = tpu.memref_slice %arg4[%add3A, %dma_start3A_98, %dma_start3A_99] : memref<32x80x128xi32, #tpu.memory_space<hbm>> -> memref<1x80x128xi32, #tpu.memory_space<hbm>>
      %dma_start3A_101 = tpu.memref_squeeze %dma_start3A_100 : memref<1x80x128xi32, #tpu.memory_space<hbm>> -> memref<80x128xi32, #tpu.memory_space<hbm>>
      %dma_start3A_102 = arith.constant 0 : i32
      %dma_start3A_103 = arith.constant 0 : i32
      %dma_start3A_104 = tpu.memref_slice %dma_start3A_101[%dma_start3A_102, %dma_start3A_103] : memref<80x128xi32, #tpu.memory_space<hbm>> -> memref<40x128xi32, #tpu.memory_space<hbm>>
      tpu.enqueue_dma source(%dma_start3A_104 : memref<40x128xi32, #tpu.memory_space<hbm>>) target(%arg8 : memref<40x128xi32, #tpu.memory_space<vmem>>) target_semaphore(%run_scoped3A_90 : memref<!tpu.dma_semaphore, #tpu.memory_space<semaphore_mem>>)
      %dma_wait3A_105 = arith.constant 0 : i32
      %dma_wait3A_106 = arith.constant 0 : i32
      %dma_wait3A_107 = tpu.memref_slice %arg4[%add3A, %dma_wait3A_105, %dma_wait3A_106] : memref<32x80x128xi32, #tpu.memory_space<hbm>> -> memref<1x80x128xi32, #tpu.memory_space<hbm>>
      %dma_wait3A_108 = tpu.memref_squeeze %dma_wait3A_107 : memref<1x80x128xi32, #tpu.memory_space<hbm>> -> memref<80x128xi32, #tpu.memory_space<hbm>>
      %dma_wait3A_109 = arith.constant 0 : i32
      %dma_wait3A_110 = arith.constant 0 : i32
      %dma_wait3A_111 = tpu.memref_slice %dma_wait3A_108[%dma_wait3A_109, %dma_wait3A_110] : memref<80x128xi32, #tpu.memory_space<hbm>> -> memref<40x128xi32, #tpu.memory_space<hbm>>
      %dma_wait3A_112 = arith.constant 0 : i32
      %dma_wait3A_113 = arith.constant 0 : i32
      %dma_wait3A_114 = tpu.memref_slice %arg4[%add3A, %dma_wait3A_112, %dma_wait3A_113] : memref<32x80x128xi32, #tpu.memory_space<hbm>> -> memref<1x80x128xi32, #tpu.memory_space<hbm>>
      %dma_wait3A_115 = tpu.memref_squeeze %dma_wait3A_114 : memref<1x80x128xi32, #tpu.memory_space<hbm>> -> memref<80x128xi32, #tpu.memory_space<hbm>>
      %dma_wait3A_116 = arith.constant 0 : i32
      %dma_wait3A_117 = arith.constant 0 : i32
      %dma_wait3A_118 = tpu.memref_slice %dma_wait3A_115[%dma_wait3A_116, %dma_wait3A_117] : memref<80x128xi32, #tpu.memory_space<hbm>> -> memref<40x128xi32, #tpu.memory_space<hbm>>
      tpu.wait_dma2 semaphore(%run_scoped3A_90 : memref<!tpu.dma_semaphore, #tpu.memory_space<semaphore_mem>>) src(%dma_wait3A_118 : memref<40x128xi32, #tpu.memory_space<hbm>>) dst(%arg8 : memref<40x128xi32, #tpu.memory_space<vmem>>)
      tpu.yield
    }) : () -> ()
    %dma_start3A = arith.constant 0 : i32
    %dma_start3A_9 = arith.constant 0 : i32
    %dma_start3A_10 = tpu.memref_slice %arg7[%dma_start3A, %dma_start3A_9] : memref<40x128xi32, #tpu.memory_space<vmem>> -> memref<1x128xi32, #tpu.memory_space<vmem>>
    %dma_start3A_11 = tpu.memref_squeeze %dma_start3A_10 : memref<1x128xi32, #tpu.memory_space<vmem>> -> memref<128xi32, #tpu.memory_space<vmem>>
    %dma_start3A_12 = arith.constant 0 : i32
    %dma_start3A_13 = arith.constant 0 : i32
    %dma_start3A_14 = tpu.memref_slice %arg2[%dma_start3A_12, %dma_start3A_13] : memref<10000x128xf32, #tpu.memory_space<hbm>> -> memref<10000x128xf32, #tpu.memory_space<hbm>>
    tpu.enqueue_indirect_dma source(%dma_start3A_14 : memref<10000x128xf32, #tpu.memory_space<hbm>>) target(%arg9 : memref<128x128xf32, #tpu.memory_space<vmem>>) offsets(%dma_start3A_11 : memref<128xi32, #tpu.memory_space<vmem>>) semaphore(%arg12 : memref<!tpu.dma_semaphore, #tpu.memory_space<semaphore_mem>>)
    %scan3A = arith.constant 0 : i32
    %scan3A_15 = arith.constant 0 : i32
    %scan3A_16 = arith.constant 19 : i32
    %scan3A_17 = arith.addi %scan3A_15, %scan3A_16 : i32
    %scan3A_18 = arith.constant 1 : i32
    scf.for %scan3A_90 = %scan3A_15 to %scan3A_17 step %scan3A_18  : i32 {
      %mul3A_91 = arith.constant 2 : i32
      %mul3A_92 = arith.muli %mul3A_91, %scan3A_90 : i32
      %add3A_93 = arith.constant 1 : i32
      %add3A_94 = arith.addi %mul3A_92, %add3A_93 : i32
      %dma_start3A_95 = arith.constant 0 : i32
      %dma_start3A_96 = tpu.memref_slice %arg7[%add3A_94, %dma_start3A_95] : memref<40x128xi32, #tpu.memory_space<vmem>> -> memref<1x128xi32, #tpu.memory_space<vmem>>
      %dma_start3A_97 = tpu.memref_squeeze %dma_start3A_96 : memref<1x128xi32, #tpu.memory_space<vmem>> -> memref<128xi32, #tpu.memory_space<vmem>>
      %dma_start3A_98 = arith.constant 0 : i32
      %dma_start3A_99 = arith.constant 0 : i32
      %dma_start3A_100 = tpu.memref_slice %arg2[%dma_start3A_98, %dma_start3A_99] : memref<10000x128xf32, #tpu.memory_space<hbm>> -> memref<10000x128xf32, #tpu.memory_space<hbm>>
      tpu.enqueue_indirect_dma source(%dma_start3A_100 : memref<10000x128xf32, #tpu.memory_space<hbm>>) target(%arg10 : memref<128x128xf32, #tpu.memory_space<vmem>>) offsets(%dma_start3A_97 : memref<128xi32, #tpu.memory_space<vmem>>) semaphore(%arg13 : memref<!tpu.dma_semaphore, #tpu.memory_space<semaphore_mem>>)
      %dma_wait3A_101 = arith.constant 0 : i32
      %dma_wait3A_102 = tpu.memref_slice %arg7[%mul3A_92, %dma_wait3A_101] : memref<40x128xi32, #tpu.memory_space<vmem>> -> memref<1x128xi32, #tpu.memory_space<vmem>>
      %dma_wait3A_103 = tpu.memref_squeeze %dma_wait3A_102 : memref<1x128xi32, #tpu.memory_space<vmem>> -> memref<128xi32, #tpu.memory_space<vmem>>
      %dma_wait3A_104 = arith.constant 0 : i32
      %dma_wait3A_105 = arith.constant 0 : i32
      %dma_wait3A_106 = tpu.memref_slice %arg2[%dma_wait3A_104, %dma_wait3A_105] : memref<10000x128xf32, #tpu.memory_space<hbm>> -> memref<10000x128xf32, #tpu.memory_space<hbm>>
      tpu.wait_indirect_dma semaphore(%arg12 : memref<!tpu.dma_semaphore, #tpu.memory_space<semaphore_mem>>) src(%dma_wait3A_106 : memref<10000x128xf32, #tpu.memory_space<hbm>>) dst(%arg9 : memref<128x128xf32, #tpu.memory_space<vmem>>)
      "tpu.region"() ({
        %run_scoped3A_125 = tpu.sem_alloc : memref<!tpu.dma_semaphore, #tpu.memory_space<semaphore_mem>>
        %dma_start3A_126 = arith.constant 0 : i32
        %dma_start3A_127 = tpu.memref_slice %arg8[%mul3A_92, %dma_start3A_126] : memref<40x128xi32, #tpu.memory_space<vmem>> -> memref<1x128xi32, #tpu.memory_space<vmem>>
        %dma_start3A_128 = tpu.memref_squeeze %dma_start3A_127 : memref<1x128xi32, #tpu.memory_space<vmem>> -> memref<128xi32, #tpu.memory_space<vmem>>
        %dma_start3A_129 = arith.constant 0 : i32
        %dma_start3A_130 = arith.constant 0 : i32
        %dma_start3A_131 = tpu.memref_slice %arg11[%dma_start3A_129, %dma_start3A_130] : memref<10128x128xf32, #tpu.memory_space<vmem_shared>> -> memref<10128x128xf32, #tpu.memory_space<vmem_shared>>
        tpu.enqueue_indirect_dma source(%arg9 : memref<128x128xf32, #tpu.memory_space<vmem>>) target(%dma_start3A_131 : memref<10128x128xf32, #tpu.memory_space<vmem_shared>>) offsets(%dma_start3A_128 : memref<128xi32, #tpu.memory_space<vmem>>) semaphore(%run_scoped3A_125 : memref<!tpu.dma_semaphore, #tpu.memory_space<semaphore_mem>>) {add = true}
        %dma_wait3A_132 = arith.constant 0 : i32
        %dma_wait3A_133 = tpu.memref_slice %arg8[%mul3A_92, %dma_wait3A_132] : memref<40x128xi32, #tpu.memory_space<vmem>> -> memref<1x128xi32, #tpu.memory_space<vmem>>
        %dma_wait3A_134 = tpu.memref_squeeze %dma_wait3A_133 : memref<1x128xi32, #tpu.memory_space<vmem>> -> memref<128xi32, #tpu.memory_space<vmem>>
        %dma_wait3A_135 = arith.constant 0 : i32
        %dma_wait3A_136 = arith.constant 0 : i32
        %dma_wait3A_137 = tpu.memref_slice %arg11[%dma_wait3A_135, %dma_wait3A_136] : memref<10128x128xf32, #tpu.memory_space<vmem_shared>> -> memref<10128x128xf32, #tpu.memory_space<vmem_shared>>
        tpu.wait_indirect_dma semaphore(%run_scoped3A_125 : memref<!tpu.dma_semaphore, #tpu.memory_space<semaphore_mem>>) src(%arg9 : memref<128x128xf32, #tpu.memory_space<vmem>>) dst(%dma_wait3A_137 : memref<10128x128xf32, #tpu.memory_space<vmem_shared>>)
        tpu.yield
      }) : () -> ()
      %add3A_107 = arith.constant 2 : i32
      %add3A_108 = arith.addi %mul3A_92, %add3A_107 : i32
      %dma_start3A_109 = arith.constant 0 : i32
      %dma_start3A_110 = tpu.memref_slice %arg7[%add3A_108, %dma_start3A_109] : memref<40x128xi32, #tpu.memory_space<vmem>> -> memref<1x128xi32, #tpu.memory_space<vmem>>
      %dma_start3A_111 = tpu.memref_squeeze %dma_start3A_110 : memref<1x128xi32, #tpu.memory_space<vmem>> -> memref<128xi32, #tpu.memory_space<vmem>>
      %dma_start3A_112 = arith.constant 0 : i32
      %dma_start3A_113 = arith.constant 0 : i32
      %dma_start3A_114 = tpu.memref_slice %arg2[%dma_start3A_112, %dma_start3A_113] : memref<10000x128xf32, #tpu.memory_space<hbm>> -> memref<10000x128xf32, #tpu.memory_space<hbm>>
      tpu.enqueue_indirect_dma source(%dma_start3A_114 : memref<10000x128xf32, #tpu.memory_space<hbm>>) target(%arg9 : memref<128x128xf32, #tpu.memory_space<vmem>>) offsets(%dma_start3A_111 : memref<128xi32, #tpu.memory_space<vmem>>) semaphore(%arg12 : memref<!tpu.dma_semaphore, #tpu.memory_space<semaphore_mem>>)
      %add3A_115 = arith.constant 1 : i32
      %add3A_116 = arith.addi %mul3A_92, %add3A_115 : i32
      %dma_wait3A_117 = arith.constant 0 : i32
      %dma_wait3A_118 = tpu.memref_slice %arg7[%add3A_116, %dma_wait3A_117] : memref<40x128xi32, #tpu.memory_space<vmem>> -> memref<1x128xi32, #tpu.memory_space<vmem>>
      %dma_wait3A_119 = tpu.memref_squeeze %dma_wait3A_118 : memref<1x128xi32, #tpu.memory_space<vmem>> -> memref<128xi32, #tpu.memory_space<vmem>>
      %dma_wait3A_120 = arith.constant 0 : i32
      %dma_wait3A_121 = arith.constant 0 : i32
      %dma_wait3A_122 = tpu.memref_slice %arg2[%dma_wait3A_120, %dma_wait3A_121] : memref<10000x128xf32, #tpu.memory_space<hbm>> -> memref<10000x128xf32, #tpu.memory_space<hbm>>
      tpu.wait_indirect_dma semaphore(%arg13 : memref<!tpu.dma_semaphore, #tpu.memory_space<semaphore_mem>>) src(%dma_wait3A_122 : memref<10000x128xf32, #tpu.memory_space<hbm>>) dst(%arg10 : memref<128x128xf32, #tpu.memory_space<vmem>>)
      %add3A_123 = arith.constant 1 : i32
      %add3A_124 = arith.addi %mul3A_92, %add3A_123 : i32
      "tpu.region"() ({
        %run_scoped3A_125 = tpu.sem_alloc : memref<!tpu.dma_semaphore, #tpu.memory_space<semaphore_mem>>
        %dma_start3A_126 = arith.constant 0 : i32
        %dma_start3A_127 = tpu.memref_slice %arg8[%add3A_124, %dma_start3A_126] : memref<40x128xi32, #tpu.memory_space<vmem>> -> memref<1x128xi32, #tpu.memory_space<vmem>>
        %dma_start3A_128 = tpu.memref_squeeze %dma_start3A_127 : memref<1x128xi32, #tpu.memory_space<vmem>> -> memref<128xi32, #tpu.memory_space<vmem>>
        %dma_start3A_129 = arith.constant 0 : i32
        %dma_start3A_130 = arith.constant 0 : i32
        %dma_start3A_131 = tpu.memref_slice %arg11[%dma_start3A_129, %dma_start3A_130] : memref<10128x128xf32, #tpu.memory_space<vmem_shared>> -> memref<10128x128xf32, #tpu.memory_space<vmem_shared>>
        tpu.enqueue_indirect_dma source(%arg10 : memref<128x128xf32, #tpu.memory_space<vmem>>) target(%dma_start3A_131 : memref<10128x128xf32, #tpu.memory_space<vmem_shared>>) offsets(%dma_start3A_128 : memref<128xi32, #tpu.memory_space<vmem>>) semaphore(%run_scoped3A_125 : memref<!tpu.dma_semaphore, #tpu.memory_space<semaphore_mem>>) {add = true}
        %dma_wait3A_132 = arith.constant 0 : i32
        %dma_wait3A_133 = tpu.memref_slice %arg8[%add3A_124, %dma_wait3A_132] : memref<40x128xi32, #tpu.memory_space<vmem>> -> memref<1x128xi32, #tpu.memory_space<vmem>>
        %dma_wait3A_134 = tpu.memref_squeeze %dma_wait3A_133 : memref<1x128xi32, #tpu.memory_space<vmem>> -> memref<128xi32, #tpu.memory_space<vmem>>
        %dma_wait3A_135 = arith.constant 0 : i32
        %dma_wait3A_136 = arith.constant 0 : i32
        %dma_wait3A_137 = tpu.memref_slice %arg11[%dma_wait3A_135, %dma_wait3A_136] : memref<10128x128xf32, #tpu.memory_space<vmem_shared>> -> memref<10128x128xf32, #tpu.memory_space<vmem_shared>>
        tpu.wait_indirect_dma semaphore(%run_scoped3A_125 : memref<!tpu.dma_semaphore, #tpu.memory_space<semaphore_mem>>) src(%arg10 : memref<128x128xf32, #tpu.memory_space<vmem>>) dst(%dma_wait3A_137 : memref<10128x128xf32, #tpu.memory_space<vmem_shared>>)
        tpu.yield
      }) : () -> ()
    }
    %scan3A_19 = arith.constant 19 : i32
    %dma_start3A_20 = arith.constant 39 : i32
    %dma_start3A_21 = arith.constant 0 : i32
    %dma_start3A_22 = tpu.memref_slice %arg7[%dma_start3A_20, %dma_start3A_21] : memref<40x128xi32, #tpu.memory_space<vmem>> -> memref<1x128xi32, #tpu.memory_space<vmem>>
    %dma_start3A_23 = tpu.memref_squeeze %dma_start3A_22 : memref<1x128xi32, #tpu.memory_space<vmem>> -> memref<128xi32, #tpu.memory_space<vmem>>
    %dma_start3A_24 = arith.constant 0 : i32
    %dma_start3A_25 = arith.constant 0 : i32
    %dma_start3A_26 = tpu.memref_slice %arg2[%dma_start3A_24, %dma_start3A_25] : memref<10000x128xf32, #tpu.memory_space<hbm>> -> memref<10000x128xf32, #tpu.memory_space<hbm>>
    tpu.enqueue_indirect_dma source(%dma_start3A_26 : memref<10000x128xf32, #tpu.memory_space<hbm>>) target(%arg10 : memref<128x128xf32, #tpu.memory_space<vmem>>) offsets(%dma_start3A_23 : memref<128xi32, #tpu.memory_space<vmem>>) semaphore(%arg13 : memref<!tpu.dma_semaphore, #tpu.memory_space<semaphore_mem>>)
    %dma_wait3A = arith.constant 38 : i32
    %dma_wait3A_27 = arith.constant 0 : i32
    %dma_wait3A_28 = tpu.memref_slice %arg7[%dma_wait3A, %dma_wait3A_27] : memref<40x128xi32, #tpu.memory_space<vmem>> -> memref<1x128xi32, #tpu.memory_space<vmem>>
    %dma_wait3A_29 = tpu.memref_squeeze %dma_wait3A_28 : memref<1x128xi32, #tpu.memory_space<vmem>> -> memref<128xi32, #tpu.memory_space<vmem>>
    %dma_wait3A_30 = arith.constant 0 : i32
    %dma_wait3A_31 = arith.constant 0 : i32
    %dma_wait3A_32 = tpu.memref_slice %arg2[%dma_wait3A_30, %dma_wait3A_31] : memref<10000x128xf32, #tpu.memory_space<hbm>> -> memref<10000x128xf32, #tpu.memory_space<hbm>>
    tpu.wait_indirect_dma semaphore(%arg12 : memref<!tpu.dma_semaphore, #tpu.memory_space<semaphore_mem>>) src(%dma_wait3A_32 : memref<10000x128xf32, #tpu.memory_space<hbm>>) dst(%arg9 : memref<128x128xf32, #tpu.memory_space<vmem>>)
    %run_scoped3A = arith.constant 38 : i32
    "tpu.region"() ({
      %run_scoped3A_90 = tpu.sem_alloc : memref<!tpu.dma_semaphore, #tpu.memory_space<semaphore_mem>>
      %dma_start3A_91 = arith.constant 0 : i32
      %dma_start3A_92 = tpu.memref_slice %arg8[%run_scoped3A, %dma_start3A_91] : memref<40x128xi32, #tpu.memory_space<vmem>> -> memref<1x128xi32, #tpu.memory_space<vmem>>
      %dma_start3A_93 = tpu.memref_squeeze %dma_start3A_92 : memref<1x128xi32, #tpu.memory_space<vmem>> -> memref<128xi32, #tpu.memory_space<vmem>>
      %dma_start3A_94 = arith.constant 0 : i32
      %dma_start3A_95 = arith.constant 0 : i32
      %dma_start3A_96 = tpu.memref_slice %arg11[%dma_start3A_94, %dma_start3A_95] : memref<10128x128xf32, #tpu.memory_space<vmem_shared>> -> memref<10128x128xf32, #tpu.memory_space<vmem_shared>>
      tpu.enqueue_indirect_dma source(%arg9 : memref<128x128xf32, #tpu.memory_space<vmem>>) target(%dma_start3A_96 : memref<10128x128xf32, #tpu.memory_space<vmem_shared>>) offsets(%dma_start3A_93 : memref<128xi32, #tpu.memory_space<vmem>>) semaphore(%run_scoped3A_90 : memref<!tpu.dma_semaphore, #tpu.memory_space<semaphore_mem>>) {add = true}
      %dma_wait3A_97 = arith.constant 0 : i32
      %dma_wait3A_98 = tpu.memref_slice %arg8[%run_scoped3A, %dma_wait3A_97] : memref<40x128xi32, #tpu.memory_space<vmem>> -> memref<1x128xi32, #tpu.memory_space<vmem>>
      %dma_wait3A_99 = tpu.memref_squeeze %dma_wait3A_98 : memref<1x128xi32, #tpu.memory_space<vmem>> -> memref<128xi32, #tpu.memory_space<vmem>>
      %dma_wait3A_100 = arith.constant 0 : i32
      %dma_wait3A_101 = arith.constant 0 : i32
      %dma_wait3A_102 = tpu.memref_slice %arg11[%dma_wait3A_100, %dma_wait3A_101] : memref<10128x128xf32, #tpu.memory_space<vmem_shared>> -> memref<10128x128xf32, #tpu.memory_space<vmem_shared>>
      tpu.wait_indirect_dma semaphore(%run_scoped3A_90 : memref<!tpu.dma_semaphore, #tpu.memory_space<semaphore_mem>>) src(%arg9 : memref<128x128xf32, #tpu.memory_space<vmem>>) dst(%dma_wait3A_102 : memref<10128x128xf32, #tpu.memory_space<vmem_shared>>)
      tpu.yield
    }) : () -> ()
    %dma_wait3A_33 = arith.constant 39 : i32
    %dma_wait3A_34 = arith.constant 0 : i32
    %dma_wait3A_35 = tpu.memref_slice %arg7[%dma_wait3A_33, %dma_wait3A_34] : memref<40x128xi32, #tpu.memory_space<vmem>> -> memref<1x128xi32, #tpu.memory_space<vmem>>
    %dma_wait3A_36 = tpu.memref_squeeze %dma_wait3A_35 : memref<1x128xi32, #tpu.memory_space<vmem>> -> memref<128xi32, #tpu.memory_space<vmem>>
    %dma_wait3A_37 = arith.constant 0 : i32
    %dma_wait3A_38 = arith.constant 0 : i32
    %dma_wait3A_39 = tpu.memref_slice %arg2[%dma_wait3A_37, %dma_wait3A_38] : memref<10000x128xf32, #tpu.memory_space<hbm>> -> memref<10000x128xf32, #tpu.memory_space<hbm>>
    tpu.wait_indirect_dma semaphore(%arg13 : memref<!tpu.dma_semaphore, #tpu.memory_space<semaphore_mem>>) src(%dma_wait3A_39 : memref<10000x128xf32, #tpu.memory_space<hbm>>) dst(%arg10 : memref<128x128xf32, #tpu.memory_space<vmem>>)
    %run_scoped3A_40 = arith.constant 39 : i32
    "tpu.region"() ({
      %run_scoped3A_90 = tpu.sem_alloc : memref<!tpu.dma_semaphore, #tpu.memory_space<semaphore_mem>>
      %dma_start3A_91 = arith.constant 0 : i32
      %dma_start3A_92 = tpu.memref_slice %arg8[%run_scoped3A_40, %dma_start3A_91] : memref<40x128xi32, #tpu.memory_space<vmem>> -> memref<1x128xi32, #tpu.memory_space<vmem>>
      %dma_start3A_93 = tpu.memref_squeeze %dma_start3A_92 : memref<1x128xi32, #tpu.memory_space<vmem>> -> memref<128xi32, #tpu.memory_space<vmem>>
      %dma_start3A_94 = arith.constant 0 : i32
      %dma_start3A_95 = arith.constant 0 : i32
      %dma_start3A_96 = tpu.memref_slice %arg11[%dma_start3A_94, %dma_start3A_95] : memref<10128x128xf32, #tpu.memory_space<vmem_shared>> -> memref<10128x128xf32, #tpu.memory_space<vmem_shared>>
      tpu.enqueue_indirect_dma source(%arg10 : memref<128x128xf32, #tpu.memory_space<vmem>>) target(%dma_start3A_96 : memref<10128x128xf32, #tpu.memory_space<vmem_shared>>) offsets(%dma_start3A_93 : memref<128xi32, #tpu.memory_space<vmem>>) semaphore(%run_scoped3A_90 : memref<!tpu.dma_semaphore, #tpu.memory_space<semaphore_mem>>) {add = true}
      %dma_wait3A_97 = arith.constant 0 : i32
      %dma_wait3A_98 = tpu.memref_slice %arg8[%run_scoped3A_40, %dma_wait3A_97] : memref<40x128xi32, #tpu.memory_space<vmem>> -> memref<1x128xi32, #tpu.memory_space<vmem>>
      %dma_wait3A_99 = tpu.memref_squeeze %dma_wait3A_98 : memref<1x128xi32, #tpu.memory_space<vmem>> -> memref<128xi32, #tpu.memory_space<vmem>>
      %dma_wait3A_100 = arith.constant 0 : i32
      %dma_wait3A_101 = arith.constant 0 : i32
      %dma_wait3A_102 = tpu.memref_slice %arg11[%dma_wait3A_100, %dma_wait3A_101] : memref<10128x128xf32, #tpu.memory_space<vmem_shared>> -> memref<10128x128xf32, #tpu.memory_space<vmem_shared>>
      tpu.wait_indirect_dma semaphore(%run_scoped3A_90 : memref<!tpu.dma_semaphore, #tpu.memory_space<semaphore_mem>>) src(%arg10 : memref<128x128xf32, #tpu.memory_space<vmem>>) dst(%dma_wait3A_102 : memref<10128x128xf32, #tpu.memory_space<vmem_shared>>)
      tpu.yield
    }) : () -> ()
    "tpu.region"() ({
      %run_scoped3A_90 = tpu.sem_alloc : memref<!tpu.dma_semaphore, #tpu.memory_space<semaphore_mem>>
      %dma_start3A_91 = arith.constant 0 : i32
      %dma_start3A_92 = arith.constant 0 : i32
      %dma_start3A_93 = tpu.memref_slice %arg3[%add3A, %dma_start3A_91, %dma_start3A_92] : memref<32x80x128xi32, #tpu.memory_space<hbm>> -> memref<1x80x128xi32, #tpu.memory_space<hbm>>
      %dma_start3A_94 = tpu.memref_squeeze %dma_start3A_93 : memref<1x80x128xi32, #tpu.memory_space<hbm>> -> memref<80x128xi32, #tpu.memory_space<hbm>>
      %dma_start3A_95 = arith.constant 40 : i32
      %dma_start3A_96 = arith.constant 0 : i32
      %dma_start3A_97 = tpu.memref_slice %dma_start3A_94[%dma_start3A_95, %dma_start3A_96] : memref<80x128xi32, #tpu.memory_space<hbm>> -> memref<40x128xi32, #tpu.memory_space<hbm>>
      %dma_start3A_98 = arith.constant 0 : i32
      %dma_start3A_99 = arith.constant 0 : i32
      %dma_start3A_100 = tpu.memref_slice %arg3[%add3A, %dma_start3A_98, %dma_start3A_99] : memref<32x80x128xi32, #tpu.memory_space<hbm>> -> memref<1x80x128xi32, #tpu.memory_space<hbm>>
      %dma_start3A_101 = tpu.memref_squeeze %dma_start3A_100 : memref<1x80x128xi32, #tpu.memory_space<hbm>> -> memref<80x128xi32, #tpu.memory_space<hbm>>
      %dma_start3A_102 = arith.constant 40 : i32
      %dma_start3A_103 = arith.constant 0 : i32
      %dma_start3A_104 = tpu.memref_slice %dma_start3A_101[%dma_start3A_102, %dma_start3A_103] : memref<80x128xi32, #tpu.memory_space<hbm>> -> memref<40x128xi32, #tpu.memory_space<hbm>>
      tpu.enqueue_dma source(%dma_start3A_104 : memref<40x128xi32, #tpu.memory_space<hbm>>) target(%arg7 : memref<40x128xi32, #tpu.memory_space<vmem>>) target_semaphore(%run_scoped3A_90 : memref<!tpu.dma_semaphore, #tpu.memory_space<semaphore_mem>>)
      %dma_wait3A_105 = arith.constant 0 : i32
      %dma_wait3A_106 = arith.constant 0 : i32
      %dma_wait3A_107 = tpu.memref_slice %arg3[%add3A, %dma_wait3A_105, %dma_wait3A_106] : memref<32x80x128xi32, #tpu.memory_space<hbm>> -> memref<1x80x128xi32, #tpu.memory_space<hbm>>
      %dma_wait3A_108 = tpu.memref_squeeze %dma_wait3A_107 : memref<1x80x128xi32, #tpu.memory_space<hbm>> -> memref<80x128xi32, #tpu.memory_space<hbm>>
      %dma_wait3A_109 = arith.constant 40 : i32
      %dma_wait3A_110 = arith.constant 0 : i32
      %dma_wait3A_111 = tpu.memref_slice %dma_wait3A_108[%dma_wait3A_109, %dma_wait3A_110] : memref<80x128xi32, #tpu.memory_space<hbm>> -> memref<40x128xi32, #tpu.memory_space<hbm>>
      %dma_wait3A_112 = arith.constant 0 : i32
      %dma_wait3A_113 = arith.constant 0 : i32
      %dma_wait3A_114 = tpu.memref_slice %arg3[%add3A, %dma_wait3A_112, %dma_wait3A_113] : memref<32x80x128xi32, #tpu.memory_space<hbm>> -> memref<1x80x128xi32, #tpu.memory_space<hbm>>
      %dma_wait3A_115 = tpu.memref_squeeze %dma_wait3A_114 : memref<1x80x128xi32, #tpu.memory_space<hbm>> -> memref<80x128xi32, #tpu.memory_space<hbm>>
      %dma_wait3A_116 = arith.constant 40 : i32
      %dma_wait3A_117 = arith.constant 0 : i32
      %dma_wait3A_118 = tpu.memref_slice %dma_wait3A_115[%dma_wait3A_116, %dma_wait3A_117] : memref<80x128xi32, #tpu.memory_space<hbm>> -> memref<40x128xi32, #tpu.memory_space<hbm>>
      tpu.wait_dma2 semaphore(%run_scoped3A_90 : memref<!tpu.dma_semaphore, #tpu.memory_space<semaphore_mem>>) src(%dma_wait3A_118 : memref<40x128xi32, #tpu.memory_space<hbm>>) dst(%arg7 : memref<40x128xi32, #tpu.memory_space<vmem>>)
      tpu.yield
    }) : () -> ()
    "tpu.region"() ({
      %run_scoped3A_90 = tpu.sem_alloc : memref<!tpu.dma_semaphore, #tpu.memory_space<semaphore_mem>>
      %dma_start3A_91 = arith.constant 0 : i32
      %dma_start3A_92 = arith.constant 0 : i32
      %dma_start3A_93 = tpu.memref_slice %arg4[%add3A, %dma_start3A_91, %dma_start3A_92] : memref<32x80x128xi32, #tpu.memory_space<hbm>> -> memref<1x80x128xi32, #tpu.memory_space<hbm>>
      %dma_start3A_94 = tpu.memref_squeeze %dma_start3A_93 : memref<1x80x128xi32, #tpu.memory_space<hbm>> -> memref<80x128xi32, #tpu.memory_space<hbm>>
      %dma_start3A_95 = arith.constant 40 : i32
      %dma_start3A_96 = arith.constant 0 : i32
      %dma_start3A_97 = tpu.memref_slice %dma_start3A_94[%dma_start3A_95, %dma_start3A_96] : memref<80x128xi32, #tpu.memory_space<hbm>> -> memref<40x128xi32, #tpu.memory_space<hbm>>
      %dma_start3A_98 = arith.constant 0 : i32
      %dma_start3A_99 = arith.constant 0 : i32
      %dma_start3A_100 = tpu.memref_slice %arg4[%add3A, %dma_start3A_98, %dma_start3A_99] : memref<32x80x128xi32, #tpu.memory_space<hbm>> -> memref<1x80x128xi32, #tpu.memory_space<hbm>>
      %dma_start3A_101 = tpu.memref_squeeze %dma_start3A_100 : memref<1x80x128xi32, #tpu.memory_space<hbm>> -> memref<80x128xi32, #tpu.memory_space<hbm>>
      %dma_start3A_102 = arith.constant 40 : i32
      %dma_start3A_103 = arith.constant 0 : i32
      %dma_start3A_104 = tpu.memref_slice %dma_start3A_101[%dma_start3A_102, %dma_start3A_103] : memref<80x128xi32, #tpu.memory_space<hbm>> -> memref<40x128xi32, #tpu.memory_space<hbm>>
      tpu.enqueue_dma source(%dma_start3A_104 : memref<40x128xi32, #tpu.memory_space<hbm>>) target(%arg8 : memref<40x128xi32, #tpu.memory_space<vmem>>) target_semaphore(%run_scoped3A_90 : memref<!tpu.dma_semaphore, #tpu.memory_space<semaphore_mem>>)
      %dma_wait3A_105 = arith.constant 0 : i32
      %dma_wait3A_106 = arith.constant 0 : i32
      %dma_wait3A_107 = tpu.memref_slice %arg4[%add3A, %dma_wait3A_105, %dma_wait3A_106] : memref<32x80x128xi32, #tpu.memory_space<hbm>> -> memref<1x80x128xi32, #tpu.memory_space<hbm>>
      %dma_wait3A_108 = tpu.memref_squeeze %dma_wait3A_107 : memref<1x80x128xi32, #tpu.memory_space<hbm>> -> memref<80x128xi32, #tpu.memory_space<hbm>>
      %dma_wait3A_109 = arith.constant 40 : i32
      %dma_wait3A_110 = arith.constant 0 : i32
      %dma_wait3A_111 = tpu.memref_slice %dma_wait3A_108[%dma_wait3A_109, %dma_wait3A_110] : memref<80x128xi32, #tpu.memory_space<hbm>> -> memref<40x128xi32, #tpu.memory_space<hbm>>
      %dma_wait3A_112 = arith.constant 0 : i32
      %dma_wait3A_113 = arith.constant 0 : i32
      %dma_wait3A_114 = tpu.memref_slice %arg4[%add3A, %dma_wait3A_112, %dma_wait3A_113] : memref<32x80x128xi32, #tpu.memory_space<hbm>> -> memref<1x80x128xi32, #tpu.memory_space<hbm>>
      %dma_wait3A_115 = tpu.memref_squeeze %dma_wait3A_114 : memref<1x80x128xi32, #tpu.memory_space<hbm>> -> memref<80x128xi32, #tpu.memory_space<hbm>>
      %dma_wait3A_116 = arith.constant 40 : i32
      %dma_wait3A_117 = arith.constant 0 : i32
      %dma_wait3A_118 = tpu.memref_slice %dma_wait3A_115[%dma_wait3A_116, %dma_wait3A_117] : memref<80x128xi32, #tpu.memory_space<hbm>> -> memref<40x128xi32, #tpu.memory_space<hbm>>
      tpu.wait_dma2 semaphore(%run_scoped3A_90 : memref<!tpu.dma_semaphore, #tpu.memory_space<semaphore_mem>>) src(%dma_wait3A_118 : memref<40x128xi32, #tpu.memory_space<hbm>>) dst(%arg8 : memref<40x128xi32, #tpu.memory_space<vmem>>)
      tpu.yield
    }) : () -> ()
    %dma_start3A_41 = arith.constant 0 : i32
    %dma_start3A_42 = arith.constant 0 : i32
    %dma_start3A_43 = tpu.memref_slice %arg7[%dma_start3A_41, %dma_start3A_42] : memref<40x128xi32, #tpu.memory_space<vmem>> -> memref<1x128xi32, #tpu.memory_space<vmem>>
    %dma_start3A_44 = tpu.memref_squeeze %dma_start3A_43 : memref<1x128xi32, #tpu.memory_space<vmem>> -> memref<128xi32, #tpu.memory_space<vmem>>
    %dma_start3A_45 = arith.constant 0 : i32
    %dma_start3A_46 = arith.constant 0 : i32
    %dma_start3A_47 = tpu.memref_slice %arg2[%dma_start3A_45, %dma_start3A_46] : memref<10000x128xf32, #tpu.memory_space<hbm>> -> memref<10000x128xf32, #tpu.memory_space<hbm>>
    tpu.enqueue_indirect_dma source(%dma_start3A_47 : memref<10000x128xf32, #tpu.memory_space<hbm>>) target(%arg9 : memref<128x128xf32, #tpu.memory_space<vmem>>) offsets(%dma_start3A_44 : memref<128xi32, #tpu.memory_space<vmem>>) semaphore(%arg12 : memref<!tpu.dma_semaphore, #tpu.memory_space<semaphore_mem>>)
    %scan3A_48 = arith.constant 0 : i32
    %scan3A_49 = arith.constant 0 : i32
    %scan3A_50 = arith.constant 19 : i32
    %scan3A_51 = arith.addi %scan3A_49, %scan3A_50 : i32
    %scan3A_52 = arith.constant 1 : i32
    scf.for %scan3A_90 = %scan3A_49 to %scan3A_51 step %scan3A_52  : i32 {
      %mul3A_91 = arith.constant 2 : i32
      %mul3A_92 = arith.muli %mul3A_91, %scan3A_90 : i32
      %add3A_93 = arith.constant 1 : i32
      %add3A_94 = arith.addi %mul3A_92, %add3A_93 : i32
      %dma_start3A_95 = arith.constant 0 : i32
      %dma_start3A_96 = tpu.memref_slice %arg7[%add3A_94, %dma_start3A_95] : memref<40x128xi32, #tpu.memory_space<vmem>> -> memref<1x128xi32, #tpu.memory_space<vmem>>
      %dma_start3A_97 = tpu.memref_squeeze %dma_start3A_96 : memref<1x128xi32, #tpu.memory_space<vmem>> -> memref<128xi32, #tpu.memory_space<vmem>>
      %dma_start3A_98 = arith.constant 0 : i32
      %dma_start3A_99 = arith.constant 0 : i32
      %dma_start3A_100 = tpu.memref_slice %arg2[%dma_start3A_98, %dma_start3A_99] : memref<10000x128xf32, #tpu.memory_space<hbm>> -> memref<10000x128xf32, #tpu.memory_space<hbm>>
      tpu.enqueue_indirect_dma source(%dma_start3A_100 : memref<10000x128xf32, #tpu.memory_space<hbm>>) target(%arg10 : memref<128x128xf32, #tpu.memory_space<vmem>>) offsets(%dma_start3A_97 : memref<128xi32, #tpu.memory_space<vmem>>) semaphore(%arg13 : memref<!tpu.dma_semaphore, #tpu.memory_space<semaphore_mem>>)
      %dma_wait3A_101 = arith.constant 0 : i32
      %dma_wait3A_102 = tpu.memref_slice %arg7[%mul3A_92, %dma_wait3A_101] : memref<40x128xi32, #tpu.memory_space<vmem>> -> memref<1x128xi32, #tpu.memory_space<vmem>>
      %dma_wait3A_103 = tpu.memref_squeeze %dma_wait3A_102 : memref<1x128xi32, #tpu.memory_space<vmem>> -> memref<128xi32, #tpu.memory_space<vmem>>
      %dma_wait3A_104 = arith.constant 0 : i32
      %dma_wait3A_105 = arith.constant 0 : i32
      %dma_wait3A_106 = tpu.memref_slice %arg2[%dma_wait3A_104, %dma_wait3A_105] : memref<10000x128xf32, #tpu.memory_space<hbm>> -> memref<10000x128xf32, #tpu.memory_space<hbm>>
      tpu.wait_indirect_dma semaphore(%arg12 : memref<!tpu.dma_semaphore, #tpu.memory_space<semaphore_mem>>) src(%dma_wait3A_106 : memref<10000x128xf32, #tpu.memory_space<hbm>>) dst(%arg9 : memref<128x128xf32, #tpu.memory_space<vmem>>)
      "tpu.region"() ({
        %run_scoped3A_125 = tpu.sem_alloc : memref<!tpu.dma_semaphore, #tpu.memory_space<semaphore_mem>>
        %dma_start3A_126 = arith.constant 0 : i32
        %dma_start3A_127 = tpu.memref_slice %arg8[%mul3A_92, %dma_start3A_126] : memref<40x128xi32, #tpu.memory_space<vmem>> -> memref<1x128xi32, #tpu.memory_space<vmem>>
        %dma_start3A_128 = tpu.memref_squeeze %dma_start3A_127 : memref<1x128xi32, #tpu.memory_space<vmem>> -> memref<128xi32, #tpu.memory_space<vmem>>
        %dma_start3A_129 = arith.constant 0 : i32
        %dma_start3A_130 = arith.constant 0 : i32
        %dma_start3A_131 = tpu.memref_slice %arg11[%dma_start3A_129, %dma_start3A_130] : memref<10128x128xf32, #tpu.memory_space<vmem_shared>> -> memref<10128x128xf32, #tpu.memory_space<vmem_shared>>
        tpu.enqueue_indirect_dma source(%arg9 : memref<128x128xf32, #tpu.memory_space<vmem>>) target(%dma_start3A_131 : memref<10128x128xf32, #tpu.memory_space<vmem_shared>>) offsets(%dma_start3A_128 : memref<128xi32, #tpu.memory_space<vmem>>) semaphore(%run_scoped3A_125 : memref<!tpu.dma_semaphore, #tpu.memory_space<semaphore_mem>>) {add = true}
        %dma_wait3A_132 = arith.constant 0 : i32
        %dma_wait3A_133 = tpu.memref_slice %arg8[%mul3A_92, %dma_wait3A_132] : memref<40x128xi32, #tpu.memory_space<vmem>> -> memref<1x128xi32, #tpu.memory_space<vmem>>
        %dma_wait3A_134 = tpu.memref_squeeze %dma_wait3A_133 : memref<1x128xi32, #tpu.memory_space<vmem>> -> memref<128xi32, #tpu.memory_space<vmem>>
        %dma_wait3A_135 = arith.constant 0 : i32
        %dma_wait3A_136 = arith.constant 0 : i32
        %dma_wait3A_137 = tpu.memref_slice %arg11[%dma_wait3A_135, %dma_wait3A_136] : memref<10128x128xf32, #tpu.memory_space<vmem_shared>> -> memref<10128x128xf32, #tpu.memory_space<vmem_shared>>
        tpu.wait_indirect_dma semaphore(%run_scoped3A_125 : memref<!tpu.dma_semaphore, #tpu.memory_space<semaphore_mem>>) src(%arg9 : memref<128x128xf32, #tpu.memory_space<vmem>>) dst(%dma_wait3A_137 : memref<10128x128xf32, #tpu.memory_space<vmem_shared>>)
        tpu.yield
      }) : () -> ()
      %add3A_107 = arith.constant 2 : i32
      %add3A_108 = arith.addi %mul3A_92, %add3A_107 : i32
      %dma_start3A_109 = arith.constant 0 : i32
      %dma_start3A_110 = tpu.memref_slice %arg7[%add3A_108, %dma_start3A_109] : memref<40x128xi32, #tpu.memory_space<vmem>> -> memref<1x128xi32, #tpu.memory_space<vmem>>
      %dma_start3A_111 = tpu.memref_squeeze %dma_start3A_110 : memref<1x128xi32, #tpu.memory_space<vmem>> -> memref<128xi32, #tpu.memory_space<vmem>>
      %dma_start3A_112 = arith.constant 0 : i32
      %dma_start3A_113 = arith.constant 0 : i32
      %dma_start3A_114 = tpu.memref_slice %arg2[%dma_start3A_112, %dma_start3A_113] : memref<10000x128xf32, #tpu.memory_space<hbm>> -> memref<10000x128xf32, #tpu.memory_space<hbm>>
      tpu.enqueue_indirect_dma source(%dma_start3A_114 : memref<10000x128xf32, #tpu.memory_space<hbm>>) target(%arg9 : memref<128x128xf32, #tpu.memory_space<vmem>>) offsets(%dma_start3A_111 : memref<128xi32, #tpu.memory_space<vmem>>) semaphore(%arg12 : memref<!tpu.dma_semaphore, #tpu.memory_space<semaphore_mem>>)
      %add3A_115 = arith.constant 1 : i32
      %add3A_116 = arith.addi %mul3A_92, %add3A_115 : i32
      %dma_wait3A_117 = arith.constant 0 : i32
      %dma_wait3A_118 = tpu.memref_slice %arg7[%add3A_116, %dma_wait3A_117] : memref<40x128xi32, #tpu.memory_space<vmem>> -> memref<1x128xi32, #tpu.memory_space<vmem>>
      %dma_wait3A_119 = tpu.memref_squeeze %dma_wait3A_118 : memref<1x128xi32, #tpu.memory_space<vmem>> -> memref<128xi32, #tpu.memory_space<vmem>>
      %dma_wait3A_120 = arith.constant 0 : i32
      %dma_wait3A_121 = arith.constant 0 : i32
      %dma_wait3A_122 = tpu.memref_slice %arg2[%dma_wait3A_120, %dma_wait3A_121] : memref<10000x128xf32, #tpu.memory_space<hbm>> -> memref<10000x128xf32, #tpu.memory_space<hbm>>
      tpu.wait_indirect_dma semaphore(%arg13 : memref<!tpu.dma_semaphore, #tpu.memory_space<semaphore_mem>>) src(%dma_wait3A_122 : memref<10000x128xf32, #tpu.memory_space<hbm>>) dst(%arg10 : memref<128x128xf32, #tpu.memory_space<vmem>>)
      %add3A_123 = arith.constant 1 : i32
      %add3A_124 = arith.addi %mul3A_92, %add3A_123 : i32
      "tpu.region"() ({
        %run_scoped3A_125 = tpu.sem_alloc : memref<!tpu.dma_semaphore, #tpu.memory_space<semaphore_mem>>
        %dma_start3A_126 = arith.constant 0 : i32
        %dma_start3A_127 = tpu.memref_slice %arg8[%add3A_124, %dma_start3A_126] : memref<40x128xi32, #tpu.memory_space<vmem>> -> memref<1x128xi32, #tpu.memory_space<vmem>>
        %dma_start3A_128 = tpu.memref_squeeze %dma_start3A_127 : memref<1x128xi32, #tpu.memory_space<vmem>> -> memref<128xi32, #tpu.memory_space<vmem>>
        %dma_start3A_129 = arith.constant 0 : i32
        %dma_start3A_130 = arith.constant 0 : i32
        %dma_start3A_131 = tpu.memref_slice %arg11[%dma_start3A_129, %dma_start3A_130] : memref<10128x128xf32, #tpu.memory_space<vmem_shared>> -> memref<10128x128xf32, #tpu.memory_space<vmem_shared>>
        tpu.enqueue_indirect_dma source(%arg10 : memref<128x128xf32, #tpu.memory_space<vmem>>) target(%dma_start3A_131 : memref<10128x128xf32, #tpu.memory_space<vmem_shared>>) offsets(%dma_start3A_128 : memref<128xi32, #tpu.memory_space<vmem>>) semaphore(%run_scoped3A_125 : memref<!tpu.dma_semaphore, #tpu.memory_space<semaphore_mem>>) {add = true}
        %dma_wait3A_132 = arith.constant 0 : i32
        %dma_wait3A_133 = tpu.memref_slice %arg8[%add3A_124, %dma_wait3A_132] : memref<40x128xi32, #tpu.memory_space<vmem>> -> memref<1x128xi32, #tpu.memory_space<vmem>>
        %dma_wait3A_134 = tpu.memref_squeeze %dma_wait3A_133 : memref<1x128xi32, #tpu.memory_space<vmem>> -> memref<128xi32, #tpu.memory_space<vmem>>
        %dma_wait3A_135 = arith.constant 0 : i32
        %dma_wait3A_136 = arith.constant 0 : i32
        %dma_wait3A_137 = tpu.memref_slice %arg11[%dma_wait3A_135, %dma_wait3A_136] : memref<10128x128xf32, #tpu.memory_space<vmem_shared>> -> memref<10128x128xf32, #tpu.memory_space<vmem_shared>>
        tpu.wait_indirect_dma semaphore(%run_scoped3A_125 : memref<!tpu.dma_semaphore, #tpu.memory_space<semaphore_mem>>) src(%arg10 : memref<128x128xf32, #tpu.memory_space<vmem>>) dst(%dma_wait3A_137 : memref<10128x128xf32, #tpu.memory_space<vmem_shared>>)
        tpu.yield
      }) : () -> ()
    }
    %scan3A_53 = arith.constant 19 : i32
    %dma_start3A_54 = arith.constant 39 : i32
    %dma_start3A_55 = arith.constant 0 : i32
    %dma_start3A_56 = tpu.memref_slice %arg7[%dma_start3A_54, %dma_start3A_55] : memref<40x128xi32, #tpu.memory_space<vmem>> -> memref<1x128xi32, #tpu.memory_space<vmem>>
    %dma_start3A_57 = tpu.memref_squeeze %dma_start3A_56 : memref<1x128xi32, #tpu.memory_space<vmem>> -> memref<128xi32, #tpu.memory_space<vmem>>
    %dma_start3A_58 = arith.constant 0 : i32
    %dma_start3A_59 = arith.constant 0 : i32
    %dma_start3A_60 = tpu.memref_slice %arg2[%dma_start3A_58, %dma_start3A_59] : memref<10000x128xf32, #tpu.memory_space<hbm>> -> memref<10000x128xf32, #tpu.memory_space<hbm>>
    tpu.enqueue_indirect_dma source(%dma_start3A_60 : memref<10000x128xf32, #tpu.memory_space<hbm>>) target(%arg10 : memref<128x128xf32, #tpu.memory_space<vmem>>) offsets(%dma_start3A_57 : memref<128xi32, #tpu.memory_space<vmem>>) semaphore(%arg13 : memref<!tpu.dma_semaphore, #tpu.memory_space<semaphore_mem>>)
    %dma_wait3A_61 = arith.constant 38 : i32
    %dma_wait3A_62 = arith.constant 0 : i32
    %dma_wait3A_63 = tpu.memref_slice %arg7[%dma_wait3A_61, %dma_wait3A_62] : memref<40x128xi32, #tpu.memory_space<vmem>> -> memref<1x128xi32, #tpu.memory_space<vmem>>
    %dma_wait3A_64 = tpu.memref_squeeze %dma_wait3A_63 : memref<1x128xi32, #tpu.memory_space<vmem>> -> memref<128xi32, #tpu.memory_space<vmem>>
    %dma_wait3A_65 = arith.constant 0 : i32
    %dma_wait3A_66 = arith.constant 0 : i32
    %dma_wait3A_67 = tpu.memref_slice %arg2[%dma_wait3A_65, %dma_wait3A_66] : memref<10000x128xf32, #tpu.memory_space<hbm>> -> memref<10000x128xf32, #tpu.memory_space<hbm>>
    tpu.wait_indirect_dma semaphore(%arg12 : memref<!tpu.dma_semaphore, #tpu.memory_space<semaphore_mem>>) src(%dma_wait3A_67 : memref<10000x128xf32, #tpu.memory_space<hbm>>) dst(%arg9 : memref<128x128xf32, #tpu.memory_space<vmem>>)
    %run_scoped3A_68 = arith.constant 38 : i32
    "tpu.region"() ({
      %run_scoped3A_90 = tpu.sem_alloc : memref<!tpu.dma_semaphore, #tpu.memory_space<semaphore_mem>>
      %dma_start3A_91 = arith.constant 0 : i32
      %dma_start3A_92 = tpu.memref_slice %arg8[%run_scoped3A_68, %dma_start3A_91] : memref<40x128xi32, #tpu.memory_space<vmem>> -> memref<1x128xi32, #tpu.memory_space<vmem>>
      %dma_start3A_93 = tpu.memref_squeeze %dma_start3A_92 : memref<1x128xi32, #tpu.memory_space<vmem>> -> memref<128xi32, #tpu.memory_space<vmem>>
      %dma_start3A_94 = arith.constant 0 : i32
      %dma_start3A_95 = arith.constant 0 : i32
      %dma_start3A_96 = tpu.memref_slice %arg11[%dma_start3A_94, %dma_start3A_95] : memref<10128x128xf32, #tpu.memory_space<vmem_shared>> -> memref<10128x128xf32, #tpu.memory_space<vmem_shared>>
      tpu.enqueue_indirect_dma source(%arg9 : memref<128x128xf32, #tpu.memory_space<vmem>>) target(%dma_start3A_96 : memref<10128x128xf32, #tpu.memory_space<vmem_shared>>) offsets(%dma_start3A_93 : memref<128xi32, #tpu.memory_space<vmem>>) semaphore(%run_scoped3A_90 : memref<!tpu.dma_semaphore, #tpu.memory_space<semaphore_mem>>) {add = true}
      %dma_wait3A_97 = arith.constant 0 : i32
      %dma_wait3A_98 = tpu.memref_slice %arg8[%run_scoped3A_68, %dma_wait3A_97] : memref<40x128xi32, #tpu.memory_space<vmem>> -> memref<1x128xi32, #tpu.memory_space<vmem>>
      %dma_wait3A_99 = tpu.memref_squeeze %dma_wait3A_98 : memref<1x128xi32, #tpu.memory_space<vmem>> -> memref<128xi32, #tpu.memory_space<vmem>>
      %dma_wait3A_100 = arith.constant 0 : i32
      %dma_wait3A_101 = arith.constant 0 : i32
      %dma_wait3A_102 = tpu.memref_slice %arg11[%dma_wait3A_100, %dma_wait3A_101] : memref<10128x128xf32, #tpu.memory_space<vmem_shared>> -> memref<10128x128xf32, #tpu.memory_space<vmem_shared>>
      tpu.wait_indirect_dma semaphore(%run_scoped3A_90 : memref<!tpu.dma_semaphore, #tpu.memory_space<semaphore_mem>>) src(%arg9 : memref<128x128xf32, #tpu.memory_space<vmem>>) dst(%dma_wait3A_102 : memref<10128x128xf32, #tpu.memory_space<vmem_shared>>)
      tpu.yield
    }) : () -> ()
    %dma_wait3A_69 = arith.constant 39 : i32
    %dma_wait3A_70 = arith.constant 0 : i32
    %dma_wait3A_71 = tpu.memref_slice %arg7[%dma_wait3A_69, %dma_wait3A_70] : memref<40x128xi32, #tpu.memory_space<vmem>> -> memref<1x128xi32, #tpu.memory_space<vmem>>
    %dma_wait3A_72 = tpu.memref_squeeze %dma_wait3A_71 : memref<1x128xi32, #tpu.memory_space<vmem>> -> memref<128xi32, #tpu.memory_space<vmem>>
    %dma_wait3A_73 = arith.constant 0 : i32
    %dma_wait3A_74 = arith.constant 0 : i32
    %dma_wait3A_75 = tpu.memref_slice %arg2[%dma_wait3A_73, %dma_wait3A_74] : memref<10000x128xf32, #tpu.memory_space<hbm>> -> memref<10000x128xf32, #tpu.memory_space<hbm>>
    tpu.wait_indirect_dma semaphore(%arg13 : memref<!tpu.dma_semaphore, #tpu.memory_space<semaphore_mem>>) src(%dma_wait3A_75 : memref<10000x128xf32, #tpu.memory_space<hbm>>) dst(%arg10 : memref<128x128xf32, #tpu.memory_space<vmem>>)
    %run_scoped3A_76 = arith.constant 39 : i32
    "tpu.region"() ({
      %run_scoped3A_90 = tpu.sem_alloc : memref<!tpu.dma_semaphore, #tpu.memory_space<semaphore_mem>>
      %dma_start3A_91 = arith.constant 0 : i32
      %dma_start3A_92 = tpu.memref_slice %arg8[%run_scoped3A_76, %dma_start3A_91] : memref<40x128xi32, #tpu.memory_space<vmem>> -> memref<1x128xi32, #tpu.memory_space<vmem>>
      %dma_start3A_93 = tpu.memref_squeeze %dma_start3A_92 : memref<1x128xi32, #tpu.memory_space<vmem>> -> memref<128xi32, #tpu.memory_space<vmem>>
      %dma_start3A_94 = arith.constant 0 : i32
      %dma_start3A_95 = arith.constant 0 : i32
      %dma_start3A_96 = tpu.memref_slice %arg11[%dma_start3A_94, %dma_start3A_95] : memref<10128x128xf32, #tpu.memory_space<vmem_shared>> -> memref<10128x128xf32, #tpu.memory_space<vmem_shared>>
      tpu.enqueue_indirect_dma source(%arg10 : memref<128x128xf32, #tpu.memory_space<vmem>>) target(%dma_start3A_96 : memref<10128x128xf32, #tpu.memory_space<vmem_shared>>) offsets(%dma_start3A_93 : memref<128xi32, #tpu.memory_space<vmem>>) semaphore(%run_scoped3A_90 : memref<!tpu.dma_semaphore, #tpu.memory_space<semaphore_mem>>) {add = true}
      %dma_wait3A_97 = arith.constant 0 : i32
      %dma_wait3A_98 = tpu.memref_slice %arg8[%run_scoped3A_76, %dma_wait3A_97] : memref<40x128xi32, #tpu.memory_space<vmem>> -> memref<1x128xi32, #tpu.memory_space<vmem>>
      %dma_wait3A_99 = tpu.memref_squeeze %dma_wait3A_98 : memref<1x128xi32, #tpu.memory_space<vmem>> -> memref<128xi32, #tpu.memory_space<vmem>>
      %dma_wait3A_100 = arith.constant 0 : i32
      %dma_wait3A_101 = arith.constant 0 : i32
      %dma_wait3A_102 = tpu.memref_slice %arg11[%dma_wait3A_100, %dma_wait3A_101] : memref<10128x128xf32, #tpu.memory_space<vmem_shared>> -> memref<10128x128xf32, #tpu.memory_space<vmem_shared>>
      tpu.wait_indirect_dma semaphore(%run_scoped3A_90 : memref<!tpu.dma_semaphore, #tpu.memory_space<semaphore_mem>>) src(%arg10 : memref<128x128xf32, #tpu.memory_space<vmem>>) dst(%dma_wait3A_102 : memref<10128x128xf32, #tpu.memory_space<vmem_shared>>)
      tpu.yield
    }) : () -> ()
    %barrier3A_77 = arith.constant 0 : index
    tpu.barrier barrier_id(%barrier3A_77)
    %mul3A_78 = arith.constant 624 : i32
    %mul3A_79 = arith.muli %arg1, %mul3A_78 : i32
    %lt3A_80 = arith.constant 15 : i32
    %lt3A_81 = arith.cmpi slt, %arg1, %lt3A_80 : i32
    %convert_element_type3A_82 = arith.extui %lt3A_81 : i1 to i32
    %cond3A_83 = arith.constant 0 : i32
    %cond3A_84 = arith.cmpi ne, %convert_element_type3A_82, %cond3A_83 : i32
    scf.if %cond3A_84 {
      %scan3A_90 = arith.constant 0 : i32
      %scan3A_91 = arith.constant 0 : i32
      %scan3A_92 = arith.constant 6 : i32
      %scan3A_93 = arith.addi %scan3A_91, %scan3A_92 : i32
      %scan3A_94 = arith.constant 1 : i32
      scf.for %scan3A_96 = %scan3A_91 to %scan3A_93 step %scan3A_94  : i32 {
        %mul3A_97 = arith.constant 104 : i32
        %mul3A_98 = arith.muli %scan3A_96, %mul3A_97 : i32
        %add3A_99 = arith.addi %mul3A_79, %mul3A_98 : i32
        "tpu.region"() ({
          %run_scoped3A_100 = tpu.sem_alloc : memref<!tpu.dma_semaphore, #tpu.memory_space<semaphore_mem>>
          %dma_start3A_101 = arith.constant 0 : i32
          %dma_start3A_102 = arith.constant 0 : i32
          %dma_start3A_103 = tpu.memref_slice %arg9[%dma_start3A_101, %dma_start3A_102] : memref<128x128xf32, #tpu.memory_space<vmem>> -> memref<104x128xf32, #tpu.memory_space<vmem>>
          %dma_start3A_104 = arith.constant 0 : i32
          %dma_start3A_105 = tpu.memref_slice %arg11[%add3A_99, %dma_start3A_104] : memref<10128x128xf32, #tpu.memory_space<vmem_shared>> -> memref<104x128xf32, #tpu.memory_space<vmem_shared>>
          %dma_start3A_106 = arith.constant 0 : i32
          %dma_start3A_107 = arith.constant 0 : i32
          %dma_start3A_108 = tpu.memref_slice %arg9[%dma_start3A_106, %dma_start3A_107] : memref<128x128xf32, #tpu.memory_space<vmem>> -> memref<104x128xf32, #tpu.memory_space<vmem>>
          %dma_start3A_109 = arith.constant 0 : i32
          %dma_start3A_110 = tpu.memref_slice %arg11[%add3A_99, %dma_start3A_109] : memref<10128x128xf32, #tpu.memory_space<vmem_shared>> -> memref<104x128xf32, #tpu.memory_space<vmem_shared>>
          tpu.enqueue_dma source(%dma_start3A_110 : memref<104x128xf32, #tpu.memory_space<vmem_shared>>) target(%dma_start3A_108 : memref<104x128xf32, #tpu.memory_space<vmem>>) target_semaphore(%run_scoped3A_100 : memref<!tpu.dma_semaphore, #tpu.memory_space<semaphore_mem>>)
          %dma_wait3A_111 = arith.constant 0 : i32
          %dma_wait3A_112 = arith.constant 0 : i32
          %dma_wait3A_113 = tpu.memref_slice %arg9[%dma_wait3A_111, %dma_wait3A_112] : memref<128x128xf32, #tpu.memory_space<vmem>> -> memref<104x128xf32, #tpu.memory_space<vmem>>
          %dma_wait3A_114 = arith.constant 0 : i32
          %dma_wait3A_115 = tpu.memref_slice %arg11[%add3A_99, %dma_wait3A_114] : memref<10128x128xf32, #tpu.memory_space<vmem_shared>> -> memref<104x128xf32, #tpu.memory_space<vmem_shared>>
          %dma_wait3A_116 = arith.constant 0 : i32
          %dma_wait3A_117 = arith.constant 0 : i32
          %dma_wait3A_118 = tpu.memref_slice %arg9[%dma_wait3A_116, %dma_wait3A_117] : memref<128x128xf32, #tpu.memory_space<vmem>> -> memref<104x128xf32, #tpu.memory_space<vmem>>
          %dma_wait3A_119 = arith.constant 0 : i32
          %dma_wait3A_120 = tpu.memref_slice %arg11[%add3A_99, %dma_wait3A_119] : memref<10128x128xf32, #tpu.memory_space<vmem_shared>> -> memref<104x128xf32, #tpu.memory_space<vmem_shared>>
          tpu.wait_dma2 semaphore(%run_scoped3A_100 : memref<!tpu.dma_semaphore, #tpu.memory_space<semaphore_mem>>) src(%dma_wait3A_120 : memref<104x128xf32, #tpu.memory_space<vmem_shared>>) dst(%dma_wait3A_118 : memref<104x128xf32, #tpu.memory_space<vmem>>)
          tpu.yield
        }) : () -> ()
        "tpu.region"() ({
          %run_scoped3A_100 = tpu.sem_alloc : memref<!tpu.dma_semaphore, #tpu.memory_space<semaphore_mem>>
          %dma_start3A_101 = arith.constant 0 : i32
          %dma_start3A_102 = arith.constant 0 : i32
          %dma_start3A_103 = tpu.memref_slice %arg9[%dma_start3A_101, %dma_start3A_102] : memref<128x128xf32, #tpu.memory_space<vmem>> -> memref<104x128xf32, #tpu.memory_space<vmem>>
          %dma_start3A_104 = arith.constant 0 : i32
          %dma_start3A_105 = arith.constant 0 : i32
          %dma_start3A_106 = tpu.memref_slice %arg6[%arg0, %dma_start3A_104, %dma_start3A_105] : memref<2x10000x128xf32, #tpu.memory_space<hbm>> -> memref<1x10000x128xf32, #tpu.memory_space<hbm>>
          %dma_start3A_107 = tpu.memref_squeeze %dma_start3A_106 : memref<1x10000x128xf32, #tpu.memory_space<hbm>> -> memref<10000x128xf32, #tpu.memory_space<hbm>>
          %dma_start3A_108 = arith.constant 0 : i32
          %dma_start3A_109 = tpu.memref_slice %dma_start3A_107[%add3A_99, %dma_start3A_108] : memref<10000x128xf32, #tpu.memory_space<hbm>> -> memref<104x128xf32, #tpu.memory_space<hbm>>
          %dma_start3A_110 = arith.constant 0 : i32
          %dma_start3A_111 = arith.constant 0 : i32
          %dma_start3A_112 = tpu.memref_slice %arg6[%arg0, %dma_start3A_110, %dma_start3A_111] : memref<2x10000x128xf32, #tpu.memory_space<hbm>> -> memref<1x10000x128xf32, #tpu.memory_space<hbm>>
          %dma_start3A_113 = tpu.memref_squeeze %dma_start3A_112 : memref<1x10000x128xf32, #tpu.memory_space<hbm>> -> memref<10000x128xf32, #tpu.memory_space<hbm>>
          %dma_start3A_114 = arith.constant 0 : i32
          %dma_start3A_115 = tpu.memref_slice %dma_start3A_113[%add3A_99, %dma_start3A_114] : memref<10000x128xf32, #tpu.memory_space<hbm>> -> memref<104x128xf32, #tpu.memory_space<hbm>>
          %dma_start3A_116 = arith.constant 0 : i32
          %dma_start3A_117 = arith.constant 0 : i32
          %dma_start3A_118 = tpu.memref_slice %arg9[%dma_start3A_116, %dma_start3A_117] : memref<128x128xf32, #tpu.memory_space<vmem>> -> memref<104x128xf32, #tpu.memory_space<vmem>>
          tpu.enqueue_dma source(%dma_start3A_118 : memref<104x128xf32, #tpu.memory_space<vmem>>) target(%dma_start3A_115 : memref<104x128xf32, #tpu.memory_space<hbm>>) target_semaphore(%run_scoped3A_100 : memref<!tpu.dma_semaphore, #tpu.memory_space<semaphore_mem>>)
          %dma_wait3A_119 = arith.constant 0 : i32
          %dma_wait3A_120 = arith.constant 0 : i32
          %dma_wait3A_121 = tpu.memref_slice %arg9[%dma_wait3A_119, %dma_wait3A_120] : memref<128x128xf32, #tpu.memory_space<vmem>> -> memref<104x128xf32, #tpu.memory_space<vmem>>
          %dma_wait3A_122 = arith.constant 0 : i32
          %dma_wait3A_123 = arith.constant 0 : i32
          %dma_wait3A_124 = tpu.memref_slice %arg6[%arg0, %dma_wait3A_122, %dma_wait3A_123] : memref<2x10000x128xf32, #tpu.memory_space<hbm>> -> memref<1x10000x128xf32, #tpu.memory_space<hbm>>
          %dma_wait3A_125 = tpu.memref_squeeze %dma_wait3A_124 : memref<1x10000x128xf32, #tpu.memory_space<hbm>> -> memref<10000x128xf32, #tpu.memory_space<hbm>>
          %dma_wait3A_126 = arith.constant 0 : i32
          %dma_wait3A_127 = tpu.memref_slice %dma_wait3A_125[%add3A_99, %dma_wait3A_126] : memref<10000x128xf32, #tpu.memory_space<hbm>> -> memref<104x128xf32, #tpu.memory_space<hbm>>
          %dma_wait3A_128 = arith.constant 0 : i32
          %dma_wait3A_129 = arith.constant 0 : i32
          %dma_wait3A_130 = tpu.memref_slice %arg6[%arg0, %dma_wait3A_128, %dma_wait3A_129] : memref<2x10000x128xf32, #tpu.memory_space<hbm>> -> memref<1x10000x128xf32, #tpu.memory_space<hbm>>
          %dma_wait3A_131 = tpu.memref_squeeze %dma_wait3A_130 : memref<1x10000x128xf32, #tpu.memory_space<hbm>> -> memref<10000x128xf32, #tpu.memory_space<hbm>>
          %dma_wait3A_132 = arith.constant 0 : i32
          %dma_wait3A_133 = tpu.memref_slice %dma_wait3A_131[%add3A_99, %dma_wait3A_132] : memref<10000x128xf32, #tpu.memory_space<hbm>> -> memref<104x128xf32, #tpu.memory_space<hbm>>
          %dma_wait3A_134 = arith.constant 0 : i32
          %dma_wait3A_135 = arith.constant 0 : i32
          %dma_wait3A_136 = tpu.memref_slice %arg9[%dma_wait3A_134, %dma_wait3A_135] : memref<128x128xf32, #tpu.memory_space<vmem>> -> memref<104x128xf32, #tpu.memory_space<vmem>>
          tpu.wait_dma2 semaphore(%run_scoped3A_100 : memref<!tpu.dma_semaphore, #tpu.memory_space<semaphore_mem>>) src(%dma_wait3A_136 : memref<104x128xf32, #tpu.memory_space<vmem>>) dst(%dma_wait3A_133 : memref<104x128xf32, #tpu.memory_space<hbm>>)
          tpu.yield
        }) : () -> ()
      }
      %scan3A_95 = arith.constant 6 : i32
    } else {
    }
    %eq3A_85 = arith.constant 15 : i32
    %eq3A_86 = arith.cmpi eq, %arg1, %eq3A_85 : i32
    %convert_element_type3A_87 = arith.extui %eq3A_86 : i1 to i32
    %cond3A_88 = arith.constant 0 : i32
    %cond3A_89 = arith.cmpi ne, %convert_element_type3A_87, %cond3A_88 : i32
    scf.if %cond3A_89 {
      %scan3A_90 = arith.constant 0 : i32
      %scan3A_91 = arith.constant 0 : i32
      %scan3A_92 = arith.constant 5 : i32
      %scan3A_93 = arith.addi %scan3A_91, %scan3A_92 : i32
      %scan3A_94 = arith.constant 1 : i32
      scf.for %scan3A_96 = %scan3A_91 to %scan3A_93 step %scan3A_94  : i32 {
        %mul3A_97 = arith.constant 128 : i32
        %mul3A_98 = arith.muli %scan3A_96, %mul3A_97 : i32
        %add3A_99 = arith.addi %mul3A_79, %mul3A_98 : i32
        "tpu.region"() ({
          %run_scoped3A_100 = tpu.sem_alloc : memref<!tpu.dma_semaphore, #tpu.memory_space<semaphore_mem>>
          %dma_start3A_101 = arith.constant 0 : i32
          %dma_start3A_102 = arith.constant 0 : i32
          %dma_start3A_103 = tpu.memref_slice %arg9[%dma_start3A_101, %dma_start3A_102] : memref<128x128xf32, #tpu.memory_space<vmem>> -> memref<128x128xf32, #tpu.memory_space<vmem>>
          %dma_start3A_104 = arith.constant 0 : i32
          %dma_start3A_105 = tpu.memref_slice %arg11[%add3A_99, %dma_start3A_104] : memref<10128x128xf32, #tpu.memory_space<vmem_shared>> -> memref<128x128xf32, #tpu.memory_space<vmem_shared>>
          %dma_start3A_106 = arith.constant 0 : i32
          %dma_start3A_107 = arith.constant 0 : i32
          %dma_start3A_108 = tpu.memref_slice %arg9[%dma_start3A_106, %dma_start3A_107] : memref<128x128xf32, #tpu.memory_space<vmem>> -> memref<128x128xf32, #tpu.memory_space<vmem>>
          %dma_start3A_109 = arith.constant 0 : i32
          %dma_start3A_110 = tpu.memref_slice %arg11[%add3A_99, %dma_start3A_109] : memref<10128x128xf32, #tpu.memory_space<vmem_shared>> -> memref<128x128xf32, #tpu.memory_space<vmem_shared>>
          tpu.enqueue_dma source(%dma_start3A_110 : memref<128x128xf32, #tpu.memory_space<vmem_shared>>) target(%dma_start3A_108 : memref<128x128xf32, #tpu.memory_space<vmem>>) target_semaphore(%run_scoped3A_100 : memref<!tpu.dma_semaphore, #tpu.memory_space<semaphore_mem>>)
          %dma_wait3A_111 = arith.constant 0 : i32
          %dma_wait3A_112 = arith.constant 0 : i32
          %dma_wait3A_113 = tpu.memref_slice %arg9[%dma_wait3A_111, %dma_wait3A_112] : memref<128x128xf32, #tpu.memory_space<vmem>> -> memref<128x128xf32, #tpu.memory_space<vmem>>
          %dma_wait3A_114 = arith.constant 0 : i32
          %dma_wait3A_115 = tpu.memref_slice %arg11[%add3A_99, %dma_wait3A_114] : memref<10128x128xf32, #tpu.memory_space<vmem_shared>> -> memref<128x128xf32, #tpu.memory_space<vmem_shared>>
          %dma_wait3A_116 = arith.constant 0 : i32
          %dma_wait3A_117 = arith.constant 0 : i32
          %dma_wait3A_118 = tpu.memref_slice %arg9[%dma_wait3A_116, %dma_wait3A_117] : memref<128x128xf32, #tpu.memory_space<vmem>> -> memref<128x128xf32, #tpu.memory_space<vmem>>
          %dma_wait3A_119 = arith.constant 0 : i32
          %dma_wait3A_120 = tpu.memref_slice %arg11[%add3A_99, %dma_wait3A_119] : memref<10128x128xf32, #tpu.memory_space<vmem_shared>> -> memref<128x128xf32, #tpu.memory_space<vmem_shared>>
          tpu.wait_dma2 semaphore(%run_scoped3A_100 : memref<!tpu.dma_semaphore, #tpu.memory_space<semaphore_mem>>) src(%dma_wait3A_120 : memref<128x128xf32, #tpu.memory_space<vmem_shared>>) dst(%dma_wait3A_118 : memref<128x128xf32, #tpu.memory_space<vmem>>)
          tpu.yield
        }) : () -> ()
        "tpu.region"() ({
          %run_scoped3A_100 = tpu.sem_alloc : memref<!tpu.dma_semaphore, #tpu.memory_space<semaphore_mem>>
          %dma_start3A_101 = arith.constant 0 : i32
          %dma_start3A_102 = arith.constant 0 : i32
          %dma_start3A_103 = tpu.memref_slice %arg9[%dma_start3A_101, %dma_start3A_102] : memref<128x128xf32, #tpu.memory_space<vmem>> -> memref<128x128xf32, #tpu.memory_space<vmem>>
          %dma_start3A_104 = arith.constant 0 : i32
          %dma_start3A_105 = arith.constant 0 : i32
          %dma_start3A_106 = tpu.memref_slice %arg6[%arg0, %dma_start3A_104, %dma_start3A_105] : memref<2x10000x128xf32, #tpu.memory_space<hbm>> -> memref<1x10000x128xf32, #tpu.memory_space<hbm>>
          %dma_start3A_107 = tpu.memref_squeeze %dma_start3A_106 : memref<1x10000x128xf32, #tpu.memory_space<hbm>> -> memref<10000x128xf32, #tpu.memory_space<hbm>>
          %dma_start3A_108 = arith.constant 0 : i32
          %dma_start3A_109 = tpu.memref_slice %dma_start3A_107[%add3A_99, %dma_start3A_108] : memref<10000x128xf32, #tpu.memory_space<hbm>> -> memref<128x128xf32, #tpu.memory_space<hbm>>
          %dma_start3A_110 = arith.constant 0 : i32
          %dma_start3A_111 = arith.constant 0 : i32
          %dma_start3A_112 = tpu.memref_slice %arg6[%arg0, %dma_start3A_110, %dma_start3A_111] : memref<2x10000x128xf32, #tpu.memory_space<hbm>> -> memref<1x10000x128xf32, #tpu.memory_space<hbm>>
          %dma_start3A_113 = tpu.memref_squeeze %dma_start3A_112 : memref<1x10000x128xf32, #tpu.memory_space<hbm>> -> memref<10000x128xf32, #tpu.memory_space<hbm>>
          %dma_start3A_114 = arith.constant 0 : i32
          %dma_start3A_115 = tpu.memref_slice %dma_start3A_113[%add3A_99, %dma_start3A_114] : memref<10000x128xf32, #tpu.memory_space<hbm>> -> memref<128x128xf32, #tpu.memory_space<hbm>>
          %dma_start3A_116 = arith.constant 0 : i32
          %dma_start3A_117 = arith.constant 0 : i32
          %dma_start3A_118 = tpu.memref_slice %arg9[%dma_start3A_116, %dma_start3A_117] : memref<128x128xf32, #tpu.memory_space<vmem>> -> memref<128x128xf32, #tpu.memory_space<vmem>>
          tpu.enqueue_dma source(%dma_start3A_118 : memref<128x128xf32, #tpu.memory_space<vmem>>) target(%dma_start3A_115 : memref<128x128xf32, #tpu.memory_space<hbm>>) target_semaphore(%run_scoped3A_100 : memref<!tpu.dma_semaphore, #tpu.memory_space<semaphore_mem>>)
          %dma_wait3A_119 = arith.constant 0 : i32
          %dma_wait3A_120 = arith.constant 0 : i32
          %dma_wait3A_121 = tpu.memref_slice %arg9[%dma_wait3A_119, %dma_wait3A_120] : memref<128x128xf32, #tpu.memory_space<vmem>> -> memref<128x128xf32, #tpu.memory_space<vmem>>
          %dma_wait3A_122 = arith.constant 0 : i32
          %dma_wait3A_123 = arith.constant 0 : i32
          %dma_wait3A_124 = tpu.memref_slice %arg6[%arg0, %dma_wait3A_122, %dma_wait3A_123] : memref<2x10000x128xf32, #tpu.memory_space<hbm>> -> memref<1x10000x128xf32, #tpu.memory_space<hbm>>
          %dma_wait3A_125 = tpu.memref_squeeze %dma_wait3A_124 : memref<1x10000x128xf32, #tpu.memory_space<hbm>> -> memref<10000x128xf32, #tpu.memory_space<hbm>>
          %dma_wait3A_126 = arith.constant 0 : i32
          %dma_wait3A_127 = tpu.memref_slice %dma_wait3A_125[%add3A_99, %dma_wait3A_126] : memref<10000x128xf32, #tpu.memory_space<hbm>> -> memref<128x128xf32, #tpu.memory_space<hbm>>
          %dma_wait3A_128 = arith.constant 0 : i32
          %dma_wait3A_129 = arith.constant 0 : i32
          %dma_wait3A_130 = tpu.memref_slice %arg6[%arg0, %dma_wait3A_128, %dma_wait3A_129] : memref<2x10000x128xf32, #tpu.memory_space<hbm>> -> memref<1x10000x128xf32, #tpu.memory_space<hbm>>
          %dma_wait3A_131 = tpu.memref_squeeze %dma_wait3A_130 : memref<1x10000x128xf32, #tpu.memory_space<hbm>> -> memref<10000x128xf32, #tpu.memory_space<hbm>>
          %dma_wait3A_132 = arith.constant 0 : i32
          %dma_wait3A_133 = tpu.memref_slice %dma_wait3A_131[%add3A_99, %dma_wait3A_132] : memref<10000x128xf32, #tpu.memory_space<hbm>> -> memref<128x128xf32, #tpu.memory_space<hbm>>
          %dma_wait3A_134 = arith.constant 0 : i32
          %dma_wait3A_135 = arith.constant 0 : i32
          %dma_wait3A_136 = tpu.memref_slice %arg9[%dma_wait3A_134, %dma_wait3A_135] : memref<128x128xf32, #tpu.memory_space<vmem>> -> memref<128x128xf32, #tpu.memory_space<vmem>>
          tpu.wait_dma2 semaphore(%run_scoped3A_100 : memref<!tpu.dma_semaphore, #tpu.memory_space<semaphore_mem>>) src(%dma_wait3A_136 : memref<128x128xf32, #tpu.memory_space<vmem>>) dst(%dma_wait3A_133 : memref<128x128xf32, #tpu.memory_space<hbm>>)
          tpu.yield
        }) : () -> ()
      }
      %scan3A_95 = arith.constant 5 : i32
    } else {
    }
    return
  }
}

#map = affine_map<(d0, d1) -> (0, 0)>
#map1 = affine_map<(d0, d1) -> (0, 0, 0)>
module attributes {stable_mosaic.version = 14 : i64} {
  func.func @sage_agg(%arg0: i32, %arg1: i32, %arg2: memref<10000x128xf32, #tpu.memory_space<hbm>>, %arg3: memref<32x80x128xi32, #tpu.memory_space<hbm>>, %arg4: memref<32x80x128xi32, #tpu.memory_space<hbm>>, %arg5: memref<128x128xf32, #tpu.memory_space<hbm>>, %arg6: memref<2x10000x128xf32, #tpu.memory_space<hbm>>, %arg7: memref<40x128xi32, #tpu.memory_space<vmem>>, %arg8: memref<40x128xi32, #tpu.memory_space<vmem>>, %arg9: memref<128x128xf32, #tpu.memory_space<vmem>>, %arg10: memref<128x128xf32, #tpu.memory_space<vmem>>, %arg11: memref<10128x128xf32, #tpu.memory_space<vmem_shared>>, %arg12: memref<!tpu.dma_semaphore, #tpu.memory_space<semaphore_mem>>, %arg13: memref<!tpu.dma_semaphore, #tpu.memory_space<semaphore_mem>>) attributes {dimension_semantics = [#tpu.dimension_semantics<core_parallel>, #tpu.dimension_semantics<subcore_parallel>], iteration_bounds = array<i64: 2, 16>, scalar_prefetch = 0 : i64, scratch_operands = 7 : i64, tpu.core_type = #tpu.core_type<sc_vector_subcore>, window_params = [{transform_indices = #map}, {transform_indices = #map1}, {transform_indices = #map1}, {transform_indices = #map}, {transform_indices = #map1}]} {
    %mul3A = arith.constant 16 : i32
    %mul3A_0 = arith.muli %arg0, %mul3A : i32
    %add3A = arith.addi %mul3A_0, %arg1 : i32
    "tpu.region"() ({
      %run_scoped3A_90 = tpu.sem_alloc : memref<!tpu.dma_semaphore, #tpu.memory_space<semaphore_mem>>
      tpu.enqueue_dma source(%arg5 : memref<128x128xf32, #tpu.memory_space<hbm>>) target(%arg9 : memref<128x128xf32, #tpu.memory_space<vmem>>) target_semaphore(%run_scoped3A_90 : memref<!tpu.dma_semaphore, #tpu.memory_space<semaphore_mem>>)
      tpu.wait_dma2 semaphore(%run_scoped3A_90 : memref<!tpu.dma_semaphore, #tpu.memory_space<semaphore_mem>>) src(%arg5 : memref<128x128xf32, #tpu.memory_space<hbm>>) dst(%arg9 : memref<128x128xf32, #tpu.memory_space<vmem>>)
      tpu.yield
    }) : () -> ()
    %mul3A_1 = arith.constant 624 : i32
    %mul3A_2 = arith.muli %arg1, %mul3A_1 : i32
    %lt3A = arith.constant 15 : i32
    %lt3A_3 = arith.cmpi slt, %arg1, %lt3A : i32
    %convert_element_type3A = arith.extui %lt3A_3 : i1 to i32
    %cond3A = arith.constant 0 : i32
    %cond3A_4 = arith.cmpi ne, %convert_element_type3A, %cond3A : i32
    scf.if %cond3A_4 {
      %scan3A_90 = arith.constant 0 : i32
      %scan3A_91 = arith.constant 0 : i32
      %scan3A_92 = arith.constant 6 : i32
      %scan3A_93 = arith.addi %scan3A_91, %scan3A_92 : i32
      %scan3A_94 = arith.constant 1 : i32
      scf.for %scan3A_96 = %scan3A_91 to %scan3A_93 step %scan3A_94  : i32 {
        %mul3A_97 = arith.constant 104 : i32
        %mul3A_98 = arith.muli %scan3A_96, %mul3A_97 : i32
        %add3A_99 = arith.addi %mul3A_2, %mul3A_98 : i32
        "tpu.region"() ({
          %run_scoped3A_100 = tpu.sem_alloc : memref<!tpu.dma_semaphore, #tpu.memory_space<semaphore_mem>>
          %dma_start3A_101 = arith.constant 0 : i32
          %dma_start3A_102 = arith.constant 0 : i32
          %dma_start3A_103 = tpu.memref_slice %arg9[%dma_start3A_101, %dma_start3A_102] : memref<128x128xf32, #tpu.memory_space<vmem>> -> memref<104x128xf32, #tpu.memory_space<vmem>>
          %dma_start3A_104 = arith.constant 0 : i32
          %dma_start3A_105 = tpu.memref_slice %arg11[%add3A_99, %dma_start3A_104] : memref<10128x128xf32, #tpu.memory_space<vmem_shared>> -> memref<104x128xf32, #tpu.memory_space<vmem_shared>>
          %dma_start3A_106 = arith.constant 0 : i32
          %dma_start3A_107 = tpu.memref_slice %arg11[%add3A_99, %dma_start3A_106] : memref<10128x128xf32, #tpu.memory_space<vmem_shared>> -> memref<104x128xf32, #tpu.memory_space<vmem_shared>>
          %dma_start3A_108 = arith.constant 0 : i32
          %dma_start3A_109 = arith.constant 0 : i32
          %dma_start3A_110 = tpu.memref_slice %arg9[%dma_start3A_108, %dma_start3A_109] : memref<128x128xf32, #tpu.memory_space<vmem>> -> memref<104x128xf32, #tpu.memory_space<vmem>>
          tpu.enqueue_dma source(%dma_start3A_110 : memref<104x128xf32, #tpu.memory_space<vmem>>) target(%dma_start3A_107 : memref<104x128xf32, #tpu.memory_space<vmem_shared>>) target_semaphore(%run_scoped3A_100 : memref<!tpu.dma_semaphore, #tpu.memory_space<semaphore_mem>>)
          %dma_wait3A_111 = arith.constant 0 : i32
          %dma_wait3A_112 = arith.constant 0 : i32
          %dma_wait3A_113 = tpu.memref_slice %arg9[%dma_wait3A_111, %dma_wait3A_112] : memref<128x128xf32, #tpu.memory_space<vmem>> -> memref<104x128xf32, #tpu.memory_space<vmem>>
          %dma_wait3A_114 = arith.constant 0 : i32
          %dma_wait3A_115 = tpu.memref_slice %arg11[%add3A_99, %dma_wait3A_114] : memref<10128x128xf32, #tpu.memory_space<vmem_shared>> -> memref<104x128xf32, #tpu.memory_space<vmem_shared>>
          %dma_wait3A_116 = arith.constant 0 : i32
          %dma_wait3A_117 = tpu.memref_slice %arg11[%add3A_99, %dma_wait3A_116] : memref<10128x128xf32, #tpu.memory_space<vmem_shared>> -> memref<104x128xf32, #tpu.memory_space<vmem_shared>>
          %dma_wait3A_118 = arith.constant 0 : i32
          %dma_wait3A_119 = arith.constant 0 : i32
          %dma_wait3A_120 = tpu.memref_slice %arg9[%dma_wait3A_118, %dma_wait3A_119] : memref<128x128xf32, #tpu.memory_space<vmem>> -> memref<104x128xf32, #tpu.memory_space<vmem>>
          tpu.wait_dma2 semaphore(%run_scoped3A_100 : memref<!tpu.dma_semaphore, #tpu.memory_space<semaphore_mem>>) src(%dma_wait3A_120 : memref<104x128xf32, #tpu.memory_space<vmem>>) dst(%dma_wait3A_117 : memref<104x128xf32, #tpu.memory_space<vmem_shared>>)
          tpu.yield
        }) : () -> ()
      }
      %scan3A_95 = arith.constant 6 : i32
    } else {
    }
    %eq3A = arith.constant 15 : i32
    %eq3A_5 = arith.cmpi eq, %arg1, %eq3A : i32
    %convert_element_type3A_6 = arith.extui %eq3A_5 : i1 to i32
    %cond3A_7 = arith.constant 0 : i32
    %cond3A_8 = arith.cmpi ne, %convert_element_type3A_6, %cond3A_7 : i32
    scf.if %cond3A_8 {
      %scan3A_90 = arith.constant 0 : i32
      %scan3A_91 = arith.constant 0 : i32
      %scan3A_92 = arith.constant 5 : i32
      %scan3A_93 = arith.addi %scan3A_91, %scan3A_92 : i32
      %scan3A_94 = arith.constant 1 : i32
      scf.for %scan3A_96 = %scan3A_91 to %scan3A_93 step %scan3A_94  : i32 {
        %mul3A_97 = arith.constant 128 : i32
        %mul3A_98 = arith.muli %scan3A_96, %mul3A_97 : i32
        %add3A_99 = arith.addi %mul3A_2, %mul3A_98 : i32
        "tpu.region"() ({
          %run_scoped3A_100 = tpu.sem_alloc : memref<!tpu.dma_semaphore, #tpu.memory_space<semaphore_mem>>
          %dma_start3A_101 = arith.constant 0 : i32
          %dma_start3A_102 = arith.constant 0 : i32
          %dma_start3A_103 = tpu.memref_slice %arg9[%dma_start3A_101, %dma_start3A_102] : memref<128x128xf32, #tpu.memory_space<vmem>> -> memref<128x128xf32, #tpu.memory_space<vmem>>
          %dma_start3A_104 = arith.constant 0 : i32
          %dma_start3A_105 = tpu.memref_slice %arg11[%add3A_99, %dma_start3A_104] : memref<10128x128xf32, #tpu.memory_space<vmem_shared>> -> memref<128x128xf32, #tpu.memory_space<vmem_shared>>
          %dma_start3A_106 = arith.constant 0 : i32
          %dma_start3A_107 = tpu.memref_slice %arg11[%add3A_99, %dma_start3A_106] : memref<10128x128xf32, #tpu.memory_space<vmem_shared>> -> memref<128x128xf32, #tpu.memory_space<vmem_shared>>
          %dma_start3A_108 = arith.constant 0 : i32
          %dma_start3A_109 = arith.constant 0 : i32
          %dma_start3A_110 = tpu.memref_slice %arg9[%dma_start3A_108, %dma_start3A_109] : memref<128x128xf32, #tpu.memory_space<vmem>> -> memref<128x128xf32, #tpu.memory_space<vmem>>
          tpu.enqueue_dma source(%dma_start3A_110 : memref<128x128xf32, #tpu.memory_space<vmem>>) target(%dma_start3A_107 : memref<128x128xf32, #tpu.memory_space<vmem_shared>>) target_semaphore(%run_scoped3A_100 : memref<!tpu.dma_semaphore, #tpu.memory_space<semaphore_mem>>)
          %dma_wait3A_111 = arith.constant 0 : i32
          %dma_wait3A_112 = arith.constant 0 : i32
          %dma_wait3A_113 = tpu.memref_slice %arg9[%dma_wait3A_111, %dma_wait3A_112] : memref<128x128xf32, #tpu.memory_space<vmem>> -> memref<128x128xf32, #tpu.memory_space<vmem>>
          %dma_wait3A_114 = arith.constant 0 : i32
          %dma_wait3A_115 = tpu.memref_slice %arg11[%add3A_99, %dma_wait3A_114] : memref<10128x128xf32, #tpu.memory_space<vmem_shared>> -> memref<128x128xf32, #tpu.memory_space<vmem_shared>>
          %dma_wait3A_116 = arith.constant 0 : i32
          %dma_wait3A_117 = tpu.memref_slice %arg11[%add3A_99, %dma_wait3A_116] : memref<10128x128xf32, #tpu.memory_space<vmem_shared>> -> memref<128x128xf32, #tpu.memory_space<vmem_shared>>
          %dma_wait3A_118 = arith.constant 0 : i32
          %dma_wait3A_119 = arith.constant 0 : i32
          %dma_wait3A_120 = tpu.memref_slice %arg9[%dma_wait3A_118, %dma_wait3A_119] : memref<128x128xf32, #tpu.memory_space<vmem>> -> memref<128x128xf32, #tpu.memory_space<vmem>>
          tpu.wait_dma2 semaphore(%run_scoped3A_100 : memref<!tpu.dma_semaphore, #tpu.memory_space<semaphore_mem>>) src(%dma_wait3A_120 : memref<128x128xf32, #tpu.memory_space<vmem>>) dst(%dma_wait3A_117 : memref<128x128xf32, #tpu.memory_space<vmem_shared>>)
          tpu.yield
        }) : () -> ()
      }
      %scan3A_95 = arith.constant 5 : i32
    } else {
    }
    %barrier3A = arith.constant 0 : index
    tpu.barrier barrier_id(%barrier3A)
    "tpu.region"() ({
      %run_scoped3A_90 = tpu.sem_alloc : memref<!tpu.dma_semaphore, #tpu.memory_space<semaphore_mem>>
      %dma_start3A_91 = arith.constant 0 : i32
      %dma_start3A_92 = arith.constant 0 : i32
      %dma_start3A_93 = tpu.memref_slice %arg3[%add3A, %dma_start3A_91, %dma_start3A_92] : memref<32x80x128xi32, #tpu.memory_space<hbm>> -> memref<1x80x128xi32, #tpu.memory_space<hbm>>
      %dma_start3A_94 = tpu.memref_squeeze %dma_start3A_93 : memref<1x80x128xi32, #tpu.memory_space<hbm>> -> memref<80x128xi32, #tpu.memory_space<hbm>>
      %dma_start3A_95 = arith.constant 0 : i32
      %dma_start3A_96 = arith.constant 0 : i32
      %dma_start3A_97 = tpu.memref_slice %dma_start3A_94[%dma_start3A_95, %dma_start3A_96] : memref<80x128xi32, #tpu.memory_space<hbm>> -> memref<40x128xi32, #tpu.memory_space<hbm>>
      %dma_start3A_98 = arith.constant 0 : i32
      %dma_start3A_99 = arith.constant 0 : i32
      %dma_start3A_100 = tpu.memref_slice %arg3[%add3A, %dma_start3A_98, %dma_start3A_99] : memref<32x80x128xi32, #tpu.memory_space<hbm>> -> memref<1x80x128xi32, #tpu.memory_space<hbm>>
      %dma_start3A_101 = tpu.memref_squeeze %dma_start3A_100 : memref<1x80x128xi32, #tpu.memory_space<hbm>> -> memref<80x128xi32, #tpu.memory_space<hbm>>
      %dma_start3A_102 = arith.constant 0 : i32
      %dma_start3A_103 = arith.constant 0 : i32
      %dma_start3A_104 = tpu.memref_slice %dma_start3A_101[%dma_start3A_102, %dma_start3A_103] : memref<80x128xi32, #tpu.memory_space<hbm>> -> memref<40x128xi32, #tpu.memory_space<hbm>>
      tpu.enqueue_dma source(%dma_start3A_104 : memref<40x128xi32, #tpu.memory_space<hbm>>) target(%arg7 : memref<40x128xi32, #tpu.memory_space<vmem>>) target_semaphore(%run_scoped3A_90 : memref<!tpu.dma_semaphore, #tpu.memory_space<semaphore_mem>>)
      %dma_wait3A_105 = arith.constant 0 : i32
      %dma_wait3A_106 = arith.constant 0 : i32
      %dma_wait3A_107 = tpu.memref_slice %arg3[%add3A, %dma_wait3A_105, %dma_wait3A_106] : memref<32x80x128xi32, #tpu.memory_space<hbm>> -> memref<1x80x128xi32, #tpu.memory_space<hbm>>
      %dma_wait3A_108 = tpu.memref_squeeze %dma_wait3A_107 : memref<1x80x128xi32, #tpu.memory_space<hbm>> -> memref<80x128xi32, #tpu.memory_space<hbm>>
      %dma_wait3A_109 = arith.constant 0 : i32
      %dma_wait3A_110 = arith.constant 0 : i32
      %dma_wait3A_111 = tpu.memref_slice %dma_wait3A_108[%dma_wait3A_109, %dma_wait3A_110] : memref<80x128xi32, #tpu.memory_space<hbm>> -> memref<40x128xi32, #tpu.memory_space<hbm>>
      %dma_wait3A_112 = arith.constant 0 : i32
      %dma_wait3A_113 = arith.constant 0 : i32
      %dma_wait3A_114 = tpu.memref_slice %arg3[%add3A, %dma_wait3A_112, %dma_wait3A_113] : memref<32x80x128xi32, #tpu.memory_space<hbm>> -> memref<1x80x128xi32, #tpu.memory_space<hbm>>
      %dma_wait3A_115 = tpu.memref_squeeze %dma_wait3A_114 : memref<1x80x128xi32, #tpu.memory_space<hbm>> -> memref<80x128xi32, #tpu.memory_space<hbm>>
      %dma_wait3A_116 = arith.constant 0 : i32
      %dma_wait3A_117 = arith.constant 0 : i32
      %dma_wait3A_118 = tpu.memref_slice %dma_wait3A_115[%dma_wait3A_116, %dma_wait3A_117] : memref<80x128xi32, #tpu.memory_space<hbm>> -> memref<40x128xi32, #tpu.memory_space<hbm>>
      tpu.wait_dma2 semaphore(%run_scoped3A_90 : memref<!tpu.dma_semaphore, #tpu.memory_space<semaphore_mem>>) src(%dma_wait3A_118 : memref<40x128xi32, #tpu.memory_space<hbm>>) dst(%arg7 : memref<40x128xi32, #tpu.memory_space<vmem>>)
      tpu.yield
    }) : () -> ()
    "tpu.region"() ({
      %run_scoped3A_90 = tpu.sem_alloc : memref<!tpu.dma_semaphore, #tpu.memory_space<semaphore_mem>>
      %dma_start3A_91 = arith.constant 0 : i32
      %dma_start3A_92 = arith.constant 0 : i32
      %dma_start3A_93 = tpu.memref_slice %arg4[%add3A, %dma_start3A_91, %dma_start3A_92] : memref<32x80x128xi32, #tpu.memory_space<hbm>> -> memref<1x80x128xi32, #tpu.memory_space<hbm>>
      %dma_start3A_94 = tpu.memref_squeeze %dma_start3A_93 : memref<1x80x128xi32, #tpu.memory_space<hbm>> -> memref<80x128xi32, #tpu.memory_space<hbm>>
      %dma_start3A_95 = arith.constant 0 : i32
      %dma_start3A_96 = arith.constant 0 : i32
      %dma_start3A_97 = tpu.memref_slice %dma_start3A_94[%dma_start3A_95, %dma_start3A_96] : memref<80x128xi32, #tpu.memory_space<hbm>> -> memref<40x128xi32, #tpu.memory_space<hbm>>
      %dma_start3A_98 = arith.constant 0 : i32
      %dma_start3A_99 = arith.constant 0 : i32
      %dma_start3A_100 = tpu.memref_slice %arg4[%add3A, %dma_start3A_98, %dma_start3A_99] : memref<32x80x128xi32, #tpu.memory_space<hbm>> -> memref<1x80x128xi32, #tpu.memory_space<hbm>>
      %dma_start3A_101 = tpu.memref_squeeze %dma_start3A_100 : memref<1x80x128xi32, #tpu.memory_space<hbm>> -> memref<80x128xi32, #tpu.memory_space<hbm>>
      %dma_start3A_102 = arith.constant 0 : i32
      %dma_start3A_103 = arith.constant 0 : i32
      %dma_start3A_104 = tpu.memref_slice %dma_start3A_101[%dma_start3A_102, %dma_start3A_103] : memref<80x128xi32, #tpu.memory_space<hbm>> -> memref<40x128xi32, #tpu.memory_space<hbm>>
      tpu.enqueue_dma source(%dma_start3A_104 : memref<40x128xi32, #tpu.memory_space<hbm>>) target(%arg8 : memref<40x128xi32, #tpu.memory_space<vmem>>) target_semaphore(%run_scoped3A_90 : memref<!tpu.dma_semaphore, #tpu.memory_space<semaphore_mem>>)
      %dma_wait3A_105 = arith.constant 0 : i32
      %dma_wait3A_106 = arith.constant 0 : i32
      %dma_wait3A_107 = tpu.memref_slice %arg4[%add3A, %dma_wait3A_105, %dma_wait3A_106] : memref<32x80x128xi32, #tpu.memory_space<hbm>> -> memref<1x80x128xi32, #tpu.memory_space<hbm>>
      %dma_wait3A_108 = tpu.memref_squeeze %dma_wait3A_107 : memref<1x80x128xi32, #tpu.memory_space<hbm>> -> memref<80x128xi32, #tpu.memory_space<hbm>>
      %dma_wait3A_109 = arith.constant 0 : i32
      %dma_wait3A_110 = arith.constant 0 : i32
      %dma_wait3A_111 = tpu.memref_slice %dma_wait3A_108[%dma_wait3A_109, %dma_wait3A_110] : memref<80x128xi32, #tpu.memory_space<hbm>> -> memref<40x128xi32, #tpu.memory_space<hbm>>
      %dma_wait3A_112 = arith.constant 0 : i32
      %dma_wait3A_113 = arith.constant 0 : i32
      %dma_wait3A_114 = tpu.memref_slice %arg4[%add3A, %dma_wait3A_112, %dma_wait3A_113] : memref<32x80x128xi32, #tpu.memory_space<hbm>> -> memref<1x80x128xi32, #tpu.memory_space<hbm>>
      %dma_wait3A_115 = tpu.memref_squeeze %dma_wait3A_114 : memref<1x80x128xi32, #tpu.memory_space<hbm>> -> memref<80x128xi32, #tpu.memory_space<hbm>>
      %dma_wait3A_116 = arith.constant 0 : i32
      %dma_wait3A_117 = arith.constant 0 : i32
      %dma_wait3A_118 = tpu.memref_slice %dma_wait3A_115[%dma_wait3A_116, %dma_wait3A_117] : memref<80x128xi32, #tpu.memory_space<hbm>> -> memref<40x128xi32, #tpu.memory_space<hbm>>
      tpu.wait_dma2 semaphore(%run_scoped3A_90 : memref<!tpu.dma_semaphore, #tpu.memory_space<semaphore_mem>>) src(%dma_wait3A_118 : memref<40x128xi32, #tpu.memory_space<hbm>>) dst(%arg8 : memref<40x128xi32, #tpu.memory_space<vmem>>)
      tpu.yield
    }) : () -> ()
    %dma_start3A = arith.constant 0 : i32
    %dma_start3A_9 = arith.constant 0 : i32
    %dma_start3A_10 = tpu.memref_slice %arg7[%dma_start3A, %dma_start3A_9] : memref<40x128xi32, #tpu.memory_space<vmem>> -> memref<1x128xi32, #tpu.memory_space<vmem>>
    %dma_start3A_11 = tpu.memref_squeeze %dma_start3A_10 : memref<1x128xi32, #tpu.memory_space<vmem>> -> memref<128xi32, #tpu.memory_space<vmem>>
    %dma_start3A_12 = arith.constant 0 : i32
    %dma_start3A_13 = arith.constant 0 : i32
    %dma_start3A_14 = tpu.memref_slice %arg2[%dma_start3A_12, %dma_start3A_13] : memref<10000x128xf32, #tpu.memory_space<hbm>> -> memref<10000x128xf32, #tpu.memory_space<hbm>>
    tpu.enqueue_indirect_dma source(%dma_start3A_14 : memref<10000x128xf32, #tpu.memory_space<hbm>>) target(%arg9 : memref<128x128xf32, #tpu.memory_space<vmem>>) offsets(%dma_start3A_11 : memref<128xi32, #tpu.memory_space<vmem>>) semaphore(%arg12 : memref<!tpu.dma_semaphore, #tpu.memory_space<semaphore_mem>>)
    %scan3A = arith.constant 0 : i32
    %scan3A_15 = arith.constant 0 : i32
    %scan3A_16 = arith.constant 19 : i32
    %scan3A_17 = arith.addi %scan3A_15, %scan3A_16 : i32
    %scan3A_18 = arith.constant 1 : i32
    scf.for %scan3A_90 = %scan3A_15 to %scan3A_17 step %scan3A_18  : i32 {
      %mul3A_91 = arith.constant 2 : i32
      %mul3A_92 = arith.muli %mul3A_91, %scan3A_90 : i32
      %add3A_93 = arith.constant 1 : i32
      %add3A_94 = arith.addi %mul3A_92, %add3A_93 : i32
      %dma_start3A_95 = arith.constant 0 : i32
      %dma_start3A_96 = tpu.memref_slice %arg7[%add3A_94, %dma_start3A_95] : memref<40x128xi32, #tpu.memory_space<vmem>> -> memref<1x128xi32, #tpu.memory_space<vmem>>
      %dma_start3A_97 = tpu.memref_squeeze %dma_start3A_96 : memref<1x128xi32, #tpu.memory_space<vmem>> -> memref<128xi32, #tpu.memory_space<vmem>>
      %dma_start3A_98 = arith.constant 0 : i32
      %dma_start3A_99 = arith.constant 0 : i32
      %dma_start3A_100 = tpu.memref_slice %arg2[%dma_start3A_98, %dma_start3A_99] : memref<10000x128xf32, #tpu.memory_space<hbm>> -> memref<10000x128xf32, #tpu.memory_space<hbm>>
      tpu.enqueue_indirect_dma source(%dma_start3A_100 : memref<10000x128xf32, #tpu.memory_space<hbm>>) target(%arg10 : memref<128x128xf32, #tpu.memory_space<vmem>>) offsets(%dma_start3A_97 : memref<128xi32, #tpu.memory_space<vmem>>) semaphore(%arg13 : memref<!tpu.dma_semaphore, #tpu.memory_space<semaphore_mem>>)
      %dma_wait3A_101 = arith.constant 0 : i32
      %dma_wait3A_102 = tpu.memref_slice %arg7[%mul3A_92, %dma_wait3A_101] : memref<40x128xi32, #tpu.memory_space<vmem>> -> memref<1x128xi32, #tpu.memory_space<vmem>>
      %dma_wait3A_103 = tpu.memref_squeeze %dma_wait3A_102 : memref<1x128xi32, #tpu.memory_space<vmem>> -> memref<128xi32, #tpu.memory_space<vmem>>
      %dma_wait3A_104 = arith.constant 0 : i32
      %dma_wait3A_105 = arith.constant 0 : i32
      %dma_wait3A_106 = tpu.memref_slice %arg2[%dma_wait3A_104, %dma_wait3A_105] : memref<10000x128xf32, #tpu.memory_space<hbm>> -> memref<10000x128xf32, #tpu.memory_space<hbm>>
      tpu.wait_indirect_dma semaphore(%arg12 : memref<!tpu.dma_semaphore, #tpu.memory_space<semaphore_mem>>) src(%dma_wait3A_106 : memref<10000x128xf32, #tpu.memory_space<hbm>>) dst(%arg9 : memref<128x128xf32, #tpu.memory_space<vmem>>)
      "tpu.region"() ({
        %run_scoped3A_125 = tpu.sem_alloc : memref<!tpu.dma_semaphore, #tpu.memory_space<semaphore_mem>>
        %dma_start3A_126 = arith.constant 0 : i32
        %dma_start3A_127 = tpu.memref_slice %arg8[%mul3A_92, %dma_start3A_126] : memref<40x128xi32, #tpu.memory_space<vmem>> -> memref<1x128xi32, #tpu.memory_space<vmem>>
        %dma_start3A_128 = tpu.memref_squeeze %dma_start3A_127 : memref<1x128xi32, #tpu.memory_space<vmem>> -> memref<128xi32, #tpu.memory_space<vmem>>
        %dma_start3A_129 = arith.constant 0 : i32
        %dma_start3A_130 = arith.constant 0 : i32
        %dma_start3A_131 = tpu.memref_slice %arg11[%dma_start3A_129, %dma_start3A_130] : memref<10128x128xf32, #tpu.memory_space<vmem_shared>> -> memref<10128x128xf32, #tpu.memory_space<vmem_shared>>
        tpu.enqueue_indirect_dma source(%arg9 : memref<128x128xf32, #tpu.memory_space<vmem>>) target(%dma_start3A_131 : memref<10128x128xf32, #tpu.memory_space<vmem_shared>>) offsets(%dma_start3A_128 : memref<128xi32, #tpu.memory_space<vmem>>) semaphore(%run_scoped3A_125 : memref<!tpu.dma_semaphore, #tpu.memory_space<semaphore_mem>>) {add = true}
        %dma_wait3A_132 = arith.constant 0 : i32
        %dma_wait3A_133 = tpu.memref_slice %arg8[%mul3A_92, %dma_wait3A_132] : memref<40x128xi32, #tpu.memory_space<vmem>> -> memref<1x128xi32, #tpu.memory_space<vmem>>
        %dma_wait3A_134 = tpu.memref_squeeze %dma_wait3A_133 : memref<1x128xi32, #tpu.memory_space<vmem>> -> memref<128xi32, #tpu.memory_space<vmem>>
        %dma_wait3A_135 = arith.constant 0 : i32
        %dma_wait3A_136 = arith.constant 0 : i32
        %dma_wait3A_137 = tpu.memref_slice %arg11[%dma_wait3A_135, %dma_wait3A_136] : memref<10128x128xf32, #tpu.memory_space<vmem_shared>> -> memref<10128x128xf32, #tpu.memory_space<vmem_shared>>
        tpu.wait_indirect_dma semaphore(%run_scoped3A_125 : memref<!tpu.dma_semaphore, #tpu.memory_space<semaphore_mem>>) src(%arg9 : memref<128x128xf32, #tpu.memory_space<vmem>>) dst(%dma_wait3A_137 : memref<10128x128xf32, #tpu.memory_space<vmem_shared>>)
        tpu.yield
      }) : () -> ()
      %add3A_107 = arith.constant 2 : i32
      %add3A_108 = arith.addi %mul3A_92, %add3A_107 : i32
      %dma_start3A_109 = arith.constant 0 : i32
      %dma_start3A_110 = tpu.memref_slice %arg7[%add3A_108, %dma_start3A_109] : memref<40x128xi32, #tpu.memory_space<vmem>> -> memref<1x128xi32, #tpu.memory_space<vmem>>
      %dma_start3A_111 = tpu.memref_squeeze %dma_start3A_110 : memref<1x128xi32, #tpu.memory_space<vmem>> -> memref<128xi32, #tpu.memory_space<vmem>>
      %dma_start3A_112 = arith.constant 0 : i32
      %dma_start3A_113 = arith.constant 0 : i32
      %dma_start3A_114 = tpu.memref_slice %arg2[%dma_start3A_112, %dma_start3A_113] : memref<10000x128xf32, #tpu.memory_space<hbm>> -> memref<10000x128xf32, #tpu.memory_space<hbm>>
      tpu.enqueue_indirect_dma source(%dma_start3A_114 : memref<10000x128xf32, #tpu.memory_space<hbm>>) target(%arg9 : memref<128x128xf32, #tpu.memory_space<vmem>>) offsets(%dma_start3A_111 : memref<128xi32, #tpu.memory_space<vmem>>) semaphore(%arg12 : memref<!tpu.dma_semaphore, #tpu.memory_space<semaphore_mem>>)
      %add3A_115 = arith.constant 1 : i32
      %add3A_116 = arith.addi %mul3A_92, %add3A_115 : i32
      %dma_wait3A_117 = arith.constant 0 : i32
      %dma_wait3A_118 = tpu.memref_slice %arg7[%add3A_116, %dma_wait3A_117] : memref<40x128xi32, #tpu.memory_space<vmem>> -> memref<1x128xi32, #tpu.memory_space<vmem>>
      %dma_wait3A_119 = tpu.memref_squeeze %dma_wait3A_118 : memref<1x128xi32, #tpu.memory_space<vmem>> -> memref<128xi32, #tpu.memory_space<vmem>>
      %dma_wait3A_120 = arith.constant 0 : i32
      %dma_wait3A_121 = arith.constant 0 : i32
      %dma_wait3A_122 = tpu.memref_slice %arg2[%dma_wait3A_120, %dma_wait3A_121] : memref<10000x128xf32, #tpu.memory_space<hbm>> -> memref<10000x128xf32, #tpu.memory_space<hbm>>
      tpu.wait_indirect_dma semaphore(%arg13 : memref<!tpu.dma_semaphore, #tpu.memory_space<semaphore_mem>>) src(%dma_wait3A_122 : memref<10000x128xf32, #tpu.memory_space<hbm>>) dst(%arg10 : memref<128x128xf32, #tpu.memory_space<vmem>>)
      %add3A_123 = arith.constant 1 : i32
      %add3A_124 = arith.addi %mul3A_92, %add3A_123 : i32
      "tpu.region"() ({
        %run_scoped3A_125 = tpu.sem_alloc : memref<!tpu.dma_semaphore, #tpu.memory_space<semaphore_mem>>
        %dma_start3A_126 = arith.constant 0 : i32
        %dma_start3A_127 = tpu.memref_slice %arg8[%add3A_124, %dma_start3A_126] : memref<40x128xi32, #tpu.memory_space<vmem>> -> memref<1x128xi32, #tpu.memory_space<vmem>>
        %dma_start3A_128 = tpu.memref_squeeze %dma_start3A_127 : memref<1x128xi32, #tpu.memory_space<vmem>> -> memref<128xi32, #tpu.memory_space<vmem>>
        %dma_start3A_129 = arith.constant 0 : i32
        %dma_start3A_130 = arith.constant 0 : i32
        %dma_start3A_131 = tpu.memref_slice %arg11[%dma_start3A_129, %dma_start3A_130] : memref<10128x128xf32, #tpu.memory_space<vmem_shared>> -> memref<10128x128xf32, #tpu.memory_space<vmem_shared>>
        tpu.enqueue_indirect_dma source(%arg10 : memref<128x128xf32, #tpu.memory_space<vmem>>) target(%dma_start3A_131 : memref<10128x128xf32, #tpu.memory_space<vmem_shared>>) offsets(%dma_start3A_128 : memref<128xi32, #tpu.memory_space<vmem>>) semaphore(%run_scoped3A_125 : memref<!tpu.dma_semaphore, #tpu.memory_space<semaphore_mem>>) {add = true}
        %dma_wait3A_132 = arith.constant 0 : i32
        %dma_wait3A_133 = tpu.memref_slice %arg8[%add3A_124, %dma_wait3A_132] : memref<40x128xi32, #tpu.memory_space<vmem>> -> memref<1x128xi32, #tpu.memory_space<vmem>>
        %dma_wait3A_134 = tpu.memref_squeeze %dma_wait3A_133 : memref<1x128xi32, #tpu.memory_space<vmem>> -> memref<128xi32, #tpu.memory_space<vmem>>
        %dma_wait3A_135 = arith.constant 0 : i32
        %dma_wait3A_136 = arith.constant 0 : i32
        %dma_wait3A_137 = tpu.memref_slice %arg11[%dma_wait3A_135, %dma_wait3A_136] : memref<10128x128xf32, #tpu.memory_space<vmem_shared>> -> memref<10128x128xf32, #tpu.memory_space<vmem_shared>>
        tpu.wait_indirect_dma semaphore(%run_scoped3A_125 : memref<!tpu.dma_semaphore, #tpu.memory_space<semaphore_mem>>) src(%arg10 : memref<128x128xf32, #tpu.memory_space<vmem>>) dst(%dma_wait3A_137 : memref<10128x128xf32, #tpu.memory_space<vmem_shared>>)
        tpu.yield
      }) : () -> ()
    }
    %scan3A_19 = arith.constant 19 : i32
    %dma_start3A_20 = arith.constant 39 : i32
    %dma_start3A_21 = arith.constant 0 : i32
    %dma_start3A_22 = tpu.memref_slice %arg7[%dma_start3A_20, %dma_start3A_21] : memref<40x128xi32, #tpu.memory_space<vmem>> -> memref<1x128xi32, #tpu.memory_space<vmem>>
    %dma_start3A_23 = tpu.memref_squeeze %dma_start3A_22 : memref<1x128xi32, #tpu.memory_space<vmem>> -> memref<128xi32, #tpu.memory_space<vmem>>
    %dma_start3A_24 = arith.constant 0 : i32
    %dma_start3A_25 = arith.constant 0 : i32
    %dma_start3A_26 = tpu.memref_slice %arg2[%dma_start3A_24, %dma_start3A_25] : memref<10000x128xf32, #tpu.memory_space<hbm>> -> memref<10000x128xf32, #tpu.memory_space<hbm>>
    tpu.enqueue_indirect_dma source(%dma_start3A_26 : memref<10000x128xf32, #tpu.memory_space<hbm>>) target(%arg10 : memref<128x128xf32, #tpu.memory_space<vmem>>) offsets(%dma_start3A_23 : memref<128xi32, #tpu.memory_space<vmem>>) semaphore(%arg13 : memref<!tpu.dma_semaphore, #tpu.memory_space<semaphore_mem>>)
    %dma_wait3A = arith.constant 38 : i32
    %dma_wait3A_27 = arith.constant 0 : i32
    %dma_wait3A_28 = tpu.memref_slice %arg7[%dma_wait3A, %dma_wait3A_27] : memref<40x128xi32, #tpu.memory_space<vmem>> -> memref<1x128xi32, #tpu.memory_space<vmem>>
    %dma_wait3A_29 = tpu.memref_squeeze %dma_wait3A_28 : memref<1x128xi32, #tpu.memory_space<vmem>> -> memref<128xi32, #tpu.memory_space<vmem>>
    %dma_wait3A_30 = arith.constant 0 : i32
    %dma_wait3A_31 = arith.constant 0 : i32
    %dma_wait3A_32 = tpu.memref_slice %arg2[%dma_wait3A_30, %dma_wait3A_31] : memref<10000x128xf32, #tpu.memory_space<hbm>> -> memref<10000x128xf32, #tpu.memory_space<hbm>>
    tpu.wait_indirect_dma semaphore(%arg12 : memref<!tpu.dma_semaphore, #tpu.memory_space<semaphore_mem>>) src(%dma_wait3A_32 : memref<10000x128xf32, #tpu.memory_space<hbm>>) dst(%arg9 : memref<128x128xf32, #tpu.memory_space<vmem>>)
    %run_scoped3A = arith.constant 38 : i32
    "tpu.region"() ({
      %run_scoped3A_90 = tpu.sem_alloc : memref<!tpu.dma_semaphore, #tpu.memory_space<semaphore_mem>>
      %dma_start3A_91 = arith.constant 0 : i32
      %dma_start3A_92 = tpu.memref_slice %arg8[%run_scoped3A, %dma_start3A_91] : memref<40x128xi32, #tpu.memory_space<vmem>> -> memref<1x128xi32, #tpu.memory_space<vmem>>
      %dma_start3A_93 = tpu.memref_squeeze %dma_start3A_92 : memref<1x128xi32, #tpu.memory_space<vmem>> -> memref<128xi32, #tpu.memory_space<vmem>>
      %dma_start3A_94 = arith.constant 0 : i32
      %dma_start3A_95 = arith.constant 0 : i32
      %dma_start3A_96 = tpu.memref_slice %arg11[%dma_start3A_94, %dma_start3A_95] : memref<10128x128xf32, #tpu.memory_space<vmem_shared>> -> memref<10128x128xf32, #tpu.memory_space<vmem_shared>>
      tpu.enqueue_indirect_dma source(%arg9 : memref<128x128xf32, #tpu.memory_space<vmem>>) target(%dma_start3A_96 : memref<10128x128xf32, #tpu.memory_space<vmem_shared>>) offsets(%dma_start3A_93 : memref<128xi32, #tpu.memory_space<vmem>>) semaphore(%run_scoped3A_90 : memref<!tpu.dma_semaphore, #tpu.memory_space<semaphore_mem>>) {add = true}
      %dma_wait3A_97 = arith.constant 0 : i32
      %dma_wait3A_98 = tpu.memref_slice %arg8[%run_scoped3A, %dma_wait3A_97] : memref<40x128xi32, #tpu.memory_space<vmem>> -> memref<1x128xi32, #tpu.memory_space<vmem>>
      %dma_wait3A_99 = tpu.memref_squeeze %dma_wait3A_98 : memref<1x128xi32, #tpu.memory_space<vmem>> -> memref<128xi32, #tpu.memory_space<vmem>>
      %dma_wait3A_100 = arith.constant 0 : i32
      %dma_wait3A_101 = arith.constant 0 : i32
      %dma_wait3A_102 = tpu.memref_slice %arg11[%dma_wait3A_100, %dma_wait3A_101] : memref<10128x128xf32, #tpu.memory_space<vmem_shared>> -> memref<10128x128xf32, #tpu.memory_space<vmem_shared>>
      tpu.wait_indirect_dma semaphore(%run_scoped3A_90 : memref<!tpu.dma_semaphore, #tpu.memory_space<semaphore_mem>>) src(%arg9 : memref<128x128xf32, #tpu.memory_space<vmem>>) dst(%dma_wait3A_102 : memref<10128x128xf32, #tpu.memory_space<vmem_shared>>)
      tpu.yield
    }) : () -> ()
    %dma_wait3A_33 = arith.constant 39 : i32
    %dma_wait3A_34 = arith.constant 0 : i32
    %dma_wait3A_35 = tpu.memref_slice %arg7[%dma_wait3A_33, %dma_wait3A_34] : memref<40x128xi32, #tpu.memory_space<vmem>> -> memref<1x128xi32, #tpu.memory_space<vmem>>
    %dma_wait3A_36 = tpu.memref_squeeze %dma_wait3A_35 : memref<1x128xi32, #tpu.memory_space<vmem>> -> memref<128xi32, #tpu.memory_space<vmem>>
    %dma_wait3A_37 = arith.constant 0 : i32
    %dma_wait3A_38 = arith.constant 0 : i32
    %dma_wait3A_39 = tpu.memref_slice %arg2[%dma_wait3A_37, %dma_wait3A_38] : memref<10000x128xf32, #tpu.memory_space<hbm>> -> memref<10000x128xf32, #tpu.memory_space<hbm>>
    tpu.wait_indirect_dma semaphore(%arg13 : memref<!tpu.dma_semaphore, #tpu.memory_space<semaphore_mem>>) src(%dma_wait3A_39 : memref<10000x128xf32, #tpu.memory_space<hbm>>) dst(%arg10 : memref<128x128xf32, #tpu.memory_space<vmem>>)
    %run_scoped3A_40 = arith.constant 39 : i32
    "tpu.region"() ({
      %run_scoped3A_90 = tpu.sem_alloc : memref<!tpu.dma_semaphore, #tpu.memory_space<semaphore_mem>>
      %dma_start3A_91 = arith.constant 0 : i32
      %dma_start3A_92 = tpu.memref_slice %arg8[%run_scoped3A_40, %dma_start3A_91] : memref<40x128xi32, #tpu.memory_space<vmem>> -> memref<1x128xi32, #tpu.memory_space<vmem>>
      %dma_start3A_93 = tpu.memref_squeeze %dma_start3A_92 : memref<1x128xi32, #tpu.memory_space<vmem>> -> memref<128xi32, #tpu.memory_space<vmem>>
      %dma_start3A_94 = arith.constant 0 : i32
      %dma_start3A_95 = arith.constant 0 : i32
      %dma_start3A_96 = tpu.memref_slice %arg11[%dma_start3A_94, %dma_start3A_95] : memref<10128x128xf32, #tpu.memory_space<vmem_shared>> -> memref<10128x128xf32, #tpu.memory_space<vmem_shared>>
      tpu.enqueue_indirect_dma source(%arg10 : memref<128x128xf32, #tpu.memory_space<vmem>>) target(%dma_start3A_96 : memref<10128x128xf32, #tpu.memory_space<vmem_shared>>) offsets(%dma_start3A_93 : memref<128xi32, #tpu.memory_space<vmem>>) semaphore(%run_scoped3A_90 : memref<!tpu.dma_semaphore, #tpu.memory_space<semaphore_mem>>) {add = true}
      %dma_wait3A_97 = arith.constant 0 : i32
      %dma_wait3A_98 = tpu.memref_slice %arg8[%run_scoped3A_40, %dma_wait3A_97] : memref<40x128xi32, #tpu.memory_space<vmem>> -> memref<1x128xi32, #tpu.memory_space<vmem>>
      %dma_wait3A_99 = tpu.memref_squeeze %dma_wait3A_98 : memref<1x128xi32, #tpu.memory_space<vmem>> -> memref<128xi32, #tpu.memory_space<vmem>>
      %dma_wait3A_100 = arith.constant 0 : i32
      %dma_wait3A_101 = arith.constant 0 : i32
      %dma_wait3A_102 = tpu.memref_slice %arg11[%dma_wait3A_100, %dma_wait3A_101] : memref<10128x128xf32, #tpu.memory_space<vmem_shared>> -> memref<10128x128xf32, #tpu.memory_space<vmem_shared>>
      tpu.wait_indirect_dma semaphore(%run_scoped3A_90 : memref<!tpu.dma_semaphore, #tpu.memory_space<semaphore_mem>>) src(%arg10 : memref<128x128xf32, #tpu.memory_space<vmem>>) dst(%dma_wait3A_102 : memref<10128x128xf32, #tpu.memory_space<vmem_shared>>)
      tpu.yield
    }) : () -> ()
    "tpu.region"() ({
      %run_scoped3A_90 = tpu.sem_alloc : memref<!tpu.dma_semaphore, #tpu.memory_space<semaphore_mem>>
      %dma_start3A_91 = arith.constant 0 : i32
      %dma_start3A_92 = arith.constant 0 : i32
      %dma_start3A_93 = tpu.memref_slice %arg3[%add3A, %dma_start3A_91, %dma_start3A_92] : memref<32x80x128xi32, #tpu.memory_space<hbm>> -> memref<1x80x128xi32, #tpu.memory_space<hbm>>
      %dma_start3A_94 = tpu.memref_squeeze %dma_start3A_93 : memref<1x80x128xi32, #tpu.memory_space<hbm>> -> memref<80x128xi32, #tpu.memory_space<hbm>>
      %dma_start3A_95 = arith.constant 40 : i32
      %dma_start3A_96 = arith.constant 0 : i32
      %dma_start3A_97 = tpu.memref_slice %dma_start3A_94[%dma_start3A_95, %dma_start3A_96] : memref<80x128xi32, #tpu.memory_space<hbm>> -> memref<40x128xi32, #tpu.memory_space<hbm>>
      %dma_start3A_98 = arith.constant 0 : i32
      %dma_start3A_99 = arith.constant 0 : i32
      %dma_start3A_100 = tpu.memref_slice %arg3[%add3A, %dma_start3A_98, %dma_start3A_99] : memref<32x80x128xi32, #tpu.memory_space<hbm>> -> memref<1x80x128xi32, #tpu.memory_space<hbm>>
      %dma_start3A_101 = tpu.memref_squeeze %dma_start3A_100 : memref<1x80x128xi32, #tpu.memory_space<hbm>> -> memref<80x128xi32, #tpu.memory_space<hbm>>
      %dma_start3A_102 = arith.constant 40 : i32
      %dma_start3A_103 = arith.constant 0 : i32
      %dma_start3A_104 = tpu.memref_slice %dma_start3A_101[%dma_start3A_102, %dma_start3A_103] : memref<80x128xi32, #tpu.memory_space<hbm>> -> memref<40x128xi32, #tpu.memory_space<hbm>>
      tpu.enqueue_dma source(%dma_start3A_104 : memref<40x128xi32, #tpu.memory_space<hbm>>) target(%arg7 : memref<40x128xi32, #tpu.memory_space<vmem>>) target_semaphore(%run_scoped3A_90 : memref<!tpu.dma_semaphore, #tpu.memory_space<semaphore_mem>>)
      %dma_wait3A_105 = arith.constant 0 : i32
      %dma_wait3A_106 = arith.constant 0 : i32
      %dma_wait3A_107 = tpu.memref_slice %arg3[%add3A, %dma_wait3A_105, %dma_wait3A_106] : memref<32x80x128xi32, #tpu.memory_space<hbm>> -> memref<1x80x128xi32, #tpu.memory_space<hbm>>
      %dma_wait3A_108 = tpu.memref_squeeze %dma_wait3A_107 : memref<1x80x128xi32, #tpu.memory_space<hbm>> -> memref<80x128xi32, #tpu.memory_space<hbm>>
      %dma_wait3A_109 = arith.constant 40 : i32
      %dma_wait3A_110 = arith.constant 0 : i32
      %dma_wait3A_111 = tpu.memref_slice %dma_wait3A_108[%dma_wait3A_109, %dma_wait3A_110] : memref<80x128xi32, #tpu.memory_space<hbm>> -> memref<40x128xi32, #tpu.memory_space<hbm>>
      %dma_wait3A_112 = arith.constant 0 : i32
      %dma_wait3A_113 = arith.constant 0 : i32
      %dma_wait3A_114 = tpu.memref_slice %arg3[%add3A, %dma_wait3A_112, %dma_wait3A_113] : memref<32x80x128xi32, #tpu.memory_space<hbm>> -> memref<1x80x128xi32, #tpu.memory_space<hbm>>
      %dma_wait3A_115 = tpu.memref_squeeze %dma_wait3A_114 : memref<1x80x128xi32, #tpu.memory_space<hbm>> -> memref<80x128xi32, #tpu.memory_space<hbm>>
      %dma_wait3A_116 = arith.constant 40 : i32
      %dma_wait3A_117 = arith.constant 0 : i32
      %dma_wait3A_118 = tpu.memref_slice %dma_wait3A_115[%dma_wait3A_116, %dma_wait3A_117] : memref<80x128xi32, #tpu.memory_space<hbm>> -> memref<40x128xi32, #tpu.memory_space<hbm>>
      tpu.wait_dma2 semaphore(%run_scoped3A_90 : memref<!tpu.dma_semaphore, #tpu.memory_space<semaphore_mem>>) src(%dma_wait3A_118 : memref<40x128xi32, #tpu.memory_space<hbm>>) dst(%arg7 : memref<40x128xi32, #tpu.memory_space<vmem>>)
      tpu.yield
    }) : () -> ()
    "tpu.region"() ({
      %run_scoped3A_90 = tpu.sem_alloc : memref<!tpu.dma_semaphore, #tpu.memory_space<semaphore_mem>>
      %dma_start3A_91 = arith.constant 0 : i32
      %dma_start3A_92 = arith.constant 0 : i32
      %dma_start3A_93 = tpu.memref_slice %arg4[%add3A, %dma_start3A_91, %dma_start3A_92] : memref<32x80x128xi32, #tpu.memory_space<hbm>> -> memref<1x80x128xi32, #tpu.memory_space<hbm>>
      %dma_start3A_94 = tpu.memref_squeeze %dma_start3A_93 : memref<1x80x128xi32, #tpu.memory_space<hbm>> -> memref<80x128xi32, #tpu.memory_space<hbm>>
      %dma_start3A_95 = arith.constant 40 : i32
      %dma_start3A_96 = arith.constant 0 : i32
      %dma_start3A_97 = tpu.memref_slice %dma_start3A_94[%dma_start3A_95, %dma_start3A_96] : memref<80x128xi32, #tpu.memory_space<hbm>> -> memref<40x128xi32, #tpu.memory_space<hbm>>
      %dma_start3A_98 = arith.constant 0 : i32
      %dma_start3A_99 = arith.constant 0 : i32
      %dma_start3A_100 = tpu.memref_slice %arg4[%add3A, %dma_start3A_98, %dma_start3A_99] : memref<32x80x128xi32, #tpu.memory_space<hbm>> -> memref<1x80x128xi32, #tpu.memory_space<hbm>>
      %dma_start3A_101 = tpu.memref_squeeze %dma_start3A_100 : memref<1x80x128xi32, #tpu.memory_space<hbm>> -> memref<80x128xi32, #tpu.memory_space<hbm>>
      %dma_start3A_102 = arith.constant 40 : i32
      %dma_start3A_103 = arith.constant 0 : i32
      %dma_start3A_104 = tpu.memref_slice %dma_start3A_101[%dma_start3A_102, %dma_start3A_103] : memref<80x128xi32, #tpu.memory_space<hbm>> -> memref<40x128xi32, #tpu.memory_space<hbm>>
      tpu.enqueue_dma source(%dma_start3A_104 : memref<40x128xi32, #tpu.memory_space<hbm>>) target(%arg8 : memref<40x128xi32, #tpu.memory_space<vmem>>) target_semaphore(%run_scoped3A_90 : memref<!tpu.dma_semaphore, #tpu.memory_space<semaphore_mem>>)
      %dma_wait3A_105 = arith.constant 0 : i32
      %dma_wait3A_106 = arith.constant 0 : i32
      %dma_wait3A_107 = tpu.memref_slice %arg4[%add3A, %dma_wait3A_105, %dma_wait3A_106] : memref<32x80x128xi32, #tpu.memory_space<hbm>> -> memref<1x80x128xi32, #tpu.memory_space<hbm>>
      %dma_wait3A_108 = tpu.memref_squeeze %dma_wait3A_107 : memref<1x80x128xi32, #tpu.memory_space<hbm>> -> memref<80x128xi32, #tpu.memory_space<hbm>>
      %dma_wait3A_109 = arith.constant 40 : i32
      %dma_wait3A_110 = arith.constant 0 : i32
      %dma_wait3A_111 = tpu.memref_slice %dma_wait3A_108[%dma_wait3A_109, %dma_wait3A_110] : memref<80x128xi32, #tpu.memory_space<hbm>> -> memref<40x128xi32, #tpu.memory_space<hbm>>
      %dma_wait3A_112 = arith.constant 0 : i32
      %dma_wait3A_113 = arith.constant 0 : i32
      %dma_wait3A_114 = tpu.memref_slice %arg4[%add3A, %dma_wait3A_112, %dma_wait3A_113] : memref<32x80x128xi32, #tpu.memory_space<hbm>> -> memref<1x80x128xi32, #tpu.memory_space<hbm>>
      %dma_wait3A_115 = tpu.memref_squeeze %dma_wait3A_114 : memref<1x80x128xi32, #tpu.memory_space<hbm>> -> memref<80x128xi32, #tpu.memory_space<hbm>>
      %dma_wait3A_116 = arith.constant 40 : i32
      %dma_wait3A_117 = arith.constant 0 : i32
      %dma_wait3A_118 = tpu.memref_slice %dma_wait3A_115[%dma_wait3A_116, %dma_wait3A_117] : memref<80x128xi32, #tpu.memory_space<hbm>> -> memref<40x128xi32, #tpu.memory_space<hbm>>
      tpu.wait_dma2 semaphore(%run_scoped3A_90 : memref<!tpu.dma_semaphore, #tpu.memory_space<semaphore_mem>>) src(%dma_wait3A_118 : memref<40x128xi32, #tpu.memory_space<hbm>>) dst(%arg8 : memref<40x128xi32, #tpu.memory_space<vmem>>)
      tpu.yield
    }) : () -> ()
    %dma_start3A_41 = arith.constant 0 : i32
    %dma_start3A_42 = arith.constant 0 : i32
    %dma_start3A_43 = tpu.memref_slice %arg7[%dma_start3A_41, %dma_start3A_42] : memref<40x128xi32, #tpu.memory_space<vmem>> -> memref<1x128xi32, #tpu.memory_space<vmem>>
    %dma_start3A_44 = tpu.memref_squeeze %dma_start3A_43 : memref<1x128xi32, #tpu.memory_space<vmem>> -> memref<128xi32, #tpu.memory_space<vmem>>
    %dma_start3A_45 = arith.constant 0 : i32
    %dma_start3A_46 = arith.constant 0 : i32
    %dma_start3A_47 = tpu.memref_slice %arg2[%dma_start3A_45, %dma_start3A_46] : memref<10000x128xf32, #tpu.memory_space<hbm>> -> memref<10000x128xf32, #tpu.memory_space<hbm>>
    tpu.enqueue_indirect_dma source(%dma_start3A_47 : memref<10000x128xf32, #tpu.memory_space<hbm>>) target(%arg9 : memref<128x128xf32, #tpu.memory_space<vmem>>) offsets(%dma_start3A_44 : memref<128xi32, #tpu.memory_space<vmem>>) semaphore(%arg12 : memref<!tpu.dma_semaphore, #tpu.memory_space<semaphore_mem>>)
    %scan3A_48 = arith.constant 0 : i32
    %scan3A_49 = arith.constant 0 : i32
    %scan3A_50 = arith.constant 19 : i32
    %scan3A_51 = arith.addi %scan3A_49, %scan3A_50 : i32
    %scan3A_52 = arith.constant 1 : i32
    scf.for %scan3A_90 = %scan3A_49 to %scan3A_51 step %scan3A_52  : i32 {
      %mul3A_91 = arith.constant 2 : i32
      %mul3A_92 = arith.muli %mul3A_91, %scan3A_90 : i32
      %add3A_93 = arith.constant 1 : i32
      %add3A_94 = arith.addi %mul3A_92, %add3A_93 : i32
      %dma_start3A_95 = arith.constant 0 : i32
      %dma_start3A_96 = tpu.memref_slice %arg7[%add3A_94, %dma_start3A_95] : memref<40x128xi32, #tpu.memory_space<vmem>> -> memref<1x128xi32, #tpu.memory_space<vmem>>
      %dma_start3A_97 = tpu.memref_squeeze %dma_start3A_96 : memref<1x128xi32, #tpu.memory_space<vmem>> -> memref<128xi32, #tpu.memory_space<vmem>>
      %dma_start3A_98 = arith.constant 0 : i32
      %dma_start3A_99 = arith.constant 0 : i32
      %dma_start3A_100 = tpu.memref_slice %arg2[%dma_start3A_98, %dma_start3A_99] : memref<10000x128xf32, #tpu.memory_space<hbm>> -> memref<10000x128xf32, #tpu.memory_space<hbm>>
      tpu.enqueue_indirect_dma source(%dma_start3A_100 : memref<10000x128xf32, #tpu.memory_space<hbm>>) target(%arg10 : memref<128x128xf32, #tpu.memory_space<vmem>>) offsets(%dma_start3A_97 : memref<128xi32, #tpu.memory_space<vmem>>) semaphore(%arg13 : memref<!tpu.dma_semaphore, #tpu.memory_space<semaphore_mem>>)
      %dma_wait3A_101 = arith.constant 0 : i32
      %dma_wait3A_102 = tpu.memref_slice %arg7[%mul3A_92, %dma_wait3A_101] : memref<40x128xi32, #tpu.memory_space<vmem>> -> memref<1x128xi32, #tpu.memory_space<vmem>>
      %dma_wait3A_103 = tpu.memref_squeeze %dma_wait3A_102 : memref<1x128xi32, #tpu.memory_space<vmem>> -> memref<128xi32, #tpu.memory_space<vmem>>
      %dma_wait3A_104 = arith.constant 0 : i32
      %dma_wait3A_105 = arith.constant 0 : i32
      %dma_wait3A_106 = tpu.memref_slice %arg2[%dma_wait3A_104, %dma_wait3A_105] : memref<10000x128xf32, #tpu.memory_space<hbm>> -> memref<10000x128xf32, #tpu.memory_space<hbm>>
      tpu.wait_indirect_dma semaphore(%arg12 : memref<!tpu.dma_semaphore, #tpu.memory_space<semaphore_mem>>) src(%dma_wait3A_106 : memref<10000x128xf32, #tpu.memory_space<hbm>>) dst(%arg9 : memref<128x128xf32, #tpu.memory_space<vmem>>)
      "tpu.region"() ({
        %run_scoped3A_125 = tpu.sem_alloc : memref<!tpu.dma_semaphore, #tpu.memory_space<semaphore_mem>>
        %dma_start3A_126 = arith.constant 0 : i32
        %dma_start3A_127 = tpu.memref_slice %arg8[%mul3A_92, %dma_start3A_126] : memref<40x128xi32, #tpu.memory_space<vmem>> -> memref<1x128xi32, #tpu.memory_space<vmem>>
        %dma_start3A_128 = tpu.memref_squeeze %dma_start3A_127 : memref<1x128xi32, #tpu.memory_space<vmem>> -> memref<128xi32, #tpu.memory_space<vmem>>
        %dma_start3A_129 = arith.constant 0 : i32
        %dma_start3A_130 = arith.constant 0 : i32
        %dma_start3A_131 = tpu.memref_slice %arg11[%dma_start3A_129, %dma_start3A_130] : memref<10128x128xf32, #tpu.memory_space<vmem_shared>> -> memref<10128x128xf32, #tpu.memory_space<vmem_shared>>
        tpu.enqueue_indirect_dma source(%arg9 : memref<128x128xf32, #tpu.memory_space<vmem>>) target(%dma_start3A_131 : memref<10128x128xf32, #tpu.memory_space<vmem_shared>>) offsets(%dma_start3A_128 : memref<128xi32, #tpu.memory_space<vmem>>) semaphore(%run_scoped3A_125 : memref<!tpu.dma_semaphore, #tpu.memory_space<semaphore_mem>>) {add = true}
        %dma_wait3A_132 = arith.constant 0 : i32
        %dma_wait3A_133 = tpu.memref_slice %arg8[%mul3A_92, %dma_wait3A_132] : memref<40x128xi32, #tpu.memory_space<vmem>> -> memref<1x128xi32, #tpu.memory_space<vmem>>
        %dma_wait3A_134 = tpu.memref_squeeze %dma_wait3A_133 : memref<1x128xi32, #tpu.memory_space<vmem>> -> memref<128xi32, #tpu.memory_space<vmem>>
        %dma_wait3A_135 = arith.constant 0 : i32
        %dma_wait3A_136 = arith.constant 0 : i32
        %dma_wait3A_137 = tpu.memref_slice %arg11[%dma_wait3A_135, %dma_wait3A_136] : memref<10128x128xf32, #tpu.memory_space<vmem_shared>> -> memref<10128x128xf32, #tpu.memory_space<vmem_shared>>
        tpu.wait_indirect_dma semaphore(%run_scoped3A_125 : memref<!tpu.dma_semaphore, #tpu.memory_space<semaphore_mem>>) src(%arg9 : memref<128x128xf32, #tpu.memory_space<vmem>>) dst(%dma_wait3A_137 : memref<10128x128xf32, #tpu.memory_space<vmem_shared>>)
        tpu.yield
      }) : () -> ()
      %add3A_107 = arith.constant 2 : i32
      %add3A_108 = arith.addi %mul3A_92, %add3A_107 : i32
      %dma_start3A_109 = arith.constant 0 : i32
      %dma_start3A_110 = tpu.memref_slice %arg7[%add3A_108, %dma_start3A_109] : memref<40x128xi32, #tpu.memory_space<vmem>> -> memref<1x128xi32, #tpu.memory_space<vmem>>
      %dma_start3A_111 = tpu.memref_squeeze %dma_start3A_110 : memref<1x128xi32, #tpu.memory_space<vmem>> -> memref<128xi32, #tpu.memory_space<vmem>>
      %dma_start3A_112 = arith.constant 0 : i32
      %dma_start3A_113 = arith.constant 0 : i32
      %dma_start3A_114 = tpu.memref_slice %arg2[%dma_start3A_112, %dma_start3A_113] : memref<10000x128xf32, #tpu.memory_space<hbm>> -> memref<10000x128xf32, #tpu.memory_space<hbm>>
      tpu.enqueue_indirect_dma source(%dma_start3A_114 : memref<10000x128xf32, #tpu.memory_space<hbm>>) target(%arg9 : memref<128x128xf32, #tpu.memory_space<vmem>>) offsets(%dma_start3A_111 : memref<128xi32, #tpu.memory_space<vmem>>) semaphore(%arg12 : memref<!tpu.dma_semaphore, #tpu.memory_space<semaphore_mem>>)
      %add3A_115 = arith.constant 1 : i32
      %add3A_116 = arith.addi %mul3A_92, %add3A_115 : i32
      %dma_wait3A_117 = arith.constant 0 : i32
      %dma_wait3A_118 = tpu.memref_slice %arg7[%add3A_116, %dma_wait3A_117] : memref<40x128xi32, #tpu.memory_space<vmem>> -> memref<1x128xi32, #tpu.memory_space<vmem>>
      %dma_wait3A_119 = tpu.memref_squeeze %dma_wait3A_118 : memref<1x128xi32, #tpu.memory_space<vmem>> -> memref<128xi32, #tpu.memory_space<vmem>>
      %dma_wait3A_120 = arith.constant 0 : i32
      %dma_wait3A_121 = arith.constant 0 : i32
      %dma_wait3A_122 = tpu.memref_slice %arg2[%dma_wait3A_120, %dma_wait3A_121] : memref<10000x128xf32, #tpu.memory_space<hbm>> -> memref<10000x128xf32, #tpu.memory_space<hbm>>
      tpu.wait_indirect_dma semaphore(%arg13 : memref<!tpu.dma_semaphore, #tpu.memory_space<semaphore_mem>>) src(%dma_wait3A_122 : memref<10000x128xf32, #tpu.memory_space<hbm>>) dst(%arg10 : memref<128x128xf32, #tpu.memory_space<vmem>>)
      %add3A_123 = arith.constant 1 : i32
      %add3A_124 = arith.addi %mul3A_92, %add3A_123 : i32
      "tpu.region"() ({
        %run_scoped3A_125 = tpu.sem_alloc : memref<!tpu.dma_semaphore, #tpu.memory_space<semaphore_mem>>
        %dma_start3A_126 = arith.constant 0 : i32
        %dma_start3A_127 = tpu.memref_slice %arg8[%add3A_124, %dma_start3A_126] : memref<40x128xi32, #tpu.memory_space<vmem>> -> memref<1x128xi32, #tpu.memory_space<vmem>>
        %dma_start3A_128 = tpu.memref_squeeze %dma_start3A_127 : memref<1x128xi32, #tpu.memory_space<vmem>> -> memref<128xi32, #tpu.memory_space<vmem>>
        %dma_start3A_129 = arith.constant 0 : i32
        %dma_start3A_130 = arith.constant 0 : i32
        %dma_start3A_131 = tpu.memref_slice %arg11[%dma_start3A_129, %dma_start3A_130] : memref<10128x128xf32, #tpu.memory_space<vmem_shared>> -> memref<10128x128xf32, #tpu.memory_space<vmem_shared>>
        tpu.enqueue_indirect_dma source(%arg10 : memref<128x128xf32, #tpu.memory_space<vmem>>) target(%dma_start3A_131 : memref<10128x128xf32, #tpu.memory_space<vmem_shared>>) offsets(%dma_start3A_128 : memref<128xi32, #tpu.memory_space<vmem>>) semaphore(%run_scoped3A_125 : memref<!tpu.dma_semaphore, #tpu.memory_space<semaphore_mem>>) {add = true}
        %dma_wait3A_132 = arith.constant 0 : i32
        %dma_wait3A_133 = tpu.memref_slice %arg8[%add3A_124, %dma_wait3A_132] : memref<40x128xi32, #tpu.memory_space<vmem>> -> memref<1x128xi32, #tpu.memory_space<vmem>>
        %dma_wait3A_134 = tpu.memref_squeeze %dma_wait3A_133 : memref<1x128xi32, #tpu.memory_space<vmem>> -> memref<128xi32, #tpu.memory_space<vmem>>
        %dma_wait3A_135 = arith.constant 0 : i32
        %dma_wait3A_136 = arith.constant 0 : i32
        %dma_wait3A_137 = tpu.memref_slice %arg11[%dma_wait3A_135, %dma_wait3A_136] : memref<10128x128xf32, #tpu.memory_space<vmem_shared>> -> memref<10128x128xf32, #tpu.memory_space<vmem_shared>>
        tpu.wait_indirect_dma semaphore(%run_scoped3A_125 : memref<!tpu.dma_semaphore, #tpu.memory_space<semaphore_mem>>) src(%arg10 : memref<128x128xf32, #tpu.memory_space<vmem>>) dst(%dma_wait3A_137 : memref<10128x128xf32, #tpu.memory_space<vmem_shared>>)
        tpu.yield
      }) : () -> ()
    }
    %scan3A_53 = arith.constant 19 : i32
    %dma_start3A_54 = arith.constant 39 : i32
    %dma_start3A_55 = arith.constant 0 : i32
    %dma_start3A_56 = tpu.memref_slice %arg7[%dma_start3A_54, %dma_start3A_55] : memref<40x128xi32, #tpu.memory_space<vmem>> -> memref<1x128xi32, #tpu.memory_space<vmem>>
    %dma_start3A_57 = tpu.memref_squeeze %dma_start3A_56 : memref<1x128xi32, #tpu.memory_space<vmem>> -> memref<128xi32, #tpu.memory_space<vmem>>
    %dma_start3A_58 = arith.constant 0 : i32
    %dma_start3A_59 = arith.constant 0 : i32
    %dma_start3A_60 = tpu.memref_slice %arg2[%dma_start3A_58, %dma_start3A_59] : memref<10000x128xf32, #tpu.memory_space<hbm>> -> memref<10000x128xf32, #tpu.memory_space<hbm>>
    tpu.enqueue_indirect_dma source(%dma_start3A_60 : memref<10000x128xf32, #tpu.memory_space<hbm>>) target(%arg10 : memref<128x128xf32, #tpu.memory_space<vmem>>) offsets(%dma_start3A_57 : memref<128xi32, #tpu.memory_space<vmem>>) semaphore(%arg13 : memref<!tpu.dma_semaphore, #tpu.memory_space<semaphore_mem>>)
    %dma_wait3A_61 = arith.constant 38 : i32
    %dma_wait3A_62 = arith.constant 0 : i32
    %dma_wait3A_63 = tpu.memref_slice %arg7[%dma_wait3A_61, %dma_wait3A_62] : memref<40x128xi32, #tpu.memory_space<vmem>> -> memref<1x128xi32, #tpu.memory_space<vmem>>
    %dma_wait3A_64 = tpu.memref_squeeze %dma_wait3A_63 : memref<1x128xi32, #tpu.memory_space<vmem>> -> memref<128xi32, #tpu.memory_space<vmem>>
    %dma_wait3A_65 = arith.constant 0 : i32
    %dma_wait3A_66 = arith.constant 0 : i32
    %dma_wait3A_67 = tpu.memref_slice %arg2[%dma_wait3A_65, %dma_wait3A_66] : memref<10000x128xf32, #tpu.memory_space<hbm>> -> memref<10000x128xf32, #tpu.memory_space<hbm>>
    tpu.wait_indirect_dma semaphore(%arg12 : memref<!tpu.dma_semaphore, #tpu.memory_space<semaphore_mem>>) src(%dma_wait3A_67 : memref<10000x128xf32, #tpu.memory_space<hbm>>) dst(%arg9 : memref<128x128xf32, #tpu.memory_space<vmem>>)
    %run_scoped3A_68 = arith.constant 38 : i32
    "tpu.region"() ({
      %run_scoped3A_90 = tpu.sem_alloc : memref<!tpu.dma_semaphore, #tpu.memory_space<semaphore_mem>>
      %dma_start3A_91 = arith.constant 0 : i32
      %dma_start3A_92 = tpu.memref_slice %arg8[%run_scoped3A_68, %dma_start3A_91] : memref<40x128xi32, #tpu.memory_space<vmem>> -> memref<1x128xi32, #tpu.memory_space<vmem>>
      %dma_start3A_93 = tpu.memref_squeeze %dma_start3A_92 : memref<1x128xi32, #tpu.memory_space<vmem>> -> memref<128xi32, #tpu.memory_space<vmem>>
      %dma_start3A_94 = arith.constant 0 : i32
      %dma_start3A_95 = arith.constant 0 : i32
      %dma_start3A_96 = tpu.memref_slice %arg11[%dma_start3A_94, %dma_start3A_95] : memref<10128x128xf32, #tpu.memory_space<vmem_shared>> -> memref<10128x128xf32, #tpu.memory_space<vmem_shared>>
      tpu.enqueue_indirect_dma source(%arg9 : memref<128x128xf32, #tpu.memory_space<vmem>>) target(%dma_start3A_96 : memref<10128x128xf32, #tpu.memory_space<vmem_shared>>) offsets(%dma_start3A_93 : memref<128xi32, #tpu.memory_space<vmem>>) semaphore(%run_scoped3A_90 : memref<!tpu.dma_semaphore, #tpu.memory_space<semaphore_mem>>) {add = true}
      %dma_wait3A_97 = arith.constant 0 : i32
      %dma_wait3A_98 = tpu.memref_slice %arg8[%run_scoped3A_68, %dma_wait3A_97] : memref<40x128xi32, #tpu.memory_space<vmem>> -> memref<1x128xi32, #tpu.memory_space<vmem>>
      %dma_wait3A_99 = tpu.memref_squeeze %dma_wait3A_98 : memref<1x128xi32, #tpu.memory_space<vmem>> -> memref<128xi32, #tpu.memory_space<vmem>>
      %dma_wait3A_100 = arith.constant 0 : i32
      %dma_wait3A_101 = arith.constant 0 : i32
      %dma_wait3A_102 = tpu.memref_slice %arg11[%dma_wait3A_100, %dma_wait3A_101] : memref<10128x128xf32, #tpu.memory_space<vmem_shared>> -> memref<10128x128xf32, #tpu.memory_space<vmem_shared>>
      tpu.wait_indirect_dma semaphore(%run_scoped3A_90 : memref<!tpu.dma_semaphore, #tpu.memory_space<semaphore_mem>>) src(%arg9 : memref<128x128xf32, #tpu.memory_space<vmem>>) dst(%dma_wait3A_102 : memref<10128x128xf32, #tpu.memory_space<vmem_shared>>)
      tpu.yield
    }) : () -> ()
    %dma_wait3A_69 = arith.constant 39 : i32
    %dma_wait3A_70 = arith.constant 0 : i32
    %dma_wait3A_71 = tpu.memref_slice %arg7[%dma_wait3A_69, %dma_wait3A_70] : memref<40x128xi32, #tpu.memory_space<vmem>> -> memref<1x128xi32, #tpu.memory_space<vmem>>
    %dma_wait3A_72 = tpu.memref_squeeze %dma_wait3A_71 : memref<1x128xi32, #tpu.memory_space<vmem>> -> memref<128xi32, #tpu.memory_space<vmem>>
    %dma_wait3A_73 = arith.constant 0 : i32
    %dma_wait3A_74 = arith.constant 0 : i32
    %dma_wait3A_75 = tpu.memref_slice %arg2[%dma_wait3A_73, %dma_wait3A_74] : memref<10000x128xf32, #tpu.memory_space<hbm>> -> memref<10000x128xf32, #tpu.memory_space<hbm>>
    tpu.wait_indirect_dma semaphore(%arg13 : memref<!tpu.dma_semaphore, #tpu.memory_space<semaphore_mem>>) src(%dma_wait3A_75 : memref<10000x128xf32, #tpu.memory_space<hbm>>) dst(%arg10 : memref<128x128xf32, #tpu.memory_space<vmem>>)
    %run_scoped3A_76 = arith.constant 39 : i32
    "tpu.region"() ({
      %run_scoped3A_90 = tpu.sem_alloc : memref<!tpu.dma_semaphore, #tpu.memory_space<semaphore_mem>>
      %dma_start3A_91 = arith.constant 0 : i32
      %dma_start3A_92 = tpu.memref_slice %arg8[%run_scoped3A_76, %dma_start3A_91] : memref<40x128xi32, #tpu.memory_space<vmem>> -> memref<1x128xi32, #tpu.memory_space<vmem>>
      %dma_start3A_93 = tpu.memref_squeeze %dma_start3A_92 : memref<1x128xi32, #tpu.memory_space<vmem>> -> memref<128xi32, #tpu.memory_space<vmem>>
      %dma_start3A_94 = arith.constant 0 : i32
      %dma_start3A_95 = arith.constant 0 : i32
      %dma_start3A_96 = tpu.memref_slice %arg11[%dma_start3A_94, %dma_start3A_95] : memref<10128x128xf32, #tpu.memory_space<vmem_shared>> -> memref<10128x128xf32, #tpu.memory_space<vmem_shared>>
      tpu.enqueue_indirect_dma source(%arg10 : memref<128x128xf32, #tpu.memory_space<vmem>>) target(%dma_start3A_96 : memref<10128x128xf32, #tpu.memory_space<vmem_shared>>) offsets(%dma_start3A_93 : memref<128xi32, #tpu.memory_space<vmem>>) semaphore(%run_scoped3A_90 : memref<!tpu.dma_semaphore, #tpu.memory_space<semaphore_mem>>) {add = true}
      %dma_wait3A_97 = arith.constant 0 : i32
      %dma_wait3A_98 = tpu.memref_slice %arg8[%run_scoped3A_76, %dma_wait3A_97] : memref<40x128xi32, #tpu.memory_space<vmem>> -> memref<1x128xi32, #tpu.memory_space<vmem>>
      %dma_wait3A_99 = tpu.memref_squeeze %dma_wait3A_98 : memref<1x128xi32, #tpu.memory_space<vmem>> -> memref<128xi32, #tpu.memory_space<vmem>>
      %dma_wait3A_100 = arith.constant 0 : i32
      %dma_wait3A_101 = arith.constant 0 : i32
      %dma_wait3A_102 = tpu.memref_slice %arg11[%dma_wait3A_100, %dma_wait3A_101] : memref<10128x128xf32, #tpu.memory_space<vmem_shared>> -> memref<10128x128xf32, #tpu.memory_space<vmem_shared>>
      tpu.wait_indirect_dma semaphore(%run_scoped3A_90 : memref<!tpu.dma_semaphore, #tpu.memory_space<semaphore_mem>>) src(%arg10 : memref<128x128xf32, #tpu.memory_space<vmem>>) dst(%dma_wait3A_102 : memref<10128x128xf32, #tpu.memory_space<vmem_shared>>)
      tpu.yield
    }) : () -> ()
    %barrier3A_77 = arith.constant 0 : index
    tpu.barrier barrier_id(%barrier3A_77)
    %mul3A_78 = arith.constant 624 : i32
    %mul3A_79 = arith.muli %arg1, %mul3A_78 : i32
    %lt3A_80 = arith.constant 15 : i32
    %lt3A_81 = arith.cmpi slt, %arg1, %lt3A_80 : i32
    %convert_element_type3A_82 = arith.extui %lt3A_81 : i1 to i32
    %cond3A_83 = arith.constant 0 : i32
    %cond3A_84 = arith.cmpi ne, %convert_element_type3A_82, %cond3A_83 : i32
    scf.if %cond3A_84 {
      %scan3A_90 = arith.constant 0 : i32
      %scan3A_91 = arith.constant 0 : i32
      %scan3A_92 = arith.constant 6 : i32
      %scan3A_93 = arith.addi %scan3A_91, %scan3A_92 : i32
      %scan3A_94 = arith.constant 1 : i32
      scf.for %scan3A_96 = %scan3A_91 to %scan3A_93 step %scan3A_94  : i32 {
        %mul3A_97 = arith.constant 104 : i32
        %mul3A_98 = arith.muli %scan3A_96, %mul3A_97 : i32
        %add3A_99 = arith.addi %mul3A_79, %mul3A_98 : i32
        "tpu.region"() ({
          %run_scoped3A_100 = tpu.sem_alloc : memref<!tpu.dma_semaphore, #tpu.memory_space<semaphore_mem>>
          %dma_start3A_101 = arith.constant 0 : i32
          %dma_start3A_102 = arith.constant 0 : i32
          %dma_start3A_103 = tpu.memref_slice %arg9[%dma_start3A_101, %dma_start3A_102] : memref<128x128xf32, #tpu.memory_space<vmem>> -> memref<104x128xf32, #tpu.memory_space<vmem>>
          %dma_start3A_104 = arith.constant 0 : i32
          %dma_start3A_105 = tpu.memref_slice %arg11[%add3A_99, %dma_start3A_104] : memref<10128x128xf32, #tpu.memory_space<vmem_shared>> -> memref<104x128xf32, #tpu.memory_space<vmem_shared>>
          %dma_start3A_106 = arith.constant 0 : i32
          %dma_start3A_107 = arith.constant 0 : i32
          %dma_start3A_108 = tpu.memref_slice %arg9[%dma_start3A_106, %dma_start3A_107] : memref<128x128xf32, #tpu.memory_space<vmem>> -> memref<104x128xf32, #tpu.memory_space<vmem>>
          %dma_start3A_109 = arith.constant 0 : i32
          %dma_start3A_110 = tpu.memref_slice %arg11[%add3A_99, %dma_start3A_109] : memref<10128x128xf32, #tpu.memory_space<vmem_shared>> -> memref<104x128xf32, #tpu.memory_space<vmem_shared>>
          tpu.enqueue_dma source(%dma_start3A_110 : memref<104x128xf32, #tpu.memory_space<vmem_shared>>) target(%dma_start3A_108 : memref<104x128xf32, #tpu.memory_space<vmem>>) target_semaphore(%run_scoped3A_100 : memref<!tpu.dma_semaphore, #tpu.memory_space<semaphore_mem>>)
          %dma_wait3A_111 = arith.constant 0 : i32
          %dma_wait3A_112 = arith.constant 0 : i32
          %dma_wait3A_113 = tpu.memref_slice %arg9[%dma_wait3A_111, %dma_wait3A_112] : memref<128x128xf32, #tpu.memory_space<vmem>> -> memref<104x128xf32, #tpu.memory_space<vmem>>
          %dma_wait3A_114 = arith.constant 0 : i32
          %dma_wait3A_115 = tpu.memref_slice %arg11[%add3A_99, %dma_wait3A_114] : memref<10128x128xf32, #tpu.memory_space<vmem_shared>> -> memref<104x128xf32, #tpu.memory_space<vmem_shared>>
          %dma_wait3A_116 = arith.constant 0 : i32
          %dma_wait3A_117 = arith.constant 0 : i32
          %dma_wait3A_118 = tpu.memref_slice %arg9[%dma_wait3A_116, %dma_wait3A_117] : memref<128x128xf32, #tpu.memory_space<vmem>> -> memref<104x128xf32, #tpu.memory_space<vmem>>
          %dma_wait3A_119 = arith.constant 0 : i32
          %dma_wait3A_120 = tpu.memref_slice %arg11[%add3A_99, %dma_wait3A_119] : memref<10128x128xf32, #tpu.memory_space<vmem_shared>> -> memref<104x128xf32, #tpu.memory_space<vmem_shared>>
          tpu.wait_dma2 semaphore(%run_scoped3A_100 : memref<!tpu.dma_semaphore, #tpu.memory_space<semaphore_mem>>) src(%dma_wait3A_120 : memref<104x128xf32, #tpu.memory_space<vmem_shared>>) dst(%dma_wait3A_118 : memref<104x128xf32, #tpu.memory_space<vmem>>)
          tpu.yield
        }) : () -> ()
        "tpu.region"() ({
          %run_scoped3A_100 = tpu.sem_alloc : memref<!tpu.dma_semaphore, #tpu.memory_space<semaphore_mem>>
          %dma_start3A_101 = arith.constant 0 : i32
          %dma_start3A_102 = arith.constant 0 : i32
          %dma_start3A_103 = tpu.memref_slice %arg9[%dma_start3A_101, %dma_start3A_102] : memref<128x128xf32, #tpu.memory_space<vmem>> -> memref<104x128xf32, #tpu.memory_space<vmem>>
          %dma_start3A_104 = arith.constant 0 : i32
          %dma_start3A_105 = arith.constant 0 : i32
          %dma_start3A_106 = tpu.memref_slice %arg6[%arg0, %dma_start3A_104, %dma_start3A_105] : memref<2x10000x128xf32, #tpu.memory_space<hbm>> -> memref<1x10000x128xf32, #tpu.memory_space<hbm>>
          %dma_start3A_107 = tpu.memref_squeeze %dma_start3A_106 : memref<1x10000x128xf32, #tpu.memory_space<hbm>> -> memref<10000x128xf32, #tpu.memory_space<hbm>>
          %dma_start3A_108 = arith.constant 0 : i32
          %dma_start3A_109 = tpu.memref_slice %dma_start3A_107[%add3A_99, %dma_start3A_108] : memref<10000x128xf32, #tpu.memory_space<hbm>> -> memref<104x128xf32, #tpu.memory_space<hbm>>
          %dma_start3A_110 = arith.constant 0 : i32
          %dma_start3A_111 = arith.constant 0 : i32
          %dma_start3A_112 = tpu.memref_slice %arg6[%arg0, %dma_start3A_110, %dma_start3A_111] : memref<2x10000x128xf32, #tpu.memory_space<hbm>> -> memref<1x10000x128xf32, #tpu.memory_space<hbm>>
          %dma_start3A_113 = tpu.memref_squeeze %dma_start3A_112 : memref<1x10000x128xf32, #tpu.memory_space<hbm>> -> memref<10000x128xf32, #tpu.memory_space<hbm>>
          %dma_start3A_114 = arith.constant 0 : i32
          %dma_start3A_115 = tpu.memref_slice %dma_start3A_113[%add3A_99, %dma_start3A_114] : memref<10000x128xf32, #tpu.memory_space<hbm>> -> memref<104x128xf32, #tpu.memory_space<hbm>>
          %dma_start3A_116 = arith.constant 0 : i32
          %dma_start3A_117 = arith.constant 0 : i32
          %dma_start3A_118 = tpu.memref_slice %arg9[%dma_start3A_116, %dma_start3A_117] : memref<128x128xf32, #tpu.memory_space<vmem>> -> memref<104x128xf32, #tpu.memory_space<vmem>>
          tpu.enqueue_dma source(%dma_start3A_118 : memref<104x128xf32, #tpu.memory_space<vmem>>) target(%dma_start3A_115 : memref<104x128xf32, #tpu.memory_space<hbm>>) target_semaphore(%run_scoped3A_100 : memref<!tpu.dma_semaphore, #tpu.memory_space<semaphore_mem>>)
          %dma_wait3A_119 = arith.constant 0 : i32
          %dma_wait3A_120 = arith.constant 0 : i32
          %dma_wait3A_121 = tpu.memref_slice %arg9[%dma_wait3A_119, %dma_wait3A_120] : memref<128x128xf32, #tpu.memory_space<vmem>> -> memref<104x128xf32, #tpu.memory_space<vmem>>
          %dma_wait3A_122 = arith.constant 0 : i32
          %dma_wait3A_123 = arith.constant 0 : i32
          %dma_wait3A_124 = tpu.memref_slice %arg6[%arg0, %dma_wait3A_122, %dma_wait3A_123] : memref<2x10000x128xf32, #tpu.memory_space<hbm>> -> memref<1x10000x128xf32, #tpu.memory_space<hbm>>
          %dma_wait3A_125 = tpu.memref_squeeze %dma_wait3A_124 : memref<1x10000x128xf32, #tpu.memory_space<hbm>> -> memref<10000x128xf32, #tpu.memory_space<hbm>>
          %dma_wait3A_126 = arith.constant 0 : i32
          %dma_wait3A_127 = tpu.memref_slice %dma_wait3A_125[%add3A_99, %dma_wait3A_126] : memref<10000x128xf32, #tpu.memory_space<hbm>> -> memref<104x128xf32, #tpu.memory_space<hbm>>
          %dma_wait3A_128 = arith.constant 0 : i32
          %dma_wait3A_129 = arith.constant 0 : i32
          %dma_wait3A_130 = tpu.memref_slice %arg6[%arg0, %dma_wait3A_128, %dma_wait3A_129] : memref<2x10000x128xf32, #tpu.memory_space<hbm>> -> memref<1x10000x128xf32, #tpu.memory_space<hbm>>
          %dma_wait3A_131 = tpu.memref_squeeze %dma_wait3A_130 : memref<1x10000x128xf32, #tpu.memory_space<hbm>> -> memref<10000x128xf32, #tpu.memory_space<hbm>>
          %dma_wait3A_132 = arith.constant 0 : i32
          %dma_wait3A_133 = tpu.memref_slice %dma_wait3A_131[%add3A_99, %dma_wait3A_132] : memref<10000x128xf32, #tpu.memory_space<hbm>> -> memref<104x128xf32, #tpu.memory_space<hbm>>
          %dma_wait3A_134 = arith.constant 0 : i32
          %dma_wait3A_135 = arith.constant 0 : i32
          %dma_wait3A_136 = tpu.memref_slice %arg9[%dma_wait3A_134, %dma_wait3A_135] : memref<128x128xf32, #tpu.memory_space<vmem>> -> memref<104x128xf32, #tpu.memory_space<vmem>>
          tpu.wait_dma2 semaphore(%run_scoped3A_100 : memref<!tpu.dma_semaphore, #tpu.memory_space<semaphore_mem>>) src(%dma_wait3A_136 : memref<104x128xf32, #tpu.memory_space<vmem>>) dst(%dma_wait3A_133 : memref<104x128xf32, #tpu.memory_space<hbm>>)
          tpu.yield
        }) : () -> ()
      }
      %scan3A_95 = arith.constant 6 : i32
    } else {
    }
    %eq3A_85 = arith.constant 15 : i32
    %eq3A_86 = arith.cmpi eq, %arg1, %eq3A_85 : i32
    %convert_element_type3A_87 = arith.extui %eq3A_86 : i1 to i32
    %cond3A_88 = arith.constant 0 : i32
    %cond3A_89 = arith.cmpi ne, %convert_element_type3A_87, %cond3A_88 : i32
    scf.if %cond3A_89 {
      %scan3A_90 = arith.constant 0 : i32
      %scan3A_91 = arith.constant 0 : i32
      %scan3A_92 = arith.constant 5 : i32
      %scan3A_93 = arith.addi %scan3A_91, %scan3A_92 : i32
      %scan3A_94 = arith.constant 1 : i32
      scf.for %scan3A_96 = %scan3A_91 to %scan3A_93 step %scan3A_94  : i32 {
        %mul3A_97 = arith.constant 128 : i32
        %mul3A_98 = arith.muli %scan3A_96, %mul3A_97 : i32
        %add3A_99 = arith.addi %mul3A_79, %mul3A_98 : i32
        "tpu.region"() ({
          %run_scoped3A_100 = tpu.sem_alloc : memref<!tpu.dma_semaphore, #tpu.memory_space<semaphore_mem>>
          %dma_start3A_101 = arith.constant 0 : i32
          %dma_start3A_102 = arith.constant 0 : i32
          %dma_start3A_103 = tpu.memref_slice %arg9[%dma_start3A_101, %dma_start3A_102] : memref<128x128xf32, #tpu.memory_space<vmem>> -> memref<128x128xf32, #tpu.memory_space<vmem>>
          %dma_start3A_104 = arith.constant 0 : i32
          %dma_start3A_105 = tpu.memref_slice %arg11[%add3A_99, %dma_start3A_104] : memref<10128x128xf32, #tpu.memory_space<vmem_shared>> -> memref<128x128xf32, #tpu.memory_space<vmem_shared>>
          %dma_start3A_106 = arith.constant 0 : i32
          %dma_start3A_107 = arith.constant 0 : i32
          %dma_start3A_108 = tpu.memref_slice %arg9[%dma_start3A_106, %dma_start3A_107] : memref<128x128xf32, #tpu.memory_space<vmem>> -> memref<128x128xf32, #tpu.memory_space<vmem>>
          %dma_start3A_109 = arith.constant 0 : i32
          %dma_start3A_110 = tpu.memref_slice %arg11[%add3A_99, %dma_start3A_109] : memref<10128x128xf32, #tpu.memory_space<vmem_shared>> -> memref<128x128xf32, #tpu.memory_space<vmem_shared>>
          tpu.enqueue_dma source(%dma_start3A_110 : memref<128x128xf32, #tpu.memory_space<vmem_shared>>) target(%dma_start3A_108 : memref<128x128xf32, #tpu.memory_space<vmem>>) target_semaphore(%run_scoped3A_100 : memref<!tpu.dma_semaphore, #tpu.memory_space<semaphore_mem>>)
          %dma_wait3A_111 = arith.constant 0 : i32
          %dma_wait3A_112 = arith.constant 0 : i32
          %dma_wait3A_113 = tpu.memref_slice %arg9[%dma_wait3A_111, %dma_wait3A_112] : memref<128x128xf32, #tpu.memory_space<vmem>> -> memref<128x128xf32, #tpu.memory_space<vmem>>
          %dma_wait3A_114 = arith.constant 0 : i32
          %dma_wait3A_115 = tpu.memref_slice %arg11[%add3A_99, %dma_wait3A_114] : memref<10128x128xf32, #tpu.memory_space<vmem_shared>> -> memref<128x128xf32, #tpu.memory_space<vmem_shared>>
          %dma_wait3A_116 = arith.constant 0 : i32
          %dma_wait3A_117 = arith.constant 0 : i32
          %dma_wait3A_118 = tpu.memref_slice %arg9[%dma_wait3A_116, %dma_wait3A_117] : memref<128x128xf32, #tpu.memory_space<vmem>> -> memref<128x128xf32, #tpu.memory_space<vmem>>
          %dma_wait3A_119 = arith.constant 0 : i32
          %dma_wait3A_120 = tpu.memref_slice %arg11[%add3A_99, %dma_wait3A_119] : memref<10128x128xf32, #tpu.memory_space<vmem_shared>> -> memref<128x128xf32, #tpu.memory_space<vmem_shared>>
          tpu.wait_dma2 semaphore(%run_scoped3A_100 : memref<!tpu.dma_semaphore, #tpu.memory_space<semaphore_mem>>) src(%dma_wait3A_120 : memref<128x128xf32, #tpu.memory_space<vmem_shared>>) dst(%dma_wait3A_118 : memref<128x128xf32, #tpu.memory_space<vmem>>)
          tpu.yield
        }) : () -> ()
        "tpu.region"() ({
          %run_scoped3A_100 = tpu.sem_alloc : memref<!tpu.dma_semaphore, #tpu.memory_space<semaphore_mem>>
          %dma_start3A_101 = arith.constant 0 : i32
          %dma_start3A_102 = arith.constant 0 : i32
          %dma_start3A_103 = tpu.memref_slice %arg9[%dma_start3A_101, %dma_start3A_102] : memref<128x128xf32, #tpu.memory_space<vmem>> -> memref<128x128xf32, #tpu.memory_space<vmem>>
          %dma_start3A_104 = arith.constant 0 : i32
          %dma_start3A_105 = arith.constant 0 : i32
          %dma_start3A_106 = tpu.memref_slice %arg6[%arg0, %dma_start3A_104, %dma_start3A_105] : memref<2x10000x128xf32, #tpu.memory_space<hbm>> -> memref<1x10000x128xf32, #tpu.memory_space<hbm>>
          %dma_start3A_107 = tpu.memref_squeeze %dma_start3A_106 : memref<1x10000x128xf32, #tpu.memory_space<hbm>> -> memref<10000x128xf32, #tpu.memory_space<hbm>>
          %dma_start3A_108 = arith.constant 0 : i32
          %dma_start3A_109 = tpu.memref_slice %dma_start3A_107[%add3A_99, %dma_start3A_108] : memref<10000x128xf32, #tpu.memory_space<hbm>> -> memref<128x128xf32, #tpu.memory_space<hbm>>
          %dma_start3A_110 = arith.constant 0 : i32
          %dma_start3A_111 = arith.constant 0 : i32
          %dma_start3A_112 = tpu.memref_slice %arg6[%arg0, %dma_start3A_110, %dma_start3A_111] : memref<2x10000x128xf32, #tpu.memory_space<hbm>> -> memref<1x10000x128xf32, #tpu.memory_space<hbm>>
          %dma_start3A_113 = tpu.memref_squeeze %dma_start3A_112 : memref<1x10000x128xf32, #tpu.memory_space<hbm>> -> memref<10000x128xf32, #tpu.memory_space<hbm>>
          %dma_start3A_114 = arith.constant 0 : i32
          %dma_start3A_115 = tpu.memref_slice %dma_start3A_113[%add3A_99, %dma_start3A_114] : memref<10000x128xf32, #tpu.memory_space<hbm>> -> memref<128x128xf32, #tpu.memory_space<hbm>>
          %dma_start3A_116 = arith.constant 0 : i32
          %dma_start3A_117 = arith.constant 0 : i32
          %dma_start3A_118 = tpu.memref_slice %arg9[%dma_start3A_116, %dma_start3A_117] : memref<128x128xf32, #tpu.memory_space<vmem>> -> memref<128x128xf32, #tpu.memory_space<vmem>>
          tpu.enqueue_dma source(%dma_start3A_118 : memref<128x128xf32, #tpu.memory_space<vmem>>) target(%dma_start3A_115 : memref<128x128xf32, #tpu.memory_space<hbm>>) target_semaphore(%run_scoped3A_100 : memref<!tpu.dma_semaphore, #tpu.memory_space<semaphore_mem>>)
          %dma_wait3A_119 = arith.constant 0 : i32
          %dma_wait3A_120 = arith.constant 0 : i32
          %dma_wait3A_121 = tpu.memref_slice %arg9[%dma_wait3A_119, %dma_wait3A_120] : memref<128x128xf32, #tpu.memory_space<vmem>> -> memref<128x128xf32, #tpu.memory_space<vmem>>
          %dma_wait3A_122 = arith.constant 0 : i32
          %dma_wait3A_123 = arith.constant 0 : i32
          %dma_wait3A_124 = tpu.memref_slice %arg6[%arg0, %dma_wait3A_122, %dma_wait3A_123] : memref<2x10000x128xf32, #tpu.memory_space<hbm>> -> memref<1x10000x128xf32, #tpu.memory_space<hbm>>
          %dma_wait3A_125 = tpu.memref_squeeze %dma_wait3A_124 : memref<1x10000x128xf32, #tpu.memory_space<hbm>> -> memref<10000x128xf32, #tpu.memory_space<hbm>>
          %dma_wait3A_126 = arith.constant 0 : i32
          %dma_wait3A_127 = tpu.memref_slice %dma_wait3A_125[%add3A_99, %dma_wait3A_126] : memref<10000x128xf32, #tpu.memory_space<hbm>> -> memref<128x128xf32, #tpu.memory_space<hbm>>
          %dma_wait3A_128 = arith.constant 0 : i32
          %dma_wait3A_129 = arith.constant 0 : i32
          %dma_wait3A_130 = tpu.memref_slice %arg6[%arg0, %dma_wait3A_128, %dma_wait3A_129] : memref<2x10000x128xf32, #tpu.memory_space<hbm>> -> memref<1x10000x128xf32, #tpu.memory_space<hbm>>
          %dma_wait3A_131 = tpu.memref_squeeze %dma_wait3A_130 : memref<1x10000x128xf32, #tpu.memory_space<hbm>> -> memref<10000x128xf32, #tpu.memory_space<hbm>>
          %dma_wait3A_132 = arith.constant 0 : i32
          %dma_wait3A_133 = tpu.memref_slice %dma_wait3A_131[%add3A_99, %dma_wait3A_132] : memref<10000x128xf32, #tpu.memory_space<hbm>> -> memref<128x128xf32, #tpu.memory_space<hbm>>
          %dma_wait3A_134 = arith.constant 0 : i32
          %dma_wait3A_135 = arith.constant 0 : i32
          %dma_wait3A_136 = tpu.memref_slice %arg9[%dma_wait3A_134, %dma_wait3A_135] : memref<128x128xf32, #tpu.memory_space<vmem>> -> memref<128x128xf32, #tpu.memory_space<vmem>>
          tpu.wait_dma2 semaphore(%run_scoped3A_100 : memref<!tpu.dma_semaphore, #tpu.memory_space<semaphore_mem>>) src(%dma_wait3A_136 : memref<128x128xf32, #tpu.memory_space<vmem>>) dst(%dma_wait3A_133 : memref<128x128xf32, #tpu.memory_space<hbm>>)
          tpu.yield
        }) : () -> ()
      }
      %scan3A_95 = arith.constant 5 : i32
    } else {
    }
    return
  }
}

#map = affine_map<(d0, d1) -> (0, 0)>
#map1 = affine_map<(d0, d1) -> (0, 0, 0)>
module attributes {stable_mosaic.version = 14 : i64} {
  func.func @sage_agg(%arg0: i32, %arg1: i32, %arg2: memref<10000x128xf32, #tpu.memory_space<hbm>>, %arg3: memref<32x80x128xi32, #tpu.memory_space<hbm>>, %arg4: memref<32x80x128xi32, #tpu.memory_space<hbm>>, %arg5: memref<128x128xf32, #tpu.memory_space<hbm>>, %arg6: memref<2x10000x128xf32, #tpu.memory_space<hbm>>, %arg7: memref<40x128xi32, #tpu.memory_space<vmem>>, %arg8: memref<40x128xi32, #tpu.memory_space<vmem>>, %arg9: memref<128x128xf32, #tpu.memory_space<vmem>>, %arg10: memref<128x128xf32, #tpu.memory_space<vmem>>, %arg11: memref<10128x128xf32, #tpu.memory_space<vmem_shared>>, %arg12: memref<!tpu.dma_semaphore, #tpu.memory_space<semaphore_mem>>, %arg13: memref<!tpu.dma_semaphore, #tpu.memory_space<semaphore_mem>>) attributes {dimension_semantics = [#tpu.dimension_semantics<core_parallel>, #tpu.dimension_semantics<subcore_parallel>], iteration_bounds = array<i64: 2, 16>, scalar_prefetch = 0 : i64, scratch_operands = 7 : i64, tpu.core_type = #tpu.core_type<sc_vector_subcore>, window_params = [{transform_indices = #map}, {transform_indices = #map1}, {transform_indices = #map1}, {transform_indices = #map}, {transform_indices = #map1}]} {
    %mul3A = arith.constant 16 : i32
    %mul3A_0 = arith.muli %arg0, %mul3A : i32
    %add3A = arith.addi %mul3A_0, %arg1 : i32
    "tpu.region"() ({
      %run_scoped3A_90 = tpu.sem_alloc : memref<!tpu.dma_semaphore, #tpu.memory_space<semaphore_mem>>
      tpu.enqueue_dma source(%arg5 : memref<128x128xf32, #tpu.memory_space<hbm>>) target(%arg9 : memref<128x128xf32, #tpu.memory_space<vmem>>) target_semaphore(%run_scoped3A_90 : memref<!tpu.dma_semaphore, #tpu.memory_space<semaphore_mem>>)
      tpu.wait_dma2 semaphore(%run_scoped3A_90 : memref<!tpu.dma_semaphore, #tpu.memory_space<semaphore_mem>>) src(%arg5 : memref<128x128xf32, #tpu.memory_space<hbm>>) dst(%arg9 : memref<128x128xf32, #tpu.memory_space<vmem>>)
      tpu.yield
    }) : () -> ()
    %mul3A_1 = arith.constant 624 : i32
    %mul3A_2 = arith.muli %arg1, %mul3A_1 : i32
    %lt3A = arith.constant 15 : i32
    %lt3A_3 = arith.cmpi slt, %arg1, %lt3A : i32
    %convert_element_type3A = arith.extui %lt3A_3 : i1 to i32
    %cond3A = arith.constant 0 : i32
    %cond3A_4 = arith.cmpi ne, %convert_element_type3A, %cond3A : i32
    scf.if %cond3A_4 {
      %scan3A_90 = arith.constant 0 : i32
      %scan3A_91 = arith.constant 0 : i32
      %scan3A_92 = arith.constant 6 : i32
      %scan3A_93 = arith.addi %scan3A_91, %scan3A_92 : i32
      %scan3A_94 = arith.constant 1 : i32
      scf.for %scan3A_96 = %scan3A_91 to %scan3A_93 step %scan3A_94  : i32 {
        %mul3A_97 = arith.constant 104 : i32
        %mul3A_98 = arith.muli %scan3A_96, %mul3A_97 : i32
        %add3A_99 = arith.addi %mul3A_2, %mul3A_98 : i32
        "tpu.region"() ({
          %run_scoped3A_100 = tpu.sem_alloc : memref<!tpu.dma_semaphore, #tpu.memory_space<semaphore_mem>>
          %dma_start3A_101 = arith.constant 0 : i32
          %dma_start3A_102 = arith.constant 0 : i32
          %dma_start3A_103 = tpu.memref_slice %arg9[%dma_start3A_101, %dma_start3A_102] : memref<128x128xf32, #tpu.memory_space<vmem>> -> memref<104x128xf32, #tpu.memory_space<vmem>>
          %dma_start3A_104 = arith.constant 0 : i32
          %dma_start3A_105 = tpu.memref_slice %arg11[%add3A_99, %dma_start3A_104] : memref<10128x128xf32, #tpu.memory_space<vmem_shared>> -> memref<104x128xf32, #tpu.memory_space<vmem_shared>>
          %dma_start3A_106 = arith.constant 0 : i32
          %dma_start3A_107 = tpu.memref_slice %arg11[%add3A_99, %dma_start3A_106] : memref<10128x128xf32, #tpu.memory_space<vmem_shared>> -> memref<104x128xf32, #tpu.memory_space<vmem_shared>>
          %dma_start3A_108 = arith.constant 0 : i32
          %dma_start3A_109 = arith.constant 0 : i32
          %dma_start3A_110 = tpu.memref_slice %arg9[%dma_start3A_108, %dma_start3A_109] : memref<128x128xf32, #tpu.memory_space<vmem>> -> memref<104x128xf32, #tpu.memory_space<vmem>>
          tpu.enqueue_dma source(%dma_start3A_110 : memref<104x128xf32, #tpu.memory_space<vmem>>) target(%dma_start3A_107 : memref<104x128xf32, #tpu.memory_space<vmem_shared>>) target_semaphore(%run_scoped3A_100 : memref<!tpu.dma_semaphore, #tpu.memory_space<semaphore_mem>>)
          %dma_wait3A_111 = arith.constant 0 : i32
          %dma_wait3A_112 = arith.constant 0 : i32
          %dma_wait3A_113 = tpu.memref_slice %arg9[%dma_wait3A_111, %dma_wait3A_112] : memref<128x128xf32, #tpu.memory_space<vmem>> -> memref<104x128xf32, #tpu.memory_space<vmem>>
          %dma_wait3A_114 = arith.constant 0 : i32
          %dma_wait3A_115 = tpu.memref_slice %arg11[%add3A_99, %dma_wait3A_114] : memref<10128x128xf32, #tpu.memory_space<vmem_shared>> -> memref<104x128xf32, #tpu.memory_space<vmem_shared>>
          %dma_wait3A_116 = arith.constant 0 : i32
          %dma_wait3A_117 = tpu.memref_slice %arg11[%add3A_99, %dma_wait3A_116] : memref<10128x128xf32, #tpu.memory_space<vmem_shared>> -> memref<104x128xf32, #tpu.memory_space<vmem_shared>>
          %dma_wait3A_118 = arith.constant 0 : i32
          %dma_wait3A_119 = arith.constant 0 : i32
          %dma_wait3A_120 = tpu.memref_slice %arg9[%dma_wait3A_118, %dma_wait3A_119] : memref<128x128xf32, #tpu.memory_space<vmem>> -> memref<104x128xf32, #tpu.memory_space<vmem>>
          tpu.wait_dma2 semaphore(%run_scoped3A_100 : memref<!tpu.dma_semaphore, #tpu.memory_space<semaphore_mem>>) src(%dma_wait3A_120 : memref<104x128xf32, #tpu.memory_space<vmem>>) dst(%dma_wait3A_117 : memref<104x128xf32, #tpu.memory_space<vmem_shared>>)
          tpu.yield
        }) : () -> ()
      }
      %scan3A_95 = arith.constant 6 : i32
    } else {
    }
    %eq3A = arith.constant 15 : i32
    %eq3A_5 = arith.cmpi eq, %arg1, %eq3A : i32
    %convert_element_type3A_6 = arith.extui %eq3A_5 : i1 to i32
    %cond3A_7 = arith.constant 0 : i32
    %cond3A_8 = arith.cmpi ne, %convert_element_type3A_6, %cond3A_7 : i32
    scf.if %cond3A_8 {
      %scan3A_90 = arith.constant 0 : i32
      %scan3A_91 = arith.constant 0 : i32
      %scan3A_92 = arith.constant 5 : i32
      %scan3A_93 = arith.addi %scan3A_91, %scan3A_92 : i32
      %scan3A_94 = arith.constant 1 : i32
      scf.for %scan3A_96 = %scan3A_91 to %scan3A_93 step %scan3A_94  : i32 {
        %mul3A_97 = arith.constant 128 : i32
        %mul3A_98 = arith.muli %scan3A_96, %mul3A_97 : i32
        %add3A_99 = arith.addi %mul3A_2, %mul3A_98 : i32
        "tpu.region"() ({
          %run_scoped3A_100 = tpu.sem_alloc : memref<!tpu.dma_semaphore, #tpu.memory_space<semaphore_mem>>
          %dma_start3A_101 = arith.constant 0 : i32
          %dma_start3A_102 = arith.constant 0 : i32
          %dma_start3A_103 = tpu.memref_slice %arg9[%dma_start3A_101, %dma_start3A_102] : memref<128x128xf32, #tpu.memory_space<vmem>> -> memref<128x128xf32, #tpu.memory_space<vmem>>
          %dma_start3A_104 = arith.constant 0 : i32
          %dma_start3A_105 = tpu.memref_slice %arg11[%add3A_99, %dma_start3A_104] : memref<10128x128xf32, #tpu.memory_space<vmem_shared>> -> memref<128x128xf32, #tpu.memory_space<vmem_shared>>
          %dma_start3A_106 = arith.constant 0 : i32
          %dma_start3A_107 = tpu.memref_slice %arg11[%add3A_99, %dma_start3A_106] : memref<10128x128xf32, #tpu.memory_space<vmem_shared>> -> memref<128x128xf32, #tpu.memory_space<vmem_shared>>
          %dma_start3A_108 = arith.constant 0 : i32
          %dma_start3A_109 = arith.constant 0 : i32
          %dma_start3A_110 = tpu.memref_slice %arg9[%dma_start3A_108, %dma_start3A_109] : memref<128x128xf32, #tpu.memory_space<vmem>> -> memref<128x128xf32, #tpu.memory_space<vmem>>
          tpu.enqueue_dma source(%dma_start3A_110 : memref<128x128xf32, #tpu.memory_space<vmem>>) target(%dma_start3A_107 : memref<128x128xf32, #tpu.memory_space<vmem_shared>>) target_semaphore(%run_scoped3A_100 : memref<!tpu.dma_semaphore, #tpu.memory_space<semaphore_mem>>)
          %dma_wait3A_111 = arith.constant 0 : i32
          %dma_wait3A_112 = arith.constant 0 : i32
          %dma_wait3A_113 = tpu.memref_slice %arg9[%dma_wait3A_111, %dma_wait3A_112] : memref<128x128xf32, #tpu.memory_space<vmem>> -> memref<128x128xf32, #tpu.memory_space<vmem>>
          %dma_wait3A_114 = arith.constant 0 : i32
          %dma_wait3A_115 = tpu.memref_slice %arg11[%add3A_99, %dma_wait3A_114] : memref<10128x128xf32, #tpu.memory_space<vmem_shared>> -> memref<128x128xf32, #tpu.memory_space<vmem_shared>>
          %dma_wait3A_116 = arith.constant 0 : i32
          %dma_wait3A_117 = tpu.memref_slice %arg11[%add3A_99, %dma_wait3A_116] : memref<10128x128xf32, #tpu.memory_space<vmem_shared>> -> memref<128x128xf32, #tpu.memory_space<vmem_shared>>
          %dma_wait3A_118 = arith.constant 0 : i32
          %dma_wait3A_119 = arith.constant 0 : i32
          %dma_wait3A_120 = tpu.memref_slice %arg9[%dma_wait3A_118, %dma_wait3A_119] : memref<128x128xf32, #tpu.memory_space<vmem>> -> memref<128x128xf32, #tpu.memory_space<vmem>>
          tpu.wait_dma2 semaphore(%run_scoped3A_100 : memref<!tpu.dma_semaphore, #tpu.memory_space<semaphore_mem>>) src(%dma_wait3A_120 : memref<128x128xf32, #tpu.memory_space<vmem>>) dst(%dma_wait3A_117 : memref<128x128xf32, #tpu.memory_space<vmem_shared>>)
          tpu.yield
        }) : () -> ()
      }
      %scan3A_95 = arith.constant 5 : i32
    } else {
    }
    %barrier3A = arith.constant 0 : index
    tpu.barrier barrier_id(%barrier3A)
    "tpu.region"() ({
      %run_scoped3A_90 = tpu.sem_alloc : memref<!tpu.dma_semaphore, #tpu.memory_space<semaphore_mem>>
      %dma_start3A_91 = arith.constant 0 : i32
      %dma_start3A_92 = arith.constant 0 : i32
      %dma_start3A_93 = tpu.memref_slice %arg3[%add3A, %dma_start3A_91, %dma_start3A_92] : memref<32x80x128xi32, #tpu.memory_space<hbm>> -> memref<1x80x128xi32, #tpu.memory_space<hbm>>
      %dma_start3A_94 = tpu.memref_squeeze %dma_start3A_93 : memref<1x80x128xi32, #tpu.memory_space<hbm>> -> memref<80x128xi32, #tpu.memory_space<hbm>>
      %dma_start3A_95 = arith.constant 0 : i32
      %dma_start3A_96 = arith.constant 0 : i32
      %dma_start3A_97 = tpu.memref_slice %dma_start3A_94[%dma_start3A_95, %dma_start3A_96] : memref<80x128xi32, #tpu.memory_space<hbm>> -> memref<40x128xi32, #tpu.memory_space<hbm>>
      %dma_start3A_98 = arith.constant 0 : i32
      %dma_start3A_99 = arith.constant 0 : i32
      %dma_start3A_100 = tpu.memref_slice %arg3[%add3A, %dma_start3A_98, %dma_start3A_99] : memref<32x80x128xi32, #tpu.memory_space<hbm>> -> memref<1x80x128xi32, #tpu.memory_space<hbm>>
      %dma_start3A_101 = tpu.memref_squeeze %dma_start3A_100 : memref<1x80x128xi32, #tpu.memory_space<hbm>> -> memref<80x128xi32, #tpu.memory_space<hbm>>
      %dma_start3A_102 = arith.constant 0 : i32
      %dma_start3A_103 = arith.constant 0 : i32
      %dma_start3A_104 = tpu.memref_slice %dma_start3A_101[%dma_start3A_102, %dma_start3A_103] : memref<80x128xi32, #tpu.memory_space<hbm>> -> memref<40x128xi32, #tpu.memory_space<hbm>>
      tpu.enqueue_dma source(%dma_start3A_104 : memref<40x128xi32, #tpu.memory_space<hbm>>) target(%arg7 : memref<40x128xi32, #tpu.memory_space<vmem>>) target_semaphore(%run_scoped3A_90 : memref<!tpu.dma_semaphore, #tpu.memory_space<semaphore_mem>>)
      %dma_wait3A_105 = arith.constant 0 : i32
      %dma_wait3A_106 = arith.constant 0 : i32
      %dma_wait3A_107 = tpu.memref_slice %arg3[%add3A, %dma_wait3A_105, %dma_wait3A_106] : memref<32x80x128xi32, #tpu.memory_space<hbm>> -> memref<1x80x128xi32, #tpu.memory_space<hbm>>
      %dma_wait3A_108 = tpu.memref_squeeze %dma_wait3A_107 : memref<1x80x128xi32, #tpu.memory_space<hbm>> -> memref<80x128xi32, #tpu.memory_space<hbm>>
      %dma_wait3A_109 = arith.constant 0 : i32
      %dma_wait3A_110 = arith.constant 0 : i32
      %dma_wait3A_111 = tpu.memref_slice %dma_wait3A_108[%dma_wait3A_109, %dma_wait3A_110] : memref<80x128xi32, #tpu.memory_space<hbm>> -> memref<40x128xi32, #tpu.memory_space<hbm>>
      %dma_wait3A_112 = arith.constant 0 : i32
      %dma_wait3A_113 = arith.constant 0 : i32
      %dma_wait3A_114 = tpu.memref_slice %arg3[%add3A, %dma_wait3A_112, %dma_wait3A_113] : memref<32x80x128xi32, #tpu.memory_space<hbm>> -> memref<1x80x128xi32, #tpu.memory_space<hbm>>
      %dma_wait3A_115 = tpu.memref_squeeze %dma_wait3A_114 : memref<1x80x128xi32, #tpu.memory_space<hbm>> -> memref<80x128xi32, #tpu.memory_space<hbm>>
      %dma_wait3A_116 = arith.constant 0 : i32
      %dma_wait3A_117 = arith.constant 0 : i32
      %dma_wait3A_118 = tpu.memref_slice %dma_wait3A_115[%dma_wait3A_116, %dma_wait3A_117] : memref<80x128xi32, #tpu.memory_space<hbm>> -> memref<40x128xi32, #tpu.memory_space<hbm>>
      tpu.wait_dma2 semaphore(%run_scoped3A_90 : memref<!tpu.dma_semaphore, #tpu.memory_space<semaphore_mem>>) src(%dma_wait3A_118 : memref<40x128xi32, #tpu.memory_space<hbm>>) dst(%arg7 : memref<40x128xi32, #tpu.memory_space<vmem>>)
      tpu.yield
    }) : () -> ()
    "tpu.region"() ({
      %run_scoped3A_90 = tpu.sem_alloc : memref<!tpu.dma_semaphore, #tpu.memory_space<semaphore_mem>>
      %dma_start3A_91 = arith.constant 0 : i32
      %dma_start3A_92 = arith.constant 0 : i32
      %dma_start3A_93 = tpu.memref_slice %arg4[%add3A, %dma_start3A_91, %dma_start3A_92] : memref<32x80x128xi32, #tpu.memory_space<hbm>> -> memref<1x80x128xi32, #tpu.memory_space<hbm>>
      %dma_start3A_94 = tpu.memref_squeeze %dma_start3A_93 : memref<1x80x128xi32, #tpu.memory_space<hbm>> -> memref<80x128xi32, #tpu.memory_space<hbm>>
      %dma_start3A_95 = arith.constant 0 : i32
      %dma_start3A_96 = arith.constant 0 : i32
      %dma_start3A_97 = tpu.memref_slice %dma_start3A_94[%dma_start3A_95, %dma_start3A_96] : memref<80x128xi32, #tpu.memory_space<hbm>> -> memref<40x128xi32, #tpu.memory_space<hbm>>
      %dma_start3A_98 = arith.constant 0 : i32
      %dma_start3A_99 = arith.constant 0 : i32
      %dma_start3A_100 = tpu.memref_slice %arg4[%add3A, %dma_start3A_98, %dma_start3A_99] : memref<32x80x128xi32, #tpu.memory_space<hbm>> -> memref<1x80x128xi32, #tpu.memory_space<hbm>>
      %dma_start3A_101 = tpu.memref_squeeze %dma_start3A_100 : memref<1x80x128xi32, #tpu.memory_space<hbm>> -> memref<80x128xi32, #tpu.memory_space<hbm>>
      %dma_start3A_102 = arith.constant 0 : i32
      %dma_start3A_103 = arith.constant 0 : i32
      %dma_start3A_104 = tpu.memref_slice %dma_start3A_101[%dma_start3A_102, %dma_start3A_103] : memref<80x128xi32, #tpu.memory_space<hbm>> -> memref<40x128xi32, #tpu.memory_space<hbm>>
      tpu.enqueue_dma source(%dma_start3A_104 : memref<40x128xi32, #tpu.memory_space<hbm>>) target(%arg8 : memref<40x128xi32, #tpu.memory_space<vmem>>) target_semaphore(%run_scoped3A_90 : memref<!tpu.dma_semaphore, #tpu.memory_space<semaphore_mem>>)
      %dma_wait3A_105 = arith.constant 0 : i32
      %dma_wait3A_106 = arith.constant 0 : i32
      %dma_wait3A_107 = tpu.memref_slice %arg4[%add3A, %dma_wait3A_105, %dma_wait3A_106] : memref<32x80x128xi32, #tpu.memory_space<hbm>> -> memref<1x80x128xi32, #tpu.memory_space<hbm>>
      %dma_wait3A_108 = tpu.memref_squeeze %dma_wait3A_107 : memref<1x80x128xi32, #tpu.memory_space<hbm>> -> memref<80x128xi32, #tpu.memory_space<hbm>>
      %dma_wait3A_109 = arith.constant 0 : i32
      %dma_wait3A_110 = arith.constant 0 : i32
      %dma_wait3A_111 = tpu.memref_slice %dma_wait3A_108[%dma_wait3A_109, %dma_wait3A_110] : memref<80x128xi32, #tpu.memory_space<hbm>> -> memref<40x128xi32, #tpu.memory_space<hbm>>
      %dma_wait3A_112 = arith.constant 0 : i32
      %dma_wait3A_113 = arith.constant 0 : i32
      %dma_wait3A_114 = tpu.memref_slice %arg4[%add3A, %dma_wait3A_112, %dma_wait3A_113] : memref<32x80x128xi32, #tpu.memory_space<hbm>> -> memref<1x80x128xi32, #tpu.memory_space<hbm>>
      %dma_wait3A_115 = tpu.memref_squeeze %dma_wait3A_114 : memref<1x80x128xi32, #tpu.memory_space<hbm>> -> memref<80x128xi32, #tpu.memory_space<hbm>>
      %dma_wait3A_116 = arith.constant 0 : i32
      %dma_wait3A_117 = arith.constant 0 : i32
      %dma_wait3A_118 = tpu.memref_slice %dma_wait3A_115[%dma_wait3A_116, %dma_wait3A_117] : memref<80x128xi32, #tpu.memory_space<hbm>> -> memref<40x128xi32, #tpu.memory_space<hbm>>
      tpu.wait_dma2 semaphore(%run_scoped3A_90 : memref<!tpu.dma_semaphore, #tpu.memory_space<semaphore_mem>>) src(%dma_wait3A_118 : memref<40x128xi32, #tpu.memory_space<hbm>>) dst(%arg8 : memref<40x128xi32, #tpu.memory_space<vmem>>)
      tpu.yield
    }) : () -> ()
    %dma_start3A = arith.constant 0 : i32
    %dma_start3A_9 = arith.constant 0 : i32
    %dma_start3A_10 = tpu.memref_slice %arg7[%dma_start3A, %dma_start3A_9] : memref<40x128xi32, #tpu.memory_space<vmem>> -> memref<1x128xi32, #tpu.memory_space<vmem>>
    %dma_start3A_11 = tpu.memref_squeeze %dma_start3A_10 : memref<1x128xi32, #tpu.memory_space<vmem>> -> memref<128xi32, #tpu.memory_space<vmem>>
    %dma_start3A_12 = arith.constant 0 : i32
    %dma_start3A_13 = arith.constant 0 : i32
    %dma_start3A_14 = tpu.memref_slice %arg2[%dma_start3A_12, %dma_start3A_13] : memref<10000x128xf32, #tpu.memory_space<hbm>> -> memref<10000x128xf32, #tpu.memory_space<hbm>>
    tpu.enqueue_indirect_dma source(%dma_start3A_14 : memref<10000x128xf32, #tpu.memory_space<hbm>>) target(%arg9 : memref<128x128xf32, #tpu.memory_space<vmem>>) offsets(%dma_start3A_11 : memref<128xi32, #tpu.memory_space<vmem>>) semaphore(%arg12 : memref<!tpu.dma_semaphore, #tpu.memory_space<semaphore_mem>>)
    %scan3A = arith.constant 0 : i32
    %scan3A_15 = arith.constant 0 : i32
    %scan3A_16 = arith.constant 19 : i32
    %scan3A_17 = arith.addi %scan3A_15, %scan3A_16 : i32
    %scan3A_18 = arith.constant 1 : i32
    scf.for %scan3A_90 = %scan3A_15 to %scan3A_17 step %scan3A_18  : i32 {
      %mul3A_91 = arith.constant 2 : i32
      %mul3A_92 = arith.muli %mul3A_91, %scan3A_90 : i32
      %add3A_93 = arith.constant 1 : i32
      %add3A_94 = arith.addi %mul3A_92, %add3A_93 : i32
      %dma_start3A_95 = arith.constant 0 : i32
      %dma_start3A_96 = tpu.memref_slice %arg7[%add3A_94, %dma_start3A_95] : memref<40x128xi32, #tpu.memory_space<vmem>> -> memref<1x128xi32, #tpu.memory_space<vmem>>
      %dma_start3A_97 = tpu.memref_squeeze %dma_start3A_96 : memref<1x128xi32, #tpu.memory_space<vmem>> -> memref<128xi32, #tpu.memory_space<vmem>>
      %dma_start3A_98 = arith.constant 0 : i32
      %dma_start3A_99 = arith.constant 0 : i32
      %dma_start3A_100 = tpu.memref_slice %arg2[%dma_start3A_98, %dma_start3A_99] : memref<10000x128xf32, #tpu.memory_space<hbm>> -> memref<10000x128xf32, #tpu.memory_space<hbm>>
      tpu.enqueue_indirect_dma source(%dma_start3A_100 : memref<10000x128xf32, #tpu.memory_space<hbm>>) target(%arg10 : memref<128x128xf32, #tpu.memory_space<vmem>>) offsets(%dma_start3A_97 : memref<128xi32, #tpu.memory_space<vmem>>) semaphore(%arg13 : memref<!tpu.dma_semaphore, #tpu.memory_space<semaphore_mem>>)
      %dma_wait3A_101 = arith.constant 0 : i32
      %dma_wait3A_102 = tpu.memref_slice %arg7[%mul3A_92, %dma_wait3A_101] : memref<40x128xi32, #tpu.memory_space<vmem>> -> memref<1x128xi32, #tpu.memory_space<vmem>>
      %dma_wait3A_103 = tpu.memref_squeeze %dma_wait3A_102 : memref<1x128xi32, #tpu.memory_space<vmem>> -> memref<128xi32, #tpu.memory_space<vmem>>
      %dma_wait3A_104 = arith.constant 0 : i32
      %dma_wait3A_105 = arith.constant 0 : i32
      %dma_wait3A_106 = tpu.memref_slice %arg2[%dma_wait3A_104, %dma_wait3A_105] : memref<10000x128xf32, #tpu.memory_space<hbm>> -> memref<10000x128xf32, #tpu.memory_space<hbm>>
      tpu.wait_indirect_dma semaphore(%arg12 : memref<!tpu.dma_semaphore, #tpu.memory_space<semaphore_mem>>) src(%dma_wait3A_106 : memref<10000x128xf32, #tpu.memory_space<hbm>>) dst(%arg9 : memref<128x128xf32, #tpu.memory_space<vmem>>)
      "tpu.region"() ({
        %run_scoped3A_125 = tpu.sem_alloc : memref<!tpu.dma_semaphore, #tpu.memory_space<semaphore_mem>>
        %dma_start3A_126 = arith.constant 0 : i32
        %dma_start3A_127 = tpu.memref_slice %arg8[%mul3A_92, %dma_start3A_126] : memref<40x128xi32, #tpu.memory_space<vmem>> -> memref<1x128xi32, #tpu.memory_space<vmem>>
        %dma_start3A_128 = tpu.memref_squeeze %dma_start3A_127 : memref<1x128xi32, #tpu.memory_space<vmem>> -> memref<128xi32, #tpu.memory_space<vmem>>
        %dma_start3A_129 = arith.constant 0 : i32
        %dma_start3A_130 = arith.constant 0 : i32
        %dma_start3A_131 = tpu.memref_slice %arg11[%dma_start3A_129, %dma_start3A_130] : memref<10128x128xf32, #tpu.memory_space<vmem_shared>> -> memref<10128x128xf32, #tpu.memory_space<vmem_shared>>
        tpu.enqueue_indirect_dma source(%arg9 : memref<128x128xf32, #tpu.memory_space<vmem>>) target(%dma_start3A_131 : memref<10128x128xf32, #tpu.memory_space<vmem_shared>>) offsets(%dma_start3A_128 : memref<128xi32, #tpu.memory_space<vmem>>) semaphore(%run_scoped3A_125 : memref<!tpu.dma_semaphore, #tpu.memory_space<semaphore_mem>>) {add = true}
        %dma_wait3A_132 = arith.constant 0 : i32
        %dma_wait3A_133 = tpu.memref_slice %arg8[%mul3A_92, %dma_wait3A_132] : memref<40x128xi32, #tpu.memory_space<vmem>> -> memref<1x128xi32, #tpu.memory_space<vmem>>
        %dma_wait3A_134 = tpu.memref_squeeze %dma_wait3A_133 : memref<1x128xi32, #tpu.memory_space<vmem>> -> memref<128xi32, #tpu.memory_space<vmem>>
        %dma_wait3A_135 = arith.constant 0 : i32
        %dma_wait3A_136 = arith.constant 0 : i32
        %dma_wait3A_137 = tpu.memref_slice %arg11[%dma_wait3A_135, %dma_wait3A_136] : memref<10128x128xf32, #tpu.memory_space<vmem_shared>> -> memref<10128x128xf32, #tpu.memory_space<vmem_shared>>
        tpu.wait_indirect_dma semaphore(%run_scoped3A_125 : memref<!tpu.dma_semaphore, #tpu.memory_space<semaphore_mem>>) src(%arg9 : memref<128x128xf32, #tpu.memory_space<vmem>>) dst(%dma_wait3A_137 : memref<10128x128xf32, #tpu.memory_space<vmem_shared>>)
        tpu.yield
      }) : () -> ()
      %add3A_107 = arith.constant 2 : i32
      %add3A_108 = arith.addi %mul3A_92, %add3A_107 : i32
      %dma_start3A_109 = arith.constant 0 : i32
      %dma_start3A_110 = tpu.memref_slice %arg7[%add3A_108, %dma_start3A_109] : memref<40x128xi32, #tpu.memory_space<vmem>> -> memref<1x128xi32, #tpu.memory_space<vmem>>
      %dma_start3A_111 = tpu.memref_squeeze %dma_start3A_110 : memref<1x128xi32, #tpu.memory_space<vmem>> -> memref<128xi32, #tpu.memory_space<vmem>>
      %dma_start3A_112 = arith.constant 0 : i32
      %dma_start3A_113 = arith.constant 0 : i32
      %dma_start3A_114 = tpu.memref_slice %arg2[%dma_start3A_112, %dma_start3A_113] : memref<10000x128xf32, #tpu.memory_space<hbm>> -> memref<10000x128xf32, #tpu.memory_space<hbm>>
      tpu.enqueue_indirect_dma source(%dma_start3A_114 : memref<10000x128xf32, #tpu.memory_space<hbm>>) target(%arg9 : memref<128x128xf32, #tpu.memory_space<vmem>>) offsets(%dma_start3A_111 : memref<128xi32, #tpu.memory_space<vmem>>) semaphore(%arg12 : memref<!tpu.dma_semaphore, #tpu.memory_space<semaphore_mem>>)
      %add3A_115 = arith.constant 1 : i32
      %add3A_116 = arith.addi %mul3A_92, %add3A_115 : i32
      %dma_wait3A_117 = arith.constant 0 : i32
      %dma_wait3A_118 = tpu.memref_slice %arg7[%add3A_116, %dma_wait3A_117] : memref<40x128xi32, #tpu.memory_space<vmem>> -> memref<1x128xi32, #tpu.memory_space<vmem>>
      %dma_wait3A_119 = tpu.memref_squeeze %dma_wait3A_118 : memref<1x128xi32, #tpu.memory_space<vmem>> -> memref<128xi32, #tpu.memory_space<vmem>>
      %dma_wait3A_120 = arith.constant 0 : i32
      %dma_wait3A_121 = arith.constant 0 : i32
      %dma_wait3A_122 = tpu.memref_slice %arg2[%dma_wait3A_120, %dma_wait3A_121] : memref<10000x128xf32, #tpu.memory_space<hbm>> -> memref<10000x128xf32, #tpu.memory_space<hbm>>
      tpu.wait_indirect_dma semaphore(%arg13 : memref<!tpu.dma_semaphore, #tpu.memory_space<semaphore_mem>>) src(%dma_wait3A_122 : memref<10000x128xf32, #tpu.memory_space<hbm>>) dst(%arg10 : memref<128x128xf32, #tpu.memory_space<vmem>>)
      %add3A_123 = arith.constant 1 : i32
      %add3A_124 = arith.addi %mul3A_92, %add3A_123 : i32
      "tpu.region"() ({
        %run_scoped3A_125 = tpu.sem_alloc : memref<!tpu.dma_semaphore, #tpu.memory_space<semaphore_mem>>
        %dma_start3A_126 = arith.constant 0 : i32
        %dma_start3A_127 = tpu.memref_slice %arg8[%add3A_124, %dma_start3A_126] : memref<40x128xi32, #tpu.memory_space<vmem>> -> memref<1x128xi32, #tpu.memory_space<vmem>>
        %dma_start3A_128 = tpu.memref_squeeze %dma_start3A_127 : memref<1x128xi32, #tpu.memory_space<vmem>> -> memref<128xi32, #tpu.memory_space<vmem>>
        %dma_start3A_129 = arith.constant 0 : i32
        %dma_start3A_130 = arith.constant 0 : i32
        %dma_start3A_131 = tpu.memref_slice %arg11[%dma_start3A_129, %dma_start3A_130] : memref<10128x128xf32, #tpu.memory_space<vmem_shared>> -> memref<10128x128xf32, #tpu.memory_space<vmem_shared>>
        tpu.enqueue_indirect_dma source(%arg10 : memref<128x128xf32, #tpu.memory_space<vmem>>) target(%dma_start3A_131 : memref<10128x128xf32, #tpu.memory_space<vmem_shared>>) offsets(%dma_start3A_128 : memref<128xi32, #tpu.memory_space<vmem>>) semaphore(%run_scoped3A_125 : memref<!tpu.dma_semaphore, #tpu.memory_space<semaphore_mem>>) {add = true}
        %dma_wait3A_132 = arith.constant 0 : i32
        %dma_wait3A_133 = tpu.memref_slice %arg8[%add3A_124, %dma_wait3A_132] : memref<40x128xi32, #tpu.memory_space<vmem>> -> memref<1x128xi32, #tpu.memory_space<vmem>>
        %dma_wait3A_134 = tpu.memref_squeeze %dma_wait3A_133 : memref<1x128xi32, #tpu.memory_space<vmem>> -> memref<128xi32, #tpu.memory_space<vmem>>
        %dma_wait3A_135 = arith.constant 0 : i32
        %dma_wait3A_136 = arith.constant 0 : i32
        %dma_wait3A_137 = tpu.memref_slice %arg11[%dma_wait3A_135, %dma_wait3A_136] : memref<10128x128xf32, #tpu.memory_space<vmem_shared>> -> memref<10128x128xf32, #tpu.memory_space<vmem_shared>>
        tpu.wait_indirect_dma semaphore(%run_scoped3A_125 : memref<!tpu.dma_semaphore, #tpu.memory_space<semaphore_mem>>) src(%arg10 : memref<128x128xf32, #tpu.memory_space<vmem>>) dst(%dma_wait3A_137 : memref<10128x128xf32, #tpu.memory_space<vmem_shared>>)
        tpu.yield
      }) : () -> ()
    }
    %scan3A_19 = arith.constant 19 : i32
    %dma_start3A_20 = arith.constant 39 : i32
    %dma_start3A_21 = arith.constant 0 : i32
    %dma_start3A_22 = tpu.memref_slice %arg7[%dma_start3A_20, %dma_start3A_21] : memref<40x128xi32, #tpu.memory_space<vmem>> -> memref<1x128xi32, #tpu.memory_space<vmem>>
    %dma_start3A_23 = tpu.memref_squeeze %dma_start3A_22 : memref<1x128xi32, #tpu.memory_space<vmem>> -> memref<128xi32, #tpu.memory_space<vmem>>
    %dma_start3A_24 = arith.constant 0 : i32
    %dma_start3A_25 = arith.constant 0 : i32
    %dma_start3A_26 = tpu.memref_slice %arg2[%dma_start3A_24, %dma_start3A_25] : memref<10000x128xf32, #tpu.memory_space<hbm>> -> memref<10000x128xf32, #tpu.memory_space<hbm>>
    tpu.enqueue_indirect_dma source(%dma_start3A_26 : memref<10000x128xf32, #tpu.memory_space<hbm>>) target(%arg10 : memref<128x128xf32, #tpu.memory_space<vmem>>) offsets(%dma_start3A_23 : memref<128xi32, #tpu.memory_space<vmem>>) semaphore(%arg13 : memref<!tpu.dma_semaphore, #tpu.memory_space<semaphore_mem>>)
    %dma_wait3A = arith.constant 38 : i32
    %dma_wait3A_27 = arith.constant 0 : i32
    %dma_wait3A_28 = tpu.memref_slice %arg7[%dma_wait3A, %dma_wait3A_27] : memref<40x128xi32, #tpu.memory_space<vmem>> -> memref<1x128xi32, #tpu.memory_space<vmem>>
    %dma_wait3A_29 = tpu.memref_squeeze %dma_wait3A_28 : memref<1x128xi32, #tpu.memory_space<vmem>> -> memref<128xi32, #tpu.memory_space<vmem>>
    %dma_wait3A_30 = arith.constant 0 : i32
    %dma_wait3A_31 = arith.constant 0 : i32
    %dma_wait3A_32 = tpu.memref_slice %arg2[%dma_wait3A_30, %dma_wait3A_31] : memref<10000x128xf32, #tpu.memory_space<hbm>> -> memref<10000x128xf32, #tpu.memory_space<hbm>>
    tpu.wait_indirect_dma semaphore(%arg12 : memref<!tpu.dma_semaphore, #tpu.memory_space<semaphore_mem>>) src(%dma_wait3A_32 : memref<10000x128xf32, #tpu.memory_space<hbm>>) dst(%arg9 : memref<128x128xf32, #tpu.memory_space<vmem>>)
    %run_scoped3A = arith.constant 38 : i32
    "tpu.region"() ({
      %run_scoped3A_90 = tpu.sem_alloc : memref<!tpu.dma_semaphore, #tpu.memory_space<semaphore_mem>>
      %dma_start3A_91 = arith.constant 0 : i32
      %dma_start3A_92 = tpu.memref_slice %arg8[%run_scoped3A, %dma_start3A_91] : memref<40x128xi32, #tpu.memory_space<vmem>> -> memref<1x128xi32, #tpu.memory_space<vmem>>
      %dma_start3A_93 = tpu.memref_squeeze %dma_start3A_92 : memref<1x128xi32, #tpu.memory_space<vmem>> -> memref<128xi32, #tpu.memory_space<vmem>>
      %dma_start3A_94 = arith.constant 0 : i32
      %dma_start3A_95 = arith.constant 0 : i32
      %dma_start3A_96 = tpu.memref_slice %arg11[%dma_start3A_94, %dma_start3A_95] : memref<10128x128xf32, #tpu.memory_space<vmem_shared>> -> memref<10128x128xf32, #tpu.memory_space<vmem_shared>>
      tpu.enqueue_indirect_dma source(%arg9 : memref<128x128xf32, #tpu.memory_space<vmem>>) target(%dma_start3A_96 : memref<10128x128xf32, #tpu.memory_space<vmem_shared>>) offsets(%dma_start3A_93 : memref<128xi32, #tpu.memory_space<vmem>>) semaphore(%run_scoped3A_90 : memref<!tpu.dma_semaphore, #tpu.memory_space<semaphore_mem>>) {add = true}
      %dma_wait3A_97 = arith.constant 0 : i32
      %dma_wait3A_98 = tpu.memref_slice %arg8[%run_scoped3A, %dma_wait3A_97] : memref<40x128xi32, #tpu.memory_space<vmem>> -> memref<1x128xi32, #tpu.memory_space<vmem>>
      %dma_wait3A_99 = tpu.memref_squeeze %dma_wait3A_98 : memref<1x128xi32, #tpu.memory_space<vmem>> -> memref<128xi32, #tpu.memory_space<vmem>>
      %dma_wait3A_100 = arith.constant 0 : i32
      %dma_wait3A_101 = arith.constant 0 : i32
      %dma_wait3A_102 = tpu.memref_slice %arg11[%dma_wait3A_100, %dma_wait3A_101] : memref<10128x128xf32, #tpu.memory_space<vmem_shared>> -> memref<10128x128xf32, #tpu.memory_space<vmem_shared>>
      tpu.wait_indirect_dma semaphore(%run_scoped3A_90 : memref<!tpu.dma_semaphore, #tpu.memory_space<semaphore_mem>>) src(%arg9 : memref<128x128xf32, #tpu.memory_space<vmem>>) dst(%dma_wait3A_102 : memref<10128x128xf32, #tpu.memory_space<vmem_shared>>)
      tpu.yield
    }) : () -> ()
    %dma_wait3A_33 = arith.constant 39 : i32
    %dma_wait3A_34 = arith.constant 0 : i32
    %dma_wait3A_35 = tpu.memref_slice %arg7[%dma_wait3A_33, %dma_wait3A_34] : memref<40x128xi32, #tpu.memory_space<vmem>> -> memref<1x128xi32, #tpu.memory_space<vmem>>
    %dma_wait3A_36 = tpu.memref_squeeze %dma_wait3A_35 : memref<1x128xi32, #tpu.memory_space<vmem>> -> memref<128xi32, #tpu.memory_space<vmem>>
    %dma_wait3A_37 = arith.constant 0 : i32
    %dma_wait3A_38 = arith.constant 0 : i32
    %dma_wait3A_39 = tpu.memref_slice %arg2[%dma_wait3A_37, %dma_wait3A_38] : memref<10000x128xf32, #tpu.memory_space<hbm>> -> memref<10000x128xf32, #tpu.memory_space<hbm>>
    tpu.wait_indirect_dma semaphore(%arg13 : memref<!tpu.dma_semaphore, #tpu.memory_space<semaphore_mem>>) src(%dma_wait3A_39 : memref<10000x128xf32, #tpu.memory_space<hbm>>) dst(%arg10 : memref<128x128xf32, #tpu.memory_space<vmem>>)
    %run_scoped3A_40 = arith.constant 39 : i32
    "tpu.region"() ({
      %run_scoped3A_90 = tpu.sem_alloc : memref<!tpu.dma_semaphore, #tpu.memory_space<semaphore_mem>>
      %dma_start3A_91 = arith.constant 0 : i32
      %dma_start3A_92 = tpu.memref_slice %arg8[%run_scoped3A_40, %dma_start3A_91] : memref<40x128xi32, #tpu.memory_space<vmem>> -> memref<1x128xi32, #tpu.memory_space<vmem>>
      %dma_start3A_93 = tpu.memref_squeeze %dma_start3A_92 : memref<1x128xi32, #tpu.memory_space<vmem>> -> memref<128xi32, #tpu.memory_space<vmem>>
      %dma_start3A_94 = arith.constant 0 : i32
      %dma_start3A_95 = arith.constant 0 : i32
      %dma_start3A_96 = tpu.memref_slice %arg11[%dma_start3A_94, %dma_start3A_95] : memref<10128x128xf32, #tpu.memory_space<vmem_shared>> -> memref<10128x128xf32, #tpu.memory_space<vmem_shared>>
      tpu.enqueue_indirect_dma source(%arg10 : memref<128x128xf32, #tpu.memory_space<vmem>>) target(%dma_start3A_96 : memref<10128x128xf32, #tpu.memory_space<vmem_shared>>) offsets(%dma_start3A_93 : memref<128xi32, #tpu.memory_space<vmem>>) semaphore(%run_scoped3A_90 : memref<!tpu.dma_semaphore, #tpu.memory_space<semaphore_mem>>) {add = true}
      %dma_wait3A_97 = arith.constant 0 : i32
      %dma_wait3A_98 = tpu.memref_slice %arg8[%run_scoped3A_40, %dma_wait3A_97] : memref<40x128xi32, #tpu.memory_space<vmem>> -> memref<1x128xi32, #tpu.memory_space<vmem>>
      %dma_wait3A_99 = tpu.memref_squeeze %dma_wait3A_98 : memref<1x128xi32, #tpu.memory_space<vmem>> -> memref<128xi32, #tpu.memory_space<vmem>>
      %dma_wait3A_100 = arith.constant 0 : i32
      %dma_wait3A_101 = arith.constant 0 : i32
      %dma_wait3A_102 = tpu.memref_slice %arg11[%dma_wait3A_100, %dma_wait3A_101] : memref<10128x128xf32, #tpu.memory_space<vmem_shared>> -> memref<10128x128xf32, #tpu.memory_space<vmem_shared>>
      tpu.wait_indirect_dma semaphore(%run_scoped3A_90 : memref<!tpu.dma_semaphore, #tpu.memory_space<semaphore_mem>>) src(%arg10 : memref<128x128xf32, #tpu.memory_space<vmem>>) dst(%dma_wait3A_102 : memref<10128x128xf32, #tpu.memory_space<vmem_shared>>)
      tpu.yield
    }) : () -> ()
    "tpu.region"() ({
      %run_scoped3A_90 = tpu.sem_alloc : memref<!tpu.dma_semaphore, #tpu.memory_space<semaphore_mem>>
      %dma_start3A_91 = arith.constant 0 : i32
      %dma_start3A_92 = arith.constant 0 : i32
      %dma_start3A_93 = tpu.memref_slice %arg3[%add3A, %dma_start3A_91, %dma_start3A_92] : memref<32x80x128xi32, #tpu.memory_space<hbm>> -> memref<1x80x128xi32, #tpu.memory_space<hbm>>
      %dma_start3A_94 = tpu.memref_squeeze %dma_start3A_93 : memref<1x80x128xi32, #tpu.memory_space<hbm>> -> memref<80x128xi32, #tpu.memory_space<hbm>>
      %dma_start3A_95 = arith.constant 40 : i32
      %dma_start3A_96 = arith.constant 0 : i32
      %dma_start3A_97 = tpu.memref_slice %dma_start3A_94[%dma_start3A_95, %dma_start3A_96] : memref<80x128xi32, #tpu.memory_space<hbm>> -> memref<40x128xi32, #tpu.memory_space<hbm>>
      %dma_start3A_98 = arith.constant 0 : i32
      %dma_start3A_99 = arith.constant 0 : i32
      %dma_start3A_100 = tpu.memref_slice %arg3[%add3A, %dma_start3A_98, %dma_start3A_99] : memref<32x80x128xi32, #tpu.memory_space<hbm>> -> memref<1x80x128xi32, #tpu.memory_space<hbm>>
      %dma_start3A_101 = tpu.memref_squeeze %dma_start3A_100 : memref<1x80x128xi32, #tpu.memory_space<hbm>> -> memref<80x128xi32, #tpu.memory_space<hbm>>
      %dma_start3A_102 = arith.constant 40 : i32
      %dma_start3A_103 = arith.constant 0 : i32
      %dma_start3A_104 = tpu.memref_slice %dma_start3A_101[%dma_start3A_102, %dma_start3A_103] : memref<80x128xi32, #tpu.memory_space<hbm>> -> memref<40x128xi32, #tpu.memory_space<hbm>>
      tpu.enqueue_dma source(%dma_start3A_104 : memref<40x128xi32, #tpu.memory_space<hbm>>) target(%arg7 : memref<40x128xi32, #tpu.memory_space<vmem>>) target_semaphore(%run_scoped3A_90 : memref<!tpu.dma_semaphore, #tpu.memory_space<semaphore_mem>>)
      %dma_wait3A_105 = arith.constant 0 : i32
      %dma_wait3A_106 = arith.constant 0 : i32
      %dma_wait3A_107 = tpu.memref_slice %arg3[%add3A, %dma_wait3A_105, %dma_wait3A_106] : memref<32x80x128xi32, #tpu.memory_space<hbm>> -> memref<1x80x128xi32, #tpu.memory_space<hbm>>
      %dma_wait3A_108 = tpu.memref_squeeze %dma_wait3A_107 : memref<1x80x128xi32, #tpu.memory_space<hbm>> -> memref<80x128xi32, #tpu.memory_space<hbm>>
      %dma_wait3A_109 = arith.constant 40 : i32
      %dma_wait3A_110 = arith.constant 0 : i32
      %dma_wait3A_111 = tpu.memref_slice %dma_wait3A_108[%dma_wait3A_109, %dma_wait3A_110] : memref<80x128xi32, #tpu.memory_space<hbm>> -> memref<40x128xi32, #tpu.memory_space<hbm>>
      %dma_wait3A_112 = arith.constant 0 : i32
      %dma_wait3A_113 = arith.constant 0 : i32
      %dma_wait3A_114 = tpu.memref_slice %arg3[%add3A, %dma_wait3A_112, %dma_wait3A_113] : memref<32x80x128xi32, #tpu.memory_space<hbm>> -> memref<1x80x128xi32, #tpu.memory_space<hbm>>
      %dma_wait3A_115 = tpu.memref_squeeze %dma_wait3A_114 : memref<1x80x128xi32, #tpu.memory_space<hbm>> -> memref<80x128xi32, #tpu.memory_space<hbm>>
      %dma_wait3A_116 = arith.constant 40 : i32
      %dma_wait3A_117 = arith.constant 0 : i32
      %dma_wait3A_118 = tpu.memref_slice %dma_wait3A_115[%dma_wait3A_116, %dma_wait3A_117] : memref<80x128xi32, #tpu.memory_space<hbm>> -> memref<40x128xi32, #tpu.memory_space<hbm>>
      tpu.wait_dma2 semaphore(%run_scoped3A_90 : memref<!tpu.dma_semaphore, #tpu.memory_space<semaphore_mem>>) src(%dma_wait3A_118 : memref<40x128xi32, #tpu.memory_space<hbm>>) dst(%arg7 : memref<40x128xi32, #tpu.memory_space<vmem>>)
      tpu.yield
    }) : () -> ()
    "tpu.region"() ({
      %run_scoped3A_90 = tpu.sem_alloc : memref<!tpu.dma_semaphore, #tpu.memory_space<semaphore_mem>>
      %dma_start3A_91 = arith.constant 0 : i32
      %dma_start3A_92 = arith.constant 0 : i32
      %dma_start3A_93 = tpu.memref_slice %arg4[%add3A, %dma_start3A_91, %dma_start3A_92] : memref<32x80x128xi32, #tpu.memory_space<hbm>> -> memref<1x80x128xi32, #tpu.memory_space<hbm>>
      %dma_start3A_94 = tpu.memref_squeeze %dma_start3A_93 : memref<1x80x128xi32, #tpu.memory_space<hbm>> -> memref<80x128xi32, #tpu.memory_space<hbm>>
      %dma_start3A_95 = arith.constant 40 : i32
      %dma_start3A_96 = arith.constant 0 : i32
      %dma_start3A_97 = tpu.memref_slice %dma_start3A_94[%dma_start3A_95, %dma_start3A_96] : memref<80x128xi32, #tpu.memory_space<hbm>> -> memref<40x128xi32, #tpu.memory_space<hbm>>
      %dma_start3A_98 = arith.constant 0 : i32
      %dma_start3A_99 = arith.constant 0 : i32
      %dma_start3A_100 = tpu.memref_slice %arg4[%add3A, %dma_start3A_98, %dma_start3A_99] : memref<32x80x128xi32, #tpu.memory_space<hbm>> -> memref<1x80x128xi32, #tpu.memory_space<hbm>>
      %dma_start3A_101 = tpu.memref_squeeze %dma_start3A_100 : memref<1x80x128xi32, #tpu.memory_space<hbm>> -> memref<80x128xi32, #tpu.memory_space<hbm>>
      %dma_start3A_102 = arith.constant 40 : i32
      %dma_start3A_103 = arith.constant 0 : i32
      %dma_start3A_104 = tpu.memref_slice %dma_start3A_101[%dma_start3A_102, %dma_start3A_103] : memref<80x128xi32, #tpu.memory_space<hbm>> -> memref<40x128xi32, #tpu.memory_space<hbm>>
      tpu.enqueue_dma source(%dma_start3A_104 : memref<40x128xi32, #tpu.memory_space<hbm>>) target(%arg8 : memref<40x128xi32, #tpu.memory_space<vmem>>) target_semaphore(%run_scoped3A_90 : memref<!tpu.dma_semaphore, #tpu.memory_space<semaphore_mem>>)
      %dma_wait3A_105 = arith.constant 0 : i32
      %dma_wait3A_106 = arith.constant 0 : i32
      %dma_wait3A_107 = tpu.memref_slice %arg4[%add3A, %dma_wait3A_105, %dma_wait3A_106] : memref<32x80x128xi32, #tpu.memory_space<hbm>> -> memref<1x80x128xi32, #tpu.memory_space<hbm>>
      %dma_wait3A_108 = tpu.memref_squeeze %dma_wait3A_107 : memref<1x80x128xi32, #tpu.memory_space<hbm>> -> memref<80x128xi32, #tpu.memory_space<hbm>>
      %dma_wait3A_109 = arith.constant 40 : i32
      %dma_wait3A_110 = arith.constant 0 : i32
      %dma_wait3A_111 = tpu.memref_slice %dma_wait3A_108[%dma_wait3A_109, %dma_wait3A_110] : memref<80x128xi32, #tpu.memory_space<hbm>> -> memref<40x128xi32, #tpu.memory_space<hbm>>
      %dma_wait3A_112 = arith.constant 0 : i32
      %dma_wait3A_113 = arith.constant 0 : i32
      %dma_wait3A_114 = tpu.memref_slice %arg4[%add3A, %dma_wait3A_112, %dma_wait3A_113] : memref<32x80x128xi32, #tpu.memory_space<hbm>> -> memref<1x80x128xi32, #tpu.memory_space<hbm>>
      %dma_wait3A_115 = tpu.memref_squeeze %dma_wait3A_114 : memref<1x80x128xi32, #tpu.memory_space<hbm>> -> memref<80x128xi32, #tpu.memory_space<hbm>>
      %dma_wait3A_116 = arith.constant 40 : i32
      %dma_wait3A_117 = arith.constant 0 : i32
      %dma_wait3A_118 = tpu.memref_slice %dma_wait3A_115[%dma_wait3A_116, %dma_wait3A_117] : memref<80x128xi32, #tpu.memory_space<hbm>> -> memref<40x128xi32, #tpu.memory_space<hbm>>
      tpu.wait_dma2 semaphore(%run_scoped3A_90 : memref<!tpu.dma_semaphore, #tpu.memory_space<semaphore_mem>>) src(%dma_wait3A_118 : memref<40x128xi32, #tpu.memory_space<hbm>>) dst(%arg8 : memref<40x128xi32, #tpu.memory_space<vmem>>)
      tpu.yield
    }) : () -> ()
    %dma_start3A_41 = arith.constant 0 : i32
    %dma_start3A_42 = arith.constant 0 : i32
    %dma_start3A_43 = tpu.memref_slice %arg7[%dma_start3A_41, %dma_start3A_42] : memref<40x128xi32, #tpu.memory_space<vmem>> -> memref<1x128xi32, #tpu.memory_space<vmem>>
    %dma_start3A_44 = tpu.memref_squeeze %dma_start3A_43 : memref<1x128xi32, #tpu.memory_space<vmem>> -> memref<128xi32, #tpu.memory_space<vmem>>
    %dma_start3A_45 = arith.constant 0 : i32
    %dma_start3A_46 = arith.constant 0 : i32
    %dma_start3A_47 = tpu.memref_slice %arg2[%dma_start3A_45, %dma_start3A_46] : memref<10000x128xf32, #tpu.memory_space<hbm>> -> memref<10000x128xf32, #tpu.memory_space<hbm>>
    tpu.enqueue_indirect_dma source(%dma_start3A_47 : memref<10000x128xf32, #tpu.memory_space<hbm>>) target(%arg9 : memref<128x128xf32, #tpu.memory_space<vmem>>) offsets(%dma_start3A_44 : memref<128xi32, #tpu.memory_space<vmem>>) semaphore(%arg12 : memref<!tpu.dma_semaphore, #tpu.memory_space<semaphore_mem>>)
    %scan3A_48 = arith.constant 0 : i32
    %scan3A_49 = arith.constant 0 : i32
    %scan3A_50 = arith.constant 19 : i32
    %scan3A_51 = arith.addi %scan3A_49, %scan3A_50 : i32
    %scan3A_52 = arith.constant 1 : i32
    scf.for %scan3A_90 = %scan3A_49 to %scan3A_51 step %scan3A_52  : i32 {
      %mul3A_91 = arith.constant 2 : i32
      %mul3A_92 = arith.muli %mul3A_91, %scan3A_90 : i32
      %add3A_93 = arith.constant 1 : i32
      %add3A_94 = arith.addi %mul3A_92, %add3A_93 : i32
      %dma_start3A_95 = arith.constant 0 : i32
      %dma_start3A_96 = tpu.memref_slice %arg7[%add3A_94, %dma_start3A_95] : memref<40x128xi32, #tpu.memory_space<vmem>> -> memref<1x128xi32, #tpu.memory_space<vmem>>
      %dma_start3A_97 = tpu.memref_squeeze %dma_start3A_96 : memref<1x128xi32, #tpu.memory_space<vmem>> -> memref<128xi32, #tpu.memory_space<vmem>>
      %dma_start3A_98 = arith.constant 0 : i32
      %dma_start3A_99 = arith.constant 0 : i32
      %dma_start3A_100 = tpu.memref_slice %arg2[%dma_start3A_98, %dma_start3A_99] : memref<10000x128xf32, #tpu.memory_space<hbm>> -> memref<10000x128xf32, #tpu.memory_space<hbm>>
      tpu.enqueue_indirect_dma source(%dma_start3A_100 : memref<10000x128xf32, #tpu.memory_space<hbm>>) target(%arg10 : memref<128x128xf32, #tpu.memory_space<vmem>>) offsets(%dma_start3A_97 : memref<128xi32, #tpu.memory_space<vmem>>) semaphore(%arg13 : memref<!tpu.dma_semaphore, #tpu.memory_space<semaphore_mem>>)
      %dma_wait3A_101 = arith.constant 0 : i32
      %dma_wait3A_102 = tpu.memref_slice %arg7[%mul3A_92, %dma_wait3A_101] : memref<40x128xi32, #tpu.memory_space<vmem>> -> memref<1x128xi32, #tpu.memory_space<vmem>>
      %dma_wait3A_103 = tpu.memref_squeeze %dma_wait3A_102 : memref<1x128xi32, #tpu.memory_space<vmem>> -> memref<128xi32, #tpu.memory_space<vmem>>
      %dma_wait3A_104 = arith.constant 0 : i32
      %dma_wait3A_105 = arith.constant 0 : i32
      %dma_wait3A_106 = tpu.memref_slice %arg2[%dma_wait3A_104, %dma_wait3A_105] : memref<10000x128xf32, #tpu.memory_space<hbm>> -> memref<10000x128xf32, #tpu.memory_space<hbm>>
      tpu.wait_indirect_dma semaphore(%arg12 : memref<!tpu.dma_semaphore, #tpu.memory_space<semaphore_mem>>) src(%dma_wait3A_106 : memref<10000x128xf32, #tpu.memory_space<hbm>>) dst(%arg9 : memref<128x128xf32, #tpu.memory_space<vmem>>)
      "tpu.region"() ({
        %run_scoped3A_125 = tpu.sem_alloc : memref<!tpu.dma_semaphore, #tpu.memory_space<semaphore_mem>>
        %dma_start3A_126 = arith.constant 0 : i32
        %dma_start3A_127 = tpu.memref_slice %arg8[%mul3A_92, %dma_start3A_126] : memref<40x128xi32, #tpu.memory_space<vmem>> -> memref<1x128xi32, #tpu.memory_space<vmem>>
        %dma_start3A_128 = tpu.memref_squeeze %dma_start3A_127 : memref<1x128xi32, #tpu.memory_space<vmem>> -> memref<128xi32, #tpu.memory_space<vmem>>
        %dma_start3A_129 = arith.constant 0 : i32
        %dma_start3A_130 = arith.constant 0 : i32
        %dma_start3A_131 = tpu.memref_slice %arg11[%dma_start3A_129, %dma_start3A_130] : memref<10128x128xf32, #tpu.memory_space<vmem_shared>> -> memref<10128x128xf32, #tpu.memory_space<vmem_shared>>
        tpu.enqueue_indirect_dma source(%arg9 : memref<128x128xf32, #tpu.memory_space<vmem>>) target(%dma_start3A_131 : memref<10128x128xf32, #tpu.memory_space<vmem_shared>>) offsets(%dma_start3A_128 : memref<128xi32, #tpu.memory_space<vmem>>) semaphore(%run_scoped3A_125 : memref<!tpu.dma_semaphore, #tpu.memory_space<semaphore_mem>>) {add = true}
        %dma_wait3A_132 = arith.constant 0 : i32
        %dma_wait3A_133 = tpu.memref_slice %arg8[%mul3A_92, %dma_wait3A_132] : memref<40x128xi32, #tpu.memory_space<vmem>> -> memref<1x128xi32, #tpu.memory_space<vmem>>
        %dma_wait3A_134 = tpu.memref_squeeze %dma_wait3A_133 : memref<1x128xi32, #tpu.memory_space<vmem>> -> memref<128xi32, #tpu.memory_space<vmem>>
        %dma_wait3A_135 = arith.constant 0 : i32
        %dma_wait3A_136 = arith.constant 0 : i32
        %dma_wait3A_137 = tpu.memref_slice %arg11[%dma_wait3A_135, %dma_wait3A_136] : memref<10128x128xf32, #tpu.memory_space<vmem_shared>> -> memref<10128x128xf32, #tpu.memory_space<vmem_shared>>
        tpu.wait_indirect_dma semaphore(%run_scoped3A_125 : memref<!tpu.dma_semaphore, #tpu.memory_space<semaphore_mem>>) src(%arg9 : memref<128x128xf32, #tpu.memory_space<vmem>>) dst(%dma_wait3A_137 : memref<10128x128xf32, #tpu.memory_space<vmem_shared>>)
        tpu.yield
      }) : () -> ()
      %add3A_107 = arith.constant 2 : i32
      %add3A_108 = arith.addi %mul3A_92, %add3A_107 : i32
      %dma_start3A_109 = arith.constant 0 : i32
      %dma_start3A_110 = tpu.memref_slice %arg7[%add3A_108, %dma_start3A_109] : memref<40x128xi32, #tpu.memory_space<vmem>> -> memref<1x128xi32, #tpu.memory_space<vmem>>
      %dma_start3A_111 = tpu.memref_squeeze %dma_start3A_110 : memref<1x128xi32, #tpu.memory_space<vmem>> -> memref<128xi32, #tpu.memory_space<vmem>>
      %dma_start3A_112 = arith.constant 0 : i32
      %dma_start3A_113 = arith.constant 0 : i32
      %dma_start3A_114 = tpu.memref_slice %arg2[%dma_start3A_112, %dma_start3A_113] : memref<10000x128xf32, #tpu.memory_space<hbm>> -> memref<10000x128xf32, #tpu.memory_space<hbm>>
      tpu.enqueue_indirect_dma source(%dma_start3A_114 : memref<10000x128xf32, #tpu.memory_space<hbm>>) target(%arg9 : memref<128x128xf32, #tpu.memory_space<vmem>>) offsets(%dma_start3A_111 : memref<128xi32, #tpu.memory_space<vmem>>) semaphore(%arg12 : memref<!tpu.dma_semaphore, #tpu.memory_space<semaphore_mem>>)
      %add3A_115 = arith.constant 1 : i32
      %add3A_116 = arith.addi %mul3A_92, %add3A_115 : i32
      %dma_wait3A_117 = arith.constant 0 : i32
      %dma_wait3A_118 = tpu.memref_slice %arg7[%add3A_116, %dma_wait3A_117] : memref<40x128xi32, #tpu.memory_space<vmem>> -> memref<1x128xi32, #tpu.memory_space<vmem>>
      %dma_wait3A_119 = tpu.memref_squeeze %dma_wait3A_118 : memref<1x128xi32, #tpu.memory_space<vmem>> -> memref<128xi32, #tpu.memory_space<vmem>>
      %dma_wait3A_120 = arith.constant 0 : i32
      %dma_wait3A_121 = arith.constant 0 : i32
      %dma_wait3A_122 = tpu.memref_slice %arg2[%dma_wait3A_120, %dma_wait3A_121] : memref<10000x128xf32, #tpu.memory_space<hbm>> -> memref<10000x128xf32, #tpu.memory_space<hbm>>
      tpu.wait_indirect_dma semaphore(%arg13 : memref<!tpu.dma_semaphore, #tpu.memory_space<semaphore_mem>>) src(%dma_wait3A_122 : memref<10000x128xf32, #tpu.memory_space<hbm>>) dst(%arg10 : memref<128x128xf32, #tpu.memory_space<vmem>>)
      %add3A_123 = arith.constant 1 : i32
      %add3A_124 = arith.addi %mul3A_92, %add3A_123 : i32
      "tpu.region"() ({
        %run_scoped3A_125 = tpu.sem_alloc : memref<!tpu.dma_semaphore, #tpu.memory_space<semaphore_mem>>
        %dma_start3A_126 = arith.constant 0 : i32
        %dma_start3A_127 = tpu.memref_slice %arg8[%add3A_124, %dma_start3A_126] : memref<40x128xi32, #tpu.memory_space<vmem>> -> memref<1x128xi32, #tpu.memory_space<vmem>>
        %dma_start3A_128 = tpu.memref_squeeze %dma_start3A_127 : memref<1x128xi32, #tpu.memory_space<vmem>> -> memref<128xi32, #tpu.memory_space<vmem>>
        %dma_start3A_129 = arith.constant 0 : i32
        %dma_start3A_130 = arith.constant 0 : i32
        %dma_start3A_131 = tpu.memref_slice %arg11[%dma_start3A_129, %dma_start3A_130] : memref<10128x128xf32, #tpu.memory_space<vmem_shared>> -> memref<10128x128xf32, #tpu.memory_space<vmem_shared>>
        tpu.enqueue_indirect_dma source(%arg10 : memref<128x128xf32, #tpu.memory_space<vmem>>) target(%dma_start3A_131 : memref<10128x128xf32, #tpu.memory_space<vmem_shared>>) offsets(%dma_start3A_128 : memref<128xi32, #tpu.memory_space<vmem>>) semaphore(%run_scoped3A_125 : memref<!tpu.dma_semaphore, #tpu.memory_space<semaphore_mem>>) {add = true}
        %dma_wait3A_132 = arith.constant 0 : i32
        %dma_wait3A_133 = tpu.memref_slice %arg8[%add3A_124, %dma_wait3A_132] : memref<40x128xi32, #tpu.memory_space<vmem>> -> memref<1x128xi32, #tpu.memory_space<vmem>>
        %dma_wait3A_134 = tpu.memref_squeeze %dma_wait3A_133 : memref<1x128xi32, #tpu.memory_space<vmem>> -> memref<128xi32, #tpu.memory_space<vmem>>
        %dma_wait3A_135 = arith.constant 0 : i32
        %dma_wait3A_136 = arith.constant 0 : i32
        %dma_wait3A_137 = tpu.memref_slice %arg11[%dma_wait3A_135, %dma_wait3A_136] : memref<10128x128xf32, #tpu.memory_space<vmem_shared>> -> memref<10128x128xf32, #tpu.memory_space<vmem_shared>>
        tpu.wait_indirect_dma semaphore(%run_scoped3A_125 : memref<!tpu.dma_semaphore, #tpu.memory_space<semaphore_mem>>) src(%arg10 : memref<128x128xf32, #tpu.memory_space<vmem>>) dst(%dma_wait3A_137 : memref<10128x128xf32, #tpu.memory_space<vmem_shared>>)
        tpu.yield
      }) : () -> ()
    }
    %scan3A_53 = arith.constant 19 : i32
    %dma_start3A_54 = arith.constant 39 : i32
    %dma_start3A_55 = arith.constant 0 : i32
    %dma_start3A_56 = tpu.memref_slice %arg7[%dma_start3A_54, %dma_start3A_55] : memref<40x128xi32, #tpu.memory_space<vmem>> -> memref<1x128xi32, #tpu.memory_space<vmem>>
    %dma_start3A_57 = tpu.memref_squeeze %dma_start3A_56 : memref<1x128xi32, #tpu.memory_space<vmem>> -> memref<128xi32, #tpu.memory_space<vmem>>
    %dma_start3A_58 = arith.constant 0 : i32
    %dma_start3A_59 = arith.constant 0 : i32
    %dma_start3A_60 = tpu.memref_slice %arg2[%dma_start3A_58, %dma_start3A_59] : memref<10000x128xf32, #tpu.memory_space<hbm>> -> memref<10000x128xf32, #tpu.memory_space<hbm>>
    tpu.enqueue_indirect_dma source(%dma_start3A_60 : memref<10000x128xf32, #tpu.memory_space<hbm>>) target(%arg10 : memref<128x128xf32, #tpu.memory_space<vmem>>) offsets(%dma_start3A_57 : memref<128xi32, #tpu.memory_space<vmem>>) semaphore(%arg13 : memref<!tpu.dma_semaphore, #tpu.memory_space<semaphore_mem>>)
    %dma_wait3A_61 = arith.constant 38 : i32
    %dma_wait3A_62 = arith.constant 0 : i32
    %dma_wait3A_63 = tpu.memref_slice %arg7[%dma_wait3A_61, %dma_wait3A_62] : memref<40x128xi32, #tpu.memory_space<vmem>> -> memref<1x128xi32, #tpu.memory_space<vmem>>
    %dma_wait3A_64 = tpu.memref_squeeze %dma_wait3A_63 : memref<1x128xi32, #tpu.memory_space<vmem>> -> memref<128xi32, #tpu.memory_space<vmem>>
    %dma_wait3A_65 = arith.constant 0 : i32
    %dma_wait3A_66 = arith.constant 0 : i32
    %dma_wait3A_67 = tpu.memref_slice %arg2[%dma_wait3A_65, %dma_wait3A_66] : memref<10000x128xf32, #tpu.memory_space<hbm>> -> memref<10000x128xf32, #tpu.memory_space<hbm>>
    tpu.wait_indirect_dma semaphore(%arg12 : memref<!tpu.dma_semaphore, #tpu.memory_space<semaphore_mem>>) src(%dma_wait3A_67 : memref<10000x128xf32, #tpu.memory_space<hbm>>) dst(%arg9 : memref<128x128xf32, #tpu.memory_space<vmem>>)
    %run_scoped3A_68 = arith.constant 38 : i32
    "tpu.region"() ({
      %run_scoped3A_90 = tpu.sem_alloc : memref<!tpu.dma_semaphore, #tpu.memory_space<semaphore_mem>>
      %dma_start3A_91 = arith.constant 0 : i32
      %dma_start3A_92 = tpu.memref_slice %arg8[%run_scoped3A_68, %dma_start3A_91] : memref<40x128xi32, #tpu.memory_space<vmem>> -> memref<1x128xi32, #tpu.memory_space<vmem>>
      %dma_start3A_93 = tpu.memref_squeeze %dma_start3A_92 : memref<1x128xi32, #tpu.memory_space<vmem>> -> memref<128xi32, #tpu.memory_space<vmem>>
      %dma_start3A_94 = arith.constant 0 : i32
      %dma_start3A_95 = arith.constant 0 : i32
      %dma_start3A_96 = tpu.memref_slice %arg11[%dma_start3A_94, %dma_start3A_95] : memref<10128x128xf32, #tpu.memory_space<vmem_shared>> -> memref<10128x128xf32, #tpu.memory_space<vmem_shared>>
      tpu.enqueue_indirect_dma source(%arg9 : memref<128x128xf32, #tpu.memory_space<vmem>>) target(%dma_start3A_96 : memref<10128x128xf32, #tpu.memory_space<vmem_shared>>) offsets(%dma_start3A_93 : memref<128xi32, #tpu.memory_space<vmem>>) semaphore(%run_scoped3A_90 : memref<!tpu.dma_semaphore, #tpu.memory_space<semaphore_mem>>) {add = true}
      %dma_wait3A_97 = arith.constant 0 : i32
      %dma_wait3A_98 = tpu.memref_slice %arg8[%run_scoped3A_68, %dma_wait3A_97] : memref<40x128xi32, #tpu.memory_space<vmem>> -> memref<1x128xi32, #tpu.memory_space<vmem>>
      %dma_wait3A_99 = tpu.memref_squeeze %dma_wait3A_98 : memref<1x128xi32, #tpu.memory_space<vmem>> -> memref<128xi32, #tpu.memory_space<vmem>>
      %dma_wait3A_100 = arith.constant 0 : i32
      %dma_wait3A_101 = arith.constant 0 : i32
      %dma_wait3A_102 = tpu.memref_slice %arg11[%dma_wait3A_100, %dma_wait3A_101] : memref<10128x128xf32, #tpu.memory_space<vmem_shared>> -> memref<10128x128xf32, #tpu.memory_space<vmem_shared>>
      tpu.wait_indirect_dma semaphore(%run_scoped3A_90 : memref<!tpu.dma_semaphore, #tpu.memory_space<semaphore_mem>>) src(%arg9 : memref<128x128xf32, #tpu.memory_space<vmem>>) dst(%dma_wait3A_102 : memref<10128x128xf32, #tpu.memory_space<vmem_shared>>)
      tpu.yield
    }) : () -> ()
    %dma_wait3A_69 = arith.constant 39 : i32
    %dma_wait3A_70 = arith.constant 0 : i32
    %dma_wait3A_71 = tpu.memref_slice %arg7[%dma_wait3A_69, %dma_wait3A_70] : memref<40x128xi32, #tpu.memory_space<vmem>> -> memref<1x128xi32, #tpu.memory_space<vmem>>
    %dma_wait3A_72 = tpu.memref_squeeze %dma_wait3A_71 : memref<1x128xi32, #tpu.memory_space<vmem>> -> memref<128xi32, #tpu.memory_space<vmem>>
    %dma_wait3A_73 = arith.constant 0 : i32
    %dma_wait3A_74 = arith.constant 0 : i32
    %dma_wait3A_75 = tpu.memref_slice %arg2[%dma_wait3A_73, %dma_wait3A_74] : memref<10000x128xf32, #tpu.memory_space<hbm>> -> memref<10000x128xf32, #tpu.memory_space<hbm>>
    tpu.wait_indirect_dma semaphore(%arg13 : memref<!tpu.dma_semaphore, #tpu.memory_space<semaphore_mem>>) src(%dma_wait3A_75 : memref<10000x128xf32, #tpu.memory_space<hbm>>) dst(%arg10 : memref<128x128xf32, #tpu.memory_space<vmem>>)
    %run_scoped3A_76 = arith.constant 39 : i32
    "tpu.region"() ({
      %run_scoped3A_90 = tpu.sem_alloc : memref<!tpu.dma_semaphore, #tpu.memory_space<semaphore_mem>>
      %dma_start3A_91 = arith.constant 0 : i32
      %dma_start3A_92 = tpu.memref_slice %arg8[%run_scoped3A_76, %dma_start3A_91] : memref<40x128xi32, #tpu.memory_space<vmem>> -> memref<1x128xi32, #tpu.memory_space<vmem>>
      %dma_start3A_93 = tpu.memref_squeeze %dma_start3A_92 : memref<1x128xi32, #tpu.memory_space<vmem>> -> memref<128xi32, #tpu.memory_space<vmem>>
      %dma_start3A_94 = arith.constant 0 : i32
      %dma_start3A_95 = arith.constant 0 : i32
      %dma_start3A_96 = tpu.memref_slice %arg11[%dma_start3A_94, %dma_start3A_95] : memref<10128x128xf32, #tpu.memory_space<vmem_shared>> -> memref<10128x128xf32, #tpu.memory_space<vmem_shared>>
      tpu.enqueue_indirect_dma source(%arg10 : memref<128x128xf32, #tpu.memory_space<vmem>>) target(%dma_start3A_96 : memref<10128x128xf32, #tpu.memory_space<vmem_shared>>) offsets(%dma_start3A_93 : memref<128xi32, #tpu.memory_space<vmem>>) semaphore(%run_scoped3A_90 : memref<!tpu.dma_semaphore, #tpu.memory_space<semaphore_mem>>) {add = true}
      %dma_wait3A_97 = arith.constant 0 : i32
      %dma_wait3A_98 = tpu.memref_slice %arg8[%run_scoped3A_76, %dma_wait3A_97] : memref<40x128xi32, #tpu.memory_space<vmem>> -> memref<1x128xi32, #tpu.memory_space<vmem>>
      %dma_wait3A_99 = tpu.memref_squeeze %dma_wait3A_98 : memref<1x128xi32, #tpu.memory_space<vmem>> -> memref<128xi32, #tpu.memory_space<vmem>>
      %dma_wait3A_100 = arith.constant 0 : i32
      %dma_wait3A_101 = arith.constant 0 : i32
      %dma_wait3A_102 = tpu.memref_slice %arg11[%dma_wait3A_100, %dma_wait3A_101] : memref<10128x128xf32, #tpu.memory_space<vmem_shared>> -> memref<10128x128xf32, #tpu.memory_space<vmem_shared>>
      tpu.wait_indirect_dma semaphore(%run_scoped3A_90 : memref<!tpu.dma_semaphore, #tpu.memory_space<semaphore_mem>>) src(%arg10 : memref<128x128xf32, #tpu.memory_space<vmem>>) dst(%dma_wait3A_102 : memref<10128x128xf32, #tpu.memory_space<vmem_shared>>)
      tpu.yield
    }) : () -> ()
    %barrier3A_77 = arith.constant 0 : index
    tpu.barrier barrier_id(%barrier3A_77)
    %mul3A_78 = arith.constant 624 : i32
    %mul3A_79 = arith.muli %arg1, %mul3A_78 : i32
    %lt3A_80 = arith.constant 15 : i32
    %lt3A_81 = arith.cmpi slt, %arg1, %lt3A_80 : i32
    %convert_element_type3A_82 = arith.extui %lt3A_81 : i1 to i32
    %cond3A_83 = arith.constant 0 : i32
    %cond3A_84 = arith.cmpi ne, %convert_element_type3A_82, %cond3A_83 : i32
    scf.if %cond3A_84 {
      %scan3A_90 = arith.constant 0 : i32
      %scan3A_91 = arith.constant 0 : i32
      %scan3A_92 = arith.constant 6 : i32
      %scan3A_93 = arith.addi %scan3A_91, %scan3A_92 : i32
      %scan3A_94 = arith.constant 1 : i32
      scf.for %scan3A_96 = %scan3A_91 to %scan3A_93 step %scan3A_94  : i32 {
        %mul3A_97 = arith.constant 104 : i32
        %mul3A_98 = arith.muli %scan3A_96, %mul3A_97 : i32
        %add3A_99 = arith.addi %mul3A_79, %mul3A_98 : i32
        "tpu.region"() ({
          %run_scoped3A_100 = tpu.sem_alloc : memref<!tpu.dma_semaphore, #tpu.memory_space<semaphore_mem>>
          %dma_start3A_101 = arith.constant 0 : i32
          %dma_start3A_102 = arith.constant 0 : i32
          %dma_start3A_103 = tpu.memref_slice %arg9[%dma_start3A_101, %dma_start3A_102] : memref<128x128xf32, #tpu.memory_space<vmem>> -> memref<104x128xf32, #tpu.memory_space<vmem>>
          %dma_start3A_104 = arith.constant 0 : i32
          %dma_start3A_105 = tpu.memref_slice %arg11[%add3A_99, %dma_start3A_104] : memref<10128x128xf32, #tpu.memory_space<vmem_shared>> -> memref<104x128xf32, #tpu.memory_space<vmem_shared>>
          %dma_start3A_106 = arith.constant 0 : i32
          %dma_start3A_107 = arith.constant 0 : i32
          %dma_start3A_108 = tpu.memref_slice %arg9[%dma_start3A_106, %dma_start3A_107] : memref<128x128xf32, #tpu.memory_space<vmem>> -> memref<104x128xf32, #tpu.memory_space<vmem>>
          %dma_start3A_109 = arith.constant 0 : i32
          %dma_start3A_110 = tpu.memref_slice %arg11[%add3A_99, %dma_start3A_109] : memref<10128x128xf32, #tpu.memory_space<vmem_shared>> -> memref<104x128xf32, #tpu.memory_space<vmem_shared>>
          tpu.enqueue_dma source(%dma_start3A_110 : memref<104x128xf32, #tpu.memory_space<vmem_shared>>) target(%dma_start3A_108 : memref<104x128xf32, #tpu.memory_space<vmem>>) target_semaphore(%run_scoped3A_100 : memref<!tpu.dma_semaphore, #tpu.memory_space<semaphore_mem>>)
          %dma_wait3A_111 = arith.constant 0 : i32
          %dma_wait3A_112 = arith.constant 0 : i32
          %dma_wait3A_113 = tpu.memref_slice %arg9[%dma_wait3A_111, %dma_wait3A_112] : memref<128x128xf32, #tpu.memory_space<vmem>> -> memref<104x128xf32, #tpu.memory_space<vmem>>
          %dma_wait3A_114 = arith.constant 0 : i32
          %dma_wait3A_115 = tpu.memref_slice %arg11[%add3A_99, %dma_wait3A_114] : memref<10128x128xf32, #tpu.memory_space<vmem_shared>> -> memref<104x128xf32, #tpu.memory_space<vmem_shared>>
          %dma_wait3A_116 = arith.constant 0 : i32
          %dma_wait3A_117 = arith.constant 0 : i32
          %dma_wait3A_118 = tpu.memref_slice %arg9[%dma_wait3A_116, %dma_wait3A_117] : memref<128x128xf32, #tpu.memory_space<vmem>> -> memref<104x128xf32, #tpu.memory_space<vmem>>
          %dma_wait3A_119 = arith.constant 0 : i32
          %dma_wait3A_120 = tpu.memref_slice %arg11[%add3A_99, %dma_wait3A_119] : memref<10128x128xf32, #tpu.memory_space<vmem_shared>> -> memref<104x128xf32, #tpu.memory_space<vmem_shared>>
          tpu.wait_dma2 semaphore(%run_scoped3A_100 : memref<!tpu.dma_semaphore, #tpu.memory_space<semaphore_mem>>) src(%dma_wait3A_120 : memref<104x128xf32, #tpu.memory_space<vmem_shared>>) dst(%dma_wait3A_118 : memref<104x128xf32, #tpu.memory_space<vmem>>)
          tpu.yield
        }) : () -> ()
        "tpu.region"() ({
          %run_scoped3A_100 = tpu.sem_alloc : memref<!tpu.dma_semaphore, #tpu.memory_space<semaphore_mem>>
          %dma_start3A_101 = arith.constant 0 : i32
          %dma_start3A_102 = arith.constant 0 : i32
          %dma_start3A_103 = tpu.memref_slice %arg9[%dma_start3A_101, %dma_start3A_102] : memref<128x128xf32, #tpu.memory_space<vmem>> -> memref<104x128xf32, #tpu.memory_space<vmem>>
          %dma_start3A_104 = arith.constant 0 : i32
          %dma_start3A_105 = arith.constant 0 : i32
          %dma_start3A_106 = tpu.memref_slice %arg6[%arg0, %dma_start3A_104, %dma_start3A_105] : memref<2x10000x128xf32, #tpu.memory_space<hbm>> -> memref<1x10000x128xf32, #tpu.memory_space<hbm>>
          %dma_start3A_107 = tpu.memref_squeeze %dma_start3A_106 : memref<1x10000x128xf32, #tpu.memory_space<hbm>> -> memref<10000x128xf32, #tpu.memory_space<hbm>>
          %dma_start3A_108 = arith.constant 0 : i32
          %dma_start3A_109 = tpu.memref_slice %dma_start3A_107[%add3A_99, %dma_start3A_108] : memref<10000x128xf32, #tpu.memory_space<hbm>> -> memref<104x128xf32, #tpu.memory_space<hbm>>
          %dma_start3A_110 = arith.constant 0 : i32
          %dma_start3A_111 = arith.constant 0 : i32
          %dma_start3A_112 = tpu.memref_slice %arg6[%arg0, %dma_start3A_110, %dma_start3A_111] : memref<2x10000x128xf32, #tpu.memory_space<hbm>> -> memref<1x10000x128xf32, #tpu.memory_space<hbm>>
          %dma_start3A_113 = tpu.memref_squeeze %dma_start3A_112 : memref<1x10000x128xf32, #tpu.memory_space<hbm>> -> memref<10000x128xf32, #tpu.memory_space<hbm>>
          %dma_start3A_114 = arith.constant 0 : i32
          %dma_start3A_115 = tpu.memref_slice %dma_start3A_113[%add3A_99, %dma_start3A_114] : memref<10000x128xf32, #tpu.memory_space<hbm>> -> memref<104x128xf32, #tpu.memory_space<hbm>>
          %dma_start3A_116 = arith.constant 0 : i32
          %dma_start3A_117 = arith.constant 0 : i32
          %dma_start3A_118 = tpu.memref_slice %arg9[%dma_start3A_116, %dma_start3A_117] : memref<128x128xf32, #tpu.memory_space<vmem>> -> memref<104x128xf32, #tpu.memory_space<vmem>>
          tpu.enqueue_dma source(%dma_start3A_118 : memref<104x128xf32, #tpu.memory_space<vmem>>) target(%dma_start3A_115 : memref<104x128xf32, #tpu.memory_space<hbm>>) target_semaphore(%run_scoped3A_100 : memref<!tpu.dma_semaphore, #tpu.memory_space<semaphore_mem>>)
          %dma_wait3A_119 = arith.constant 0 : i32
          %dma_wait3A_120 = arith.constant 0 : i32
          %dma_wait3A_121 = tpu.memref_slice %arg9[%dma_wait3A_119, %dma_wait3A_120] : memref<128x128xf32, #tpu.memory_space<vmem>> -> memref<104x128xf32, #tpu.memory_space<vmem>>
          %dma_wait3A_122 = arith.constant 0 : i32
          %dma_wait3A_123 = arith.constant 0 : i32
          %dma_wait3A_124 = tpu.memref_slice %arg6[%arg0, %dma_wait3A_122, %dma_wait3A_123] : memref<2x10000x128xf32, #tpu.memory_space<hbm>> -> memref<1x10000x128xf32, #tpu.memory_space<hbm>>
          %dma_wait3A_125 = tpu.memref_squeeze %dma_wait3A_124 : memref<1x10000x128xf32, #tpu.memory_space<hbm>> -> memref<10000x128xf32, #tpu.memory_space<hbm>>
          %dma_wait3A_126 = arith.constant 0 : i32
          %dma_wait3A_127 = tpu.memref_slice %dma_wait3A_125[%add3A_99, %dma_wait3A_126] : memref<10000x128xf32, #tpu.memory_space<hbm>> -> memref<104x128xf32, #tpu.memory_space<hbm>>
          %dma_wait3A_128 = arith.constant 0 : i32
          %dma_wait3A_129 = arith.constant 0 : i32
          %dma_wait3A_130 = tpu.memref_slice %arg6[%arg0, %dma_wait3A_128, %dma_wait3A_129] : memref<2x10000x128xf32, #tpu.memory_space<hbm>> -> memref<1x10000x128xf32, #tpu.memory_space<hbm>>
          %dma_wait3A_131 = tpu.memref_squeeze %dma_wait3A_130 : memref<1x10000x128xf32, #tpu.memory_space<hbm>> -> memref<10000x128xf32, #tpu.memory_space<hbm>>
          %dma_wait3A_132 = arith.constant 0 : i32
          %dma_wait3A_133 = tpu.memref_slice %dma_wait3A_131[%add3A_99, %dma_wait3A_132] : memref<10000x128xf32, #tpu.memory_space<hbm>> -> memref<104x128xf32, #tpu.memory_space<hbm>>
          %dma_wait3A_134 = arith.constant 0 : i32
          %dma_wait3A_135 = arith.constant 0 : i32
          %dma_wait3A_136 = tpu.memref_slice %arg9[%dma_wait3A_134, %dma_wait3A_135] : memref<128x128xf32, #tpu.memory_space<vmem>> -> memref<104x128xf32, #tpu.memory_space<vmem>>
          tpu.wait_dma2 semaphore(%run_scoped3A_100 : memref<!tpu.dma_semaphore, #tpu.memory_space<semaphore_mem>>) src(%dma_wait3A_136 : memref<104x128xf32, #tpu.memory_space<vmem>>) dst(%dma_wait3A_133 : memref<104x128xf32, #tpu.memory_space<hbm>>)
          tpu.yield
        }) : () -> ()
      }
      %scan3A_95 = arith.constant 6 : i32
    } else {
    }
    %eq3A_85 = arith.constant 15 : i32
    %eq3A_86 = arith.cmpi eq, %arg1, %eq3A_85 : i32
    %convert_element_type3A_87 = arith.extui %eq3A_86 : i1 to i32
    %cond3A_88 = arith.constant 0 : i32
    %cond3A_89 = arith.cmpi ne, %convert_element_type3A_87, %cond3A_88 : i32
    scf.if %cond3A_89 {
      %scan3A_90 = arith.constant 0 : i32
      %scan3A_91 = arith.constant 0 : i32
      %scan3A_92 = arith.constant 5 : i32
      %scan3A_93 = arith.addi %scan3A_91, %scan3A_92 : i32
      %scan3A_94 = arith.constant 1 : i32
      scf.for %scan3A_96 = %scan3A_91 to %scan3A_93 step %scan3A_94  : i32 {
        %mul3A_97 = arith.constant 128 : i32
        %mul3A_98 = arith.muli %scan3A_96, %mul3A_97 : i32
        %add3A_99 = arith.addi %mul3A_79, %mul3A_98 : i32
        "tpu.region"() ({
          %run_scoped3A_100 = tpu.sem_alloc : memref<!tpu.dma_semaphore, #tpu.memory_space<semaphore_mem>>
          %dma_start3A_101 = arith.constant 0 : i32
          %dma_start3A_102 = arith.constant 0 : i32
          %dma_start3A_103 = tpu.memref_slice %arg9[%dma_start3A_101, %dma_start3A_102] : memref<128x128xf32, #tpu.memory_space<vmem>> -> memref<128x128xf32, #tpu.memory_space<vmem>>
          %dma_start3A_104 = arith.constant 0 : i32
          %dma_start3A_105 = tpu.memref_slice %arg11[%add3A_99, %dma_start3A_104] : memref<10128x128xf32, #tpu.memory_space<vmem_shared>> -> memref<128x128xf32, #tpu.memory_space<vmem_shared>>
          %dma_start3A_106 = arith.constant 0 : i32
          %dma_start3A_107 = arith.constant 0 : i32
          %dma_start3A_108 = tpu.memref_slice %arg9[%dma_start3A_106, %dma_start3A_107] : memref<128x128xf32, #tpu.memory_space<vmem>> -> memref<128x128xf32, #tpu.memory_space<vmem>>
          %dma_start3A_109 = arith.constant 0 : i32
          %dma_start3A_110 = tpu.memref_slice %arg11[%add3A_99, %dma_start3A_109] : memref<10128x128xf32, #tpu.memory_space<vmem_shared>> -> memref<128x128xf32, #tpu.memory_space<vmem_shared>>
          tpu.enqueue_dma source(%dma_start3A_110 : memref<128x128xf32, #tpu.memory_space<vmem_shared>>) target(%dma_start3A_108 : memref<128x128xf32, #tpu.memory_space<vmem>>) target_semaphore(%run_scoped3A_100 : memref<!tpu.dma_semaphore, #tpu.memory_space<semaphore_mem>>)
          %dma_wait3A_111 = arith.constant 0 : i32
          %dma_wait3A_112 = arith.constant 0 : i32
          %dma_wait3A_113 = tpu.memref_slice %arg9[%dma_wait3A_111, %dma_wait3A_112] : memref<128x128xf32, #tpu.memory_space<vmem>> -> memref<128x128xf32, #tpu.memory_space<vmem>>
          %dma_wait3A_114 = arith.constant 0 : i32
          %dma_wait3A_115 = tpu.memref_slice %arg11[%add3A_99, %dma_wait3A_114] : memref<10128x128xf32, #tpu.memory_space<vmem_shared>> -> memref<128x128xf32, #tpu.memory_space<vmem_shared>>
          %dma_wait3A_116 = arith.constant 0 : i32
          %dma_wait3A_117 = arith.constant 0 : i32
          %dma_wait3A_118 = tpu.memref_slice %arg9[%dma_wait3A_116, %dma_wait3A_117] : memref<128x128xf32, #tpu.memory_space<vmem>> -> memref<128x128xf32, #tpu.memory_space<vmem>>
          %dma_wait3A_119 = arith.constant 0 : i32
          %dma_wait3A_120 = tpu.memref_slice %arg11[%add3A_99, %dma_wait3A_119] : memref<10128x128xf32, #tpu.memory_space<vmem_shared>> -> memref<128x128xf32, #tpu.memory_space<vmem_shared>>
          tpu.wait_dma2 semaphore(%run_scoped3A_100 : memref<!tpu.dma_semaphore, #tpu.memory_space<semaphore_mem>>) src(%dma_wait3A_120 : memref<128x128xf32, #tpu.memory_space<vmem_shared>>) dst(%dma_wait3A_118 : memref<128x128xf32, #tpu.memory_space<vmem>>)
          tpu.yield
        }) : () -> ()
        "tpu.region"() ({
          %run_scoped3A_100 = tpu.sem_alloc : memref<!tpu.dma_semaphore, #tpu.memory_space<semaphore_mem>>
          %dma_start3A_101 = arith.constant 0 : i32
          %dma_start3A_102 = arith.constant 0 : i32
          %dma_start3A_103 = tpu.memref_slice %arg9[%dma_start3A_101, %dma_start3A_102] : memref<128x128xf32, #tpu.memory_space<vmem>> -> memref<128x128xf32, #tpu.memory_space<vmem>>
          %dma_start3A_104 = arith.constant 0 : i32
          %dma_start3A_105 = arith.constant 0 : i32
          %dma_start3A_106 = tpu.memref_slice %arg6[%arg0, %dma_start3A_104, %dma_start3A_105] : memref<2x10000x128xf32, #tpu.memory_space<hbm>> -> memref<1x10000x128xf32, #tpu.memory_space<hbm>>
          %dma_start3A_107 = tpu.memref_squeeze %dma_start3A_106 : memref<1x10000x128xf32, #tpu.memory_space<hbm>> -> memref<10000x128xf32, #tpu.memory_space<hbm>>
          %dma_start3A_108 = arith.constant 0 : i32
          %dma_start3A_109 = tpu.memref_slice %dma_start3A_107[%add3A_99, %dma_start3A_108] : memref<10000x128xf32, #tpu.memory_space<hbm>> -> memref<128x128xf32, #tpu.memory_space<hbm>>
          %dma_start3A_110 = arith.constant 0 : i32
          %dma_start3A_111 = arith.constant 0 : i32
          %dma_start3A_112 = tpu.memref_slice %arg6[%arg0, %dma_start3A_110, %dma_start3A_111] : memref<2x10000x128xf32, #tpu.memory_space<hbm>> -> memref<1x10000x128xf32, #tpu.memory_space<hbm>>
          %dma_start3A_113 = tpu.memref_squeeze %dma_start3A_112 : memref<1x10000x128xf32, #tpu.memory_space<hbm>> -> memref<10000x128xf32, #tpu.memory_space<hbm>>
          %dma_start3A_114 = arith.constant 0 : i32
          %dma_start3A_115 = tpu.memref_slice %dma_start3A_113[%add3A_99, %dma_start3A_114] : memref<10000x128xf32, #tpu.memory_space<hbm>> -> memref<128x128xf32, #tpu.memory_space<hbm>>
          %dma_start3A_116 = arith.constant 0 : i32
          %dma_start3A_117 = arith.constant 0 : i32
          %dma_start3A_118 = tpu.memref_slice %arg9[%dma_start3A_116, %dma_start3A_117] : memref<128x128xf32, #tpu.memory_space<vmem>> -> memref<128x128xf32, #tpu.memory_space<vmem>>
          tpu.enqueue_dma source(%dma_start3A_118 : memref<128x128xf32, #tpu.memory_space<vmem>>) target(%dma_start3A_115 : memref<128x128xf32, #tpu.memory_space<hbm>>) target_semaphore(%run_scoped3A_100 : memref<!tpu.dma_semaphore, #tpu.memory_space<semaphore_mem>>)
          %dma_wait3A_119 = arith.constant 0 : i32
          %dma_wait3A_120 = arith.constant 0 : i32
          %dma_wait3A_121 = tpu.memref_slice %arg9[%dma_wait3A_119, %dma_wait3A_120] : memref<128x128xf32, #tpu.memory_space<vmem>> -> memref<128x128xf32, #tpu.memory_space<vmem>>
          %dma_wait3A_122 = arith.constant 0 : i32
          %dma_wait3A_123 = arith.constant 0 : i32
          %dma_wait3A_124 = tpu.memref_slice %arg6[%arg0, %dma_wait3A_122, %dma_wait3A_123] : memref<2x10000x128xf32, #tpu.memory_space<hbm>> -> memref<1x10000x128xf32, #tpu.memory_space<hbm>>
          %dma_wait3A_125 = tpu.memref_squeeze %dma_wait3A_124 : memref<1x10000x128xf32, #tpu.memory_space<hbm>> -> memref<10000x128xf32, #tpu.memory_space<hbm>>
          %dma_wait3A_126 = arith.constant 0 : i32
          %dma_wait3A_127 = tpu.memref_slice %dma_wait3A_125[%add3A_99, %dma_wait3A_126] : memref<10000x128xf32, #tpu.memory_space<hbm>> -> memref<128x128xf32, #tpu.memory_space<hbm>>
          %dma_wait3A_128 = arith.constant 0 : i32
          %dma_wait3A_129 = arith.constant 0 : i32
          %dma_wait3A_130 = tpu.memref_slice %arg6[%arg0, %dma_wait3A_128, %dma_wait3A_129] : memref<2x10000x128xf32, #tpu.memory_space<hbm>> -> memref<1x10000x128xf32, #tpu.memory_space<hbm>>
          %dma_wait3A_131 = tpu.memref_squeeze %dma_wait3A_130 : memref<1x10000x128xf32, #tpu.memory_space<hbm>> -> memref<10000x128xf32, #tpu.memory_space<hbm>>
          %dma_wait3A_132 = arith.constant 0 : i32
          %dma_wait3A_133 = tpu.memref_slice %dma_wait3A_131[%add3A_99, %dma_wait3A_132] : memref<10000x128xf32, #tpu.memory_space<hbm>> -> memref<128x128xf32, #tpu.memory_space<hbm>>
          %dma_wait3A_134 = arith.constant 0 : i32
          %dma_wait3A_135 = arith.constant 0 : i32
          %dma_wait3A_136 = tpu.memref_slice %arg9[%dma_wait3A_134, %dma_wait3A_135] : memref<128x128xf32, #tpu.memory_space<vmem>> -> memref<128x128xf32, #tpu.memory_space<vmem>>
          tpu.wait_dma2 semaphore(%run_scoped3A_100 : memref<!tpu.dma_semaphore, #tpu.memory_space<semaphore_mem>>) src(%dma_wait3A_136 : memref<128x128xf32, #tpu.memory_space<vmem>>) dst(%dma_wait3A_133 : memref<128x128xf32, #tpu.memory_space<hbm>>)
          tpu.yield
        }) : () -> ()
      }
      %scan3A_95 = arith.constant 5 : i32
    } else {
    }
    return
  }
}

module attributes {stable_mosaic.version = 14 : i64} {
  func.func @_layer0_body(%arg0: i32, %arg1: memref<2000x128xf32, #tpu.memory_space<vmem>>, %arg2: memref<2000x128xf32, #tpu.memory_space<vmem>>, %arg3: memref<2000x128xf32, #tpu.memory_space<vmem>>, %arg4: memref<2000x128xf32, #tpu.memory_space<vmem>>, %arg5: memref<2000x128xf32, #tpu.memory_space<vmem>>, %arg6: memref<128x128xf32, #tpu.memory_space<vmem>>, %arg7: memref<128x128xf32, #tpu.memory_space<vmem>>, %arg8: memref<1x128xf32, #tpu.memory_space<vmem>>, %arg9: memref<2000x128xf32, #tpu.memory_space<vmem>>, %arg10: memref<2000x1xf32, #tpu.memory_space<vmem>>) attributes {dimension_semantics = [#tpu.dimension_semantics<arbitrary>], iteration_bounds = array<i64: 5>, scalar_prefetch = 0 : i64, scratch_operands = 0 : i64, tpu.core_type = #tpu.core_type<tc>, window_params = [{transform_indices = @transform_0, window_bounds = array<i64: 2000, 128>}, {transform_indices = @transform_1, window_bounds = array<i64: 2000, 128>}, {transform_indices = @transform_2, window_bounds = array<i64: 2000, 128>}, {transform_indices = @transform_3, window_bounds = array<i64: 2000, 128>}, {transform_indices = @transform_4, window_bounds = array<i64: 2000, 128>}, {pipeline_mode = #tpu.pipeline_mode<synchronous>, transform_indices = @transform_5, window_bounds = array<i64: 128, 128>}, {pipeline_mode = #tpu.pipeline_mode<synchronous>, transform_indices = @transform_6, window_bounds = array<i64: 128, 128>}, {pipeline_mode = #tpu.pipeline_mode<synchronous>, transform_indices = @transform_7, window_bounds = array<i64: 1, 128>}, {transform_indices = @transform_8, window_bounds = array<i64: 2000, 128>}, {transform_indices = @transform_9, window_bounds = array<i64: 2000, 1>}]} {
    %get3A = arith.constant 0 : index
    %get3A_0 = arith.constant 0 : index
    %get3A_1 = vector.load %arg3[%get3A, %get3A_0] : memref<2000x128xf32, #tpu.memory_space<vmem>>, vector<2000x1xf32>
    %get3A_2 = arith.constant 0 : index
    %get3A_3 = arith.constant 0 : index
    %get3A_4 = vector.load %arg4[%get3A_2, %get3A_3] : memref<2000x128xf32, #tpu.memory_space<vmem>>, vector<2000x1xf32>
    %add3A = arith.addf %get3A_1, %get3A_4 : vector<2000x1xf32>
    %max3A = arith.constant 1.000000e+00 : f32
    %max3A_5 = vector.broadcast %max3A : f32 to vector<2000x1xf32>
    %max3A_6 = arith.maximumf %add3A, %max3A_5 : vector<2000x1xf32>
    %div3A = arith.constant 1.000000e+00 : f32
    %div3A_7 = vector.broadcast %div3A : f32 to vector<2000x1xf32>
    %div3A_8 = arith.divf %div3A_7, %max3A_6 : vector<2000x1xf32>
    %get3A_9 = arith.constant 0 : index
    %get3A_10 = arith.constant 0 : index
    %get3A_11 = vector.load %arg1[%get3A_9, %get3A_10] : memref<2000x128xf32, #tpu.memory_space<vmem>>, vector<2000x128xf32>
    %get3A_12 = arith.constant 0 : index
    %get3A_13 = arith.constant 0 : index
    %get3A_14 = vector.load %arg2[%get3A_12, %get3A_13] : memref<2000x128xf32, #tpu.memory_space<vmem>>, vector<2000x128xf32>
    %add3A_15 = arith.addf %get3A_11, %get3A_14 : vector<2000x128xf32>
    %mul3A = vector.broadcast %div3A_8 : vector<2000x1xf32> to vector<2000x128xf32>
    %mul3A_16 = arith.mulf %add3A_15, %mul3A : vector<2000x128xf32>
    %get3A_17 = arith.constant 0 : index
    %get3A_18 = arith.constant 0 : index
    %get3A_19 = vector.load %arg6[%get3A_17, %get3A_18] : memref<128x128xf32, #tpu.memory_space<vmem>>, vector<128x128xf32>
    %dot_general3A = arith.constant dense<0.000000e+00> : vector<2000x128xf32>
    %dot_general3A_20 = tpu.matmul %mul3A_16, %get3A_19, %dot_general3A {dimension_numbers = #tpu.dot_dimension_numbers<[1], [0], [0], [1], [0, 0, 1, 1], [], []>, transpose_lhs_hint = false} : vector<2000x128xf32>, vector<128x128xf32>, vector<2000x128xf32> -> vector<2000x128xf32>
    %get3A_21 = arith.constant 0 : index
    %get3A_22 = arith.constant 0 : index
    %get3A_23 = vector.load %arg5[%get3A_21, %get3A_22] : memref<2000x128xf32, #tpu.memory_space<vmem>>, vector<2000x128xf32>
    %get3A_24 = arith.constant 0 : index
    %get3A_25 = arith.constant 0 : index
    %get3A_26 = vector.load %arg7[%get3A_24, %get3A_25] : memref<128x128xf32, #tpu.memory_space<vmem>>, vector<128x128xf32>
    %dot_general3A_27 = arith.constant dense<0.000000e+00> : vector<2000x128xf32>
    %dot_general3A_28 = tpu.matmul %get3A_23, %get3A_26, %dot_general3A_27 {dimension_numbers = #tpu.dot_dimension_numbers<[1], [0], [0], [1], [0, 0, 1, 1], [], []>, transpose_lhs_hint = false} : vector<2000x128xf32>, vector<128x128xf32>, vector<2000x128xf32> -> vector<2000x128xf32>
    %add3A_29 = arith.addf %dot_general3A_20, %dot_general3A_28 : vector<2000x128xf32>
    %get3A_30 = arith.constant 0 : index
    %get3A_31 = arith.constant 0 : index
    %get3A_32 = vector.load %arg8[%get3A_30, %get3A_31] : memref<1x128xf32, #tpu.memory_space<vmem>>, vector<1x128xf32>
    %add3A_33 = vector.broadcast %get3A_32 : vector<1x128xf32> to vector<2000x128xf32>
    %add3A_34 = arith.addf %add3A_29, %add3A_33 : vector<2000x128xf32>
    %max3A_35 = arith.constant 0.000000e+00 : f32
    %max3A_36 = vector.broadcast %max3A_35 : f32 to vector<2000x128xf32>
    %max3A_37 = arith.maximumf %add3A_34, %max3A_36 : vector<2000x128xf32>
    %swap3A = arith.constant 0 : index
    %swap3A_38 = arith.constant 0 : index
    %swap3A_39 = vector.load %arg9[%swap3A, %swap3A_38] : memref<2000x128xf32, #tpu.memory_space<vmem>>, vector<2000x128xf32>
    tpu.vector_store %arg9[%swap3A, %swap3A_38], %max3A_37 {strides = array<i32>} : memref<2000x128xf32, #tpu.memory_space<vmem>>, vector<2000x128xf32>,
    %swap3A_40 = arith.constant 0 : index
    %swap3A_41 = arith.constant 0 : index
    %swap3A_42 = vector.load %arg10[%swap3A_40, %swap3A_41] : memref<2000x1xf32, #tpu.memory_space<vmem>>, vector<2000x1xf32>
    tpu.vector_store %arg10[%swap3A_40, %swap3A_41], %div3A_8 {strides = array<i32>} : memref<2000x1xf32, #tpu.memory_space<vmem>>, vector<2000x1xf32>,
    return
  }
  func.func @transform_0(%arg0: i32) -> (i32, i32) {
    %c0_i32 = arith.constant 0 : i32
    %c0_i32_0 = arith.constant 0 : i32
    return %arg0, %c0_i32 : i32, i32
  }
  func.func @transform_1(%arg0: i32) -> (i32, i32) {
    %c0_i32 = arith.constant 0 : i32
    %c0_i32_0 = arith.constant 0 : i32
    return %arg0, %c0_i32 : i32, i32
  }
  func.func @transform_2(%arg0: i32) -> (i32, i32) {
    %c0_i32 = arith.constant 0 : i32
    %c0_i32_0 = arith.constant 0 : i32
    return %arg0, %c0_i32 : i32, i32
  }
  func.func @transform_3(%arg0: i32) -> (i32, i32) {
    %c0_i32 = arith.constant 0 : i32
    %c0_i32_0 = arith.constant 0 : i32
    return %arg0, %c0_i32 : i32, i32
  }
  func.func @transform_4(%arg0: i32) -> (i32, i32) {
    %c0_i32 = arith.constant 0 : i32
    %c0_i32_0 = arith.constant 0 : i32
    return %arg0, %c0_i32 : i32, i32
  }
  func.func @transform_5(%arg0: i32) -> (i32, i32) {
    %c0_i32 = arith.constant 0 : i32
    %c0_i32_0 = arith.constant 0 : i32
    %c0_i32_1 = arith.constant 0 : i32
    return %c0_i32, %c0_i32_0 : i32, i32
  }
  func.func @transform_6(%arg0: i32) -> (i32, i32) {
    %c0_i32 = arith.constant 0 : i32
    %c0_i32_0 = arith.constant 0 : i32
    %c0_i32_1 = arith.constant 0 : i32
    return %c0_i32, %c0_i32_0 : i32, i32
  }
  func.func @transform_7(%arg0: i32) -> (i32, i32) {
    %c0_i32 = arith.constant 0 : i32
    %c0_i32_0 = arith.constant 0 : i32
    %c0_i32_1 = arith.constant 0 : i32
    return %c0_i32, %c0_i32_0 : i32, i32
  }
  func.func @transform_8(%arg0: i32) -> (i32, i32) {
    %c0_i32 = arith.constant 0 : i32
    %c0_i32_0 = arith.constant 0 : i32
    return %arg0, %c0_i32 : i32, i32
  }
  func.func @transform_9(%arg0: i32) -> (i32, i32) {
    %c0_i32 = arith.constant 0 : i32
    %c0_i32_0 = arith.constant 0 : i32
    return %arg0, %c0_i32 : i32, i32
  }
}

module attributes {stable_mosaic.version = 14 : i64} {
  func.func @_layer_body(%arg0: i32, %arg1: memref<2000x128xf32, #tpu.memory_space<vmem>>, %arg2: memref<2000x128xf32, #tpu.memory_space<vmem>>, %arg3: memref<2000x1xf32, #tpu.memory_space<vmem>>, %arg4: memref<2000x128xf32, #tpu.memory_space<vmem>>, %arg5: memref<128x128xf32, #tpu.memory_space<vmem>>, %arg6: memref<128x128xf32, #tpu.memory_space<vmem>>, %arg7: memref<1x128xf32, #tpu.memory_space<vmem>>, %arg8: memref<2000x128xf32, #tpu.memory_space<vmem>>) attributes {dimension_semantics = [#tpu.dimension_semantics<arbitrary>], iteration_bounds = array<i64: 5>, scalar_prefetch = 0 : i64, scratch_operands = 0 : i64, tpu.core_type = #tpu.core_type<tc>, window_params = [{transform_indices = @transform_0, window_bounds = array<i64: 2000, 128>}, {transform_indices = @transform_1, window_bounds = array<i64: 2000, 128>}, {transform_indices = @transform_2, window_bounds = array<i64: 2000, 1>}, {transform_indices = @transform_3, window_bounds = array<i64: 2000, 128>}, {pipeline_mode = #tpu.pipeline_mode<synchronous>, transform_indices = @transform_4, window_bounds = array<i64: 128, 128>}, {pipeline_mode = #tpu.pipeline_mode<synchronous>, transform_indices = @transform_5, window_bounds = array<i64: 128, 128>}, {pipeline_mode = #tpu.pipeline_mode<synchronous>, transform_indices = @transform_6, window_bounds = array<i64: 1, 128>}, {transform_indices = @transform_7, window_bounds = array<i64: 2000, 128>}]} {
    %get3A = arith.constant 0 : index
    %get3A_0 = arith.constant 0 : index
    %get3A_1 = vector.load %arg1[%get3A, %get3A_0] : memref<2000x128xf32, #tpu.memory_space<vmem>>, vector<2000x128xf32>
    %get3A_2 = arith.constant 0 : index
    %get3A_3 = arith.constant 0 : index
    %get3A_4 = vector.load %arg2[%get3A_2, %get3A_3] : memref<2000x128xf32, #tpu.memory_space<vmem>>, vector<2000x128xf32>
    %add3A = arith.addf %get3A_1, %get3A_4 : vector<2000x128xf32>
    %get3A_5 = arith.constant 0 : index
    %get3A_6 = arith.constant 0 : index
    %get3A_7 = vector.load %arg3[%get3A_5, %get3A_6] : memref<2000x1xf32, #tpu.memory_space<vmem>>, vector<2000x1xf32>
    %mul3A = vector.broadcast %get3A_7 : vector<2000x1xf32> to vector<2000x128xf32>
    %mul3A_8 = arith.mulf %add3A, %mul3A : vector<2000x128xf32>
    %get3A_9 = arith.constant 0 : index
    %get3A_10 = arith.constant 0 : index
    %get3A_11 = vector.load %arg5[%get3A_9, %get3A_10] : memref<128x128xf32, #tpu.memory_space<vmem>>, vector<128x128xf32>
    %dot_general3A = arith.constant dense<0.000000e+00> : vector<2000x128xf32>
    %dot_general3A_12 = tpu.matmul %mul3A_8, %get3A_11, %dot_general3A {dimension_numbers = #tpu.dot_dimension_numbers<[1], [0], [0], [1], [0, 0, 1, 1], [], []>, transpose_lhs_hint = false} : vector<2000x128xf32>, vector<128x128xf32>, vector<2000x128xf32> -> vector<2000x128xf32>
    %get3A_13 = arith.constant 0 : index
    %get3A_14 = arith.constant 0 : index
    %get3A_15 = vector.load %arg4[%get3A_13, %get3A_14] : memref<2000x128xf32, #tpu.memory_space<vmem>>, vector<2000x128xf32>
    %get3A_16 = arith.constant 0 : index
    %get3A_17 = arith.constant 0 : index
    %get3A_18 = vector.load %arg6[%get3A_16, %get3A_17] : memref<128x128xf32, #tpu.memory_space<vmem>>, vector<128x128xf32>
    %dot_general3A_19 = arith.constant dense<0.000000e+00> : vector<2000x128xf32>
    %dot_general3A_20 = tpu.matmul %get3A_15, %get3A_18, %dot_general3A_19 {dimension_numbers = #tpu.dot_dimension_numbers<[1], [0], [0], [1], [0, 0, 1, 1], [], []>, transpose_lhs_hint = false} : vector<2000x128xf32>, vector<128x128xf32>, vector<2000x128xf32> -> vector<2000x128xf32>
    %add3A_21 = arith.addf %dot_general3A_12, %dot_general3A_20 : vector<2000x128xf32>
    %get3A_22 = arith.constant 0 : index
    %get3A_23 = arith.constant 0 : index
    %get3A_24 = vector.load %arg7[%get3A_22, %get3A_23] : memref<1x128xf32, #tpu.memory_space<vmem>>, vector<1x128xf32>
    %add3A_25 = vector.broadcast %get3A_24 : vector<1x128xf32> to vector<2000x128xf32>
    %add3A_26 = arith.addf %add3A_21, %add3A_25 : vector<2000x128xf32>
    %max3A = arith.constant 0.000000e+00 : f32
    %max3A_27 = vector.broadcast %max3A : f32 to vector<2000x128xf32>
    %max3A_28 = arith.maximumf %add3A_26, %max3A_27 : vector<2000x128xf32>
    %swap3A = arith.constant 0 : index
    %swap3A_29 = arith.constant 0 : index
    %swap3A_30 = vector.load %arg8[%swap3A, %swap3A_29] : memref<2000x128xf32, #tpu.memory_space<vmem>>, vector<2000x128xf32>
    tpu.vector_store %arg8[%swap3A, %swap3A_29], %max3A_28 {strides = array<i32>} : memref<2000x128xf32, #tpu.memory_space<vmem>>, vector<2000x128xf32>,
    return
  }
  func.func @transform_0(%arg0: i32) -> (i32, i32) {
    %c0_i32 = arith.constant 0 : i32
    %c0_i32_0 = arith.constant 0 : i32
    return %arg0, %c0_i32 : i32, i32
  }
  func.func @transform_1(%arg0: i32) -> (i32, i32) {
    %c0_i32 = arith.constant 0 : i32
    %c0_i32_0 = arith.constant 0 : i32
    return %arg0, %c0_i32 : i32, i32
  }
  func.func @transform_2(%arg0: i32) -> (i32, i32) {
    %c0_i32 = arith.constant 0 : i32
    %c0_i32_0 = arith.constant 0 : i32
    return %arg0, %c0_i32 : i32, i32
  }
  func.func @transform_3(%arg0: i32) -> (i32, i32) {
    %c0_i32 = arith.constant 0 : i32
    %c0_i32_0 = arith.constant 0 : i32
    return %arg0, %c0_i32 : i32, i32
  }
  func.func @transform_4(%arg0: i32) -> (i32, i32) {
    %c0_i32 = arith.constant 0 : i32
    %c0_i32_0 = arith.constant 0 : i32
    %c0_i32_1 = arith.constant 0 : i32
    return %c0_i32, %c0_i32_0 : i32, i32
  }
  func.func @transform_5(%arg0: i32) -> (i32, i32) {
    %c0_i32 = arith.constant 0 : i32
    %c0_i32_0 = arith.constant 0 : i32
    %c0_i32_1 = arith.constant 0 : i32
    return %c0_i32, %c0_i32_0 : i32, i32
  }
  func.func @transform_6(%arg0: i32) -> (i32, i32) {
    %c0_i32 = arith.constant 0 : i32
    %c0_i32_0 = arith.constant 0 : i32
    %c0_i32_1 = arith.constant 0 : i32
    return %c0_i32, %c0_i32_0 : i32, i32
  }
  func.func @transform_7(%arg0: i32) -> (i32, i32) {
    %c0_i32 = arith.constant 0 : i32
    %c0_i32_0 = arith.constant 0 : i32
    return %arg0, %c0_i32 : i32, i32
  }
}

module attributes {stable_mosaic.version = 14 : i64} {
  func.func @_final_body(%arg0: i32, %arg1: memref<2000x128xf32, #tpu.memory_space<vmem>>, %arg2: memref<2000x128xf32, #tpu.memory_space<vmem>>, %arg3: memref<2000x1xf32, #tpu.memory_space<vmem>>, %arg4: memref<2000x128xf32, #tpu.memory_space<vmem>>, %arg5: memref<128x128xf32, #tpu.memory_space<vmem>>, %arg6: memref<128x128xf32, #tpu.memory_space<vmem>>, %arg7: memref<1x128xf32, #tpu.memory_space<vmem>>, %arg8: memref<2000x1xi32, #tpu.memory_space<vmem>>, %arg9: memref<128x10xf32, #tpu.memory_space<vmem>>, %arg10: memref<1x10xf32, #tpu.memory_space<vmem>>, %arg11: memref<64x10xf32, #tpu.memory_space<vmem>>, %arg12: memref<64x128xf32, #tpu.memory_space<vmem>>, %arg13: memref<64x128xf32, #tpu.memory_space<vmem>>) attributes {dimension_semantics = [#tpu.dimension_semantics<arbitrary>], iteration_bounds = array<i64: 5>, scalar_prefetch = 0 : i64, scratch_operands = 2 : i64, tpu.core_type = #tpu.core_type<tc>, window_params = [{transform_indices = @transform_0, window_bounds = array<i64: 2000, 128>}, {transform_indices = @transform_1, window_bounds = array<i64: 2000, 128>}, {transform_indices = @transform_2, window_bounds = array<i64: 2000, 1>}, {transform_indices = @transform_3, window_bounds = array<i64: 2000, 128>}, {pipeline_mode = #tpu.pipeline_mode<synchronous>, transform_indices = @transform_4, window_bounds = array<i64: 128, 128>}, {pipeline_mode = #tpu.pipeline_mode<synchronous>, transform_indices = @transform_5, window_bounds = array<i64: 128, 128>}, {pipeline_mode = #tpu.pipeline_mode<synchronous>, transform_indices = @transform_6, window_bounds = array<i64: 1, 128>}, {transform_indices = @transform_7, window_bounds = array<i64: 2000, 1>}, {pipeline_mode = #tpu.pipeline_mode<synchronous>, transform_indices = @transform_8, window_bounds = array<i64: 128, 10>}, {pipeline_mode = #tpu.pipeline_mode<synchronous>, transform_indices = @transform_9, window_bounds = array<i64: 1, 10>}, {pipeline_mode = #tpu.pipeline_mode<synchronous>, transform_indices = @transform_10, window_bounds = array<i64: 64, 10>}]} {
    %get3A = arith.constant 0 : index
    %get3A_0 = arith.constant 0 : index
    %get3A_1 = vector.load %arg1[%get3A, %get3A_0] : memref<2000x128xf32, #tpu.memory_space<vmem>>, vector<2000x128xf32>
    %get3A_2 = arith.constant 0 : index
    %get3A_3 = arith.constant 0 : index
    %get3A_4 = vector.load %arg2[%get3A_2, %get3A_3] : memref<2000x128xf32, #tpu.memory_space<vmem>>, vector<2000x128xf32>
    %add3A = arith.addf %get3A_1, %get3A_4 : vector<2000x128xf32>
    %get3A_5 = arith.constant 0 : index
    %get3A_6 = arith.constant 0 : index
    %get3A_7 = vector.load %arg3[%get3A_5, %get3A_6] : memref<2000x1xf32, #tpu.memory_space<vmem>>, vector<2000x1xf32>
    %mul3A = vector.broadcast %get3A_7 : vector<2000x1xf32> to vector<2000x128xf32>
    %mul3A_8 = arith.mulf %add3A, %mul3A : vector<2000x128xf32>
    %get3A_9 = arith.constant 0 : index
    %get3A_10 = arith.constant 0 : index
    %get3A_11 = vector.load %arg5[%get3A_9, %get3A_10] : memref<128x128xf32, #tpu.memory_space<vmem>>, vector<128x128xf32>
    %dot_general3A = arith.constant dense<0.000000e+00> : vector<2000x128xf32>
    %dot_general3A_12 = tpu.matmul %mul3A_8, %get3A_11, %dot_general3A {dimension_numbers = #tpu.dot_dimension_numbers<[1], [0], [0], [1], [0, 0, 1, 1], [], []>, transpose_lhs_hint = false} : vector<2000x128xf32>, vector<128x128xf32>, vector<2000x128xf32> -> vector<2000x128xf32>
    %get3A_13 = arith.constant 0 : index
    %get3A_14 = arith.constant 0 : index
    %get3A_15 = vector.load %arg4[%get3A_13, %get3A_14] : memref<2000x128xf32, #tpu.memory_space<vmem>>, vector<2000x128xf32>
    %get3A_16 = arith.constant 0 : index
    %get3A_17 = arith.constant 0 : index
    %get3A_18 = vector.load %arg6[%get3A_16, %get3A_17] : memref<128x128xf32, #tpu.memory_space<vmem>>, vector<128x128xf32>
    %dot_general3A_19 = arith.constant dense<0.000000e+00> : vector<2000x128xf32>
    %dot_general3A_20 = tpu.matmul %get3A_15, %get3A_18, %dot_general3A_19 {dimension_numbers = #tpu.dot_dimension_numbers<[1], [0], [0], [1], [0, 0, 1, 1], [], []>, transpose_lhs_hint = false} : vector<2000x128xf32>, vector<128x128xf32>, vector<2000x128xf32> -> vector<2000x128xf32>
    %add3A_21 = arith.addf %dot_general3A_12, %dot_general3A_20 : vector<2000x128xf32>
    %get3A_22 = arith.constant 0 : index
    %get3A_23 = arith.constant 0 : index
    %get3A_24 = vector.load %arg7[%get3A_22, %get3A_23] : memref<1x128xf32, #tpu.memory_space<vmem>>, vector<1x128xf32>
    %add3A_25 = vector.broadcast %get3A_24 : vector<1x128xf32> to vector<2000x128xf32>
    %add3A_26 = arith.addf %add3A_21, %add3A_25 : vector<2000x128xf32>
    %max3A = arith.constant 0.000000e+00 : f32
    %max3A_27 = vector.broadcast %max3A : f32 to vector<2000x128xf32>
    %max3A_28 = arith.maximumf %add3A_26, %max3A_27 : vector<2000x128xf32>
    %get3A_29 = arith.constant 0 : index
    %get3A_30 = arith.constant 0 : index
    %get3A_31 = vector.load %arg8[%get3A_29, %get3A_30] : memref<2000x1xi32, #tpu.memory_space<vmem>>, vector<2000x1xi32>
    %iota3A = tpu.iota {dimensions = array<i32: 1>} : vector<1x64xi32>
    %eq3A = vector.broadcast %get3A_31 : vector<2000x1xi32> to vector<2000x64xi32>
    %eq3A_32 = vector.broadcast %iota3A : vector<1x64xi32> to vector<2000x64xi32>
    %eq3A_33 = arith.cmpi eq, %eq3A, %eq3A_32 : vector<2000x64xi32>
    %convert_element_type3A = arith.extui %eq3A_33 : vector<2000x64xi1> to vector<2000x64xi32>
    %convert_element_type3A_34 = arith.sitofp %convert_element_type3A : vector<2000x64xi32> to vector<2000x64xf32>
    %dot_general3A_35 = arith.constant dense<0.000000e+00> : vector<64x128xf32>
    %dot_general3A_36 = tpu.matmul %convert_element_type3A_34, %max3A_28, %dot_general3A_35 {dimension_numbers = #tpu.dot_dimension_numbers<[0], [0], [1], [1], [0, 1, 1, 1], [], []>, transpose_lhs_hint = false} : vector<2000x64xf32>, vector<2000x128xf32>, vector<64x128xf32> -> vector<64x128xf32>
    %broadcast_in_dim3A = arith.constant 1.000000e+00 : f32
    %broadcast_in_dim3A_37 = vector.broadcast %broadcast_in_dim3A : f32 to vector<2000x128xf32>
    %dot_general3A_38 = arith.constant dense<0.000000e+00> : vector<64x128xf32>
    %dot_general3A_39 = tpu.matmul %convert_element_type3A_34, %broadcast_in_dim3A_37, %dot_general3A_38 {dimension_numbers = #tpu.dot_dimension_numbers<[0], [0], [1], [1], [0, 1, 1, 1], [], []>, transpose_lhs_hint = false} : vector<2000x64xf32>, vector<2000x128xf32>, vector<64x128xf32> -> vector<64x128xf32>
    %eq3A_40 = arith.constant 0 : i32
    %eq3A_41 = arith.cmpi eq, %arg0, %eq3A_40 : i32
    %convert_element_type3A_42 = arith.extui %eq3A_41 : i1 to i32
    %cond3A = arith.constant 0 : i32
    %cond3A_43 = arith.cmpi ne, %convert_element_type3A_42, %cond3A : i32
    scf.if %cond3A_43 {
      %broadcast_in_dim3A_62 = arith.constant 0.000000e+00 : f32
      %broadcast_in_dim3A_63 = vector.broadcast %broadcast_in_dim3A_62 : f32 to vector<64x128xf32>
      %swap3A_64 = arith.constant 0 : index
      %swap3A_65 = arith.constant 0 : index
      %swap3A_66 = vector.load %arg12[%swap3A_64, %swap3A_65] : memref<64x128xf32, #tpu.memory_space<vmem>>, vector<64x128xf32>
      tpu.vector_store %arg12[%swap3A_64, %swap3A_65], %broadcast_in_dim3A_63 {strides = array<i32>} : memref<64x128xf32, #tpu.memory_space<vmem>>, vector<64x128xf32>,
      %broadcast_in_dim3A_67 = arith.constant 0.000000e+00 : f32
      %broadcast_in_dim3A_68 = vector.broadcast %broadcast_in_dim3A_67 : f32 to vector<64x128xf32>
      %swap3A_69 = arith.constant 0 : index
      %swap3A_70 = arith.constant 0 : index
      %swap3A_71 = vector.load %arg13[%swap3A_69, %swap3A_70] : memref<64x128xf32, #tpu.memory_space<vmem>>, vector<64x128xf32>
      tpu.vector_store %arg13[%swap3A_69, %swap3A_70], %broadcast_in_dim3A_68 {strides = array<i32>} : memref<64x128xf32, #tpu.memory_space<vmem>>, vector<64x128xf32>,
    } else {
    }
    %get3A_44 = arith.constant 0 : index
    %get3A_45 = arith.constant 0 : index
    %get3A_46 = vector.load %arg12[%get3A_44, %get3A_45] : memref<64x128xf32, #tpu.memory_space<vmem>>, vector<64x128xf32>
    %add3A_47 = arith.addf %get3A_46, %dot_general3A_36 : vector<64x128xf32>
    %swap3A = arith.constant 0 : index
    %swap3A_48 = arith.constant 0 : index
    %swap3A_49 = vector.load %arg12[%swap3A, %swap3A_48] : memref<64x128xf32, #tpu.memory_space<vmem>>, vector<64x128xf32>
    tpu.vector_store %arg12[%swap3A, %swap3A_48], %add3A_47 {strides = array<i32>} : memref<64x128xf32, #tpu.memory_space<vmem>>, vector<64x128xf32>,
    %get3A_50 = arith.constant 0 : index
    %get3A_51 = arith.constant 0 : index
    %get3A_52 = vector.load %arg13[%get3A_50, %get3A_51] : memref<64x128xf32, #tpu.memory_space<vmem>>, vector<64x128xf32>
    %add3A_53 = arith.addf %get3A_52, %dot_general3A_39 : vector<64x128xf32>
    %swap3A_54 = arith.constant 0 : index
    %swap3A_55 = arith.constant 0 : index
    %swap3A_56 = vector.load %arg13[%swap3A_54, %swap3A_55] : memref<64x128xf32, #tpu.memory_space<vmem>>, vector<64x128xf32>
    tpu.vector_store %arg13[%swap3A_54, %swap3A_55], %add3A_53 {strides = array<i32>} : memref<64x128xf32, #tpu.memory_space<vmem>>, vector<64x128xf32>,
    %eq3A_57 = arith.constant 4 : i32
    %eq3A_58 = arith.cmpi eq, %arg0, %eq3A_57 : i32
    %convert_element_type3A_59 = arith.extui %eq3A_58 : i1 to i32
    %cond3A_60 = arith.constant 0 : i32
    %cond3A_61 = arith.cmpi ne, %convert_element_type3A_59, %cond3A_60 : i32
    scf.if %cond3A_61 {
      %get3A_62 = arith.constant 0 : index
      %get3A_63 = arith.constant 0 : index
      %get3A_64 = vector.load %arg12[%get3A_62, %get3A_63] : memref<64x128xf32, #tpu.memory_space<vmem>>, vector<64x128xf32>
      %get3A_65 = arith.constant 0 : index
      %get3A_66 = arith.constant 0 : index
      %get3A_67 = vector.load %arg13[%get3A_65, %get3A_66] : memref<64x128xf32, #tpu.memory_space<vmem>>, vector<64x128xf32>
      %max3A_68 = arith.constant 1.000000e+00 : f32
      %max3A_69 = vector.broadcast %max3A_68 : f32 to vector<64x128xf32>
      %max3A_70 = arith.maximumf %get3A_67, %max3A_69 : vector<64x128xf32>
      %div3A = arith.divf %get3A_64, %max3A_70 : vector<64x128xf32>
      %get3A_71 = arith.constant 0 : index
      %get3A_72 = arith.constant 0 : index
      %get3A_73 = vector.load %arg9[%get3A_71, %get3A_72] : memref<128x10xf32, #tpu.memory_space<vmem>>, vector<128x10xf32>
      %dot_general3A_74 = arith.constant dense<0.000000e+00> : vector<64x10xf32>
      %dot_general3A_75 = tpu.matmul %div3A, %get3A_73, %dot_general3A_74 {dimension_numbers = #tpu.dot_dimension_numbers<[1], [0], [0], [1], [0, 0, 1, 1], [], []>, transpose_lhs_hint = false} : vector<64x128xf32>, vector<128x10xf32>, vector<64x10xf32> -> vector<64x10xf32>
      %get3A_76 = arith.constant 0 : index
      %get3A_77 = arith.constant 0 : index
      %get3A_78 = vector.load %arg10[%get3A_76, %get3A_77] : memref<1x10xf32, #tpu.memory_space<vmem>>, vector<1x10xf32>
      %add3A_79 = vector.broadcast %get3A_78 : vector<1x10xf32> to vector<64x10xf32>
      %add3A_80 = arith.addf %dot_general3A_75, %add3A_79 : vector<64x10xf32>
      %swap3A_81 = arith.constant 0 : index
      %swap3A_82 = arith.constant 0 : index
      %swap3A_83 = vector.load %arg11[%swap3A_81, %swap3A_82] : memref<64x10xf32, #tpu.memory_space<vmem>>, vector<64x10xf32>
      tpu.vector_store %arg11[%swap3A_81, %swap3A_82], %add3A_80 {strides = array<i32>} : memref<64x10xf32, #tpu.memory_space<vmem>>, vector<64x10xf32>,
    } else {
    }
    return
  }
  func.func @transform_0(%arg0: i32) -> (i32, i32) {
    %c0_i32 = arith.constant 0 : i32
    %c0_i32_0 = arith.constant 0 : i32
    return %arg0, %c0_i32 : i32, i32
  }
  func.func @transform_1(%arg0: i32) -> (i32, i32) {
    %c0_i32 = arith.constant 0 : i32
    %c0_i32_0 = arith.constant 0 : i32
    return %arg0, %c0_i32 : i32, i32
  }
  func.func @transform_2(%arg0: i32) -> (i32, i32) {
    %c0_i32 = arith.constant 0 : i32
    %c0_i32_0 = arith.constant 0 : i32
    return %arg0, %c0_i32 : i32, i32
  }
  func.func @transform_3(%arg0: i32) -> (i32, i32) {
    %c0_i32 = arith.constant 0 : i32
    %c0_i32_0 = arith.constant 0 : i32
    return %arg0, %c0_i32 : i32, i32
  }
  func.func @transform_4(%arg0: i32) -> (i32, i32) {
    %c0_i32 = arith.constant 0 : i32
    %c0_i32_0 = arith.constant 0 : i32
    %c0_i32_1 = arith.constant 0 : i32
    return %c0_i32, %c0_i32_0 : i32, i32
  }
  func.func @transform_5(%arg0: i32) -> (i32, i32) {
    %c0_i32 = arith.constant 0 : i32
    %c0_i32_0 = arith.constant 0 : i32
    %c0_i32_1 = arith.constant 0 : i32
    return %c0_i32, %c0_i32_0 : i32, i32
  }
  func.func @transform_6(%arg0: i32) -> (i32, i32) {
    %c0_i32 = arith.constant 0 : i32
    %c0_i32_0 = arith.constant 0 : i32
    %c0_i32_1 = arith.constant 0 : i32
    return %c0_i32, %c0_i32_0 : i32, i32
  }
  func.func @transform_7(%arg0: i32) -> (i32, i32) {
    %c0_i32 = arith.constant 0 : i32
    %c0_i32_0 = arith.constant 0 : i32
    return %arg0, %c0_i32 : i32, i32
  }
  func.func @transform_8(%arg0: i32) -> (i32, i32) {
    %c0_i32 = arith.constant 0 : i32
    %c0_i32_0 = arith.constant 0 : i32
    %c0_i32_1 = arith.constant 0 : i32
    return %c0_i32, %c0_i32_0 : i32, i32
  }
  func.func @transform_9(%arg0: i32) -> (i32, i32) {
    %c0_i32 = arith.constant 0 : i32
    %c0_i32_0 = arith.constant 0 : i32
    %c0_i32_1 = arith.constant 0 : i32
    return %c0_i32, %c0_i32_0 : i32, i32
  }
  func.func @transform_10(%arg0: i32) -> (i32, i32) {
    %c0_i32 = arith.constant 0 : i32
    %c0_i32_0 = arith.constant 0 : i32
    %c0_i32_1 = arith.constant 0 : i32
    return %c0_i32, %c0_i32_0 : i32, i32
  }
}

</mosaic_0001>

<sc_bundles>
// kernel: sage_agg.11.cloned.1.call-start
scs
__scs_entry_jumppad:
0x0: {  	(pc) =	sbr.rel $0x88, $3  }
0x1: {  	(tag) =	ssettag $0x0;
	lr =	simm.s32 $0x1  }
0x2: {  	[smem:$0x3F93] =	sst lr;
	_ =	strace $0xD0000000  }
0x3: {  	_ = 	snop  }
0x4: {  	_ = 	snop  }
0x5: {  	_ = 	snop  }
0x6: {  	_ = 	snop  }
0x7: {  	_ = 	snop  }
__scs_overlays_trampoline_lowered:
0x8: {  	[smem:$0x3FA2] =	sst s0  }
0x9: {  	[smem:$0x3FA3] =	sst s1  }
0xa: {  	[smem:$0x3FA4] =	sst s2  }
0xb: {  	[smem:$0x3FA5] =	sst s3  }
0xc: {  	[smem:$0x3FA6] =	sst s4  }
0xd: {  	[smem:$0x3FA7] =	sst s5  }
0xe: {  	[smem:$0x3FA8] =	sst s6  }
0xf: {  	[smem:$0x3FA9] =	sst s7  }
0x10: {  	[smem:$0x3FAA] =	sst s8  }
0x11: {  	[smem:$0x3FAB] =	sst s9;
	s0 =	simm.s32 @!p0 $0x0  }
0x12: {  	s1 =	sld [smem:$0x3F91];
	s0 =	simm.s32 @p0 $0x1  }
0x13: {  	[smem:$0x3FAC] =	sst s0;
	s0 =	simm.s32 @!p1 $0x0  }
0x14: {  	s2 =	sld [smem:$0x3F90];
	s0 =	simm.s32 @p1 $0x1  }
0x15: {  	[smem:$0x3FAD] =	sst s0;
	s0 =	simm.s32 @!p2 $0x0  }
0x16: {  	s3 =	sld [smem:$0x3FDB];
	s0 =	simm.s32 @p2 $0x1  }
0x17: {  	s4 =	simm.s32 $0x1BF5;
	[smem:$0x3FAF] =	sst s0  }
0x18: {  	s0 =	sld [smem:$0x3F92];
	_ =	swait.ge [sflag:s4], $0x0  }
0x19: {  	s7 =	sld [smem:$0x3F93]  }
0x1a: {  	s8 =	sadd.s32 $0xFFFFE003, lr  }
0x1b: {  	s9 =	sadd.s32 $0xFFFFFEF7, lr;
	s5 =	simm.s32 $0xFFFFFFFF;
	p2 =	slt.u32 s8, $0xFFFFF086  }
0x1c: {  	p1 =	slt.u32 s9, $0xF7A;
	s5 =	simm.s32 @!p2 $0x0  }
0x1d: {  	s5 =	simm.s32 @p1 $0x1;
	p0 =	seq.s32 s7, s2  }
0x1e: {  	s7 =	smul.u32 @!p0 $0xF7A, s2;
	p2 =	seq.s32 @!p0 s5, $0x0  }
0x1f: {  	s9 =	smul.u32 $0xF7A, s1;
	s8 =	simm.s32 @!p0 $0x1BF5;
	p2 =	por !p2, p0  }
0x20: {  	[sflag:s8] =	ssyncset.s32 @!p0 $0xFFFFF086;
	s6 =	sadd.s32 @!p0 s3, s7;
	s7 =	simm.s32 @!p0 $0x108  }
0x21: {  	s3 =	sadd.s32 s3, s9;
	s6 =	sadd.s32 @!p0 $0x88, s6;
	s7 =	simm.s32 @p2 $0x1082  }
0x22: {  	[simem:s7], [sflag:s8] =	dma.local @!p0 [hbm:s6], $0xF7A  }
0x23: {  	s9 =	sor.u32 $0xD0000000, s2;
	s6 =	simm.s32 $0x108;
	_ =	swait.ge @!p0 [sflag:s8], $0x0  }
0x24: {  	s3 =	sadd.s32 $0x88, s3;
	s6 =	simm.s32 @!p1 $0x1082;
	[sflag:s4] =	ssyncset.s32 $0xFFFFF086  }
0x25: {  	[simem:s6], [sflag:s4] =	dma.local [hbm:s3], $0xF7A  }
0x26: {  	[smem:$0x3F93] =	sst s1;
	(tag) =	ssettag s2;
	_ =	strace s9  }
0x27: {  	s1 =	sld [smem:$0x3FA3]  }
0x28: {  	s2 =	sld [smem:$0x3FA4]  }
0x29: {  	s4 =	sld [smem:$0x3FA6]  }
0x2a: {  	p0 =	seq.s32 s5, $0x0;
	s5 =	sld [smem:$0x3FA7]  }
0x2b: {  	s6 =	sld [smem:$0x3FA8]  }
0x2c: {  	s7 =	sld [smem:$0x3FA9]  }
0x2d: {  	s3 =	simm.s32 $0x108;
	s8 =	sld [smem:$0x3FAA]  }
0x2e: {  	s3 =	simm.s32 @!p0 $0x1082;
	s9 =	sld [smem:$0x3FAB]  }
0x2f: {  	lr =	sadd.s32 s0, s3;
	s0 =	sld [smem:$0x3FA2]  }
0x30: {  	s3 =	sld [smem:$0x3FA5]  }
0x31: {  	[smem:$0x3FAE] =	sst s10  }
0x32: {  	s10 =	sld [smem:$0x3FAC];
	_ =	sdelay $0x3  }
0x33: {  	p0 =	seq.s32 s10, $0x1;
	s10 =	sld [smem:$0x3FAE];
	_ =	sdelay $0x3  }
0x34: {  	[smem:$0x3FAE] =	sst s10  }
0x35: {  	s10 =	sld [smem:$0x3FAD];
	_ =	sdelay $0x3  }
0x36: {  	p1 =	seq.s32 s10, $0x1;
	s10 =	sld [smem:$0x3FAE];
	_ =	sdelay $0x3  }
0x37: {  	[smem:$0x3FAE] =	sst s10  }
0x38: {  	s10 =	sld [smem:$0x3FAF]  }
0x39: {  	_ = 	snop;
	(pc) =	sbr.ind lr, $3  }
0x3a: {  	_ = 	snop  }
0x3b: {  	_ = 	snop  }
0x3c: {  	p2 =	seq.s32 s10, $0x1;
	s10 =	sld [smem:$0x3FAE]  }
0x3d: {  	_ =	shalt  }
0x3e: {  	_ =	shalt  }
0x3f: {  	_ =	shalt  }
0x40: {  	_ =	shalt  }
0x41: {  	_ =	shalt  }
0x42: {  	_ =	shalt  }
0x43: {  	_ =	shalt  }
0x44: {  	_ =	shalt  }
0x45: {  	_ =	shalt  }
0x46: {  	_ =	shalt  }
0x47: {  	_ =	shalt  }
0x48: {  	_ =	shalt  }
0x49: {  	_ =	shalt  }
0x4a: {  	_ =	shalt  }
0x4b: {  	_ =	shalt  }
0x4c: {  	_ =	shalt  }
0x4d: {  	_ =	shalt  }
0x4e: {  	_ =	shalt  }
0x4f: {  	_ =	shalt  }
0x50: {  	_ =	shalt  }
0x51: {  	_ =	shalt  }
0x52: {  	_ =	shalt  }
0x53: {  	_ =	shalt  }
0x54: {  	_ =	shalt  }
0x55: {  	_ =	shalt  }
0x56: {  	_ =	shalt  }
0x57: {  	_ =	shalt  }
0x58: {  	_ =	shalt  }
0x59: {  	_ =	shalt  }
0x5a: {  	_ =	shalt  }
0x5b: {  	_ =	shalt  }
0x5c: {  	_ =	shalt  }
0x5d: {  	_ =	shalt  }
0x5e: {  	_ =	shalt  }
0x5f: {  	_ =	shalt  }
0x60: {  	_ =	shalt  }
0x61: {  	_ =	shalt  }
0x62: {  	_ =	shalt  }
0x63: {  	_ =	shalt  }
0x64: {  	_ =	shalt  }
0x65: {  	_ =	shalt  }
0x66: {  	_ =	shalt  }
0x67: {  	_ =	shalt  }
0x68: {  	_ =	shalt  }
0x69: {  	_ =	shalt  }
0x6a: {  	_ =	shalt  }
0x6b: {  	_ =	shalt  }
0x6c: {  	_ =	shalt  }
0x6d: {  	_ =	shalt  }
0x6e: {  	_ =	shalt  }
0x6f: {  	_ =	shalt  }
0x70: {  	_ =	shalt  }
0x71: {  	_ =	shalt  }
0x72: {  	_ =	shalt  }
0x73: {  	_ =	shalt  }
0x74: {  	_ =	shalt  }
0x75: {  	_ =	shalt  }
0x76: {  	_ =	shalt  }
0x77: {  	_ =	shalt  }
0x78: {  	_ =	shalt  }
0x79: {  	_ =	shalt  }
0x7a: {  	_ =	shalt  }
0x7b: {  	_ =	shalt  }
0x7c: {  	_ =	shalt  }
0x7d: {  	_ =	shalt  }
0x7e: {  	_ =	shalt  }
0x7f: {  	_ =	shalt  }
0x80: {  	_ =	shalt  }
0x81: {  	_ =	shalt  }
0x82: {  	_ =	shalt  }
0x83: {  	_ =	shalt  }
0x84: {  	_ =	shalt  }
0x85: {  	_ =	shalt  }
0x86: {  	_ =	shalt  }
0x87: {  	_ =	shalt  }
.Lfunc_end0:
.L_simem_size_0:
called_computation.3_lowered:
.L_overlay_start_0:
0x88: {  	s2 =	sld [smem:$0x3FD9]  }
0x89: {  	s3 =	sld [smem:$0x3FFE];
	_ =	sdelay $0x1  }
0x8a: {  	s1 =	srdreg.scid  }
0x8b: {  	s0 =	sand.u32 $0x1, s1  }
0x8c: {  	s16 =	sshll.u32 s0, $0xA;
	s2 =	sadd.s32 s3, s2  }
0x8d: {  	s2 =	sadd.s32 s2, s16  }
0x8e: {  	[smem:$0x3FBA] =	sst s2  }
0x8f: {  	_ = 	snop  }
0x90: {  	(tm) =	ssettm $0x1  }
0x91: {  	s17 =	sld [smem:$0x3FFB];
	_ =	sdelay $0x3  }
0x92: {  	_ =	strace s17  }
0x93: {  	s2 =	sld [smem:$0x3FFC];
	_ =	sdelay $0x3  }
0x94: {  	_ =	strace s2  }
0x95: {  	s2 =	sld [smem:$0x3FFD];
	_ =	sdelay $0x3  }
0x96: {  	_ =	strace s2  }
0x97: {  	_ =	strace $0x8FFFFFFF  }
0x98: {  	s18 =	sld [smem:$0x3FDB];
	_ =	sdelay $0x1  }
0x99: {  	s19 =	simm.s32 $_scs_section_size  }
0x9a: {  	s4 =	simm.s32 $_size__tile_overlayer_lowered;
	s5 =	simm.s32 $_tile_overlayer_lowered  }
0x9b: {  	s22 =	simm.s32 $0x1BFF;
	s21 =	sshll.u32 s5, $0x1;
	s2 =	sadd.s32 s19, s18  }
0x9c: {  	s6 =	simm.s32 $0x0;
	s20 =	sshll.u32 s4, $0x1;
	s4 =	sadd.s32 s21, s2  }
0x9d: {  	[timem:s6], [sflag:s22] =	dma.local [hbm:s4], s20  }
0x9e: {  	_ =	swait.ge [sflag:s22], s20  }
0x9f: {  	s3 =	ssub.s32 $0x0, s20;
	[sflag:s22] =	ssyncset.done $0x0  }
0xa0: {  	[sflag:s22] =	ssyncadd.s32 s3;
	_ =	sdelay $0x1  }
0xa1: {  	s23 =	simm.s32 $0x1B8B  }
0xa2: {  	_ =	swait.ge [sflag:s23], $0x1  }
0xa3: {  	[sflag:s23] =	ssyncset.done $0x0  }
0xa4: {  	s25 =	simm.s32 $0x1B8E;
	s24 =	sld [smem:$0x3FFE];
	[sflag:s23] =	ssyncadd.s32 $0xFFFFFFFF  }
0xa5: {  	s26 =	simm.s32 $execute0_lowered;
	[smem:$0x3FD2] =	sst s25  }
0xa6: {  	s4 =	sshll.u32 s26, $0x1;
	_ =	strace $0x8000004F;
	[dreg:$0x1] =	wrdreg $0xFFFFFFFF  }
0xa7: {  	s28 =	simm.s32 $_size_execute0_lowered;
	s2 =	sadd.s32 s2, s4;
	[dreg:$0x0] =	wrdreg $0x0  }
0xa8: {  	s4 =	sshll.u32 s28, $0x1;
	[dreg:$0x2] =	wrdreg s2  }
0xa9: {  	[dreg:$0x3] =	wrdreg s4  }
0xaa: {  	[dreg:$0x4] =	wrdreg $0xC0  }
0xab: {  	_ =	task [dreg:s6], $0x5FFFF  }
0xac: {  	[dreg:$0x1] =	wrdreg $0xFFFFFFFF  }
0xad: {  	[dreg:$0x0] =	wrdreg $0x60  }
0xae: {  	[dreg:$0x2] =	wrdreg s24  }
0xaf: {  	[dreg:$0x3] =	wrdreg $0xA8000  }
0xb0: {  	[dreg:$0x4] =	wrdreg $0x9  }
0xb1: {  	_ =	task.clear_ibuf [dreg:s6], $0x5FFFF;
	_ =	strace $0x9000004F  }
0xb2: {  	s29 =	simm.s32 $0x9;
	_ =	strace $0x80000051  }
0xb3: {  	_ =	swait.ge [sflag:s29], $0x1  }
0xb4: {  	[sflag:s29] =	ssyncadd.s32 $0xFFFFFFFF  }
0xb5: {  	_ =	strace $0x90000051  }
0xb6: {  	_ =	sfence  }
0xb7: {  	s30 =	sld [smem:$0x0];
	_ =	sdelay $0x2  }
0xb8: {  	s31 =	sshll.u32 s1, $0xD;
	s1 =	sshrl.u32 s1, $0x2  }
0xb9: {  	s3 =	sand.u32 $0x4000, s31;
	s1 =	sadd.s32 s1, s30  }
0xba: {  	s0 =	sor.u32 s3, s0;
	s1 =	sshll.u32 s1, $0x11  }
0xbb: {  	s0 =	sor.u32 s1, s0  }
0xbc: {  	s0 =	sadd.s32 $0x8F2B, s0  }
0xbd: {  	[sflag:s0] =	ssyncadd.remote.s32 $0x1  }
0xbe: {  	_ =	sfence.sel $0xFFFF  }
0xbf: {  	[dreg:$0x0] =	wrdreg $0xFFFFFFFF;
	(pc) =	sbr.abs _section_cstart, $3  }
0xc0: {  	[dreg:$0x1] =	wrdreg $0xFFFFFFFF  }
0xc1: {  	_ =	task.clear_ibuf [dreg:s6], $0x2FFFF;
	_ =	strace $0x9FFFFFFF  }
0xc2: {  	(tm) =	ssettm $0x7FFFFFFF  }
0xc3: {  	_ =	shalt  }
tec
execute0_lowered:
.L_overlay_start_1:
0x0: {  	(tag) =	ssettag $0x1  }
0x1: {  	s0 =	srdreg.scid;
	s1 =	rddreg [dreg:$0x0]  }
0x2: {  	s2 =	rddreg [dreg:$0x1];
	s14 =	stileid.u32  }
0x3: {  	s3 =	simm.s32 $0x0;
	s0 =	sand.u32 $0x1, s0;
	s7 =	smul.u32 $0x4E000, s14  }
0x4: {  	[smem:$0x7FF] =	sst s3;
	s8 =	sadd.s32 $0x17800, s1;
	s10 =	smul.u32 $0x270, s14  }
0x5: {  	s11 =	smul.u32 $0x2700, s14;
	p0 =	seq.s32 s14, $0xF;
	s28 =	sadd.s32 $0x128800, s2  }
0x6: {  	s30 =	sadd.s32 $0x12C800, s2;
	s31 =	sadd.s32 $0x130800, s2;
	s4 =	sshll.u32 s0, $0x4  }
0x7: {  	_ =	strace $0x80000050;
	s6 =	smul.u32 $0x27100, s0;
	s0 =	ssub.s32 $0x2, s0  }
0x8: {  	[dreg:$0x3] =	wrdreg s8;
	s4 =	sor.u32 s14, s4;
	s13 =	sshrl.u32 s0, $0x1  }
0x9: {  	s15 =	sshrl.u32 s7, $0x2;
	s19 =	sadd.s32 $0x68, s10;
	s22 =	sadd.s32 $0xD0, s10  }
0xa: {  	s24 =	sadd.s32 $0x138, s10;
	s14 =	simm.s32 $0x2;
	s5 =	smul.u32 $0x500, s4  }
0xb: {  	s4 =	sadd.s32 $0x18000, s1;
	s0 =	ssub.s32 s0, s13;
	s8 =	sadd.s32 s15, s2  }
0xc: {  	s21 =	sshll.u32 s19, $0x7;
	s23 =	sshll.u32 s22, $0x7;
	s12 =	sshll.u32 s24, $0x7  }
0xd: {  	s13 =	sadd.s32 $0x1A0, s10;
	s10 =	sadd.s32 $0x208, s10;
	s15 =	simm.s32 $0x1380  }
0xe: {  	s0 =	smax.u32 s0, $0x1;
	s16 =	sadd.s32 $0x3400, s8;
	s17 =	sadd.s32 $0x6800, s8  }
0xf: {  	s18 =	sadd.s32 $0x9C00, s8;
	s20 =	sadd.s32 $0xD000, s8;
	[dreg:$0x4] =	wrdreg s0  }
0x10: {  	s12 =	sadd.s32 s12, s2;
	s25 =	sshll.u32 s13, $0x7;
	[dreg:$0x5] =	wrdreg s16  }
0x11: {  	s26 =	sshll.u32 s10, $0x7;
	s13 =	sshll.u32 s13, $0x4;
	[dreg:$0x6] =	wrdreg s17  }
0x12: {  	s10 =	sshll.u32 s10, $0x4;
	s5 =	sadd.s32 s5, s1;
	[dreg:$0x7] =	wrdreg s18  }
0x13: {  	s1 =	sadd.s32 s6, s1;
	[dreg:$0x8] =	wrdreg s20;
	s0 =	sshll.u32 s19, $0x4  }
0x14: {  	[dreg:$0xb] =	wrdreg s12;
	s12 =	sadd.s32 s25, s2;
	s16 =	simm.s32 $0x2700  }
0x15: {  	s17 =	simm.s32 $0x2780;
	s18 =	simm.s32 $0x0;
	s6 =	sadd.s32 $0x3800, s5  }
0x16: {  	s7 =	sadd.s32 $0xD800, s5;
	s9 =	sadd.s32 $0x3F200, s1;
	s1 =	sadd.s32 s21, s2  }
0x17: {  	s5 =	sshll.u32 s22, $0x4;
	[dreg:$0xc] =	wrdreg s12;
	s12 =	sadd.s32 s26, s2  }
0x18: {  	s26 =	sadd.s32 $0x124800, s2;
	[dreg:$0x9] =	wrdreg s1;
	s1 =	sadd.s32 s23, s2  }
0x19: {  	[dreg:$0xd] =	wrdreg s12;
	s11 =	sadd.s32 @!p0 s11, s9;
	s0 =	sadd.s32 @!p0 s0, s9  }
0x1a: {  	s25 =	sadd.s32 @!p0 s13, s9;
	s29 =	sadd.s32 @!p0 s10, s9;
	[dreg:$0xa] =	wrdreg s1  }
0x1b: {  	s10 =	simm.s32 $0x1400;
	s12 =	simm.s32 $0x6800;
	[dreg:$0xe] =	wrdreg s11  }
0x1c: {  	s13 =	simm.s32 $0x1;
	s1 =	sshll.u32 s24, $0x4;
	[dreg:$0xf] =	wrdreg s0  }
0x1d: {  	s0 =	sadd.s32 @!p0 s5, s9;
	s24 =	sadd.s32 $0x10400, s8;
	s5 =	simm.s32 $0x3  }
0x1e: {  	s11 =	simm.s32 $0x80;
	[dreg:$0x10] =	wrdreg s0;
	s0 =	sadd.s32 @!p0 s1, s9  }
0x1f: {  	s1 =	simm.s32 $0x2800;
	[dreg:$0x11] =	wrdreg s0;
	s0 =	sadd.s32 $0x134800, s2  }
.LBB2_1:
0x20: {  	s19 =	rddreg [dreg:$0x3]  }
0x21: {  	[tilespmem:s1], [sflag:$0x3] =	stream.linear.gather [hbm4b:s19+s3], $0x4000, $0x38;
	[tilespmem:$0x1E480] =	vst v63  }
0x22: {  	_ =	swait.ge [sflag:s5], $0x4000  }
0x23: {  	[sflag:s5] =	ssyncset.done $0x0  }
0x24: {  	s20 =	simm.s32 @p0 $0x3;
	s19 =	simm.s32 @p0 $0x2800;
	[sflag:s5] =	ssyncadd.s32 $0xFFFFC000  }
0x25: {  	[spmem:s26] =	stream.linear.scatter @p0 [tilespmem:s19], [sflag:$0x3], $0x4000, $0x38;
	[tilespmem:$0x1E480] =	vst v63  }
0x26: {  	_ =	swait.ge @p0 [sflag:s20], $0x4000  }
0x27: {  	[sflag:s20] =	ssyncset.done @p0 $0x0  }
0x28: {  	[sflag:s20] =	ssyncadd.s32 @p0 $0xFFFFC000  }
0x29: {  	[spmem:s28] =	stream.linear.scatter @p0 [tilespmem:s19], [sflag:$0x3], $0x4000, $0x38;
	[tilespmem:$0x1E480] =	vst v63  }
0x2a: {  	_ =	swait.ge @p0 [sflag:s20], $0x4000  }
0x2b: {  	[sflag:s20] =	ssyncset.done @p0 $0x0  }
0x2c: {  	[sflag:s20] =	ssyncadd.s32 @p0 $0xFFFFC000  }
0x2d: {  	[spmem:s30] =	stream.linear.scatter @p0 [tilespmem:s19], [sflag:$0x3], $0x4000, $0x38;
	[tilespmem:$0x1E480] =	vst v63  }
0x2e: {  	_ =	swait.ge @p0 [sflag:s20], $0x4000  }
0x2f: {  	[sflag:s20] =	ssyncset.done @p0 $0x0  }
0x30: {  	[sflag:s20] =	ssyncadd.s32 @p0 $0xFFFFC000  }
0x31: {  	[spmem:s31] =	stream.linear.scatter @p0 [tilespmem:s19], [sflag:$0x3], $0x4000, $0x38;
	[tilespmem:$0x1E480] =	vst v63  }
0x32: {  	_ =	swait.ge @p0 [sflag:s20], $0x4000  }
0x33: {  	[sflag:s20] =	ssyncset.done @p0 $0x0  }
0x34: {  	[sflag:s20] =	ssyncadd.s32 @p0 $0xFFFFC000  }
0x35: {  	[spmem:s0] =	stream.linear.scatter @p0 [tilespmem:s19], [sflag:$0x3], $0x4000, $0x38;
	[tilespmem:$0x1E480] =	vst v63  }
0x36: {  	_ =	swait.ge @p0 [sflag:s20], $0x4000  }
0x37: {  	[sflag:s20] =	ssyncset.done @p0 $0x0  }
0x38: {  	s19 =	simm.s32 @!p0 $0x2800;
	[sflag:s20] =	ssyncadd.s32 @p0 $0xFFFFC000;
	s20 =	simm.s32 @!p0 $0x3  }
0x39: {  	[spmem:s8] =	stream.linear.scatter @!p0 [tilespmem:s19], [sflag:$0x3], $0x3400, $0x38;
	[tilespmem:$0x1E480] =	vst v63  }
0x3a: {  	_ =	swait.ge @!p0 [sflag:s20], $0x3400  }
0x3b: {  	[sflag:s20] =	ssyncset.done @!p0 $0x0  }
0x3c: {  	s21 =	rddreg [dreg:$0x5];
	[sflag:s20] =	ssyncadd.s32 @!p0 $0xFFFFCC00  }
0x3d: {  	[spmem:s21] =	stream.linear.scatter @!p0 [tilespmem:s19], [sflag:$0x3], $0x3400, $0x38;
	[tilespmem:$0x1E480] =	vst v63  }
0x3e: {  	_ =	swait.ge @!p0 [sflag:s20], $0x3400  }
0x3f: {  	[sflag:s20] =	ssyncset.done @!p0 $0x0  }
0x40: {  	s21 =	rddreg [dreg:$0x6];
	[sflag:s20] =	ssyncadd.s32 @!p0 $0xFFFFCC00  }
0x41: {  	[spmem:s21] =	stream.linear.scatter @!p0 [tilespmem:s19], [sflag:$0x3], $0x3400, $0x38;
	[tilespmem:$0x1E480] =	vst v63  }
0x42: {  	_ =	swait.ge @!p0 [sflag:s20], $0x3400  }
0x43: {  	[sflag:s20] =	ssyncset.done @!p0 $0x0  }
0x44: {  	s21 =	rddreg [dreg:$0x7];
	[sflag:s20] =	ssyncadd.s32 @!p0 $0xFFFFCC00  }
0x45: {  	[spmem:s21] =	stream.linear.scatter @!p0 [tilespmem:s19], [sflag:$0x3], $0x3400, $0x38;
	[tilespmem:$0x1E480] =	vst v63  }
0x46: {  	_ =	swait.ge @!p0 [sflag:s20], $0x3400  }
0x47: {  	[sflag:s20] =	ssyncset.done @!p0 $0x0  }
0x48: {  	s21 =	rddreg [dreg:$0x8];
	[sflag:s20] =	ssyncadd.s32 @!p0 $0xFFFFCC00  }
0x49: {  	[spmem:s21] =	stream.linear.scatter @!p0 [tilespmem:s19], [sflag:$0x3], $0x3400, $0x38;
	[tilespmem:$0x1E480] =	vst v63  }
0x4a: {  	_ =	swait.ge @!p0 [sflag:s20], $0x3400  }
0x4b: {  	[sflag:s20] =	ssyncset.done @!p0 $0x0  }
0x4c: {  	[sflag:s20] =	ssyncadd.s32 @!p0 $0xFFFFCC00  }
0x4d: {  	[spmem:s24] =	stream.linear.scatter @!p0 [tilespmem:s19], [sflag:$0x3], $0x3400, $0x38;
	[tilespmem:$0x1E480] =	vst v63  }
0x4e: {  	_ =	swait.ge @!p0 [sflag:s20], $0x3400  }
0x4f: {  	[sflag:s20] =	ssyncset.done @!p0 $0x0  }
0x50: {  	[sflag:s20] =	ssyncadd.s32 @!p0 $0xFFFFCC00  }
0x51: {  	[bflag:$0x0] =	sbarrier.arrive $0xFFFF  }
0x52: {  	[tilespmem:s3], [sflag:$0x3] =	stream.linear.gather [hbm4b:s6+s3], $0x1400, $0x38;
	[tilespmem:$0x1E480] =	vst v63  }
0x53: {  	_ =	swait.ge [sflag:s5], $0x1400  }
0x54: {  	[sflag:s5] =	ssyncset.done $0x0  }
0x55: {  	[sflag:s5] =	ssyncadd.s32 $0xFFFFEC00  }
0x56: {  	[tilespmem:s10], [sflag:$0x3] =	stream.linear.gather [hbm4b:s7+s3], $0x1400, $0x38;
	[tilespmem:$0x1E480] =	vst v63  }
0x57: {  	_ =	swait.ge [sflag:s5], $0x1400  }
0x58: {  	[sflag:s5] =	ssyncset.done $0x0  }
0x59: {  	[sflag:s5] =	ssyncadd.s32 $0xFFFFEC00  }
0x5a: {  	[tilespmem:s1], [sflag:$0x1] =	stream.indirect.gather [hbm4b:s4+s11], $0x80, s3, s11, $0xb8;
	[tilespmem:$0x1E480] =	vst v63  }
0x5b: {  	s20 =	simm.s32 $0x80  }
0x5c: {  	[tilespmem:s12], [sflag:$0x2] =	stream.indirect.gather [hbm4b:s4+s11], $0x80, s20, s11, $0xb8;
	[tilespmem:$0x1E480] =	vst v63  }
0x5d: {  	_ =	swait.ge [sflag:s13], $0x4000  }
0x5e: {  	[sflag:s13] =	ssyncset.done $0x0  }
0x5f: {  	s21 =	simm.s32 $0x1400;
	[sflag:s13] =	ssyncadd.s32 $0xFFFFC000  }
0x60: {  	[spmem:s2] =	stream.indirect.scatter.add.f32 [tilespmem:s1], [sflag:$0x3], $0x80, s21, s11, $0xb8;
	[tilespmem:$0x1E480] =	vst v63  }
0x61: {  	_ =	swait.ge [sflag:s5], $0x4000  }
0x62: {  	[sflag:s5] =	ssyncset.done $0x0  }
0x63: {  	s22 =	simm.s32 $0x100;
	[sflag:s5] =	ssyncadd.s32 $0xFFFFC000  }
0x64: {  	[tilespmem:s1], [sflag:$0x1] =	stream.indirect.gather [hbm4b:s4+s11], $0x80, s22, s11, $0xb8;
	[tilespmem:$0x1E480] =	vst v63  }
0x65: {  	_ =	swait.ge [sflag:s14], $0x4000  }
0x66: {  	[sflag:s14] =	ssyncset.done $0x0  }
0x67: {  	s23 =	simm.s32 $0x1480;
	[sflag:s14] =	ssyncadd.s32 $0xFFFFC000  }
0x68: {  	[spmem:s2] =	stream.indirect.scatter.add.f32 [tilespmem:s12], [sflag:$0x3], $0x80, s23, s11, $0xb8;
	[tilespmem:$0x1E480] =	vst v63  }
0x69: {  	_ =	swait.ge [sflag:s5], $0x4000  }
0x6a: {  	s19 =	simm.s32 $0x100;
	s20 =	simm.s32 $0x800;
	[sflag:s5] =	ssyncset.done $0x0  }
.LBB2_2:
0x6b: {  	s21 =	sadd.s32 $0x80, s19  }
0x6c: {  	[sflag:s5] =	ssyncadd.s32 $0xFFFFC000;
	s22 =	smov.u32 s20;
	s23 =	sadd.s32 $0x400, s20  }
0x6d: {  	[tilespmem:s12], [sflag:$0x2] =	stream.indirect.gather [hbm4b:s4+s11], $0x80, s21, s11, $0xb8;
	[tilespmem:$0x1E480] =	vst v63  }
0x6e: {  	p1 =	sne.s32 s20, $0x4800;
	_ =	swait.ge [sflag:s13], $0x4000  }
0x6f: {  	[sflag:s13] =	ssyncset.done $0x0  }
0x70: {  	s20 =	sadd.s32 $0x1400, s19;
	[sflag:s13] =	ssyncadd.s32 $0xFFFFC000  }
0x71: {  	[spmem:s2] =	stream.indirect.scatter.add.f32 [tilespmem:s1], [sflag:$0x3], $0x80, s20, s11, $0xb8;
	[tilespmem:$0x1E480] =	vst v63  }
0x72: {  	_ =	swait.ge [sflag:s5], $0x4000  }
0x73: {  	[sflag:s5] =	ssyncset.done $0x0  }
0x74: {  	s20 =	sadd.s32 $0x100, s19;
	[sflag:s5] =	ssyncadd.s32 $0xFFFFC000  }
0x75: {  	[tilespmem:s1], [sflag:$0x1] =	stream.indirect.gather [hbm4b:s4+s11], $0x80, s20, s11, $0xb8;
	[tilespmem:$0x1E480] =	vst v63  }
0x76: {  	_ =	swait.ge [sflag:s14], $0x4000  }
.Ltmp0:
0x77: {  	[sflag:s14] =	ssyncset.done $0x0;
	(pc) =	sbr.rel @p1 .LBB2_2-.Ltmp0, $4  }
0x78: {  	s19 =	sadd.s32 $0x1480, s19;
	[sflag:s14] =	ssyncadd.s32 $0xFFFFC000  }
0x79: {  	[spmem:s2] =	stream.indirect.scatter.add.f32 [tilespmem:s12], [sflag:$0x3], $0x80, s19, s11, $0xb8;
	[tilespmem:$0x1E480] =	vst v63  }
0x7a: {  	_ =	swait.ge [sflag:s5], $0x4000  }
0x7b: {  	s20 =	smov.u32 s23;
	s19 =	sshra.s32 s22, $0x2;
	[sflag:s5] =	ssyncset.done $0x0  }
0x7c: {  	s20 =	sadd.s32 $0x80, s19;
	[sflag:s5] =	ssyncadd.s32 $0xFFFFC000  }
0x7d: {  	[tilespmem:s12], [sflag:$0x2] =	stream.indirect.gather [hbm4b:s4+s11], $0x80, s20, s11, $0xb8;
	[tilespmem:$0x1E480] =	vst v63  }
0x7e: {  	_ =	swait.ge [sflag:s13], $0x4000  }
0x7f: {  	[sflag:s13] =	ssyncset.done $0x0  }
0x80: {  	s22 =	sadd.s32 $0x1400, s19;
	[sflag:s13] =	ssyncadd.s32 $0xFFFFC000  }
0x81: {  	[spmem:s2] =	stream.indirect.scatter.add.f32 [tilespmem:s1], [sflag:$0x3], $0x80, s22, s11, $0xb8;
	[tilespmem:$0x1E480] =	vst v63  }
0x82: {  	_ =	swait.ge [sflag:s5], $0x4000  }
0x83: {  	[sflag:s5] =	ssyncset.done $0x0  }
0x84: {  	s23 =	sadd.s32 $0x100, s19;
	[sflag:s5] =	ssyncadd.s32 $0xFFFFC000  }
0x85: {  	[tilespmem:s1], [sflag:$0x1] =	stream.indirect.gather [hbm4b:s4+s11], $0x80, s23, s11, $0xb8;
	[tilespmem:$0x1E480] =	vst v63  }
0x86: {  	_ =	swait.ge [sflag:s14], $0x4000  }
0x87: {  	[sflag:s14] =	ssyncset.done $0x0  }
0x88: {  	s20 =	sadd.s32 $0x1480, s19;
	[sflag:s14] =	ssyncadd.s32 $0xFFFFC000  }
0x89: {  	[spmem:s2] =	stream.indirect.scatter.add.f32 [tilespmem:s12], [sflag:$0x3], $0x80, s20, s11, $0xb8;
	[tilespmem:$0x1E480] =	vst v63  }
0x8a: {  	_ =	swait.ge [sflag:s5], $0x4000  }
0x8b: {  	[sflag:s5] =	ssyncset.done $0x0  }
0x8c: {  	[sflag:s5] =	ssyncadd.s32 $0xFFFFC000  }
0x8d: {  	[tilespmem:s12], [sflag:$0x2] =	stream.indirect.gather [hbm4b:s4+s11], $0x80, s15, s11, $0xb8;
	[tilespmem:$0x1E480] =	vst v63  }
0x8e: {  	_ =	swait.ge [sflag:s13], $0x4000  }
0x8f: {  	[sflag:s13] =	ssyncset.done $0x0  }
0x90: {  	[sflag:s13] =	ssyncadd.s32 $0xFFFFC000  }
0x91: {  	[spmem:s2] =	stream.indirect.scatter.add.f32 [tilespmem:s1], [sflag:$0x3], $0x80, s16, s11, $0xb8;
	[tilespmem:$0x1E480] =	vst v63  }
0x92: {  	_ =	swait.ge [sflag:s5], $0x4000  }
0x93: {  	[sflag:s5] =	ssyncset.done $0x0  }
0x94: {  	[sflag:s5] =	ssyncadd.s32 $0xFFFFC000  }
0x95: {  	_ =	swait.ge [sflag:s14], $0x4000  }
0x96: {  	[sflag:s14] =	ssyncset.done $0x0  }
0x97: {  	[sflag:s14] =	ssyncadd.s32 $0xFFFFC000  }
0x98: {  	[spmem:s2] =	stream.indirect.scatter.add.f32 [tilespmem:s12], [sflag:$0x3], $0x80, s17, s11, $0xb8;
	[tilespmem:$0x1E480] =	vst v63  }
0x99: {  	_ =	swait.ge [sflag:s5], $0x4000  }
0x9a: {  	[sflag:s5] =	ssyncset.done $0x0  }
0x9b: {  	s21 =	sadd.s32 $0x280, s6;
	s22 =	simm.s32 $0x0;
	[sflag:s5] =	ssyncadd.s32 $0xFFFFC000  }
0x9c: {  	[tilespmem:s22], [sflag:$0x3] =	stream.linear.gather [hbm4b:s21+s22], $0x1400, $0x38;
	[tilespmem:$0x1E480] =	vst v63  }
0x9d: {  	_ =	swait.ge [sflag:s5], $0x1400  }
0x9e: {  	[sflag:s5] =	ssyncset.done $0x0  }
0x9f: {  	s23 =	sadd.s32 $0x280, s7;
	[sflag:s5] =	ssyncadd.s32 $0xFFFFEC00  }
0xa0: {  	[tilespmem:s10], [sflag:$0x3] =	stream.linear.gather [hbm4b:s23+s22], $0x1400, $0x38;
	[tilespmem:$0x1E480] =	vst v63  }
0xa1: {  	_ =	swait.ge [sflag:s5], $0x1400  }
0xa2: {  	[sflag:s5] =	ssyncset.done $0x0  }
0xa3: {  	[sflag:s5] =	ssyncadd.s32 $0xFFFFEC00  }
0xa4: {  	[tilespmem:s1], [sflag:$0x1] =	stream.indirect.gather [hbm4b:s4+s11], $0x80, s22, s11, $0xb8;
	[tilespmem:$0x1E480] =	vst v63  }
0xa5: {  	s20 =	simm.s32 $0x80  }
0xa6: {  	[tilespmem:s12], [sflag:$0x2] =	stream.indirect.gather [hbm4b:s4+s11], $0x80, s20, s11, $0xb8;
	[tilespmem:$0x1E480] =	vst v63  }
0xa7: {  	_ =	swait.ge [sflag:s13], $0x4000  }
0xa8: {  	[sflag:s13] =	ssyncset.done $0x0  }
0xa9: {  	s21 =	simm.s32 $0x1400;
	[sflag:s13] =	ssyncadd.s32 $0xFFFFC000  }
0xaa: {  	[spmem:s2] =	stream.indirect.scatter.add.f32 [tilespmem:s1], [sflag:$0x3], $0x80, s21, s11, $0xb8;
	[tilespmem:$0x1E480] =	vst v63  }
0xab: {  	_ =	swait.ge [sflag:s5], $0x4000  }
0xac: {  	[sflag:s5] =	ssyncset.done $0x0  }
0xad: {  	s22 =	simm.s32 $0x100;
	[sflag:s5] =	ssyncadd.s32 $0xFFFFC000  }
0xae: {  	[tilespmem:s1], [sflag:$0x1] =	stream.indirect.gather [hbm4b:s4+s11], $0x80, s22, s11, $0xb8;
	[tilespmem:$0x1E480] =	vst v63  }
0xaf: {  	_ =	swait.ge [sflag:s14], $0x4000  }
0xb0: {  	[sflag:s14] =	ssyncset.done $0x0  }
0xb1: {  	s23 =	simm.s32 $0x1480;
	[sflag:s14] =	ssyncadd.s32 $0xFFFFC000  }
0xb2: {  	[spmem:s2] =	stream.indirect.scatter.add.f32 [tilespmem:s12], [sflag:$0x3], $0x80, s23, s11, $0xb8;
	[tilespmem:$0x1E480] =	vst v63  }
0xb3: {  	_ =	swait.ge [sflag:s5], $0x4000  }
0xb4: {  	s19 =	simm.s32 $0x100;
	s20 =	simm.s32 $0x800;
	[sflag:s5] =	ssyncset.done $0x0  }
.LBB2_4:
0xb5: {  	s21 =	sadd.s32 $0x80, s19  }
0xb6: {  	[sflag:s5] =	ssyncadd.s32 $0xFFFFC000;
	s22 =	smov.u32 s20;
	s23 =	sadd.s32 $0x400, s20  }
0xb7: {  	[tilespmem:s12], [sflag:$0x2] =	stream.indirect.gather [hbm4b:s4+s11], $0x80, s21, s11, $0xb8;
	[tilespmem:$0x1E480] =	vst v63  }
0xb8: {  	p1 =	sne.s32 s20, $0x4800;
	_ =	swait.ge [sflag:s13], $0x4000  }
0xb9: {  	[sflag:s13] =	ssyncset.done $0x0  }
0xba: {  	s20 =	sadd.s32 $0x1400, s19;
	[sflag:s13] =	ssyncadd.s32 $0xFFFFC000  }
0xbb: {  	[spmem:s2] =	stream.indirect.scatter.add.f32 [tilespmem:s1], [sflag:$0x3], $0x80, s20, s11, $0xb8;
	[tilespmem:$0x1E480] =	vst v63  }
0xbc: {  	_ =	swait.ge [sflag:s5], $0x4000  }
0xbd: {  	[sflag:s5] =	ssyncset.done $0x0  }
0xbe: {  	s20 =	sadd.s32 $0x100, s19;
	[sflag:s5] =	ssyncadd.s32 $0xFFFFC000  }
0xbf: {  	[tilespmem:s1], [sflag:$0x1] =	stream.indirect.gather [hbm4b:s4+s11], $0x80, s20, s11, $0xb8;
	[tilespmem:$0x1E480] =	vst v63  }
0xc0: {  	_ =	swait.ge [sflag:s14], $0x4000  }
.Ltmp1:
0xc1: {  	[sflag:s14] =	ssyncset.done $0x0;
	(pc) =	sbr.rel @p1 .LBB2_4-.Ltmp1, $4  }
0xc2: {  	s19 =	sadd.s32 $0x1480, s19;
	[sflag:s14] =	ssyncadd.s32 $0xFFFFC000  }
0xc3: {  	[spmem:s2] =	stream.indirect.scatter.add.f32 [tilespmem:s12], [sflag:$0x3], $0x80, s19, s11, $0xb8;
	[tilespmem:$0x1E480] =	vst v63  }
0xc4: {  	_ =	swait.ge [sflag:s5], $0x4000  }
0xc5: {  	s20 =	smov.u32 s23;
	s19 =	sshra.s32 s22, $0x2;
	[sflag:s5] =	ssyncset.done $0x0  }
0xc6: {  	s20 =	sadd.s32 $0x80, s19;
	[sflag:s5] =	ssyncadd.s32 $0xFFFFC000  }
0xc7: {  	[tilespmem:s12], [sflag:$0x2] =	stream.indirect.gather [hbm4b:s4+s11], $0x80, s20, s11, $0xb8;
	[tilespmem:$0x1E480] =	vst v63  }
0xc8: {  	_ =	swait.ge [sflag:s13], $0x4000  }
0xc9: {  	[sflag:s13] =	ssyncset.done $0x0  }
0xca: {  	s23 =	sadd.s32 $0x1400, s19;
	[sflag:s13] =	ssyncadd.s32 $0xFFFFC000  }
0xcb: {  	[spmem:s2] =	stream.indirect.scatter.add.f32 [tilespmem:s1], [sflag:$0x3], $0x80, s23, s11, $0xb8;
	[tilespmem:$0x1E480] =	vst v63  }
0xcc: {  	_ =	swait.ge [sflag:s5], $0x4000  }
0xcd: {  	[sflag:s5] =	ssyncset.done $0x0  }
0xce: {  	s21 =	sadd.s32 $0x100, s19;
	[sflag:s5] =	ssyncadd.s32 $0xFFFFC000  }
0xcf: {  	[tilespmem:s1], [sflag:$0x1] =	stream.indirect.gather [hbm4b:s4+s11], $0x80, s21, s11, $0xb8;
	[tilespmem:$0x1E480] =	vst v63  }
0xd0: {  	_ =	swait.ge [sflag:s14], $0x4000  }
0xd1: {  	[sflag:s14] =	ssyncset.done $0x0  }
0xd2: {  	s22 =	sadd.s32 $0x1480, s19;
	[sflag:s14] =	ssyncadd.s32 $0xFFFFC000  }
0xd3: {  	[spmem:s2] =	stream.indirect.scatter.add.f32 [tilespmem:s12], [sflag:$0x3], $0x80, s22, s11, $0xb8;
	[tilespmem:$0x1E480] =	vst v63  }
0xd4: {  	_ =	swait.ge [sflag:s5], $0x4000  }
0xd5: {  	[sflag:s5] =	ssyncset.done $0x0  }
0xd6: {  	[sflag:s5] =	ssyncadd.s32 $0xFFFFC000  }
0xd7: {  	[tilespmem:s12], [sflag:$0x2] =	stream.indirect.gather [hbm4b:s4+s11], $0x80, s15, s11, $0xb8;
	[tilespmem:$0x1E480] =	vst v63  }
0xd8: {  	_ =	swait.ge [sflag:s13], $0x4000  }
0xd9: {  	[sflag:s13] =	ssyncset.done $0x0  }
0xda: {  	[sflag:s13] =	ssyncadd.s32 $0xFFFFC000  }
0xdb: {  	[spmem:s2] =	stream.indirect.scatter.add.f32 [tilespmem:s1], [sflag:$0x3], $0x80, s16, s11, $0xb8;
	[tilespmem:$0x1E480] =	vst v63  }
0xdc: {  	_ =	swait.ge [sflag:s5], $0x4000  }
0xdd: {  	[sflag:s5] =	ssyncset.done $0x0  }
0xde: {  	[sflag:s5] =	ssyncadd.s32 $0xFFFFC000  }
0xdf: {  	_ =	swait.ge [sflag:s14], $0x4000  }
0xe0: {  	[sflag:s14] =	ssyncset.done $0x0  }
0xe1: {  	[sflag:s14] =	ssyncadd.s32 $0xFFFFC000  }
0xe2: {  	[spmem:s2] =	stream.indirect.scatter.add.f32 [tilespmem:s12], [sflag:$0x3], $0x80, s17, s11, $0xb8;
	[tilespmem:$0x1E480] =	vst v63  }
0xe3: {  	_ =	swait.ge [sflag:s5], $0x4000  }
0xe4: {  	[sflag:s5] =	ssyncset.done $0x0  }
0xe5: {  	[sflag:s5] =	ssyncadd.s32 $0xFFFFC000  }
0xe6: {  	s19 =	simm.s32 @p0 $0x2800;
	s20 =	simm.s32 @p0 $0x3;
	[bflag:$0x0] =	sbarrier.arrive $0xFFFF  }
0xe7: {  	[tilespmem:s19], [sflag:$0x3] =	stream.linear.gather @p0 [spmem:s26], $0x4000, $0x38;
	[tilespmem:$0x1E480] =	vst v63  }
0xe8: {  	_ =	swait.ge @p0 [sflag:s20], $0x4000  }
0xe9: {  	[sflag:s20] =	ssyncset.done @p0 $0x0  }
0xea: {  	s21 =	sadd.s32 @p0 $0x24900, s9;
	s22 =	simm.s32 @p0 $0x0;
	[sflag:s20] =	ssyncadd.s32 @p0 $0xFFFFC000  }
0xeb: {  	[hbm4b:s21+s22] =	stream.linear.scatter @p0 [tilespmem:s19], [sflag:$0x3], $0x4000, $0x38;
	[tilespmem:$0x1E480] =	vst v63  }
0xec: {  	_ =	swait.ge @p0 [sflag:s20], $0x4000  }
0xed: {  	[sflag:s20] =	ssyncset.done @p0 $0x0  }
0xee: {  	[sflag:s20] =	ssyncadd.s32 @p0 $0xFFFFC000  }
0xef: {  	[tilespmem:s19], [sflag:$0x3] =	stream.linear.gather @p0 [spmem:s28], $0x4000, $0x38;
	[tilespmem:$0x1E480] =	vst v63  }
0xf0: {  	_ =	swait.ge @p0 [sflag:s20], $0x4000  }
0xf1: {  	[sflag:s20] =	ssyncset.done @p0 $0x0  }
0xf2: {  	s21 =	sadd.s32 @p0 $0x25100, s9;
	[sflag:s20] =	ssyncadd.s32 @p0 $0xFFFFC000  }
0xf3: {  	[hbm4b:s21+s22] =	stream.linear.scatter @p0 [tilespmem:s19], [sflag:$0x3], $0x4000, $0x38;
	[tilespmem:$0x1E480] =	vst v63  }
0xf4: {  	_ =	swait.ge @p0 [sflag:s20], $0x4000  }
0xf5: {  	[sflag:s20] =	ssyncset.done @p0 $0x0  }
0xf6: {  	[sflag:s20] =	ssyncadd.s32 @p0 $0xFFFFC000  }
0xf7: {  	[tilespmem:s19], [sflag:$0x3] =	stream.linear.gather @p0 [spmem:s30], $0x4000, $0x38;
	[tilespmem:$0x1E480] =	vst v63  }
0xf8: {  	_ =	swait.ge @p0 [sflag:s20], $0x4000  }
0xf9: {  	[sflag:s20] =	ssyncset.done @p0 $0x0  }
0xfa: {  	s21 =	sadd.s32 @p0 $0x25900, s9;
	[sflag:s20] =	ssyncadd.s32 @p0 $0xFFFFC000  }
0xfb: {  	[hbm4b:s21+s22] =	stream.linear.scatter @p0 [tilespmem:s19], [sflag:$0x3], $0x4000, $0x38;
	[tilespmem:$0x1E480] =	vst v63  }
0xfc: {  	_ =	swait.ge @p0 [sflag:s20], $0x4000  }
0xfd: {  	[sflag:s20] =	ssyncset.done @p0 $0x0  }
0xfe: {  	[sflag:s20] =	ssyncadd.s32 @p0 $0xFFFFC000  }
0xff: {  	[tilespmem:s19], [sflag:$0x3] =	stream.linear.gather @p0 [spmem:s31], $0x4000, $0x38;
	[tilespmem:$0x1E480] =	vst v63  }
0x100: {  	_ =	swait.ge @p0 [sflag:s20], $0x4000  }
0x101: {  	[sflag:s20] =	ssyncset.done @p0 $0x0  }
0x102: {  	s21 =	sadd.s32 @p0 $0x26100, s9;
	[sflag:s20] =	ssyncadd.s32 @p0 $0xFFFFC000  }
0x103: {  	[hbm4b:s21+s22] =	stream.linear.scatter @p0 [tilespmem:s19], [sflag:$0x3], $0x4000, $0x38;
	[tilespmem:$0x1E480] =	vst v63  }
0x104: {  	_ =	swait.ge @p0 [sflag:s20], $0x4000  }
0x105: {  	[sflag:s20] =	ssyncset.done @p0 $0x0  }
0x106: {  	[sflag:s20] =	ssyncadd.s32 @p0 $0xFFFFC000  }
0x107: {  	[tilespmem:s19], [sflag:$0x3] =	stream.linear.gather @p0 [spmem:s0], $0x4000, $0x38;
	[tilespmem:$0x1E480] =	vst v63  }
0x108: {  	_ =	swait.ge @p0 [sflag:s20], $0x4000  }
0x109: {  	[sflag:s20] =	ssyncset.done @p0 $0x0  }
0x10a: {  	s21 =	sadd.s32 @p0 $0x26900, s9;
	[sflag:s20] =	ssyncadd.s32 @p0 $0xFFFFC000  }
0x10b: {  	[hbm4b:s21+s22] =	stream.linear.scatter @p0 [tilespmem:s19], [sflag:$0x3], $0x4000, $0x38;
	[tilespmem:$0x1E480] =	vst v63  }
0x10c: {  	_ =	swait.ge @p0 [sflag:s20], $0x4000  }
0x10d: {  	[sflag:s20] =	ssyncset.done @p0 $0x0  }
0x10e: {  	s19 =	simm.s32 @!p0 $0x2800;
	[sflag:s20] =	ssyncadd.s32 @p0 $0xFFFFC000;
	s20 =	simm.s32 @!p0 $0x3  }
0x10f: {  	[tilespmem:s19], [sflag:$0x3] =	stream.linear.gather @!p0 [spmem:s8], $0x3400, $0x38;
	[tilespmem:$0x1E480] =	vst v63  }
0x110: {  	_ =	swait.ge @!p0 [sflag:s20], $0x3400  }
0x111: {  	[sflag:s20] =	ssyncset.done @!p0 $0x0  }
0x112: {  	s21 =	simm.s32 @!p0 $0x0;
	s22 =	rddreg [dreg:$0xe];
	[sflag:s20] =	ssyncadd.s32 @!p0 $0xFFFFCC00  }
0x113: {  	[hbm4b:s22+s21] =	stream.linear.scatter @!p0 [tilespmem:s19], [sflag:$0x3], $0x3400, $0x38;
	[tilespmem:$0x1E480] =	vst v63  }
0x114: {  	_ =	swait.ge @!p0 [sflag:s20], $0x3400  }
0x115: {  	[sflag:s20] =	ssyncset.done @!p0 $0x0  }
0x116: {  	s22 =	rddreg [dreg:$0x9];
	[sflag:s20] =	ssyncadd.s32 @!p0 $0xFFFFCC00  }
0x117: {  	[tilespmem:s19], [sflag:$0x3] =	stream.linear.gather @!p0 [spmem:s22], $0x3400, $0x38;
	[tilespmem:$0x1E480] =	vst v63  }
0x118: {  	_ =	swait.ge @!p0 [sflag:s20], $0x3400  }
0x119: {  	[sflag:s20] =	ssyncset.done @!p0 $0x0  }
0x11a: {  	s22 =	rddreg [dreg:$0xf];
	[sflag:s20] =	ssyncadd.s32 @!p0 $0xFFFFCC00  }
0x11b: {  	[hbm4b:s22+s21] =	stream.linear.scatter @!p0 [tilespmem:s19], [sflag:$0x3], $0x3400, $0x38;
	[tilespmem:$0x1E480] =	vst v63  }
0x11c: {  	_ =	swait.ge @!p0 [sflag:s20], $0x3400  }
0x11d: {  	[sflag:s20] =	ssyncset.done @!p0 $0x0  }
0x11e: {  	s22 =	rddreg [dreg:$0xa];
	[sflag:s20] =	ssyncadd.s32 @!p0 $0xFFFFCC00  }
0x11f: {  	[tilespmem:s19], [sflag:$0x3] =	stream.linear.gather @!p0 [spmem:s22], $0x3400, $0x38;
	[tilespmem:$0x1E480] =	vst v63  }
0x120: {  	_ =	swait.ge @!p0 [sflag:s20], $0x3400  }
0x121: {  	[sflag:s20] =	ssyncset.done @!p0 $0x0  }
0x122: {  	s22 =	rddreg [dreg:$0x10];
	[sflag:s20] =	ssyncadd.s32 @!p0 $0xFFFFCC00  }
0x123: {  	[hbm4b:s22+s21] =	stream.linear.scatter @!p0 [tilespmem:s19], [sflag:$0x3], $0x3400, $0x38;
	[tilespmem:$0x1E480] =	vst v63  }
0x124: {  	_ =	swait.ge @!p0 [sflag:s20], $0x3400  }
0x125: {  	[sflag:s20] =	ssyncset.done @!p0 $0x0  }
0x126: {  	s22 =	rddreg [dreg:$0xb];
	[sflag:s20] =	ssyncadd.s32 @!p0 $0xFFFFCC00  }
0x127: {  	[tilespmem:s19], [sflag:$0x3] =	stream.linear.gather @!p0 [spmem:s22], $0x3400, $0x38;
	[tilespmem:$0x1E480] =	vst v63  }
0x128: {  	_ =	swait.ge @!p0 [sflag:s20], $0x3400  }
0x129: {  	[sflag:s20] =	ssyncset.done @!p0 $0x0  }
0x12a: {  	s22 =	rddreg [dreg:$0x11];
	[sflag:s20] =	ssyncadd.s32 @!p0 $0xFFFFCC00  }
0x12b: {  	[hbm4b:s22+s21] =	stream.linear.scatter @!p0 [tilespmem:s19], [sflag:$0x3], $0x3400, $0x38;
	[tilespmem:$0x1E480] =	vst v63  }
0x12c: {  	_ =	swait.ge @!p0 [sflag:s20], $0x3400  }
0x12d: {  	[sflag:s20] =	ssyncset.done @!p0 $0x0  }
0x12e: {  	s22 =	rddreg [dreg:$0xc];
	[sflag:s20] =	ssyncadd.s32 @!p0 $0xFFFFCC00  }
0x12f: {  	[tilespmem:s19], [sflag:$0x3] =	stream.linear.gather @!p0 [spmem:s22], $0x3400, $0x38;
	[tilespmem:$0x1E480] =	vst v63  }
0x130: {  	_ =	swait.ge @!p0 [sflag:s20], $0x3400  }
0x131: {  	[sflag:s20] =	ssyncset.done @!p0 $0x0  }
0x132: {  	[sflag:s20] =	ssyncadd.s32 @!p0 $0xFFFFCC00  }
0x133: {  	[hbm4b:s25+s21] =	stream.linear.scatter @!p0 [tilespmem:s19], [sflag:$0x3], $0x3400, $0x38;
	[tilespmem:$0x1E480] =	vst v63  }
0x134: {  	_ =	swait.ge @!p0 [sflag:s20], $0x3400  }
0x135: {  	[sflag:s20] =	ssyncset.done @!p0 $0x0  }
0x136: {  	s22 =	rddreg [dreg:$0xd];
	[sflag:s20] =	ssyncadd.s32 @!p0 $0xFFFFCC00  }
0x137: {  	[tilespmem:s19], [sflag:$0x3] =	stream.linear.gather @!p0 [spmem:s22], $0x3400, $0x38;
	[tilespmem:$0x1E480] =	vst v63  }
0x138: {  	_ =	swait.ge @!p0 [sflag:s20], $0x3400  }
0x139: {  	[sflag:s20] =	ssyncset.done @!p0 $0x0  }
0x13a: {  	[sflag:s20] =	ssyncadd.s32 @!p0 $0xFFFFCC00  }
0x13b: {  	[hbm4b:s29+s21] =	stream.linear.scatter @!p0 [tilespmem:s19], [sflag:$0x3], $0x3400, $0x38;
	[tilespmem:$0x1E480] =	vst v63  }
0x13c: {  	_ =	swait.ge @!p0 [sflag:s20], $0x3400  }
0x13d: {  	s18 =	sadd.s32 $0x1, s18;
	s23 =	rddreg [dreg:$0x4]  }
0x13e: {  	p1 =	sne.s32 s18, s23  }
.Ltmp2:
0x13f: {  	_ = 	snop;
	(pc) =	sbr.rel @p1 .LBB2_1-.Ltmp2, $3  }
0x140: {  	_ =	sdelay $0x1  }
0x141: {  	[sflag:s20] =	ssyncset.done @!p0 $0x0  }
0x142: {  	[sflag:s20] =	ssyncadd.s32 @!p0 $0xFFFFCC00  }
0x143: {  	_ =	sfence.sel $0x180000  }
0x144: {  	[bflag:$0x0] =	sbarrier.arrive $0xFFFF  }
0x145: {  	_ =	strace $0x90000050  }
0x146: {  	s0 =	stileid.u32;
	[bflag:$0x2] =	sbarrier.arrive $0xFFFF  }
0x147: {  	p0 =	sne.s32 s0, $0x0;
	s0 =	rddreg [dreg:$0x2]  }
0x148: {  	s0 =	sadd.s32 @!p0 $0x100000, s0  }
0x149: {  	[sflag:s0] =	ssyncadd.tile.s32 @!p0 $0x1;
	_ =	shalt  }
.Lfunc_end2:
_tile_overlayer_lowered:
.L_overlay_start_2:
0x14a: {  	(tag) =	ssettag $0x2  }
0x14b: {  	s0 =	rddreg [dreg:$0x0];
	s2 =	stileid.u32  }
0x14c: {  	s1 =	rddreg [dreg:$0x1];
	p0 =	sne.s32 s2, $0x0  }
0x14d: {  	s3 =	rddreg [dreg:$0x2];
	[bflag:$0x3] =	sbarrier.arrive $0xFFFF;
	s2 =	simm.s32 @!p0 $0x1C03  }
0x14e: {  	[timem:s3], [sflag:s2] =	dma.local @!p0 [hbm:s0], s1  }
0x14f: {  	s0 =	simm.s32 @!p0 $0x3  }
0x150: {  	_ =	swait.ge @!p0 [sflag:s0], s1  }
0x151: {  	s1 =	ssub.s32 @!p0 $0x0, s1;
	[sflag:s0] =	ssyncset.done @!p0 $0x0  }
0x152: {  	[sflag:s0] =	ssyncadd.s32 @!p0 s1  }
0x153: {  	[bflag:$0x3] =	sbarrier.arrive $0xFFFF  }
0x154: {  	_ =	shalt  }

// kernel: sage_agg.5.cloned.1.call-start
scs
__scs_entry_jumppad:
0x0: {  	(pc) =	sbr.rel $0x88, $3  }
0x1: {  	(tag) =	ssettag $0x0;
	lr =	simm.s32 $0x1  }
0x2: {  	[smem:$0x3F93] =	sst lr;
	_ =	strace $0xD0000000  }
0x3: {  	_ = 	snop  }
0x4: {  	_ = 	snop  }
0x5: {  	_ = 	snop  }
0x6: {  	_ = 	snop  }
0x7: {  	_ = 	snop  }
__scs_overlays_trampoline_lowered:
0x8: {  	[smem:$0x3FA2] =	sst s0  }
0x9: {  	[smem:$0x3FA3] =	sst s1  }
0xa: {  	[smem:$0x3FA4] =	sst s2  }
0xb: {  	[smem:$0x3FA5] =	sst s3  }
0xc: {  	[smem:$0x3FA6] =	sst s4  }
0xd: {  	[smem:$0x3FA7] =	sst s5  }
0xe: {  	[smem:$0x3FA8] =	sst s6  }
0xf: {  	[smem:$0x3FA9] =	sst s7  }
0x10: {  	[smem:$0x3FAA] =	sst s8  }
0x11: {  	[smem:$0x3FAB] =	sst s9;
	s0 =	simm.s32 @!p0 $0x0  }
0x12: {  	s1 =	sld [smem:$0x3F91];
	s0 =	simm.s32 @p0 $0x1  }
0x13: {  	[smem:$0x3FAC] =	sst s0;
	s0 =	simm.s32 @!p1 $0x0  }
0x14: {  	s2 =	sld [smem:$0x3F90];
	s0 =	simm.s32 @p1 $0x1  }
0x15: {  	[smem:$0x3FAD] =	sst s0;
	s0 =	simm.s32 @!p2 $0x0  }
0x16: {  	s3 =	sld [smem:$0x3FDB];
	s0 =	simm.s32 @p2 $0x1  }
0x17: {  	s4 =	simm.s32 $0x1BF5;
	[smem:$0x3FAF] =	sst s0  }
0x18: {  	s0 =	sld [smem:$0x3F92];
	_ =	swait.ge [sflag:s4], $0x0  }
0x19: {  	s7 =	sld [smem:$0x3F93]  }
0x1a: {  	s8 =	sadd.s32 $0xFFFFE003, lr  }
0x1b: {  	s9 =	sadd.s32 $0xFFFFFEF7, lr;
	s5 =	simm.s32 $0xFFFFFFFF;
	p2 =	slt.u32 s8, $0xFFFFF086  }
0x1c: {  	p1 =	slt.u32 s9, $0xF7A;
	s5 =	simm.s32 @!p2 $0x0  }
0x1d: {  	s5 =	simm.s32 @p1 $0x1;
	p0 =	seq.s32 s7, s2  }
0x1e: {  	s7 =	smul.u32 @!p0 $0xF7A, s2;
	p2 =	seq.s32 @!p0 s5, $0x0  }
0x1f: {  	s9 =	smul.u32 $0xF7A, s1;
	s8 =	simm.s32 @!p0 $0x1BF5;
	p2 =	por !p2, p0  }
0x20: {  	[sflag:s8] =	ssyncset.s32 @!p0 $0xFFFFF086;
	s6 =	sadd.s32 @!p0 s3, s7;
	s7 =	simm.s32 @!p0 $0x108  }
0x21: {  	s3 =	sadd.s32 s3, s9;
	s6 =	sadd.s32 @!p0 $0x88, s6;
	s7 =	simm.s32 @p2 $0x1082  }
0x22: {  	[simem:s7], [sflag:s8] =	dma.local @!p0 [hbm:s6], $0xF7A  }
0x23: {  	s9 =	sor.u32 $0xD0000000, s2;
	s6 =	simm.s32 $0x108;
	_ =	swait.ge @!p0 [sflag:s8], $0x0  }
0x24: {  	s3 =	sadd.s32 $0x88, s3;
	s6 =	simm.s32 @!p1 $0x1082;
	[sflag:s4] =	ssyncset.s32 $0xFFFFF086  }
0x25: {  	[simem:s6], [sflag:s4] =	dma.local [hbm:s3], $0xF7A  }
0x26: {  	[smem:$0x3F93] =	sst s1;
	(tag) =	ssettag s2;
	_ =	strace s9  }
0x27: {  	s1 =	sld [smem:$0x3FA3]  }
0x28: {  	s2 =	sld [smem:$0x3FA4]  }
0x29: {  	s4 =	sld [smem:$0x3FA6]  }
0x2a: {  	p0 =	seq.s32 s5, $0x0;
	s5 =	sld [smem:$0x3FA7]  }
0x2b: {  	s6 =	sld [smem:$0x3FA8]  }
0x2c: {  	s7 =	sld [smem:$0x3FA9]  }
0x2d: {  	s3 =	simm.s32 $0x108;
	s8 =	sld [smem:$0x3FAA]  }
0x2e: {  	s3 =	simm.s32 @!p0 $0x1082;
	s9 =	sld [smem:$0x3FAB]  }
0x2f: {  	lr =	sadd.s32 s0, s3;
	s0 =	sld [smem:$0x3FA2]  }
0x30: {  	s3 =	sld [smem:$0x3FA5]  }
0x31: {  	[smem:$0x3FAE] =	sst s10  }
0x32: {  	s10 =	sld [smem:$0x3FAC];
	_ =	sdelay $0x3  }
0x33: {  	p0 =	seq.s32 s10, $0x1;
	s10 =	sld [smem:$0x3FAE];
	_ =	sdelay $0x3  }
0x34: {  	[smem:$0x3FAE] =	sst s10  }
0x35: {  	s10 =	sld [smem:$0x3FAD];
	_ =	sdelay $0x3  }
0x36: {  	p1 =	seq.s32 s10, $0x1;
	s10 =	sld [smem:$0x3FAE];
	_ =	sdelay $0x3  }
0x37: {  	[smem:$0x3FAE] =	sst s10  }
0x38: {  	s10 =	sld [smem:$0x3FAF]  }
0x39: {  	_ = 	snop;
	(pc) =	sbr.ind lr, $3  }
0x3a: {  	_ = 	snop  }
0x3b: {  	_ = 	snop  }
0x3c: {  	p2 =	seq.s32 s10, $0x1;
	s10 =	sld [smem:$0x3FAE]  }
0x3d: {  	_ =	shalt  }
0x3e: {  	_ =	shalt  }
0x3f: {  	_ =	shalt  }
0x40: {  	_ =	shalt  }
0x41: {  	_ =	shalt  }
0x42: {  	_ =	shalt  }
0x43: {  	_ =	shalt  }
0x44: {  	_ =	shalt  }
0x45: {  	_ =	shalt  }
0x46: {  	_ =	shalt  }
0x47: {  	_ =	shalt  }
0x48: {  	_ =	shalt  }
0x49: {  	_ =	shalt  }
0x4a: {  	_ =	shalt  }
0x4b: {  	_ =	shalt  }
0x4c: {  	_ =	shalt  }
0x4d: {  	_ =	shalt  }
0x4e: {  	_ =	shalt  }
0x4f: {  	_ =	shalt  }
0x50: {  	_ =	shalt  }
0x51: {  	_ =	shalt  }
0x52: {  	_ =	shalt  }
0x53: {  	_ =	shalt  }
0x54: {  	_ =	shalt  }
0x55: {  	_ =	shalt  }
0x56: {  	_ =	shalt  }
0x57: {  	_ =	shalt  }
0x58: {  	_ =	shalt  }
0x59: {  	_ =	shalt  }
0x5a: {  	_ =	shalt  }
0x5b: {  	_ =	shalt  }
0x5c: {  	_ =	shalt  }
0x5d: {  	_ =	shalt  }
0x5e: {  	_ =	shalt  }
0x5f: {  	_ =	shalt  }
0x60: {  	_ =	shalt  }
0x61: {  	_ =	shalt  }
0x62: {  	_ =	shalt  }
0x63: {  	_ =	shalt  }
0x64: {  	_ =	shalt  }
0x65: {  	_ =	shalt  }
0x66: {  	_ =	shalt  }
0x67: {  	_ =	shalt  }
0x68: {  	_ =	shalt  }
0x69: {  	_ =	shalt  }
0x6a: {  	_ =	shalt  }
0x6b: {  	_ =	shalt  }
0x6c: {  	_ =	shalt  }
0x6d: {  	_ =	shalt  }
0x6e: {  	_ =	shalt  }
0x6f: {  	_ =	shalt  }
0x70: {  	_ =	shalt  }
0x71: {  	_ =	shalt  }
0x72: {  	_ =	shalt  }
0x73: {  	_ =	shalt  }
0x74: {  	_ =	shalt  }
0x75: {  	_ =	shalt  }
0x76: {  	_ =	shalt  }
0x77: {  	_ =	shalt  }
0x78: {  	_ =	shalt  }
0x79: {  	_ =	shalt  }
0x7a: {  	_ =	shalt  }
0x7b: {  	_ =	shalt  }
0x7c: {  	_ =	shalt  }
0x7d: {  	_ =	shalt  }
0x7e: {  	_ =	shalt  }
0x7f: {  	_ =	shalt  }
0x80: {  	_ =	shalt  }
0x81: {  	_ =	shalt  }
0x82: {  	_ =	shalt  }
0x83: {  	_ =	shalt  }
0x84: {  	_ =	shalt  }
0x85: {  	_ =	shalt  }
0x86: {  	_ =	shalt  }
0x87: {  	_ =	shalt  }
.Lfunc_end0:
.L_simem_size_0:
called_computation.1_lowered:
.L_overlay_start_0:
0x88: {  	s2 =	sld [smem:$0x3FD9]  }
0x89: {  	s3 =	sld [smem:$0x3FFE];
	_ =	sdelay $0x1  }
0x8a: {  	s1 =	srdreg.scid  }
0x8b: {  	s0 =	sand.u32 $0x1, s1  }
0x8c: {  	s17 =	sshll.u32 s0, $0xA;
	s2 =	sadd.s32 s3, s2  }
0x8d: {  	s2 =	sadd.s32 s2, s17  }
0x8e: {  	[smem:$0x3FBA] =	sst s2  }
0x8f: {  	_ = 	snop  }
0x90: {  	s2 =	sld [smem:$0x3FC9];
	(tm) =	ssettm $0x1  }
0x91: {  	s18 =	sld [smem:$0x3FFB];
	_ =	sdelay $0x3  }
0x92: {  	_ =	strace s18  }
0x93: {  	s3 =	sld [smem:$0x3FFC];
	_ =	sdelay $0x3  }
0x94: {  	_ =	strace s3  }
0x95: {  	s3 =	sld [smem:$0x3FFD];
	_ =	sdelay $0x3  }
0x96: {  	_ =	strace s3  }
0x97: {  	_ =	strace $0x8FFFFFFF  }
0x98: {  	s19 =	sld [smem:$0x3FDB];
	_ =	sdelay $0x1  }
0x99: {  	s4 =	simm.s32 $_scs_section_size  }
0x9a: {  	s5 =	simm.s32 $_size__tile_overlayer_lowered;
	s6 =	simm.s32 $_tile_overlayer_lowered  }
0x9b: {  	s22 =	simm.s32 $0x1BFF;
	s21 =	sshll.u32 s6, $0x1;
	s3 =	sadd.s32 s4, s19  }
0x9c: {  	s7 =	simm.s32 $0x0;
	s20 =	sshll.u32 s5, $0x1;
	s5 =	sadd.s32 s21, s3  }
0x9d: {  	[timem:s7], [sflag:s22] =	dma.local [hbm:s5], s20  }
0x9e: {  	_ =	swait.ge [sflag:s22], s20  }
0x9f: {  	s4 =	ssub.s32 $0x0, s20;
	[sflag:s22] =	ssyncset.done $0x0  }
0xa0: {  	[sflag:s22] =	ssyncadd.s32 s4;
	_ =	sdelay $0x1  }
0xa1: {  	s23 =	simm.s32 $0x1B8B  }
0xa2: {  	_ =	swait.ge [sflag:s23], $0x1  }
0xa3: {  	[sflag:s23] =	ssyncset.done $0x0  }
0xa4: {  	s25 =	simm.s32 $0x1B8E;
	s24 =	sld [smem:$0x3FFE];
	[sflag:s23] =	ssyncadd.s32 $0xFFFFFFFF  }
0xa5: {  	s26 =	simm.s32 $execute0_lowered;
	[smem:$0x3FD2] =	sst s25  }
0xa6: {  	s5 =	sshll.u32 s26, $0x1;
	_ =	strace $0x80000046;
	[dreg:$0x1] =	wrdreg $0xFFFFFFFF  }
0xa7: {  	s28 =	simm.s32 $_size_execute0_lowered;
	s3 =	sadd.s32 s3, s5;
	[dreg:$0x0] =	wrdreg $0x0  }
0xa8: {  	s5 =	sshll.u32 s28, $0x1;
	[dreg:$0x2] =	wrdreg s3  }
0xa9: {  	[dreg:$0x3] =	wrdreg s5  }
0xaa: {  	[dreg:$0x4] =	wrdreg $0xC0  }
0xab: {  	_ =	task [dreg:s7], $0x5FFFF  }
0xac: {  	[dreg:$0x1] =	wrdreg $0xFFFFFFFF  }
0xad: {  	[dreg:$0x0] =	wrdreg $0x60  }
0xae: {  	[dreg:$0x2] =	wrdreg s2  }
0xaf: {  	[dreg:$0x3] =	wrdreg s24  }
0xb0: {  	[dreg:$0x4] =	wrdreg $0xA8000  }
0xb1: {  	[dreg:$0x5] =	wrdreg $0xA  }
0xb2: {  	_ =	task.clear_ibuf [dreg:s7], $0x6FFFF;
	_ =	strace $0x90000046  }
0xb3: {  	s29 =	simm.s32 $0xA;
	_ =	strace $0x80000048  }
0xb4: {  	_ =	swait.ge [sflag:s29], $0x1  }
0xb5: {  	[sflag:s29] =	ssyncadd.s32 $0xFFFFFFFF  }
0xb6: {  	_ =	strace $0x90000048  }
0xb7: {  	_ =	sfence  }
0xb8: {  	s30 =	sld [smem:$0x0];
	_ =	sdelay $0x2  }
0xb9: {  	s31 =	sshll.u32 s1, $0xD;
	s1 =	sshrl.u32 s1, $0x2  }
0xba: {  	s3 =	sand.u32 $0x4000, s31;
	s1 =	sadd.s32 s1, s30  }
0xbb: {  	s0 =	sor.u32 s3, s0;
	s1 =	sshll.u32 s1, $0x11  }
0xbc: {  	s0 =	sor.u32 s1, s0  }
0xbd: {  	s0 =	sadd.s32 $0x8F2B, s0  }
0xbe: {  	[sflag:s0] =	ssyncadd.remote.s32 $0x1  }
0xbf: {  	_ =	sfence.sel $0xFFFF  }
0xc0: {  	[dreg:$0x0] =	wrdreg $0xFFFFFFFF;
	(pc) =	sbr.abs _section_cstart, $3  }
0xc1: {  	[dreg:$0x1] =	wrdreg $0xFFFFFFFF  }
0xc2: {  	_ =	task.clear_ibuf [dreg:s7], $0x2FFFF;
	_ =	strace $0x9FFFFFFF  }
0xc3: {  	(tm) =	ssettm $0x7FFFFFFF  }
tec
execute0_lowered:
.L_overlay_start_1:
0x0: {  	(tag) =	ssettag $0x1  }
0x1: {  	s0 =	rddreg [dreg:$0x0];
	s1 =	srdreg.scid  }
0x2: {  	s2 =	rddreg [dreg:$0x1];
	s14 =	stileid.u32  }
0x3: {  	s3 =	rddreg [dreg:$0x2];
	s4 =	simm.s32 $0x0;
	s7 =	smul.u32 $0x4E000, s14  }
0x4: {  	[smem:$0x7FF] =	sst s4;
	s8 =	sadd.s32 $0x17800, s2;
	s10 =	smul.u32 $0x270, s14  }
0x5: {  	s11 =	smul.u32 $0x2700, s14;
	p0 =	seq.s32 s14, $0xF;
	s28 =	sadd.s32 $0x128800, s3  }
0x6: {  	s1 =	sand.u32 $0x1, s1;
	s30 =	sadd.s32 $0x12C800, s3;
	s31 =	sadd.s32 $0x130800, s3  }
0x7: {  	s5 =	sshll.u32 s1, $0x4;
	_ =	strace $0x80000047;
	s6 =	smul.u32 $0x27100, s1  }
0x8: {  	s1 =	ssub.s32 $0x2, s1;
	[dreg:$0x4] =	wrdreg s8;
	s5 =	sor.u32 s14, s5  }
0x9: {  	s13 =	sshrl.u32 s1, $0x1;
	s15 =	sshrl.u32 s7, $0x2;
	s19 =	sadd.s32 $0x68, s10  }
0xa: {  	s22 =	sadd.s32 $0xD0, s10;
	s24 =	sadd.s32 $0x138, s10;
	s14 =	simm.s32 $0x2  }
0xb: {  	s5 =	smul.u32 $0x500, s5;
	s1 =	ssub.s32 s1, s13;
	s8 =	sadd.s32 s15, s3  }
0xc: {  	s21 =	sshll.u32 s19, $0x7;
	s23 =	sshll.u32 s22, $0x7;
	s12 =	sshll.u32 s24, $0x7  }
0xd: {  	s13 =	sadd.s32 $0x1A0, s10;
	s10 =	sadd.s32 $0x208, s10;
	s15 =	simm.s32 $0x1380  }
0xe: {  	s1 =	smax.u32 s1, $0x1;
	s16 =	sadd.s32 $0x3400, s8;
	s17 =	sadd.s32 $0x6800, s8  }
0xf: {  	s18 =	sadd.s32 $0x9C00, s8;
	s20 =	sadd.s32 $0xD000, s8;
	[dreg:$0x5] =	wrdreg s1  }
0x10: {  	s12 =	sadd.s32 s12, s3;
	s25 =	sshll.u32 s13, $0x7;
	[dreg:$0x6] =	wrdreg s16  }
0x11: {  	s26 =	sshll.u32 s10, $0x7;
	s13 =	sshll.u32 s13, $0x4;
	[dreg:$0x7] =	wrdreg s17  }
0x12: {  	s10 =	sshll.u32 s10, $0x4;
	s5 =	sadd.s32 s5, s2;
	[dreg:$0x8] =	wrdreg s18  }
0x13: {  	s2 =	sadd.s32 s6, s2;
	[dreg:$0x9] =	wrdreg s20;
	s1 =	sshll.u32 s19, $0x4  }
0x14: {  	[dreg:$0xc] =	wrdreg s12;
	s12 =	sadd.s32 s25, s3;
	s16 =	simm.s32 $0x2700  }
0x15: {  	s17 =	simm.s32 $0x2780;
	s18 =	simm.s32 $0x0;
	s6 =	sadd.s32 $0x3800, s5  }
0x16: {  	s7 =	sadd.s32 $0xD800, s5;
	s9 =	sadd.s32 $0x18000, s2;
	s2 =	sadd.s32 s21, s3  }
0x17: {  	s5 =	sshll.u32 s22, $0x4;
	[dreg:$0xd] =	wrdreg s12;
	s12 =	sadd.s32 s26, s3  }
0x18: {  	s26 =	sadd.s32 $0x124800, s3;
	[dreg:$0xa] =	wrdreg s2;
	s2 =	sadd.s32 s23, s3  }
0x19: {  	[dreg:$0xe] =	wrdreg s12;
	s11 =	sadd.s32 @!p0 s11, s9;
	s1 =	sadd.s32 @!p0 s1, s9  }
0x1a: {  	s25 =	sadd.s32 @!p0 s13, s9;
	s29 =	sadd.s32 @!p0 s10, s9;
	[dreg:$0xb] =	wrdreg s2  }
0x1b: {  	s10 =	simm.s32 $0x1400;
	s12 =	simm.s32 $0x6800;
	[dreg:$0xf] =	wrdreg s11  }
0x1c: {  	s13 =	simm.s32 $0x1;
	s2 =	sshll.u32 s24, $0x4;
	[dreg:$0x10] =	wrdreg s1  }
0x1d: {  	s1 =	sadd.s32 @!p0 s5, s9;
	s24 =	sadd.s32 $0x10400, s8;
	s5 =	simm.s32 $0x3  }
0x1e: {  	s11 =	simm.s32 $0x80;
	[dreg:$0x11] =	wrdreg s1;
	s1 =	sadd.s32 @!p0 s2, s9  }
0x1f: {  	s2 =	simm.s32 $0x2800;
	[dreg:$0x12] =	wrdreg s1;
	s1 =	sadd.s32 $0x134800, s3  }
.LBB2_1:
0x20: {  	s19 =	rddreg [dreg:$0x4]  }
0x21: {  	[tilespmem:s2], [sflag:$0x3] =	stream.linear.gather [hbm4b:s19+s4], $0x4000, $0x38;
	[tilespmem:$0x1E480] =	vst v63  }
0x22: {  	_ =	swait.ge [sflag:s5], $0x4000  }
0x23: {  	[sflag:s5] =	ssyncset.done $0x0  }
0x24: {  	s20 =	simm.s32 @p0 $0x3;
	s19 =	simm.s32 @p0 $0x2800;
	[sflag:s5] =	ssyncadd.s32 $0xFFFFC000  }
0x25: {  	[spmem:s26] =	stream.linear.scatter @p0 [tilespmem:s19], [sflag:$0x3], $0x4000, $0x38;
	[tilespmem:$0x1E480] =	vst v63  }
0x26: {  	_ =	swait.ge @p0 [sflag:s20], $0x4000  }
0x27: {  	[sflag:s20] =	ssyncset.done @p0 $0x0  }
0x28: {  	[sflag:s20] =	ssyncadd.s32 @p0 $0xFFFFC000  }
0x29: {  	[spmem:s28] =	stream.linear.scatter @p0 [tilespmem:s19], [sflag:$0x3], $0x4000, $0x38;
	[tilespmem:$0x1E480] =	vst v63  }
0x2a: {  	_ =	swait.ge @p0 [sflag:s20], $0x4000  }
0x2b: {  	[sflag:s20] =	ssyncset.done @p0 $0x0  }
0x2c: {  	[sflag:s20] =	ssyncadd.s32 @p0 $0xFFFFC000  }
0x2d: {  	[spmem:s30] =	stream.linear.scatter @p0 [tilespmem:s19], [sflag:$0x3], $0x4000, $0x38;
	[tilespmem:$0x1E480] =	vst v63  }
0x2e: {  	_ =	swait.ge @p0 [sflag:s20], $0x4000  }
0x2f: {  	[sflag:s20] =	ssyncset.done @p0 $0x0  }
0x30: {  	[sflag:s20] =	ssyncadd.s32 @p0 $0xFFFFC000  }
0x31: {  	[spmem:s31] =	stream.linear.scatter @p0 [tilespmem:s19], [sflag:$0x3], $0x4000, $0x38;
	[tilespmem:$0x1E480] =	vst v63  }
0x32: {  	_ =	swait.ge @p0 [sflag:s20], $0x4000  }
0x33: {  	[sflag:s20] =	ssyncset.done @p0 $0x0  }
0x34: {  	[sflag:s20] =	ssyncadd.s32 @p0 $0xFFFFC000  }
0x35: {  	[spmem:s1] =	stream.linear.scatter @p0 [tilespmem:s19], [sflag:$0x3], $0x4000, $0x38;
	[tilespmem:$0x1E480] =	vst v63  }
0x36: {  	_ =	swait.ge @p0 [sflag:s20], $0x4000  }
0x37: {  	[sflag:s20] =	ssyncset.done @p0 $0x0  }
0x38: {  	s19 =	simm.s32 @!p0 $0x2800;
	[sflag:s20] =	ssyncadd.s32 @p0 $0xFFFFC000;
	s20 =	simm.s32 @!p0 $0x3  }
0x39: {  	[spmem:s8] =	stream.linear.scatter @!p0 [tilespmem:s19], [sflag:$0x3], $0x3400, $0x38;
	[tilespmem:$0x1E480] =	vst v63  }
0x3a: {  	_ =	swait.ge @!p0 [sflag:s20], $0x3400  }
0x3b: {  	[sflag:s20] =	ssyncset.done @!p0 $0x0  }
0x3c: {  	s21 =	rddreg [dreg:$0x6];
	[sflag:s20] =	ssyncadd.s32 @!p0 $0xFFFFCC00  }
0x3d: {  	[spmem:s21] =	stream.linear.scatter @!p0 [tilespmem:s19], [sflag:$0x3], $0x3400, $0x38;
	[tilespmem:$0x1E480] =	vst v63  }
0x3e: {  	_ =	swait.ge @!p0 [sflag:s20], $0x3400  }
0x3f: {  	[sflag:s20] =	ssyncset.done @!p0 $0x0  }
0x40: {  	s21 =	rddreg [dreg:$0x7];
	[sflag:s20] =	ssyncadd.s32 @!p0 $0xFFFFCC00  }
0x41: {  	[spmem:s21] =	stream.linear.scatter @!p0 [tilespmem:s19], [sflag:$0x3], $0x3400, $0x38;
	[tilespmem:$0x1E480] =	vst v63  }
0x42: {  	_ =	swait.ge @!p0 [sflag:s20], $0x3400  }
0x43: {  	[sflag:s20] =	ssyncset.done @!p0 $0x0  }
0x44: {  	s21 =	rddreg [dreg:$0x8];
	[sflag:s20] =	ssyncadd.s32 @!p0 $0xFFFFCC00  }
0x45: {  	[spmem:s21] =	stream.linear.scatter @!p0 [tilespmem:s19], [sflag:$0x3], $0x3400, $0x38;
	[tilespmem:$0x1E480] =	vst v63  }
0x46: {  	_ =	swait.ge @!p0 [sflag:s20], $0x3400  }
0x47: {  	[sflag:s20] =	ssyncset.done @!p0 $0x0  }
0x48: {  	s21 =	rddreg [dreg:$0x9];
	[sflag:s20] =	ssyncadd.s32 @!p0 $0xFFFFCC00  }
0x49: {  	[spmem:s21] =	stream.linear.scatter @!p0 [tilespmem:s19], [sflag:$0x3], $0x3400, $0x38;
	[tilespmem:$0x1E480] =	vst v63  }
0x4a: {  	_ =	swait.ge @!p0 [sflag:s20], $0x3400  }
0x4b: {  	[sflag:s20] =	ssyncset.done @!p0 $0x0  }
0x4c: {  	[sflag:s20] =	ssyncadd.s32 @!p0 $0xFFFFCC00  }
0x4d: {  	[spmem:s24] =	stream.linear.scatter @!p0 [tilespmem:s19], [sflag:$0x3], $0x3400, $0x38;
	[tilespmem:$0x1E480] =	vst v63  }
0x4e: {  	_ =	swait.ge @!p0 [sflag:s20], $0x3400  }
0x4f: {  	[sflag:s20] =	ssyncset.done @!p0 $0x0  }
0x50: {  	[sflag:s20] =	ssyncadd.s32 @!p0 $0xFFFFCC00  }
0x51: {  	[bflag:$0x0] =	sbarrier.arrive $0xFFFF  }
0x52: {  	[tilespmem:s4], [sflag:$0x3] =	stream.linear.gather [hbm4b:s6+s4], $0x1400, $0x38;
	[tilespmem:$0x1E480] =	vst v63  }
0x53: {  	_ =	swait.ge [sflag:s5], $0x1400  }
0x54: {  	[sflag:s5] =	ssyncset.done $0x0  }
0x55: {  	[sflag:s5] =	ssyncadd.s32 $0xFFFFEC00  }
0x56: {  	[tilespmem:s10], [sflag:$0x3] =	stream.linear.gather [hbm4b:s7+s4], $0x1400, $0x38;
	[tilespmem:$0x1E480] =	vst v63  }
0x57: {  	_ =	swait.ge [sflag:s5], $0x1400  }
0x58: {  	[sflag:s5] =	ssyncset.done $0x0  }
0x59: {  	[sflag:s5] =	ssyncadd.s32 $0xFFFFEC00  }
0x5a: {  	[tilespmem:s2], [sflag:$0x1] =	stream.indirect.gather [hbm4b:s0+s11], $0x80, s4, s11, $0xb8;
	[tilespmem:$0x1E480] =	vst v63  }
0x5b: {  	s20 =	simm.s32 $0x80  }
0x5c: {  	[tilespmem:s12], [sflag:$0x2] =	stream.indirect.gather [hbm4b:s0+s11], $0x80, s20, s11, $0xb8;
	[tilespmem:$0x1E480] =	vst v63  }
0x5d: {  	_ =	swait.ge [sflag:s13], $0x4000  }
0x5e: {  	[sflag:s13] =	ssyncset.done $0x0  }
0x5f: {  	s21 =	simm.s32 $0x1400;
	[sflag:s13] =	ssyncadd.s32 $0xFFFFC000  }
0x60: {  	[spmem:s3] =	stream.indirect.scatter.add.f32 [tilespmem:s2], [sflag:$0x3], $0x80, s21, s11, $0xb8;
	[tilespmem:$0x1E480] =	vst v63  }
0x61: {  	_ =	swait.ge [sflag:s5], $0x4000  }
0x62: {  	[sflag:s5] =	ssyncset.done $0x0  }
0x63: {  	s22 =	simm.s32 $0x100;
	[sflag:s5] =	ssyncadd.s32 $0xFFFFC000  }
0x64: {  	[tilespmem:s2], [sflag:$0x1] =	stream.indirect.gather [hbm4b:s0+s11], $0x80, s22, s11, $0xb8;
	[tilespmem:$0x1E480] =	vst v63  }
0x65: {  	_ =	swait.ge [sflag:s14], $0x4000  }
0x66: {  	[sflag:s14] =	ssyncset.done $0x0  }
0x67: {  	s23 =	simm.s32 $0x1480;
	[sflag:s14] =	ssyncadd.s32 $0xFFFFC000  }
0x68: {  	[spmem:s3] =	stream.indirect.scatter.add.f32 [tilespmem:s12], [sflag:$0x3], $0x80, s23, s11, $0xb8;
	[tilespmem:$0x1E480] =	vst v63  }
0x69: {  	_ =	swait.ge [sflag:s5], $0x4000  }
0x6a: {  	s19 =	simm.s32 $0x100;
	s20 =	simm.s32 $0x800;
	[sflag:s5] =	ssyncset.done $0x0  }
.LBB2_2:
0x6b: {  	s21 =	sadd.s32 $0x80, s19  }
0x6c: {  	[sflag:s5] =	ssyncadd.s32 $0xFFFFC000;
	s22 =	smov.u32 s20;
	s23 =	sadd.s32 $0x400, s20  }
0x6d: {  	[tilespmem:s12], [sflag:$0x2] =	stream.indirect.gather [hbm4b:s0+s11], $0x80, s21, s11, $0xb8;
	[tilespmem:$0x1E480] =	vst v63  }
0x6e: {  	p1 =	sne.s32 s20, $0x4800;
	_ =	swait.ge [sflag:s13], $0x4000  }
0x6f: {  	[sflag:s13] =	ssyncset.done $0x0  }
0x70: {  	s20 =	sadd.s32 $0x1400, s19;
	[sflag:s13] =	ssyncadd.s32 $0xFFFFC000  }
0x71: {  	[spmem:s3] =	stream.indirect.scatter.add.f32 [tilespmem:s2], [sflag:$0x3], $0x80, s20, s11, $0xb8;
	[tilespmem:$0x1E480] =	vst v63  }
0x72: {  	_ =	swait.ge [sflag:s5], $0x4000  }
0x73: {  	[sflag:s5] =	ssyncset.done $0x0  }
0x74: {  	s20 =	sadd.s32 $0x100, s19;
	[sflag:s5] =	ssyncadd.s32 $0xFFFFC000  }
0x75: {  	[tilespmem:s2], [sflag:$0x1] =	stream.indirect.gather [hbm4b:s0+s11], $0x80, s20, s11, $0xb8;
	[tilespmem:$0x1E480] =	vst v63  }
0x76: {  	_ =	swait.ge [sflag:s14], $0x4000  }
.Ltmp0:
0x77: {  	[sflag:s14] =	ssyncset.done $0x0;
	(pc) =	sbr.rel @p1 .LBB2_2-.Ltmp0, $4  }
0x78: {  	s19 =	sadd.s32 $0x1480, s19;
	[sflag:s14] =	ssyncadd.s32 $0xFFFFC000  }
0x79: {  	[spmem:s3] =	stream.indirect.scatter.add.f32 [tilespmem:s12], [sflag:$0x3], $0x80, s19, s11, $0xb8;
	[tilespmem:$0x1E480] =	vst v63  }
0x7a: {  	_ =	swait.ge [sflag:s5], $0x4000  }
0x7b: {  	s20 =	smov.u32 s23;
	s19 =	sshra.s32 s22, $0x2;
	[sflag:s5] =	ssyncset.done $0x0  }
0x7c: {  	s20 =	sadd.s32 $0x80, s19;
	[sflag:s5] =	ssyncadd.s32 $0xFFFFC000  }
0x7d: {  	[tilespmem:s12], [sflag:$0x2] =	stream.indirect.gather [hbm4b:s0+s11], $0x80, s20, s11, $0xb8;
	[tilespmem:$0x1E480] =	vst v63  }
0x7e: {  	_ =	swait.ge [sflag:s13], $0x4000  }
0x7f: {  	[sflag:s13] =	ssyncset.done $0x0  }
0x80: {  	s22 =	sadd.s32 $0x1400, s19;
	[sflag:s13] =	ssyncadd.s32 $0xFFFFC000  }
0x81: {  	[spmem:s3] =	stream.indirect.scatter.add.f32 [tilespmem:s2], [sflag:$0x3], $0x80, s22, s11, $0xb8;
	[tilespmem:$0x1E480] =	vst v63  }
0x82: {  	_ =	swait.ge [sflag:s5], $0x4000  }
0x83: {  	[sflag:s5] =	ssyncset.done $0x0  }
0x84: {  	s23 =	sadd.s32 $0x100, s19;
	[sflag:s5] =	ssyncadd.s32 $0xFFFFC000  }
0x85: {  	[tilespmem:s2], [sflag:$0x1] =	stream.indirect.gather [hbm4b:s0+s11], $0x80, s23, s11, $0xb8;
	[tilespmem:$0x1E480] =	vst v63  }
0x86: {  	_ =	swait.ge [sflag:s14], $0x4000  }
0x87: {  	[sflag:s14] =	ssyncset.done $0x0  }
0x88: {  	s20 =	sadd.s32 $0x1480, s19;
	[sflag:s14] =	ssyncadd.s32 $0xFFFFC000  }
0x89: {  	[spmem:s3] =	stream.indirect.scatter.add.f32 [tilespmem:s12], [sflag:$0x3], $0x80, s20, s11, $0xb8;
	[tilespmem:$0x1E480] =	vst v63  }
0x8a: {  	_ =	swait.ge [sflag:s5], $0x4000  }
0x8b: {  	[sflag:s5] =	ssyncset.done $0x0  }
0x8c: {  	[sflag:s5] =	ssyncadd.s32 $0xFFFFC000  }
0x8d: {  	[tilespmem:s12], [sflag:$0x2] =	stream.indirect.gather [hbm4b:s0+s11], $0x80, s15, s11, $0xb8;
	[tilespmem:$0x1E480] =	vst v63  }
0x8e: {  	_ =	swait.ge [sflag:s13], $0x4000  }
0x8f: {  	[sflag:s13] =	ssyncset.done $0x0  }
0x90: {  	[sflag:s13] =	ssyncadd.s32 $0xFFFFC000  }
0x91: {  	[spmem:s3] =	stream.indirect.scatter.add.f32 [tilespmem:s2], [sflag:$0x3], $0x80, s16, s11, $0xb8;
	[tilespmem:$0x1E480] =	vst v63  }
0x92: {  	_ =	swait.ge [sflag:s5], $0x4000  }
0x93: {  	[sflag:s5] =	ssyncset.done $0x0  }
0x94: {  	[sflag:s5] =	ssyncadd.s32 $0xFFFFC000  }
0x95: {  	_ =	swait.ge [sflag:s14], $0x4000  }
0x96: {  	[sflag:s14] =	ssyncset.done $0x0  }
0x97: {  	[sflag:s14] =	ssyncadd.s32 $0xFFFFC000  }
0x98: {  	[spmem:s3] =	stream.indirect.scatter.add.f32 [tilespmem:s12], [sflag:$0x3], $0x80, s17, s11, $0xb8;
	[tilespmem:$0x1E480] =	vst v63  }
0x99: {  	_ =	swait.ge [sflag:s5], $0x4000  }
0x9a: {  	[sflag:s5] =	ssyncset.done $0x0  }
0x9b: {  	s21 =	sadd.s32 $0x280, s6;
	s22 =	simm.s32 $0x0;
	[sflag:s5] =	ssyncadd.s32 $0xFFFFC000  }
0x9c: {  	[tilespmem:s22], [sflag:$0x3] =	stream.linear.gather [hbm4b:s21+s22], $0x1400, $0x38;
	[tilespmem:$0x1E480] =	vst v63  }
0x9d: {  	_ =	swait.ge [sflag:s5], $0x1400  }
0x9e: {  	[sflag:s5] =	ssyncset.done $0x0  }
0x9f: {  	s23 =	sadd.s32 $0x280, s7;
	[sflag:s5] =	ssyncadd.s32 $0xFFFFEC00  }
0xa0: {  	[tilespmem:s10], [sflag:$0x3] =	stream.linear.gather [hbm4b:s23+s22], $0x1400, $0x38;
	[tilespmem:$0x1E480] =	vst v63  }
0xa1: {  	_ =	swait.ge [sflag:s5], $0x1400  }
0xa2: {  	[sflag:s5] =	ssyncset.done $0x0  }
0xa3: {  	[sflag:s5] =	ssyncadd.s32 $0xFFFFEC00  }
0xa4: {  	[tilespmem:s2], [sflag:$0x1] =	stream.indirect.gather [hbm4b:s0+s11], $0x80, s22, s11, $0xb8;
	[tilespmem:$0x1E480] =	vst v63  }
0xa5: {  	s20 =	simm.s32 $0x80  }
0xa6: {  	[tilespmem:s12], [sflag:$0x2] =	stream.indirect.gather [hbm4b:s0+s11], $0x80, s20, s11, $0xb8;
	[tilespmem:$0x1E480] =	vst v63  }
0xa7: {  	_ =	swait.ge [sflag:s13], $0x4000  }
0xa8: {  	[sflag:s13] =	ssyncset.done $0x0  }
0xa9: {  	s21 =	simm.s32 $0x1400;
	[sflag:s13] =	ssyncadd.s32 $0xFFFFC000  }
0xaa: {  	[spmem:s3] =	stream.indirect.scatter.add.f32 [tilespmem:s2], [sflag:$0x3], $0x80, s21, s11, $0xb8;
	[tilespmem:$0x1E480] =	vst v63  }
0xab: {  	_ =	swait.ge [sflag:s5], $0x4000  }
0xac: {  	[sflag:s5] =	ssyncset.done $0x0  }
0xad: {  	s22 =	simm.s32 $0x100;
	[sflag:s5] =	ssyncadd.s32 $0xFFFFC000  }
0xae: {  	[tilespmem:s2], [sflag:$0x1] =	stream.indirect.gather [hbm4b:s0+s11], $0x80, s22, s11, $0xb8;
	[tilespmem:$0x1E480] =	vst v63  }
0xaf: {  	_ =	swait.ge [sflag:s14], $0x4000  }
0xb0: {  	[sflag:s14] =	ssyncset.done $0x0  }
0xb1: {  	s23 =	simm.s32 $0x1480;
	[sflag:s14] =	ssyncadd.s32 $0xFFFFC000  }
0xb2: {  	[spmem:s3] =	stream.indirect.scatter.add.f32 [tilespmem:s12], [sflag:$0x3], $0x80, s23, s11, $0xb8;
	[tilespmem:$0x1E480] =	vst v63  }
0xb3: {  	_ =	swait.ge [sflag:s5], $0x4000  }
0xb4: {  	s19 =	simm.s32 $0x100;
	s20 =	simm.s32 $0x800;
	[sflag:s5] =	ssyncset.done $0x0  }
.LBB2_4:
0xb5: {  	s21 =	sadd.s32 $0x80, s19  }
0xb6: {  	[sflag:s5] =	ssyncadd.s32 $0xFFFFC000;
	s22 =	smov.u32 s20;
	s23 =	sadd.s32 $0x400, s20  }
0xb7: {  	[tilespmem:s12], [sflag:$0x2] =	stream.indirect.gather [hbm4b:s0+s11], $0x80, s21, s11, $0xb8;
	[tilespmem:$0x1E480] =	vst v63  }
0xb8: {  	p1 =	sne.s32 s20, $0x4800;
	_ =	swait.ge [sflag:s13], $0x4000  }
0xb9: {  	[sflag:s13] =	ssyncset.done $0x0  }
0xba: {  	s20 =	sadd.s32 $0x1400, s19;
	[sflag:s13] =	ssyncadd.s32 $0xFFFFC000  }
0xbb: {  	[spmem:s3] =	stream.indirect.scatter.add.f32 [tilespmem:s2], [sflag:$0x3], $0x80, s20, s11, $0xb8;
	[tilespmem:$0x1E480] =	vst v63  }
0xbc: {  	_ =	swait.ge [sflag:s5], $0x4000  }
0xbd: {  	[sflag:s5] =	ssyncset.done $0x0  }
0xbe: {  	s20 =	sadd.s32 $0x100, s19;
	[sflag:s5] =	ssyncadd.s32 $0xFFFFC000  }
0xbf: {  	[tilespmem:s2], [sflag:$0x1] =	stream.indirect.gather [hbm4b:s0+s11], $0x80, s20, s11, $0xb8;
	[tilespmem:$0x1E480] =	vst v63  }
0xc0: {  	_ =	swait.ge [sflag:s14], $0x4000  }
.Ltmp1:
0xc1: {  	[sflag:s14] =	ssyncset.done $0x0;
	(pc) =	sbr.rel @p1 .LBB2_4-.Ltmp1, $4  }
0xc2: {  	s19 =	sadd.s32 $0x1480, s19;
	[sflag:s14] =	ssyncadd.s32 $0xFFFFC000  }
0xc3: {  	[spmem:s3] =	stream.indirect.scatter.add.f32 [tilespmem:s12], [sflag:$0x3], $0x80, s19, s11, $0xb8;
	[tilespmem:$0x1E480] =	vst v63  }
0xc4: {  	_ =	swait.ge [sflag:s5], $0x4000  }
0xc5: {  	s20 =	smov.u32 s23;
	s19 =	sshra.s32 s22, $0x2;
	[sflag:s5] =	ssyncset.done $0x0  }
0xc6: {  	s20 =	sadd.s32 $0x80, s19;
	[sflag:s5] =	ssyncadd.s32 $0xFFFFC000  }
0xc7: {  	[tilespmem:s12], [sflag:$0x2] =	stream.indirect.gather [hbm4b:s0+s11], $0x80, s20, s11, $0xb8;
	[tilespmem:$0x1E480] =	vst v63  }
0xc8: {  	_ =	swait.ge [sflag:s13], $0x4000  }
0xc9: {  	[sflag:s13] =	ssyncset.done $0x0  }
0xca: {  	s23 =	sadd.s32 $0x1400, s19;
	[sflag:s13] =	ssyncadd.s32 $0xFFFFC000  }
0xcb: {  	[spmem:s3] =	stream.indirect.scatter.add.f32 [tilespmem:s2], [sflag:$0x3], $0x80, s23, s11, $0xb8;
	[tilespmem:$0x1E480] =	vst v63  }
0xcc: {  	_ =	swait.ge [sflag:s5], $0x4000  }
0xcd: {  	[sflag:s5] =	ssyncset.done $0x0  }
0xce: {  	s21 =	sadd.s32 $0x100, s19;
	[sflag:s5] =	ssyncadd.s32 $0xFFFFC000  }
0xcf: {  	[tilespmem:s2], [sflag:$0x1] =	stream.indirect.gather [hbm4b:s0+s11], $0x80, s21, s11, $0xb8;
	[tilespmem:$0x1E480] =	vst v63  }
0xd0: {  	_ =	swait.ge [sflag:s14], $0x4000  }
0xd1: {  	[sflag:s14] =	ssyncset.done $0x0  }
0xd2: {  	s22 =	sadd.s32 $0x1480, s19;
	[sflag:s14] =	ssyncadd.s32 $0xFFFFC000  }
0xd3: {  	[spmem:s3] =	stream.indirect.scatter.add.f32 [tilespmem:s12], [sflag:$0x3], $0x80, s22, s11, $0xb8;
	[tilespmem:$0x1E480] =	vst v63  }
0xd4: {  	_ =	swait.ge [sflag:s5], $0x4000  }
0xd5: {  	[sflag:s5] =	ssyncset.done $0x0  }
0xd6: {  	[sflag:s5] =	ssyncadd.s32 $0xFFFFC000  }
0xd7: {  	[tilespmem:s12], [sflag:$0x2] =	stream.indirect.gather [hbm4b:s0+s11], $0x80, s15, s11, $0xb8;
	[tilespmem:$0x1E480] =	vst v63  }
0xd8: {  	_ =	swait.ge [sflag:s13], $0x4000  }
0xd9: {  	[sflag:s13] =	ssyncset.done $0x0  }
0xda: {  	[sflag:s13] =	ssyncadd.s32 $0xFFFFC000  }
0xdb: {  	[spmem:s3] =	stream.indirect.scatter.add.f32 [tilespmem:s2], [sflag:$0x3], $0x80, s16, s11, $0xb8;
	[tilespmem:$0x1E480] =	vst v63  }
0xdc: {  	_ =	swait.ge [sflag:s5], $0x4000  }
0xdd: {  	[sflag:s5] =	ssyncset.done $0x0  }
0xde: {  	[sflag:s5] =	ssyncadd.s32 $0xFFFFC000  }
0xdf: {  	_ =	swait.ge [sflag:s14], $0x4000  }
0xe0: {  	[sflag:s14] =	ssyncset.done $0x0  }
0xe1: {  	[sflag:s14] =	ssyncadd.s32 $0xFFFFC000  }
0xe2: {  	[spmem:s3] =	stream.indirect.scatter.add.f32 [tilespmem:s12], [sflag:$0x3], $0x80, s17, s11, $0xb8;
	[tilespmem:$0x1E480] =	vst v63  }
0xe3: {  	_ =	swait.ge [sflag:s5], $0x4000  }
0xe4: {  	[sflag:s5] =	ssyncset.done $0x0  }
0xe5: {  	[sflag:s5] =	ssyncadd.s32 $0xFFFFC000  }
0xe6: {  	s19 =	simm.s32 @p0 $0x2800;
	s20 =	simm.s32 @p0 $0x3;
	[bflag:$0x0] =	sbarrier.arrive $0xFFFF  }
0xe7: {  	[tilespmem:s19], [sflag:$0x3] =	stream.linear.gather @p0 [spmem:s26], $0x4000, $0x38;
	[tilespmem:$0x1E480] =	vst v63  }
0xe8: {  	_ =	swait.ge @p0 [sflag:s20], $0x4000  }
0xe9: {  	[sflag:s20] =	ssyncset.done @p0 $0x0  }
0xea: {  	s21 =	sadd.s32 @p0 $0x24900, s9;
	s22 =	simm.s32 @p0 $0x0;
	[sflag:s20] =	ssyncadd.s32 @p0 $0xFFFFC000  }
0xeb: {  	[hbm4b:s21+s22] =	stream.linear.scatter @p0 [tilespmem:s19], [sflag:$0x3], $0x4000, $0x38;
	[tilespmem:$0x1E480] =	vst v63  }
0xec: {  	_ =	swait.ge @p0 [sflag:s20], $0x4000  }
0xed: {  	[sflag:s20] =	ssyncset.done @p0 $0x0  }
0xee: {  	[sflag:s20] =	ssyncadd.s32 @p0 $0xFFFFC000  }
0xef: {  	[tilespmem:s19], [sflag:$0x3] =	stream.linear.gather @p0 [spmem:s28], $0x4000, $0x38;
	[tilespmem:$0x1E480] =	vst v63  }
0xf0: {  	_ =	swait.ge @p0 [sflag:s20], $0x4000  }
0xf1: {  	[sflag:s20] =	ssyncset.done @p0 $0x0  }
0xf2: {  	s21 =	sadd.s32 @p0 $0x25100, s9;
	[sflag:s20] =	ssyncadd.s32 @p0 $0xFFFFC000  }
0xf3: {  	[hbm4b:s21+s22] =	stream.linear.scatter @p0 [tilespmem:s19], [sflag:$0x3], $0x4000, $0x38;
	[tilespmem:$0x1E480] =	vst v63  }
0xf4: {  	_ =	swait.ge @p0 [sflag:s20], $0x4000  }
0xf5: {  	[sflag:s20] =	ssyncset.done @p0 $0x0  }
0xf6: {  	[sflag:s20] =	ssyncadd.s32 @p0 $0xFFFFC000  }
0xf7: {  	[tilespmem:s19], [sflag:$0x3] =	stream.linear.gather @p0 [spmem:s30], $0x4000, $0x38;
	[tilespmem:$0x1E480] =	vst v63  }
0xf8: {  	_ =	swait.ge @p0 [sflag:s20], $0x4000  }
0xf9: {  	[sflag:s20] =	ssyncset.done @p0 $0x0  }
0xfa: {  	s21 =	sadd.s32 @p0 $0x25900, s9;
	[sflag:s20] =	ssyncadd.s32 @p0 $0xFFFFC000  }
0xfb: {  	[hbm4b:s21+s22] =	stream.linear.scatter @p0 [tilespmem:s19], [sflag:$0x3], $0x4000, $0x38;
	[tilespmem:$0x1E480] =	vst v63  }
0xfc: {  	_ =	swait.ge @p0 [sflag:s20], $0x4000  }
0xfd: {  	[sflag:s20] =	ssyncset.done @p0 $0x0  }
0xfe: {  	[sflag:s20] =	ssyncadd.s32 @p0 $0xFFFFC000  }
0xff: {  	[tilespmem:s19], [sflag:$0x3] =	stream.linear.gather @p0 [spmem:s31], $0x4000, $0x38;
	[tilespmem:$0x1E480] =	vst v63  }
0x100: {  	_ =	swait.ge @p0 [sflag:s20], $0x4000  }
0x101: {  	[sflag:s20] =	ssyncset.done @p0 $0x0  }
0x102: {  	s21 =	sadd.s32 @p0 $0x26100, s9;
	[sflag:s20] =	ssyncadd.s32 @p0 $0xFFFFC000  }
0x103: {  	[hbm4b:s21+s22] =	stream.linear.scatter @p0 [tilespmem:s19], [sflag:$0x3], $0x4000, $0x38;
	[tilespmem:$0x1E480] =	vst v63  }
0x104: {  	_ =	swait.ge @p0 [sflag:s20], $0x4000  }
0x105: {  	[sflag:s20] =	ssyncset.done @p0 $0x0  }
0x106: {  	[sflag:s20] =	ssyncadd.s32 @p0 $0xFFFFC000  }
0x107: {  	[tilespmem:s19], [sflag:$0x3] =	stream.linear.gather @p0 [spmem:s1], $0x4000, $0x38;
	[tilespmem:$0x1E480] =	vst v63  }
0x108: {  	_ =	swait.ge @p0 [sflag:s20], $0x4000  }
0x109: {  	[sflag:s20] =	ssyncset.done @p0 $0x0  }
0x10a: {  	s21 =	sadd.s32 @p0 $0x26900, s9;
	[sflag:s20] =	ssyncadd.s32 @p0 $0xFFFFC000  }
0x10b: {  	[hbm4b:s21+s22] =	stream.linear.scatter @p0 [tilespmem:s19], [sflag:$0x3], $0x4000, $0x38;
	[tilespmem:$0x1E480] =	vst v63  }
0x10c: {  	_ =	swait.ge @p0 [sflag:s20], $0x4000  }
0x10d: {  	[sflag:s20] =	ssyncset.done @p0 $0x0  }
0x10e: {  	s19 =	simm.s32 @!p0 $0x2800;
	[sflag:s20] =	ssyncadd.s32 @p0 $0xFFFFC000;
	s20 =	simm.s32 @!p0 $0x3  }
0x10f: {  	[tilespmem:s19], [sflag:$0x3] =	stream.linear.gather @!p0 [spmem:s8], $0x3400, $0x38;
	[tilespmem:$0x1E480] =	vst v63  }
0x110: {  	_ =	swait.ge @!p0 [sflag:s20], $0x3400  }
0x111: {  	[sflag:s20] =	ssyncset.done @!p0 $0x0  }
0x112: {  	s21 =	simm.s32 @!p0 $0x0;
	s22 =	rddreg [dreg:$0xf];
	[sflag:s20] =	ssyncadd.s32 @!p0 $0xFFFFCC00  }
0x113: {  	[hbm4b:s22+s21] =	stream.linear.scatter @!p0 [tilespmem:s19], [sflag:$0x3], $0x3400, $0x38;
	[tilespmem:$0x1E480] =	vst v63  }
0x114: {  	_ =	swait.ge @!p0 [sflag:s20], $0x3400  }
0x115: {  	[sflag:s20] =	ssyncset.done @!p0 $0x0  }
0x116: {  	s22 =	rddreg [dreg:$0xa];
	[sflag:s20] =	ssyncadd.s32 @!p0 $0xFFFFCC00  }
0x117: {  	[tilespmem:s19], [sflag:$0x3] =	stream.linear.gather @!p0 [spmem:s22], $0x3400, $0x38;
	[tilespmem:$0x1E480] =	vst v63  }
0x118: {  	_ =	swait.ge @!p0 [sflag:s20], $0x3400  }
0x119: {  	[sflag:s20] =	ssyncset.done @!p0 $0x0  }
0x11a: {  	s22 =	rddreg [dreg:$0x10];
	[sflag:s20] =	ssyncadd.s32 @!p0 $0xFFFFCC00  }
0x11b: {  	[hbm4b:s22+s21] =	stream.linear.scatter @!p0 [tilespmem:s19], [sflag:$0x3], $0x3400, $0x38;
	[tilespmem:$0x1E480] =	vst v63  }
0x11c: {  	_ =	swait.ge @!p0 [sflag:s20], $0x3400  }
0x11d: {  	[sflag:s20] =	ssyncset.done @!p0 $0x0  }
0x11e: {  	s22 =	rddreg [dreg:$0xb];
	[sflag:s20] =	ssyncadd.s32 @!p0 $0xFFFFCC00  }
0x11f: {  	[tilespmem:s19], [sflag:$0x3] =	stream.linear.gather @!p0 [spmem:s22], $0x3400, $0x38;
	[tilespmem:$0x1E480] =	vst v63  }
0x120: {  	_ =	swait.ge @!p0 [sflag:s20], $0x3400  }
0x121: {  	[sflag:s20] =	ssyncset.done @!p0 $0x0  }
0x122: {  	s22 =	rddreg [dreg:$0x11];
	[sflag:s20] =	ssyncadd.s32 @!p0 $0xFFFFCC00  }
0x123: {  	[hbm4b:s22+s21] =	stream.linear.scatter @!p0 [tilespmem:s19], [sflag:$0x3], $0x3400, $0x38;
	[tilespmem:$0x1E480] =	vst v63  }
0x124: {  	_ =	swait.ge @!p0 [sflag:s20], $0x3400  }
0x125: {  	[sflag:s20] =	ssyncset.done @!p0 $0x0  }
0x126: {  	s22 =	rddreg [dreg:$0xc];
	[sflag:s20] =	ssyncadd.s32 @!p0 $0xFFFFCC00  }
0x127: {  	[tilespmem:s19], [sflag:$0x3] =	stream.linear.gather @!p0 [spmem:s22], $0x3400, $0x38;
	[tilespmem:$0x1E480] =	vst v63  }
0x128: {  	_ =	swait.ge @!p0 [sflag:s20], $0x3400  }
0x129: {  	[sflag:s20] =	ssyncset.done @!p0 $0x0  }
0x12a: {  	s22 =	rddreg [dreg:$0x12];
	[sflag:s20] =	ssyncadd.s32 @!p0 $0xFFFFCC00  }
0x12b: {  	[hbm4b:s22+s21] =	stream.linear.scatter @!p0 [tilespmem:s19], [sflag:$0x3], $0x3400, $0x38;
	[tilespmem:$0x1E480] =	vst v63  }
0x12c: {  	_ =	swait.ge @!p0 [sflag:s20], $0x3400  }
0x12d: {  	[sflag:s20] =	ssyncset.done @!p0 $0x0  }
0x12e: {  	s22 =	rddreg [dreg:$0xd];
	[sflag:s20] =	ssyncadd.s32 @!p0 $0xFFFFCC00  }
0x12f: {  	[tilespmem:s19], [sflag:$0x3] =	stream.linear.gather @!p0 [spmem:s22], $0x3400, $0x38;
	[tilespmem:$0x1E480] =	vst v63  }
0x130: {  	_ =	swait.ge @!p0 [sflag:s20], $0x3400  }
0x131: {  	[sflag:s20] =	ssyncset.done @!p0 $0x0  }
0x132: {  	[sflag:s20] =	ssyncadd.s32 @!p0 $0xFFFFCC00  }
0x133: {  	[hbm4b:s25+s21] =	stream.linear.scatter @!p0 [tilespmem:s19], [sflag:$0x3], $0x3400, $0x38;
	[tilespmem:$0x1E480] =	vst v63  }
0x134: {  	_ =	swait.ge @!p0 [sflag:s20], $0x3400  }
0x135: {  	[sflag:s20] =	ssyncset.done @!p0 $0x0  }
0x136: {  	s22 =	rddreg [dreg:$0xe];
	[sflag:s20] =	ssyncadd.s32 @!p0 $0xFFFFCC00  }
0x137: {  	[tilespmem:s19], [sflag:$0x3] =	stream.linear.gather @!p0 [spmem:s22], $0x3400, $0x38;
	[tilespmem:$0x1E480] =	vst v63  }
0x138: {  	_ =	swait.ge @!p0 [sflag:s20], $0x3400  }
0x139: {  	[sflag:s20] =	ssyncset.done @!p0 $0x0  }
0x13a: {  	[sflag:s20] =	ssyncadd.s32 @!p0 $0xFFFFCC00  }
0x13b: {  	[hbm4b:s29+s21] =	stream.linear.scatter @!p0 [tilespmem:s19], [sflag:$0x3], $0x3400, $0x38;
	[tilespmem:$0x1E480] =	vst v63  }
0x13c: {  	_ =	swait.ge @!p0 [sflag:s20], $0x3400  }
0x13d: {  	s18 =	sadd.s32 $0x1, s18;
	s23 =	rddreg [dreg:$0x5]  }
0x13e: {  	p1 =	sne.s32 s18, s23  }
.Ltmp2:
0x13f: {  	_ = 	snop;
	(pc) =	sbr.rel @p1 .LBB2_1-.Ltmp2, $3  }
0x140: {  	_ =	sdelay $0x1  }
0x141: {  	[sflag:s20] =	ssyncset.done @!p0 $0x0  }
0x142: {  	[sflag:s20] =	ssyncadd.s32 @!p0 $0xFFFFCC00  }
0x143: {  	_ =	sfence.sel $0x180000  }
0x144: {  	[bflag:$0x0] =	sbarrier.arrive $0xFFFF  }
0x145: {  	_ =	strace $0x90000047  }
0x146: {  	s0 =	stileid.u32;
	[bflag:$0x2] =	sbarrier.arrive $0xFFFF  }
0x147: {  	p0 =	sne.s32 s0, $0x0;
	s0 =	rddreg [dreg:$0x3]  }
0x148: {  	s0 =	sadd.s32 @!p0 $0x100000, s0  }
0x149: {  	[sflag:s0] =	ssyncadd.tile.s32 @!p0 $0x1;
	_ =	shalt  }
.Lfunc_end2:
_tile_overlayer_lowered:
.L_overlay_start_2:
0x14a: {  	(tag) =	ssettag $0x2  }
0x14b: {  	s0 =	rddreg [dreg:$0x0];
	s2 =	stileid.u32  }
0x14c: {  	s1 =	rddreg [dreg:$0x1];
	p0 =	sne.s32 s2, $0x0  }
0x14d: {  	s3 =	rddreg [dreg:$0x2];
	[bflag:$0x3] =	sbarrier.arrive $0xFFFF;
	s2 =	simm.s32 @!p0 $0x1C03  }
0x14e: {  	[timem:s3], [sflag:s2] =	dma.local @!p0 [hbm:s0], s1  }
0x14f: {  	s0 =	simm.s32 @!p0 $0x3  }
0x150: {  	_ =	swait.ge @!p0 [sflag:s0], s1  }
0x151: {  	s1 =	ssub.s32 @!p0 $0x0, s1;
	[sflag:s0] =	ssyncset.done @!p0 $0x0  }
0x152: {  	[sflag:s0] =	ssyncadd.s32 @!p0 s1  }
0x153: {  	[bflag:$0x3] =	sbarrier.arrive $0xFFFF  }
0x154: {  	_ =	shalt  }

// kernel: sage_agg.8.cloned.1.call-start
scs
__scs_entry_jumppad:
0x0: {  	(pc) =	sbr.rel $0x88, $3  }
0x1: {  	(tag) =	ssettag $0x0;
	lr =	simm.s32 $0x1  }
0x2: {  	[smem:$0x3F93] =	sst lr;
	_ =	strace $0xD0000000  }
0x3: {  	_ = 	snop  }
0x4: {  	_ = 	snop  }
0x5: {  	_ = 	snop  }
0x6: {  	_ = 	snop  }
0x7: {  	_ = 	snop  }
__scs_overlays_trampoline_lowered:
0x8: {  	[smem:$0x3FA2] =	sst s0  }
0x9: {  	[smem:$0x3FA3] =	sst s1  }
0xa: {  	[smem:$0x3FA4] =	sst s2  }
0xb: {  	[smem:$0x3FA5] =	sst s3  }
0xc: {  	[smem:$0x3FA6] =	sst s4  }
0xd: {  	[smem:$0x3FA7] =	sst s5  }
0xe: {  	[smem:$0x3FA8] =	sst s6  }
0xf: {  	[smem:$0x3FA9] =	sst s7  }
0x10: {  	[smem:$0x3FAA] =	sst s8  }
0x11: {  	[smem:$0x3FAB] =	sst s9;
	s0 =	simm.s32 @!p0 $0x0  }
0x12: {  	s1 =	sld [smem:$0x3F91];
	s0 =	simm.s32 @p0 $0x1  }
0x13: {  	[smem:$0x3FAC] =	sst s0;
	s0 =	simm.s32 @!p1 $0x0  }
0x14: {  	s2 =	sld [smem:$0x3F90];
	s0 =	simm.s32 @p1 $0x1  }
0x15: {  	[smem:$0x3FAD] =	sst s0;
	s0 =	simm.s32 @!p2 $0x0  }
0x16: {  	s3 =	sld [smem:$0x3FDB];
	s0 =	simm.s32 @p2 $0x1  }
0x17: {  	s4 =	simm.s32 $0x1BF5;
	[smem:$0x3FAF] =	sst s0  }
0x18: {  	s0 =	sld [smem:$0x3F92];
	_ =	swait.ge [sflag:s4], $0x0  }
0x19: {  	s7 =	sld [smem:$0x3F93]  }
0x1a: {  	s8 =	sadd.s32 $0xFFFFE003, lr  }
0x1b: {  	s9 =	sadd.s32 $0xFFFFFEF7, lr;
	s5 =	simm.s32 $0xFFFFFFFF;
	p2 =	slt.u32 s8, $0xFFFFF086  }
0x1c: {  	p1 =	slt.u32 s9, $0xF7A;
	s5 =	simm.s32 @!p2 $0x0  }
0x1d: {  	s5 =	simm.s32 @p1 $0x1;
	p0 =	seq.s32 s7, s2  }
0x1e: {  	s7 =	smul.u32 @!p0 $0xF7A, s2;
	p2 =	seq.s32 @!p0 s5, $0x0  }
0x1f: {  	s9 =	smul.u32 $0xF7A, s1;
	s8 =	simm.s32 @!p0 $0x1BF5;
	p2 =	por !p2, p0  }
0x20: {  	[sflag:s8] =	ssyncset.s32 @!p0 $0xFFFFF086;
	s6 =	sadd.s32 @!p0 s3, s7;
	s7 =	simm.s32 @!p0 $0x108  }
0x21: {  	s3 =	sadd.s32 s3, s9;
	s6 =	sadd.s32 @!p0 $0x88, s6;
	s7 =	simm.s32 @p2 $0x1082  }
0x22: {  	[simem:s7], [sflag:s8] =	dma.local @!p0 [hbm:s6], $0xF7A  }
0x23: {  	s9 =	sor.u32 $0xD0000000, s2;
	s6 =	simm.s32 $0x108;
	_ =	swait.ge @!p0 [sflag:s8], $0x0  }
0x24: {  	s3 =	sadd.s32 $0x88, s3;
	s6 =	simm.s32 @!p1 $0x1082;
	[sflag:s4] =	ssyncset.s32 $0xFFFFF086  }
0x25: {  	[simem:s6], [sflag:s4] =	dma.local [hbm:s3], $0xF7A  }
0x26: {  	[smem:$0x3F93] =	sst s1;
	(tag) =	ssettag s2;
	_ =	strace s9  }
0x27: {  	s1 =	sld [smem:$0x3FA3]  }
0x28: {  	s2 =	sld [smem:$0x3FA4]  }
0x29: {  	s4 =	sld [smem:$0x3FA6]  }
0x2a: {  	p0 =	seq.s32 s5, $0x0;
	s5 =	sld [smem:$0x3FA7]  }
0x2b: {  	s6 =	sld [smem:$0x3FA8]  }
0x2c: {  	s7 =	sld [smem:$0x3FA9]  }
0x2d: {  	s3 =	simm.s32 $0x108;
	s8 =	sld [smem:$0x3FAA]  }
0x2e: {  	s3 =	simm.s32 @!p0 $0x1082;
	s9 =	sld [smem:$0x3FAB]  }
0x2f: {  	lr =	sadd.s32 s0, s3;
	s0 =	sld [smem:$0x3FA2]  }
0x30: {  	s3 =	sld [smem:$0x3FA5]  }
0x31: {  	[smem:$0x3FAE] =	sst s10  }
0x32: {  	s10 =	sld [smem:$0x3FAC];
	_ =	sdelay $0x3  }
0x33: {  	p0 =	seq.s32 s10, $0x1;
	s10 =	sld [smem:$0x3FAE];
	_ =	sdelay $0x3  }
0x34: {  	[smem:$0x3FAE] =	sst s10  }
0x35: {  	s10 =	sld [smem:$0x3FAD];
	_ =	sdelay $0x3  }
0x36: {  	p1 =	seq.s32 s10, $0x1;
	s10 =	sld [smem:$0x3FAE];
	_ =	sdelay $0x3  }
0x37: {  	[smem:$0x3FAE] =	sst s10  }
0x38: {  	s10 =	sld [smem:$0x3FAF]  }
0x39: {  	_ = 	snop;
	(pc) =	sbr.ind lr, $3  }
0x3a: {  	_ = 	snop  }
0x3b: {  	_ = 	snop  }
0x3c: {  	p2 =	seq.s32 s10, $0x1;
	s10 =	sld [smem:$0x3FAE]  }
0x3d: {  	_ =	shalt  }
0x3e: {  	_ =	shalt  }
0x3f: {  	_ =	shalt  }
0x40: {  	_ =	shalt  }
0x41: {  	_ =	shalt  }
0x42: {  	_ =	shalt  }
0x43: {  	_ =	shalt  }
0x44: {  	_ =	shalt  }
0x45: {  	_ =	shalt  }
0x46: {  	_ =	shalt  }
0x47: {  	_ =	shalt  }
0x48: {  	_ =	shalt  }
0x49: {  	_ =	shalt  }
0x4a: {  	_ =	shalt  }
0x4b: {  	_ =	shalt  }
0x4c: {  	_ =	shalt  }
0x4d: {  	_ =	shalt  }
0x4e: {  	_ =	shalt  }
0x4f: {  	_ =	shalt  }
0x50: {  	_ =	shalt  }
0x51: {  	_ =	shalt  }
0x52: {  	_ =	shalt  }
0x53: {  	_ =	shalt  }
0x54: {  	_ =	shalt  }
0x55: {  	_ =	shalt  }
0x56: {  	_ =	shalt  }
0x57: {  	_ =	shalt  }
0x58: {  	_ =	shalt  }
0x59: {  	_ =	shalt  }
0x5a: {  	_ =	shalt  }
0x5b: {  	_ =	shalt  }
0x5c: {  	_ =	shalt  }
0x5d: {  	_ =	shalt  }
0x5e: {  	_ =	shalt  }
0x5f: {  	_ =	shalt  }
0x60: {  	_ =	shalt  }
0x61: {  	_ =	shalt  }
0x62: {  	_ =	shalt  }
0x63: {  	_ =	shalt  }
0x64: {  	_ =	shalt  }
0x65: {  	_ =	shalt  }
0x66: {  	_ =	shalt  }
0x67: {  	_ =	shalt  }
0x68: {  	_ =	shalt  }
0x69: {  	_ =	shalt  }
0x6a: {  	_ =	shalt  }
0x6b: {  	_ =	shalt  }
0x6c: {  	_ =	shalt  }
0x6d: {  	_ =	shalt  }
0x6e: {  	_ =	shalt  }
0x6f: {  	_ =	shalt  }
0x70: {  	_ =	shalt  }
0x71: {  	_ =	shalt  }
0x72: {  	_ =	shalt  }
0x73: {  	_ =	shalt  }
0x74: {  	_ =	shalt  }
0x75: {  	_ =	shalt  }
0x76: {  	_ =	shalt  }
0x77: {  	_ =	shalt  }
0x78: {  	_ =	shalt  }
0x79: {  	_ =	shalt  }
0x7a: {  	_ =	shalt  }
0x7b: {  	_ =	shalt  }
0x7c: {  	_ =	shalt  }
0x7d: {  	_ =	shalt  }
0x7e: {  	_ =	shalt  }
0x7f: {  	_ =	shalt  }
0x80: {  	_ =	shalt  }
0x81: {  	_ =	shalt  }
0x82: {  	_ =	shalt  }
0x83: {  	_ =	shalt  }
0x84: {  	_ =	shalt  }
0x85: {  	_ =	shalt  }
0x86: {  	_ =	shalt  }
0x87: {  	_ =	shalt  }
.Lfunc_end0:
.L_simem_size_0:
called_computation.2_lowered:
.L_overlay_start_0:
0x88: {  	s2 =	sld [smem:$0x3FD9]  }
0x89: {  	s3 =	sld [smem:$0x3FFE];
	_ =	sdelay $0x1  }
0x8a: {  	s1 =	srdreg.scid  }
0x8b: {  	s0 =	sand.u32 $0x1, s1  }
0x8c: {  	s16 =	sshll.u32 s0, $0xA;
	s2 =	sadd.s32 s3, s2  }
0x8d: {  	s2 =	sadd.s32 s2, s16  }
0x8e: {  	[smem:$0x3FBA] =	sst s2  }
0x8f: {  	_ = 	snop  }
0x90: {  	(tm) =	ssettm $0x1  }
0x91: {  	s17 =	sld [smem:$0x3FFB];
	_ =	sdelay $0x3  }
0x92: {  	_ =	strace s17  }
0x93: {  	s2 =	sld [smem:$0x3FFC];
	_ =	sdelay $0x3  }
0x94: {  	_ =	strace s2  }
0x95: {  	s2 =	sld [smem:$0x3FFD];
	_ =	sdelay $0x3  }
0x96: {  	_ =	strace s2  }
0x97: {  	_ =	strace $0x8FFFFFFF  }
0x98: {  	s18 =	sld [smem:$0x3FDB];
	_ =	sdelay $0x1  }
0x99: {  	s19 =	simm.s32 $_scs_section_size  }
0x9a: {  	s4 =	simm.s32 $_size__tile_overlayer_lowered;
	s5 =	simm.s32 $_tile_overlayer_lowered  }
0x9b: {  	s22 =	simm.s32 $0x1BFF;
	s21 =	sshll.u32 s5, $0x1;
	s2 =	sadd.s32 s19, s18  }
0x9c: {  	s6 =	simm.s32 $0x0;
	s20 =	sshll.u32 s4, $0x1;
	s4 =	sadd.s32 s21, s2  }
0x9d: {  	[timem:s6], [sflag:s22] =	dma.local [hbm:s4], s20  }
0x9e: {  	_ =	swait.ge [sflag:s22], s20  }
0x9f: {  	s3 =	ssub.s32 $0x0, s20;
	[sflag:s22] =	ssyncset.done $0x0  }
0xa0: {  	[sflag:s22] =	ssyncadd.s32 s3;
	_ =	sdelay $0x1  }
0xa1: {  	s23 =	simm.s32 $0x1B8B  }
0xa2: {  	_ =	swait.ge [sflag:s23], $0x1  }
0xa3: {  	[sflag:s23] =	ssyncset.done $0x0  }
0xa4: {  	s25 =	simm.s32 $0x1B8E;
	s24 =	sld [smem:$0x3FFE];
	[sflag:s23] =	ssyncadd.s32 $0xFFFFFFFF  }
0xa5: {  	s26 =	simm.s32 $execute0_lowered;
	[smem:$0x3FD2] =	sst s25  }
0xa6: {  	s4 =	sshll.u32 s26, $0x1;
	_ =	strace $0x8000004C;
	[dreg:$0x1] =	wrdreg $0xFFFFFFFF  }
0xa7: {  	s28 =	simm.s32 $_size_execute0_lowered;
	s2 =	sadd.s32 s2, s4;
	[dreg:$0x0] =	wrdreg $0x0  }
0xa8: {  	s4 =	sshll.u32 s28, $0x1;
	[dreg:$0x2] =	wrdreg s2  }
0xa9: {  	[dreg:$0x3] =	wrdreg s4  }
0xaa: {  	[dreg:$0x4] =	wrdreg $0xC0  }
0xab: {  	_ =	task [dreg:s6], $0x5FFFF  }
0xac: {  	[dreg:$0x1] =	wrdreg $0xFFFFFFFF  }
0xad: {  	[dreg:$0x0] =	wrdreg $0x60  }
0xae: {  	[dreg:$0x2] =	wrdreg s24  }
0xaf: {  	[dreg:$0x3] =	wrdreg $0xA8000  }
0xb0: {  	[dreg:$0x4] =	wrdreg $0x9  }
0xb1: {  	_ =	task.clear_ibuf [dreg:s6], $0x5FFFF;
	_ =	strace $0x9000004C  }
0xb2: {  	s29 =	simm.s32 $0x9;
	_ =	strace $0x8000004E  }
0xb3: {  	_ =	swait.ge [sflag:s29], $0x1  }
0xb4: {  	[sflag:s29] =	ssyncadd.s32 $0xFFFFFFFF  }
0xb5: {  	_ =	strace $0x9000004E  }
0xb6: {  	_ =	sfence  }
0xb7: {  	s30 =	sld [smem:$0x0];
	_ =	sdelay $0x2  }
0xb8: {  	s31 =	sshll.u32 s1, $0xD;
	s1 =	sshrl.u32 s1, $0x2  }
0xb9: {  	s3 =	sand.u32 $0x4000, s31;
	s1 =	sadd.s32 s1, s30  }
0xba: {  	s0 =	sor.u32 s3, s0;
	s1 =	sshll.u32 s1, $0x11  }
0xbb: {  	s0 =	sor.u32 s1, s0  }
0xbc: {  	s0 =	sadd.s32 $0x8F2B, s0  }
0xbd: {  	[sflag:s0] =	ssyncadd.remote.s32 $0x1  }
0xbe: {  	_ =	sfence.sel $0xFFFF  }
0xbf: {  	[dreg:$0x0] =	wrdreg $0xFFFFFFFF;
	(pc) =	sbr.abs _section_cstart, $3  }
0xc0: {  	[dreg:$0x1] =	wrdreg $0xFFFFFFFF  }
0xc1: {  	_ =	task.clear_ibuf [dreg:s6], $0x2FFFF;
	_ =	strace $0x9FFFFFFF  }
0xc2: {  	(tm) =	ssettm $0x7FFFFFFF  }
0xc3: {  	_ =	shalt  }
tec
execute0_lowered:
.L_overlay_start_1:
0x0: {  	(tag) =	ssettag $0x1  }
0x1: {  	s0 =	srdreg.scid;
	s1 =	rddreg [dreg:$0x0]  }
0x2: {  	s2 =	rddreg [dreg:$0x1];
	s14 =	stileid.u32  }
0x3: {  	s3 =	simm.s32 $0x0;
	s0 =	sand.u32 $0x1, s0;
	s7 =	smul.u32 $0x4E000, s14  }
0x4: {  	[smem:$0x7FF] =	sst s3;
	s8 =	sadd.s32 $0x17800, s1;
	s10 =	smul.u32 $0x270, s14  }
0x5: {  	s11 =	smul.u32 $0x2700, s14;
	p0 =	seq.s32 s14, $0xF;
	s28 =	sadd.s32 $0x128800, s2  }
0x6: {  	s30 =	sadd.s32 $0x12C800, s2;
	s31 =	sadd.s32 $0x130800, s2;
	s4 =	sshll.u32 s0, $0x4  }
0x7: {  	_ =	strace $0x8000004D;
	s6 =	smul.u32 $0x27100, s0;
	s0 =	ssub.s32 $0x2, s0  }
0x8: {  	[dreg:$0x3] =	wrdreg s8;
	s4 =	sor.u32 s14, s4;
	s13 =	sshrl.u32 s0, $0x1  }
0x9: {  	s15 =	sshrl.u32 s7, $0x2;
	s19 =	sadd.s32 $0x68, s10;
	s22 =	sadd.s32 $0xD0, s10  }
0xa: {  	s24 =	sadd.s32 $0x138, s10;
	s14 =	simm.s32 $0x2;
	s5 =	smul.u32 $0x500, s4  }
0xb: {  	s4 =	sadd.s32 $0x18000, s1;
	s0 =	ssub.s32 s0, s13;
	s8 =	sadd.s32 s15, s2  }
0xc: {  	s21 =	sshll.u32 s19, $0x7;
	s23 =	sshll.u32 s22, $0x7;
	s12 =	sshll.u32 s24, $0x7  }
0xd: {  	s13 =	sadd.s32 $0x1A0, s10;
	s10 =	sadd.s32 $0x208, s10;
	s15 =	simm.s32 $0x1380  }
0xe: {  	s0 =	smax.u32 s0, $0x1;
	s16 =	sadd.s32 $0x3400, s8;
	s17 =	sadd.s32 $0x6800, s8  }
0xf: {  	s18 =	sadd.s32 $0x9C00, s8;
	s20 =	sadd.s32 $0xD000, s8;
	[dreg:$0x4] =	wrdreg s0  }
0x10: {  	s12 =	sadd.s32 s12, s2;
	s25 =	sshll.u32 s13, $0x7;
	[dreg:$0x5] =	wrdreg s16  }
0x11: {  	s26 =	sshll.u32 s10, $0x7;
	s13 =	sshll.u32 s13, $0x4;
	[dreg:$0x6] =	wrdreg s17  }
0x12: {  	s10 =	sshll.u32 s10, $0x4;
	s5 =	sadd.s32 s5, s1;
	[dreg:$0x7] =	wrdreg s18  }
0x13: {  	s1 =	sadd.s32 s6, s1;
	[dreg:$0x8] =	wrdreg s20;
	s0 =	sshll.u32 s19, $0x4  }
0x14: {  	[dreg:$0xb] =	wrdreg s12;
	s12 =	sadd.s32 s25, s2;
	s16 =	simm.s32 $0x2700  }
0x15: {  	s17 =	simm.s32 $0x2780;
	s18 =	simm.s32 $0x0;
	s6 =	sadd.s32 $0x3800, s5  }
0x16: {  	s7 =	sadd.s32 $0xD800, s5;
	s9 =	sadd.s32 $0x3F200, s1;
	s1 =	sadd.s32 s21, s2  }
0x17: {  	s5 =	sshll.u32 s22, $0x4;
	[dreg:$0xc] =	wrdreg s12;
	s12 =	sadd.s32 s26, s2  }
0x18: {  	s26 =	sadd.s32 $0x124800, s2;
	[dreg:$0x9] =	wrdreg s1;
	s1 =	sadd.s32 s23, s2  }
0x19: {  	[dreg:$0xd] =	wrdreg s12;
	s11 =	sadd.s32 @!p0 s11, s9;
	s0 =	sadd.s32 @!p0 s0, s9  }
0x1a: {  	s25 =	sadd.s32 @!p0 s13, s9;
	s29 =	sadd.s32 @!p0 s10, s9;
	[dreg:$0xa] =	wrdreg s1  }
0x1b: {  	s10 =	simm.s32 $0x1400;
	s12 =	simm.s32 $0x6800;
	[dreg:$0xe] =	wrdreg s11  }
0x1c: {  	s13 =	simm.s32 $0x1;
	s1 =	sshll.u32 s24, $0x4;
	[dreg:$0xf] =	wrdreg s0  }
0x1d: {  	s0 =	sadd.s32 @!p0 s5, s9;
	s24 =	sadd.s32 $0x10400, s8;
	s5 =	simm.s32 $0x3  }
0x1e: {  	s11 =	simm.s32 $0x80;
	[dreg:$0x10] =	wrdreg s0;
	s0 =	sadd.s32 @!p0 s1, s9  }
0x1f: {  	s1 =	simm.s32 $0x2800;
	[dreg:$0x11] =	wrdreg s0;
	s0 =	sadd.s32 $0x134800, s2  }
.LBB2_1:
0x20: {  	s19 =	rddreg [dreg:$0x3]  }
0x21: {  	[tilespmem:s1], [sflag:$0x3] =	stream.linear.gather [hbm4b:s19+s3], $0x4000, $0x38;
	[tilespmem:$0x1E480] =	vst v63  }
0x22: {  	_ =	swait.ge [sflag:s5], $0x4000  }
0x23: {  	[sflag:s5] =	ssyncset.done $0x0  }
0x24: {  	s20 =	simm.s32 @p0 $0x3;
	s19 =	simm.s32 @p0 $0x2800;
	[sflag:s5] =	ssyncadd.s32 $0xFFFFC000  }
0x25: {  	[spmem:s26] =	stream.linear.scatter @p0 [tilespmem:s19], [sflag:$0x3], $0x4000, $0x38;
	[tilespmem:$0x1E480] =	vst v63  }
0x26: {  	_ =	swait.ge @p0 [sflag:s20], $0x4000  }
0x27: {  	[sflag:s20] =	ssyncset.done @p0 $0x0  }
0x28: {  	[sflag:s20] =	ssyncadd.s32 @p0 $0xFFFFC000  }
0x29: {  	[spmem:s28] =	stream.linear.scatter @p0 [tilespmem:s19], [sflag:$0x3], $0x4000, $0x38;
	[tilespmem:$0x1E480] =	vst v63  }
0x2a: {  	_ =	swait.ge @p0 [sflag:s20], $0x4000  }
0x2b: {  	[sflag:s20] =	ssyncset.done @p0 $0x0  }
0x2c: {  	[sflag:s20] =	ssyncadd.s32 @p0 $0xFFFFC000  }
0x2d: {  	[spmem:s30] =	stream.linear.scatter @p0 [tilespmem:s19], [sflag:$0x3], $0x4000, $0x38;
	[tilespmem:$0x1E480] =	vst v63  }
0x2e: {  	_ =	swait.ge @p0 [sflag:s20], $0x4000  }
0x2f: {  	[sflag:s20] =	ssyncset.done @p0 $0x0  }
0x30: {  	[sflag:s20] =	ssyncadd.s32 @p0 $0xFFFFC000  }
0x31: {  	[spmem:s31] =	stream.linear.scatter @p0 [tilespmem:s19], [sflag:$0x3], $0x4000, $0x38;
	[tilespmem:$0x1E480] =	vst v63  }
0x32: {  	_ =	swait.ge @p0 [sflag:s20], $0x4000  }
0x33: {  	[sflag:s20] =	ssyncset.done @p0 $0x0  }
0x34: {  	[sflag:s20] =	ssyncadd.s32 @p0 $0xFFFFC000  }
0x35: {  	[spmem:s0] =	stream.linear.scatter @p0 [tilespmem:s19], [sflag:$0x3], $0x4000, $0x38;
	[tilespmem:$0x1E480] =	vst v63  }
0x36: {  	_ =	swait.ge @p0 [sflag:s20], $0x4000  }
0x37: {  	[sflag:s20] =	ssyncset.done @p0 $0x0  }
0x38: {  	s19 =	simm.s32 @!p0 $0x2800;
	[sflag:s20] =	ssyncadd.s32 @p0 $0xFFFFC000;
	s20 =	simm.s32 @!p0 $0x3  }
0x39: {  	[spmem:s8] =	stream.linear.scatter @!p0 [tilespmem:s19], [sflag:$0x3], $0x3400, $0x38;
	[tilespmem:$0x1E480] =	vst v63  }
0x3a: {  	_ =	swait.ge @!p0 [sflag:s20], $0x3400  }
0x3b: {  	[sflag:s20] =	ssyncset.done @!p0 $0x0  }
0x3c: {  	s21 =	rddreg [dreg:$0x5];
	[sflag:s20] =	ssyncadd.s32 @!p0 $0xFFFFCC00  }
0x3d: {  	[spmem:s21] =	stream.linear.scatter @!p0 [tilespmem:s19], [sflag:$0x3], $0x3400, $0x38;
	[tilespmem:$0x1E480] =	vst v63  }
0x3e: {  	_ =	swait.ge @!p0 [sflag:s20], $0x3400  }
0x3f: {  	[sflag:s20] =	ssyncset.done @!p0 $0x0  }
0x40: {  	s21 =	rddreg [dreg:$0x6];
	[sflag:s20] =	ssyncadd.s32 @!p0 $0xFFFFCC00  }
0x41: {  	[spmem:s21] =	stream.linear.scatter @!p0 [tilespmem:s19], [sflag:$0x3], $0x3400, $0x38;
	[tilespmem:$0x1E480] =	vst v63  }
0x42: {  	_ =	swait.ge @!p0 [sflag:s20], $0x3400  }
0x43: {  	[sflag:s20] =	ssyncset.done @!p0 $0x0  }
0x44: {  	s21 =	rddreg [dreg:$0x7];
	[sflag:s20] =	ssyncadd.s32 @!p0 $0xFFFFCC00  }
0x45: {  	[spmem:s21] =	stream.linear.scatter @!p0 [tilespmem:s19], [sflag:$0x3], $0x3400, $0x38;
	[tilespmem:$0x1E480] =	vst v63  }
0x46: {  	_ =	swait.ge @!p0 [sflag:s20], $0x3400  }
0x47: {  	[sflag:s20] =	ssyncset.done @!p0 $0x0  }
0x48: {  	s21 =	rddreg [dreg:$0x8];
	[sflag:s20] =	ssyncadd.s32 @!p0 $0xFFFFCC00  }
0x49: {  	[spmem:s21] =	stream.linear.scatter @!p0 [tilespmem:s19], [sflag:$0x3], $0x3400, $0x38;
	[tilespmem:$0x1E480] =	vst v63  }
0x4a: {  	_ =	swait.ge @!p0 [sflag:s20], $0x3400  }
0x4b: {  	[sflag:s20] =	ssyncset.done @!p0 $0x0  }
0x4c: {  	[sflag:s20] =	ssyncadd.s32 @!p0 $0xFFFFCC00  }
0x4d: {  	[spmem:s24] =	stream.linear.scatter @!p0 [tilespmem:s19], [sflag:$0x3], $0x3400, $0x38;
	[tilespmem:$0x1E480] =	vst v63  }
0x4e: {  	_ =	swait.ge @!p0 [sflag:s20], $0x3400  }
0x4f: {  	[sflag:s20] =	ssyncset.done @!p0 $0x0  }
0x50: {  	[sflag:s20] =	ssyncadd.s32 @!p0 $0xFFFFCC00  }
0x51: {  	[bflag:$0x0] =	sbarrier.arrive $0xFFFF  }
0x52: {  	[tilespmem:s3], [sflag:$0x3] =	stream.linear.gather [hbm4b:s6+s3], $0x1400, $0x38;
	[tilespmem:$0x1E480] =	vst v63  }
0x53: {  	_ =	swait.ge [sflag:s5], $0x1400  }
0x54: {  	[sflag:s5] =	ssyncset.done $0x0  }
0x55: {  	[sflag:s5] =	ssyncadd.s32 $0xFFFFEC00  }
0x56: {  	[tilespmem:s10], [sflag:$0x3] =	stream.linear.gather [hbm4b:s7+s3], $0x1400, $0x38;
	[tilespmem:$0x1E480] =	vst v63  }
0x57: {  	_ =	swait.ge [sflag:s5], $0x1400  }
0x58: {  	[sflag:s5] =	ssyncset.done $0x0  }
0x59: {  	[sflag:s5] =	ssyncadd.s32 $0xFFFFEC00  }
0x5a: {  	[tilespmem:s1], [sflag:$0x1] =	stream.indirect.gather [hbm4b:s4+s11], $0x80, s3, s11, $0xb8;
	[tilespmem:$0x1E480] =	vst v63  }
0x5b: {  	s20 =	simm.s32 $0x80  }
0x5c: {  	[tilespmem:s12], [sflag:$0x2] =	stream.indirect.gather [hbm4b:s4+s11], $0x80, s20, s11, $0xb8;
	[tilespmem:$0x1E480] =	vst v63  }
0x5d: {  	_ =	swait.ge [sflag:s13], $0x4000  }
0x5e: {  	[sflag:s13] =	ssyncset.done $0x0  }
0x5f: {  	s21 =	simm.s32 $0x1400;
	[sflag:s13] =	ssyncadd.s32 $0xFFFFC000  }
0x60: {  	[spmem:s2] =	stream.indirect.scatter.add.f32 [tilespmem:s1], [sflag:$0x3], $0x80, s21, s11, $0xb8;
	[tilespmem:$0x1E480] =	vst v63  }
0x61: {  	_ =	swait.ge [sflag:s5], $0x4000  }
0x62: {  	[sflag:s5] =	ssyncset.done $0x0  }
0x63: {  	s22 =	simm.s32 $0x100;
	[sflag:s5] =	ssyncadd.s32 $0xFFFFC000  }
0x64: {  	[tilespmem:s1], [sflag:$0x1] =	stream.indirect.gather [hbm4b:s4+s11], $0x80, s22, s11, $0xb8;
	[tilespmem:$0x1E480] =	vst v63  }
0x65: {  	_ =	swait.ge [sflag:s14], $0x4000  }
0x66: {  	[sflag:s14] =	ssyncset.done $0x0  }
0x67: {  	s23 =	simm.s32 $0x1480;
	[sflag:s14] =	ssyncadd.s32 $0xFFFFC000  }
0x68: {  	[spmem:s2] =	stream.indirect.scatter.add.f32 [tilespmem:s12], [sflag:$0x3], $0x80, s23, s11, $0xb8;
	[tilespmem:$0x1E480] =	vst v63  }
0x69: {  	_ =	swait.ge [sflag:s5], $0x4000  }
0x6a: {  	s19 =	simm.s32 $0x100;
	s20 =	simm.s32 $0x800;
	[sflag:s5] =	ssyncset.done $0x0  }
.LBB2_2:
0x6b: {  	s21 =	sadd.s32 $0x80, s19  }
0x6c: {  	[sflag:s5] =	ssyncadd.s32 $0xFFFFC000;
	s22 =	smov.u32 s20;
	s23 =	sadd.s32 $0x400, s20  }
0x6d: {  	[tilespmem:s12], [sflag:$0x2] =	stream.indirect.gather [hbm4b:s4+s11], $0x80, s21, s11, $0xb8;
	[tilespmem:$0x1E480] =	vst v63  }
0x6e: {  	p1 =	sne.s32 s20, $0x4800;
	_ =	swait.ge [sflag:s13], $0x4000  }
0x6f: {  	[sflag:s13] =	ssyncset.done $0x0  }
0x70: {  	s20 =	sadd.s32 $0x1400, s19;
	[sflag:s13] =	ssyncadd.s32 $0xFFFFC000  }
0x71: {  	[spmem:s2] =	stream.indirect.scatter.add.f32 [tilespmem:s1], [sflag:$0x3], $0x80, s20, s11, $0xb8;
	[tilespmem:$0x1E480] =	vst v63  }
0x72: {  	_ =	swait.ge [sflag:s5], $0x4000  }
0x73: {  	[sflag:s5] =	ssyncset.done $0x0  }
0x74: {  	s20 =	sadd.s32 $0x100, s19;
	[sflag:s5] =	ssyncadd.s32 $0xFFFFC000  }
0x75: {  	[tilespmem:s1], [sflag:$0x1] =	stream.indirect.gather [hbm4b:s4+s11], $0x80, s20, s11, $0xb8;
	[tilespmem:$0x1E480] =	vst v63  }
0x76: {  	_ =	swait.ge [sflag:s14], $0x4000  }
.Ltmp0:
0x77: {  	[sflag:s14] =	ssyncset.done $0x0;
	(pc) =	sbr.rel @p1 .LBB2_2-.Ltmp0, $4  }
0x78: {  	s19 =	sadd.s32 $0x1480, s19;
	[sflag:s14] =	ssyncadd.s32 $0xFFFFC000  }
0x79: {  	[spmem:s2] =	stream.indirect.scatter.add.f32 [tilespmem:s12], [sflag:$0x3], $0x80, s19, s11, $0xb8;
	[tilespmem:$0x1E480] =	vst v63  }
0x7a: {  	_ =	swait.ge [sflag:s5], $0x4000  }
0x7b: {  	s20 =	smov.u32 s23;
	s19 =	sshra.s32 s22, $0x2;
	[sflag:s5] =	ssyncset.done $0x0  }
0x7c: {  	s20 =	sadd.s32 $0x80, s19;
	[sflag:s5] =	ssyncadd.s32 $0xFFFFC000  }
0x7d: {  	[tilespmem:s12], [sflag:$0x2] =	stream.indirect.gather [hbm4b:s4+s11], $0x80, s20, s11, $0xb8;
	[tilespmem:$0x1E480] =	vst v63  }
0x7e: {  	_ =	swait.ge [sflag:s13], $0x4000  }
0x7f: {  	[sflag:s13] =	ssyncset.done $0x0  }
0x80: {  	s22 =	sadd.s32 $0x1400, s19;
	[sflag:s13] =	ssyncadd.s32 $0xFFFFC000  }
0x81: {  	[spmem:s2] =	stream.indirect.scatter.add.f32 [tilespmem:s1], [sflag:$0x3], $0x80, s22, s11, $0xb8;
	[tilespmem:$0x1E480] =	vst v63  }
0x82: {  	_ =	swait.ge [sflag:s5], $0x4000  }
0x83: {  	[sflag:s5] =	ssyncset.done $0x0  }
0x84: {  	s23 =	sadd.s32 $0x100, s19;
	[sflag:s5] =	ssyncadd.s32 $0xFFFFC000  }
0x85: {  	[tilespmem:s1], [sflag:$0x1] =	stream.indirect.gather [hbm4b:s4+s11], $0x80, s23, s11, $0xb8;
	[tilespmem:$0x1E480] =	vst v63  }
0x86: {  	_ =	swait.ge [sflag:s14], $0x4000  }
0x87: {  	[sflag:s14] =	ssyncset.done $0x0  }
0x88: {  	s20 =	sadd.s32 $0x1480, s19;
	[sflag:s14] =	ssyncadd.s32 $0xFFFFC000  }
0x89: {  	[spmem:s2] =	stream.indirect.scatter.add.f32 [tilespmem:s12], [sflag:$0x3], $0x80, s20, s11, $0xb8;
	[tilespmem:$0x1E480] =	vst v63  }
0x8a: {  	_ =	swait.ge [sflag:s5], $0x4000  }
0x8b: {  	[sflag:s5] =	ssyncset.done $0x0  }
0x8c: {  	[sflag:s5] =	ssyncadd.s32 $0xFFFFC000  }
0x8d: {  	[tilespmem:s12], [sflag:$0x2] =	stream.indirect.gather [hbm4b:s4+s11], $0x80, s15, s11, $0xb8;
	[tilespmem:$0x1E480] =	vst v63  }
0x8e: {  	_ =	swait.ge [sflag:s13], $0x4000  }
0x8f: {  	[sflag:s13] =	ssyncset.done $0x0  }
0x90: {  	[sflag:s13] =	ssyncadd.s32 $0xFFFFC000  }
0x91: {  	[spmem:s2] =	stream.indirect.scatter.add.f32 [tilespmem:s1], [sflag:$0x3], $0x80, s16, s11, $0xb8;
	[tilespmem:$0x1E480] =	vst v63  }
0x92: {  	_ =	swait.ge [sflag:s5], $0x4000  }
0x93: {  	[sflag:s5] =	ssyncset.done $0x0  }
0x94: {  	[sflag:s5] =	ssyncadd.s32 $0xFFFFC000  }
0x95: {  	_ =	swait.ge [sflag:s14], $0x4000  }
0x96: {  	[sflag:s14] =	ssyncset.done $0x0  }
0x97: {  	[sflag:s14] =	ssyncadd.s32 $0xFFFFC000  }
0x98: {  	[spmem:s2] =	stream.indirect.scatter.add.f32 [tilespmem:s12], [sflag:$0x3], $0x80, s17, s11, $0xb8;
	[tilespmem:$0x1E480] =	vst v63  }
0x99: {  	_ =	swait.ge [sflag:s5], $0x4000  }
0x9a: {  	[sflag:s5] =	ssyncset.done $0x0  }
0x9b: {  	s21 =	sadd.s32 $0x280, s6;
	s22 =	simm.s32 $0x0;
	[sflag:s5] =	ssyncadd.s32 $0xFFFFC000  }
0x9c: {  	[tilespmem:s22], [sflag:$0x3] =	stream.linear.gather [hbm4b:s21+s22], $0x1400, $0x38;
	[tilespmem:$0x1E480] =	vst v63  }
0x9d: {  	_ =	swait.ge [sflag:s5], $0x1400  }
0x9e: {  	[sflag:s5] =	ssyncset.done $0x0  }
0x9f: {  	s23 =	sadd.s32 $0x280, s7;
	[sflag:s5] =	ssyncadd.s32 $0xFFFFEC00  }
0xa0: {  	[tilespmem:s10], [sflag:$0x3] =	stream.linear.gather [hbm4b:s23+s22], $0x1400, $0x38;
	[tilespmem:$0x1E480] =	vst v63  }
0xa1: {  	_ =	swait.ge [sflag:s5], $0x1400  }
0xa2: {  	[sflag:s5] =	ssyncset.done $0x0  }
0xa3: {  	[sflag:s5] =	ssyncadd.s32 $0xFFFFEC00  }
0xa4: {  	[tilespmem:s1], [sflag:$0x1] =	stream.indirect.gather [hbm4b:s4+s11], $0x80, s22, s11, $0xb8;
	[tilespmem:$0x1E480] =	vst v63  }
0xa5: {  	s20 =	simm.s32 $0x80  }
0xa6: {  	[tilespmem:s12], [sflag:$0x2] =	stream.indirect.gather [hbm4b:s4+s11], $0x80, s20, s11, $0xb8;
	[tilespmem:$0x1E480] =	vst v63  }
0xa7: {  	_ =	swait.ge [sflag:s13], $0x4000  }
0xa8: {  	[sflag:s13] =	ssyncset.done $0x0  }
0xa9: {  	s21 =	simm.s32 $0x1400;
	[sflag:s13] =	ssyncadd.s32 $0xFFFFC000  }
0xaa: {  	[spmem:s2] =	stream.indirect.scatter.add.f32 [tilespmem:s1], [sflag:$0x3], $0x80, s21, s11, $0xb8;
	[tilespmem:$0x1E480] =	vst v63  }
0xab: {  	_ =	swait.ge [sflag:s5], $0x4000  }
0xac: {  	[sflag:s5] =	ssyncset.done $0x0  }
0xad: {  	s22 =	simm.s32 $0x100;
	[sflag:s5] =	ssyncadd.s32 $0xFFFFC000  }
0xae: {  	[tilespmem:s1], [sflag:$0x1] =	stream.indirect.gather [hbm4b:s4+s11], $0x80, s22, s11, $0xb8;
	[tilespmem:$0x1E480] =	vst v63  }
0xaf: {  	_ =	swait.ge [sflag:s14], $0x4000  }
0xb0: {  	[sflag:s14] =	ssyncset.done $0x0  }
0xb1: {  	s23 =	simm.s32 $0x1480;
	[sflag:s14] =	ssyncadd.s32 $0xFFFFC000  }
0xb2: {  	[spmem:s2] =	stream.indirect.scatter.add.f32 [tilespmem:s12], [sflag:$0x3], $0x80, s23, s11, $0xb8;
	[tilespmem:$0x1E480] =	vst v63  }
0xb3: {  	_ =	swait.ge [sflag:s5], $0x4000  }
0xb4: {  	s19 =	simm.s32 $0x100;
	s20 =	simm.s32 $0x800;
	[sflag:s5] =	ssyncset.done $0x0  }
.LBB2_4:
0xb5: {  	s21 =	sadd.s32 $0x80, s19  }
0xb6: {  	[sflag:s5] =	ssyncadd.s32 $0xFFFFC000;
	s22 =	smov.u32 s20;
	s23 =	sadd.s32 $0x400, s20  }
0xb7: {  	[tilespmem:s12], [sflag:$0x2] =	stream.indirect.gather [hbm4b:s4+s11], $0x80, s21, s11, $0xb8;
	[tilespmem:$0x1E480] =	vst v63  }
0xb8: {  	p1 =	sne.s32 s20, $0x4800;
	_ =	swait.ge [sflag:s13], $0x4000  }
0xb9: {  	[sflag:s13] =	ssyncset.done $0x0  }
0xba: {  	s20 =	sadd.s32 $0x1400, s19;
	[sflag:s13] =	ssyncadd.s32 $0xFFFFC000  }
0xbb: {  	[spmem:s2] =	stream.indirect.scatter.add.f32 [tilespmem:s1], [sflag:$0x3], $0x80, s20, s11, $0xb8;
	[tilespmem:$0x1E480] =	vst v63  }
0xbc: {  	_ =	swait.ge [sflag:s5], $0x4000  }
0xbd: {  	[sflag:s5] =	ssyncset.done $0x0  }
0xbe: {  	s20 =	sadd.s32 $0x100, s19;
	[sflag:s5] =	ssyncadd.s32 $0xFFFFC000  }
0xbf: {  	[tilespmem:s1], [sflag:$0x1] =	stream.indirect.gather [hbm4b:s4+s11], $0x80, s20, s11, $0xb8;
	[tilespmem:$0x1E480] =	vst v63  }
0xc0: {  	_ =	swait.ge [sflag:s14], $0x4000  }
.Ltmp1:
0xc1: {  	[sflag:s14] =	ssyncset.done $0x0;
	(pc) =	sbr.rel @p1 .LBB2_4-.Ltmp1, $4  }
0xc2: {  	s19 =	sadd.s32 $0x1480, s19;
	[sflag:s14] =	ssyncadd.s32 $0xFFFFC000  }
0xc3: {  	[spmem:s2] =	stream.indirect.scatter.add.f32 [tilespmem:s12], [sflag:$0x3], $0x80, s19, s11, $0xb8;
	[tilespmem:$0x1E480] =	vst v63  }
0xc4: {  	_ =	swait.ge [sflag:s5], $0x4000  }
0xc5: {  	s20 =	smov.u32 s23;
	s19 =	sshra.s32 s22, $0x2;
	[sflag:s5] =	ssyncset.done $0x0  }
0xc6: {  	s20 =	sadd.s32 $0x80, s19;
	[sflag:s5] =	ssyncadd.s32 $0xFFFFC000  }
0xc7: {  	[tilespmem:s12], [sflag:$0x2] =	stream.indirect.gather [hbm4b:s4+s11], $0x80, s20, s11, $0xb8;
	[tilespmem:$0x1E480] =	vst v63  }
0xc8: {  	_ =	swait.ge [sflag:s13], $0x4000  }
0xc9: {  	[sflag:s13] =	ssyncset.done $0x0  }
0xca: {  	s23 =	sadd.s32 $0x1400, s19;
	[sflag:s13] =	ssyncadd.s32 $0xFFFFC000  }
0xcb: {  	[spmem:s2] =	stream.indirect.scatter.add.f32 [tilespmem:s1], [sflag:$0x3], $0x80, s23, s11, $0xb8;
	[tilespmem:$0x1E480] =	vst v63  }
0xcc: {  	_ =	swait.ge [sflag:s5], $0x4000  }
0xcd: {  	[sflag:s5] =	ssyncset.done $0x0  }
0xce: {  	s21 =	sadd.s32 $0x100, s19;
	[sflag:s5] =	ssyncadd.s32 $0xFFFFC000  }
0xcf: {  	[tilespmem:s1], [sflag:$0x1] =	stream.indirect.gather [hbm4b:s4+s11], $0x80, s21, s11, $0xb8;
	[tilespmem:$0x1E480] =	vst v63  }
0xd0: {  	_ =	swait.ge [sflag:s14], $0x4000  }
0xd1: {  	[sflag:s14] =	ssyncset.done $0x0  }
0xd2: {  	s22 =	sadd.s32 $0x1480, s19;
	[sflag:s14] =	ssyncadd.s32 $0xFFFFC000  }
0xd3: {  	[spmem:s2] =	stream.indirect.scatter.add.f32 [tilespmem:s12], [sflag:$0x3], $0x80, s22, s11, $0xb8;
	[tilespmem:$0x1E480] =	vst v63  }
0xd4: {  	_ =	swait.ge [sflag:s5], $0x4000  }
0xd5: {  	[sflag:s5] =	ssyncset.done $0x0  }
0xd6: {  	[sflag:s5] =	ssyncadd.s32 $0xFFFFC000  }
0xd7: {  	[tilespmem:s12], [sflag:$0x2] =	stream.indirect.gather [hbm4b:s4+s11], $0x80, s15, s11, $0xb8;
	[tilespmem:$0x1E480] =	vst v63  }
0xd8: {  	_ =	swait.ge [sflag:s13], $0x4000  }
0xd9: {  	[sflag:s13] =	ssyncset.done $0x0  }
0xda: {  	[sflag:s13] =	ssyncadd.s32 $0xFFFFC000  }
0xdb: {  	[spmem:s2] =	stream.indirect.scatter.add.f32 [tilespmem:s1], [sflag:$0x3], $0x80, s16, s11, $0xb8;
	[tilespmem:$0x1E480] =	vst v63  }
0xdc: {  	_ =	swait.ge [sflag:s5], $0x4000  }
0xdd: {  	[sflag:s5] =	ssyncset.done $0x0  }
0xde: {  	[sflag:s5] =	ssyncadd.s32 $0xFFFFC000  }
0xdf: {  	_ =	swait.ge [sflag:s14], $0x4000  }
0xe0: {  	[sflag:s14] =	ssyncset.done $0x0  }
0xe1: {  	[sflag:s14] =	ssyncadd.s32 $0xFFFFC000  }
0xe2: {  	[spmem:s2] =	stream.indirect.scatter.add.f32 [tilespmem:s12], [sflag:$0x3], $0x80, s17, s11, $0xb8;
	[tilespmem:$0x1E480] =	vst v63  }
0xe3: {  	_ =	swait.ge [sflag:s5], $0x4000  }
0xe4: {  	[sflag:s5] =	ssyncset.done $0x0  }
0xe5: {  	[sflag:s5] =	ssyncadd.s32 $0xFFFFC000  }
0xe6: {  	s19 =	simm.s32 @p0 $0x2800;
	s20 =	simm.s32 @p0 $0x3;
	[bflag:$0x0] =	sbarrier.arrive $0xFFFF  }
0xe7: {  	[tilespmem:s19], [sflag:$0x3] =	stream.linear.gather @p0 [spmem:s26], $0x4000, $0x38;
	[tilespmem:$0x1E480] =	vst v63  }
0xe8: {  	_ =	swait.ge @p0 [sflag:s20], $0x4000  }
0xe9: {  	[sflag:s20] =	ssyncset.done @p0 $0x0  }
0xea: {  	s21 =	sadd.s32 @p0 $0x24900, s9;
	s22 =	simm.s32 @p0 $0x0;
	[sflag:s20] =	ssyncadd.s32 @p0 $0xFFFFC000  }
0xeb: {  	[hbm4b:s21+s22] =	stream.linear.scatter @p0 [tilespmem:s19], [sflag:$0x3], $0x4000, $0x38;
	[tilespmem:$0x1E480] =	vst v63  }
0xec: {  	_ =	swait.ge @p0 [sflag:s20], $0x4000  }
0xed: {  	[sflag:s20] =	ssyncset.done @p0 $0x0  }
0xee: {  	[sflag:s20] =	ssyncadd.s32 @p0 $0xFFFFC000  }
0xef: {  	[tilespmem:s19], [sflag:$0x3] =	stream.linear.gather @p0 [spmem:s28], $0x4000, $0x38;
	[tilespmem:$0x1E480] =	vst v63  }
0xf0: {  	_ =	swait.ge @p0 [sflag:s20], $0x4000  }
0xf1: {  	[sflag:s20] =	ssyncset.done @p0 $0x0  }
0xf2: {  	s21 =	sadd.s32 @p0 $0x25100, s9;
	[sflag:s20] =	ssyncadd.s32 @p0 $0xFFFFC000  }
0xf3: {  	[hbm4b:s21+s22] =	stream.linear.scatter @p0 [tilespmem:s19], [sflag:$0x3], $0x4000, $0x38;
	[tilespmem:$0x1E480] =	vst v63  }
0xf4: {  	_ =	swait.ge @p0 [sflag:s20], $0x4000  }
0xf5: {  	[sflag:s20] =	ssyncset.done @p0 $0x0  }
0xf6: {  	[sflag:s20] =	ssyncadd.s32 @p0 $0xFFFFC000  }
0xf7: {  	[tilespmem:s19], [sflag:$0x3] =	stream.linear.gather @p0 [spmem:s30], $0x4000, $0x38;
	[tilespmem:$0x1E480] =	vst v63  }
0xf8: {  	_ =	swait.ge @p0 [sflag:s20], $0x4000  }
0xf9: {  	[sflag:s20] =	ssyncset.done @p0 $0x0  }
0xfa: {  	s21 =	sadd.s32 @p0 $0x25900, s9;
	[sflag:s20] =	ssyncadd.s32 @p0 $0xFFFFC000  }
0xfb: {  	[hbm4b:s21+s22] =	stream.linear.scatter @p0 [tilespmem:s19], [sflag:$0x3], $0x4000, $0x38;
	[tilespmem:$0x1E480] =	vst v63  }
0xfc: {  	_ =	swait.ge @p0 [sflag:s20], $0x4000  }
0xfd: {  	[sflag:s20] =	ssyncset.done @p0 $0x0  }
0xfe: {  	[sflag:s20] =	ssyncadd.s32 @p0 $0xFFFFC000  }
0xff: {  	[tilespmem:s19], [sflag:$0x3] =	stream.linear.gather @p0 [spmem:s31], $0x4000, $0x38;
	[tilespmem:$0x1E480] =	vst v63  }
0x100: {  	_ =	swait.ge @p0 [sflag:s20], $0x4000  }
0x101: {  	[sflag:s20] =	ssyncset.done @p0 $0x0  }
0x102: {  	s21 =	sadd.s32 @p0 $0x26100, s9;
	[sflag:s20] =	ssyncadd.s32 @p0 $0xFFFFC000  }
0x103: {  	[hbm4b:s21+s22] =	stream.linear.scatter @p0 [tilespmem:s19], [sflag:$0x3], $0x4000, $0x38;
	[tilespmem:$0x1E480] =	vst v63  }
0x104: {  	_ =	swait.ge @p0 [sflag:s20], $0x4000  }
0x105: {  	[sflag:s20] =	ssyncset.done @p0 $0x0  }
0x106: {  	[sflag:s20] =	ssyncadd.s32 @p0 $0xFFFFC000  }
0x107: {  	[tilespmem:s19], [sflag:$0x3] =	stream.linear.gather @p0 [spmem:s0], $0x4000, $0x38;
	[tilespmem:$0x1E480] =	vst v63  }
0x108: {  	_ =	swait.ge @p0 [sflag:s20], $0x4000  }
0x109: {  	[sflag:s20] =	ssyncset.done @p0 $0x0  }
0x10a: {  	s21 =	sadd.s32 @p0 $0x26900, s9;
	[sflag:s20] =	ssyncadd.s32 @p0 $0xFFFFC000  }
0x10b: {  	[hbm4b:s21+s22] =	stream.linear.scatter @p0 [tilespmem:s19], [sflag:$0x3], $0x4000, $0x38;
	[tilespmem:$0x1E480] =	vst v63  }
0x10c: {  	_ =	swait.ge @p0 [sflag:s20], $0x4000  }
0x10d: {  	[sflag:s20] =	ssyncset.done @p0 $0x0  }
0x10e: {  	s19 =	simm.s32 @!p0 $0x2800;
	[sflag:s20] =	ssyncadd.s32 @p0 $0xFFFFC000;
	s20 =	simm.s32 @!p0 $0x3  }
0x10f: {  	[tilespmem:s19], [sflag:$0x3] =	stream.linear.gather @!p0 [spmem:s8], $0x3400, $0x38;
	[tilespmem:$0x1E480] =	vst v63  }
0x110: {  	_ =	swait.ge @!p0 [sflag:s20], $0x3400  }
0x111: {  	[sflag:s20] =	ssyncset.done @!p0 $0x0  }
0x112: {  	s21 =	simm.s32 @!p0 $0x0;
	s22 =	rddreg [dreg:$0xe];
	[sflag:s20] =	ssyncadd.s32 @!p0 $0xFFFFCC00  }
0x113: {  	[hbm4b:s22+s21] =	stream.linear.scatter @!p0 [tilespmem:s19], [sflag:$0x3], $0x3400, $0x38;
	[tilespmem:$0x1E480] =	vst v63  }
0x114: {  	_ =	swait.ge @!p0 [sflag:s20], $0x3400  }
0x115: {  	[sflag:s20] =	ssyncset.done @!p0 $0x0  }
0x116: {  	s22 =	rddreg [dreg:$0x9];
	[sflag:s20] =	ssyncadd.s32 @!p0 $0xFFFFCC00  }
0x117: {  	[tilespmem:s19], [sflag:$0x3] =	stream.linear.gather @!p0 [spmem:s22], $0x3400, $0x38;
	[tilespmem:$0x1E480] =	vst v63  }
0x118: {  	_ =	swait.ge @!p0 [sflag:s20], $0x3400  }
0x119: {  	[sflag:s20] =	ssyncset.done @!p0 $0x0  }
0x11a: {  	s22 =	rddreg [dreg:$0xf];
	[sflag:s20] =	ssyncadd.s32 @!p0 $0xFFFFCC00  }
0x11b: {  	[hbm4b:s22+s21] =	stream.linear.scatter @!p0 [tilespmem:s19], [sflag:$0x3], $0x3400, $0x38;
	[tilespmem:$0x1E480] =	vst v63  }
0x11c: {  	_ =	swait.ge @!p0 [sflag:s20], $0x3400  }
0x11d: {  	[sflag:s20] =	ssyncset.done @!p0 $0x0  }
0x11e: {  	s22 =	rddreg [dreg:$0xa];
	[sflag:s20] =	ssyncadd.s32 @!p0 $0xFFFFCC00  }
0x11f: {  	[tilespmem:s19], [sflag:$0x3] =	stream.linear.gather @!p0 [spmem:s22], $0x3400, $0x38;
	[tilespmem:$0x1E480] =	vst v63  }
0x120: {  	_ =	swait.ge @!p0 [sflag:s20], $0x3400  }
0x121: {  	[sflag:s20] =	ssyncset.done @!p0 $0x0  }
0x122: {  	s22 =	rddreg [dreg:$0x10];
	[sflag:s20] =	ssyncadd.s32 @!p0 $0xFFFFCC00  }
0x123: {  	[hbm4b:s22+s21] =	stream.linear.scatter @!p0 [tilespmem:s19], [sflag:$0x3], $0x3400, $0x38;
	[tilespmem:$0x1E480] =	vst v63  }
0x124: {  	_ =	swait.ge @!p0 [sflag:s20], $0x3400  }
0x125: {  	[sflag:s20] =	ssyncset.done @!p0 $0x0  }
0x126: {  	s22 =	rddreg [dreg:$0xb];
	[sflag:s20] =	ssyncadd.s32 @!p0 $0xFFFFCC00  }
0x127: {  	[tilespmem:s19], [sflag:$0x3] =	stream.linear.gather @!p0 [spmem:s22], $0x3400, $0x38;
	[tilespmem:$0x1E480] =	vst v63  }
0x128: {  	_ =	swait.ge @!p0 [sflag:s20], $0x3400  }
0x129: {  	[sflag:s20] =	ssyncset.done @!p0 $0x0  }
0x12a: {  	s22 =	rddreg [dreg:$0x11];
	[sflag:s20] =	ssyncadd.s32 @!p0 $0xFFFFCC00  }
0x12b: {  	[hbm4b:s22+s21] =	stream.linear.scatter @!p0 [tilespmem:s19], [sflag:$0x3], $0x3400, $0x38;
	[tilespmem:$0x1E480] =	vst v63  }
0x12c: {  	_ =	swait.ge @!p0 [sflag:s20], $0x3400  }
0x12d: {  	[sflag:s20] =	ssyncset.done @!p0 $0x0  }
0x12e: {  	s22 =	rddreg [dreg:$0xc];
	[sflag:s20] =	ssyncadd.s32 @!p0 $0xFFFFCC00  }
0x12f: {  	[tilespmem:s19], [sflag:$0x3] =	stream.linear.gather @!p0 [spmem:s22], $0x3400, $0x38;
	[tilespmem:$0x1E480] =	vst v63  }
0x130: {  	_ =	swait.ge @!p0 [sflag:s20], $0x3400  }
0x131: {  	[sflag:s20] =	ssyncset.done @!p0 $0x0  }
0x132: {  	[sflag:s20] =	ssyncadd.s32 @!p0 $0xFFFFCC00  }
0x133: {  	[hbm4b:s25+s21] =	stream.linear.scatter @!p0 [tilespmem:s19], [sflag:$0x3], $0x3400, $0x38;
	[tilespmem:$0x1E480] =	vst v63  }
0x134: {  	_ =	swait.ge @!p0 [sflag:s20], $0x3400  }
0x135: {  	[sflag:s20] =	ssyncset.done @!p0 $0x0  }
0x136: {  	s22 =	rddreg [dreg:$0xd];
	[sflag:s20] =	ssyncadd.s32 @!p0 $0xFFFFCC00  }
0x137: {  	[tilespmem:s19], [sflag:$0x3] =	stream.linear.gather @!p0 [spmem:s22], $0x3400, $0x38;
	[tilespmem:$0x1E480] =	vst v63  }
0x138: {  	_ =	swait.ge @!p0 [sflag:s20], $0x3400  }
0x139: {  	[sflag:s20] =	ssyncset.done @!p0 $0x0  }
0x13a: {  	[sflag:s20] =	ssyncadd.s32 @!p0 $0xFFFFCC00  }
0x13b: {  	[hbm4b:s29+s21] =	stream.linear.scatter @!p0 [tilespmem:s19], [sflag:$0x3], $0x3400, $0x38;
	[tilespmem:$0x1E480] =	vst v63  }
0x13c: {  	_ =	swait.ge @!p0 [sflag:s20], $0x3400  }
0x13d: {  	s18 =	sadd.s32 $0x1, s18;
	s23 =	rddreg [dreg:$0x4]  }
0x13e: {  	p1 =	sne.s32 s18, s23  }
.Ltmp2:
0x13f: {  	_ = 	snop;
	(pc) =	sbr.rel @p1 .LBB2_1-.Ltmp2, $3  }
0x140: {  	_ =	sdelay $0x1  }
0x141: {  	[sflag:s20] =	ssyncset.done @!p0 $0x0  }
0x142: {  	[sflag:s20] =	ssyncadd.s32 @!p0 $0xFFFFCC00  }
0x143: {  	_ =	sfence.sel $0x180000  }
0x144: {  	[bflag:$0x0] =	sbarrier.arrive $0xFFFF  }
0x145: {  	_ =	strace $0x9000004D  }
0x146: {  	s0 =	stileid.u32;
	[bflag:$0x2] =	sbarrier.arrive $0xFFFF  }
0x147: {  	p0 =	sne.s32 s0, $0x0;
	s0 =	rddreg [dreg:$0x2]  }
0x148: {  	s0 =	sadd.s32 @!p0 $0x100000, s0  }
0x149: {  	[sflag:s0] =	ssyncadd.tile.s32 @!p0 $0x1;
	_ =	shalt  }
.Lfunc_end2:
_tile_overlayer_lowered:
.L_overlay_start_2:
0x14a: {  	(tag) =	ssettag $0x2  }
0x14b: {  	s0 =	rddreg [dreg:$0x0];
	s2 =	stileid.u32  }
0x14c: {  	s1 =	rddreg [dreg:$0x1];
	p0 =	sne.s32 s2, $0x0  }
0x14d: {  	s3 =	rddreg [dreg:$0x2];
	[bflag:$0x3] =	sbarrier.arrive $0xFFFF;
	s2 =	simm.s32 @!p0 $0x1C03  }
0x14e: {  	[timem:s3], [sflag:s2] =	dma.local @!p0 [hbm:s0], s1  }
0x14f: {  	s0 =	simm.s32 @!p0 $0x3  }
0x150: {  	_ =	swait.ge @!p0 [sflag:s0], s1  }
0x151: {  	s1 =	ssub.s32 @!p0 $0x0, s1;
	[sflag:s0] =	ssyncset.done @!p0 $0x0  }
0x152: {  	[sflag:s0] =	ssyncadd.s32 @!p0 s1  }
0x153: {  	[bflag:$0x3] =	sbarrier.arrive $0xFFFF  }
0x154: {  	_ =	shalt  }

// kernel: sage_deg.3.cloned.1.call-start
scs
__scs_entry_jumppad:
0x0: {  	(pc) =	sbr.rel $0x88, $3  }
0x1: {  	(tag) =	ssettag $0x0;
	lr =	simm.s32 $0x1  }
0x2: {  	[smem:$0x3F93] =	sst lr;
	_ =	strace $0xD0000000  }
0x3: {  	_ = 	snop  }
0x4: {  	_ = 	snop  }
0x5: {  	_ = 	snop  }
0x6: {  	_ = 	snop  }
0x7: {  	_ = 	snop  }
__scs_overlays_trampoline_lowered:
0x8: {  	[smem:$0x3FA2] =	sst s0  }
0x9: {  	[smem:$0x3FA3] =	sst s1  }
0xa: {  	[smem:$0x3FA4] =	sst s2  }
0xb: {  	[smem:$0x3FA5] =	sst s3  }
0xc: {  	[smem:$0x3FA6] =	sst s4  }
0xd: {  	[smem:$0x3FA7] =	sst s5  }
0xe: {  	[smem:$0x3FA8] =	sst s6  }
0xf: {  	[smem:$0x3FA9] =	sst s7  }
0x10: {  	[smem:$0x3FAA] =	sst s8  }
0x11: {  	[smem:$0x3FAB] =	sst s9;
	s0 =	simm.s32 @!p0 $0x0  }
0x12: {  	s1 =	sld [smem:$0x3F91];
	s0 =	simm.s32 @p0 $0x1  }
0x13: {  	[smem:$0x3FAC] =	sst s0;
	s0 =	simm.s32 @!p1 $0x0  }
0x14: {  	s2 =	sld [smem:$0x3F90];
	s0 =	simm.s32 @p1 $0x1  }
0x15: {  	[smem:$0x3FAD] =	sst s0;
	s0 =	simm.s32 @!p2 $0x0  }
0x16: {  	s3 =	sld [smem:$0x3FDB];
	s0 =	simm.s32 @p2 $0x1  }
0x17: {  	s4 =	simm.s32 $0x1BF5;
	[smem:$0x3FAF] =	sst s0  }
0x18: {  	s0 =	sld [smem:$0x3F92];
	_ =	swait.ge [sflag:s4], $0x0  }
0x19: {  	s7 =	sld [smem:$0x3F93]  }
0x1a: {  	s8 =	sadd.s32 $0xFFFFE003, lr  }
0x1b: {  	s9 =	sadd.s32 $0xFFFFFEF7, lr;
	s5 =	simm.s32 $0xFFFFFFFF;
	p2 =	slt.u32 s8, $0xFFFFF086  }
0x1c: {  	p1 =	slt.u32 s9, $0xF7A;
	s5 =	simm.s32 @!p2 $0x0  }
0x1d: {  	s5 =	simm.s32 @p1 $0x1;
	p0 =	seq.s32 s7, s2  }
0x1e: {  	s7 =	smul.u32 @!p0 $0xF7A, s2;
	p2 =	seq.s32 @!p0 s5, $0x0  }
0x1f: {  	s9 =	smul.u32 $0xF7A, s1;
	s8 =	simm.s32 @!p0 $0x1BF5;
	p2 =	por !p2, p0  }
0x20: {  	[sflag:s8] =	ssyncset.s32 @!p0 $0xFFFFF086;
	s6 =	sadd.s32 @!p0 s3, s7;
	s7 =	simm.s32 @!p0 $0x108  }
0x21: {  	s3 =	sadd.s32 s3, s9;
	s6 =	sadd.s32 @!p0 $0x88, s6;
	s7 =	simm.s32 @p2 $0x1082  }
0x22: {  	[simem:s7], [sflag:s8] =	dma.local @!p0 [hbm:s6], $0xF7A  }
0x23: {  	s9 =	sor.u32 $0xD0000000, s2;
	s6 =	simm.s32 $0x108;
	_ =	swait.ge @!p0 [sflag:s8], $0x0  }
0x24: {  	s3 =	sadd.s32 $0x88, s3;
	s6 =	simm.s32 @!p1 $0x1082;
	[sflag:s4] =	ssyncset.s32 $0xFFFFF086  }
0x25: {  	[simem:s6], [sflag:s4] =	dma.local [hbm:s3], $0xF7A  }
0x26: {  	[smem:$0x3F93] =	sst s1;
	(tag) =	ssettag s2;
	_ =	strace s9  }
0x27: {  	s1 =	sld [smem:$0x3FA3]  }
0x28: {  	s2 =	sld [smem:$0x3FA4]  }
0x29: {  	s4 =	sld [smem:$0x3FA6]  }
0x2a: {  	p0 =	seq.s32 s5, $0x0;
	s5 =	sld [smem:$0x3FA7]  }
0x2b: {  	s6 =	sld [smem:$0x3FA8]  }
0x2c: {  	s7 =	sld [smem:$0x3FA9]  }
0x2d: {  	s3 =	simm.s32 $0x108;
	s8 =	sld [smem:$0x3FAA]  }
0x2e: {  	s3 =	simm.s32 @!p0 $0x1082;
	s9 =	sld [smem:$0x3FAB]  }
0x2f: {  	lr =	sadd.s32 s0, s3;
	s0 =	sld [smem:$0x3FA2]  }
0x30: {  	s3 =	sld [smem:$0x3FA5]  }
0x31: {  	[smem:$0x3FAE] =	sst s10  }
0x32: {  	s10 =	sld [smem:$0x3FAC];
	_ =	sdelay $0x3  }
0x33: {  	p0 =	seq.s32 s10, $0x1;
	s10 =	sld [smem:$0x3FAE];
	_ =	sdelay $0x3  }
0x34: {  	[smem:$0x3FAE] =	sst s10  }
0x35: {  	s10 =	sld [smem:$0x3FAD];
	_ =	sdelay $0x3  }
0x36: {  	p1 =	seq.s32 s10, $0x1;
	s10 =	sld [smem:$0x3FAE];
	_ =	sdelay $0x3  }
0x37: {  	[smem:$0x3FAE] =	sst s10  }
0x38: {  	s10 =	sld [smem:$0x3FAF]  }
0x39: {  	_ = 	snop;
	(pc) =	sbr.ind lr, $3  }
0x3a: {  	_ = 	snop  }
0x3b: {  	_ = 	snop  }
0x3c: {  	p2 =	seq.s32 s10, $0x1;
	s10 =	sld [smem:$0x3FAE]  }
0x3d: {  	_ =	shalt  }
0x3e: {  	_ =	shalt  }
0x3f: {  	_ =	shalt  }
0x40: {  	_ =	shalt  }
0x41: {  	_ =	shalt  }
0x42: {  	_ =	shalt  }
0x43: {  	_ =	shalt  }
0x44: {  	_ =	shalt  }
0x45: {  	_ =	shalt  }
0x46: {  	_ =	shalt  }
0x47: {  	_ =	shalt  }
0x48: {  	_ =	shalt  }
0x49: {  	_ =	shalt  }
0x4a: {  	_ =	shalt  }
0x4b: {  	_ =	shalt  }
0x4c: {  	_ =	shalt  }
0x4d: {  	_ =	shalt  }
0x4e: {  	_ =	shalt  }
0x4f: {  	_ =	shalt  }
0x50: {  	_ =	shalt  }
0x51: {  	_ =	shalt  }
0x52: {  	_ =	shalt  }
0x53: {  	_ =	shalt  }
0x54: {  	_ =	shalt  }
0x55: {  	_ =	shalt  }
0x56: {  	_ =	shalt  }
0x57: {  	_ =	shalt  }
0x58: {  	_ =	shalt  }
0x59: {  	_ =	shalt  }
0x5a: {  	_ =	shalt  }
0x5b: {  	_ =	shalt  }
0x5c: {  	_ =	shalt  }
0x5d: {  	_ =	shalt  }
0x5e: {  	_ =	shalt  }
0x5f: {  	_ =	shalt  }
0x60: {  	_ =	shalt  }
0x61: {  	_ =	shalt  }
0x62: {  	_ =	shalt  }
0x63: {  	_ =	shalt  }
0x64: {  	_ =	shalt  }
0x65: {  	_ =	shalt  }
0x66: {  	_ =	shalt  }
0x67: {  	_ =	shalt  }
0x68: {  	_ =	shalt  }
0x69: {  	_ =	shalt  }
0x6a: {  	_ =	shalt  }
0x6b: {  	_ =	shalt  }
0x6c: {  	_ =	shalt  }
0x6d: {  	_ =	shalt  }
0x6e: {  	_ =	shalt  }
0x6f: {  	_ =	shalt  }
0x70: {  	_ =	shalt  }
0x71: {  	_ =	shalt  }
0x72: {  	_ =	shalt  }
0x73: {  	_ =	shalt  }
0x74: {  	_ =	shalt  }
0x75: {  	_ =	shalt  }
0x76: {  	_ =	shalt  }
0x77: {  	_ =	shalt  }
0x78: {  	_ =	shalt  }
0x79: {  	_ =	shalt  }
0x7a: {  	_ =	shalt  }
0x7b: {  	_ =	shalt  }
0x7c: {  	_ =	shalt  }
0x7d: {  	_ =	shalt  }
0x7e: {  	_ =	shalt  }
0x7f: {  	_ =	shalt  }
0x80: {  	_ =	shalt  }
0x81: {  	_ =	shalt  }
0x82: {  	_ =	shalt  }
0x83: {  	_ =	shalt  }
0x84: {  	_ =	shalt  }
0x85: {  	_ =	shalt  }
0x86: {  	_ =	shalt  }
0x87: {  	_ =	shalt  }
.Lfunc_end0:
.L_simem_size_0:
called_computation_lowered:
.L_overlay_start_0:
0x88: {  	s2 =	sld [smem:$0x3FD9]  }
0x89: {  	s3 =	sld [smem:$0x3FFE];
	_ =	sdelay $0x1  }
0x8a: {  	s1 =	srdreg.scid  }
0x8b: {  	s0 =	sand.u32 $0x1, s1  }
0x8c: {  	s17 =	sshll.u32 s0, $0xA;
	s2 =	sadd.s32 s3, s2  }
0x8d: {  	s2 =	sadd.s32 s2, s17  }
0x8e: {  	[smem:$0x3FBA] =	sst s2  }
0x8f: {  	_ = 	snop  }
0x90: {  	(tm) =	ssettm $0x1  }
0x91: {  	s18 =	sld [smem:$0x3FFB];
	_ =	sdelay $0x3  }
0x92: {  	_ =	strace s18  }
0x93: {  	s2 =	sld [smem:$0x3FFC];
	_ =	sdelay $0x3  }
0x94: {  	_ =	strace s2  }
0x95: {  	s2 =	sld [smem:$0x3FFD];
	_ =	sdelay $0x3  }
0x96: {  	_ =	strace s2  }
0x97: {  	_ =	strace $0x8FFFFFFF  }
0x98: {  	s19 =	sld [smem:$0x3FDB];
	_ =	sdelay $0x1  }
0x99: {  	s20 =	simm.s32 $_scs_section_size  }
0x9a: {  	s4 =	simm.s32 $_size__tile_overlayer_lowered;
	s5 =	simm.s32 $_tile_overlayer_lowered  }
0x9b: {  	s6 =	simm.s32 $0x1BFF;
	s21 =	sshll.u32 s5, $0x1;
	s3 =	sadd.s32 s20, s19  }
0x9c: {  	s22 =	simm.s32 $0x0;
	s4 =	sshll.u32 s4, $0x1;
	s5 =	sadd.s32 s21, s3  }
0x9d: {  	[timem:s22], [sflag:s6] =	dma.local [hbm:s5], s4  }
0x9e: {  	_ =	swait.ge [sflag:s6], s4  }
0x9f: {  	s4 =	ssub.s32 $0x0, s4;
	[sflag:s6] =	ssyncset.done $0x0  }
0xa0: {  	[sflag:s6] =	ssyncadd.s32 s4;
	_ =	sdelay $0x1  }
0xa1: {  	s23 =	simm.s32 $0x1B8B  }
0xa2: {  	_ =	swait.ge [sflag:s23], $0x1  }
0xa3: {  	[sflag:s23] =	ssyncset.done $0x0  }
0xa4: {  	[sflag:s23] =	ssyncadd.s32 $0xFFFFFFFF  }
0xa5: {  	s4 =	sld [smem:$0x0]  }
0xa6: {  	s5 =	sand.u32 $0xFFFFFFFE, s1  }
0xa7: {  	p0 =	sne.s32 s1, s5  }
0xa8: {  	s5 =	sshll.u32 @p0 s5, $0xE  }
0xa9: {  	s5 =	sadd.s32 @p0 $0x11B8D, s5;
	s6 =	sshll.u32 @p0 s4, $0x11  }
0xaa: {  	s5 =	sor.u32 @p0 s6, s5  }
0xab: {  	[sflag:s5] =	ssyncadd.remote.s32 @p0 $0x1;
	_ =	sdelay $0x1  }
0xac: {  	s5 =	simm.s32 @p0 $0x1B8D  }
0xad: {  	_ =	swait.eq @p0 [sflag:s5], $0x1  }
0xae: {  	[sflag:s5] =	ssyncadd.s32 @p0 $0xFFFFFFFF  }
0xaf: {  	s6 =	sshll.u32 @!p0 s1, $0xE  }
0xb0: {  	s6 =	sor.u32 @!p0 $0x4000, s6;
	s5 =	simm.s32 @!p0 $0x1B8D  }
0xb1: {  	s4 =	sshll.u32 @!p0 s4, $0x11;
	s6 =	sadd.s32 @!p0 $0x11B8D, s6;
	_ =	swait.eq @!p0 [sflag:s5], $0x1  }
0xb2: {  	s4 =	sor.u32 @!p0 s4, s6;
	[sflag:s5] =	ssyncadd.s32 @!p0 $0xFFFFFFFF  }
0xb3: {  	s25 =	simm.s32 $0x1B8E;
	s24 =	sld [smem:$0x3FFE];
	[sflag:s4] =	ssyncadd.remote.s32 @!p0 $0x1  }
0xb4: {  	s26 =	simm.s32 $execute0_lowered;
	[smem:$0x3FD2] =	sst s25  }
0xb5: {  	s5 =	sshll.u32 s26, $0x1;
	_ =	strace $0x80000049;
	[dreg:$0x1] =	wrdreg $0xFFFFFFFF  }
0xb6: {  	s28 =	simm.s32 $_size_execute0_lowered;
	s3 =	sadd.s32 s3, s5;
	[dreg:$0x0] =	wrdreg $0x0  }
0xb7: {  	s5 =	sshll.u32 s28, $0x1;
	[dreg:$0x2] =	wrdreg s3  }
0xb8: {  	[dreg:$0x3] =	wrdreg s5  }
0xb9: {  	[dreg:$0x4] =	wrdreg $0xC0  }
0xba: {  	_ =	task [dreg:s22], $0x5FFFF  }
0xbb: {  	[dreg:$0x1] =	wrdreg $0xFFFFFFFF  }
0xbc: {  	[dreg:$0x0] =	wrdreg $0x60  }
0xbd: {  	[dreg:$0x2] =	wrdreg s24  }
0xbe: {  	[dreg:$0x3] =	wrdreg $0xA8000  }
0xbf: {  	[dreg:$0x4] =	wrdreg $0x9  }
0xc0: {  	_ =	task.clear_ibuf [dreg:s22], $0x5FFFF;
	_ =	strace $0x90000049  }
0xc1: {  	s29 =	simm.s32 $0x9;
	_ =	strace $0x8000004B  }
0xc2: {  	_ =	swait.ge [sflag:s29], $0x1  }
0xc3: {  	[sflag:s29] =	ssyncadd.s32 $0xFFFFFFFF  }
0xc4: {  	_ =	strace $0x9000004B  }
0xc5: {  	_ =	sfence  }
0xc6: {  	s30 =	sld [smem:$0x0];
	_ =	sdelay $0x2  }
0xc7: {  	s31 =	sshll.u32 s1, $0xD;
	s1 =	sshrl.u32 s1, $0x2  }
0xc8: {  	s4 =	sand.u32 $0x4000, s31;
	s1 =	sadd.s32 s1, s30  }
0xc9: {  	s0 =	sor.u32 s4, s0;
	s1 =	sshll.u32 s1, $0x11  }
0xca: {  	s0 =	sor.u32 s1, s0  }
0xcb: {  	s0 =	sadd.s32 $0x8F2B, s0  }
0xcc: {  	[sflag:s0] =	ssyncadd.remote.s32 $0x1  }
0xcd: {  	_ =	sfence.sel $0xFFFF  }
0xce: {  	[dreg:$0x0] =	wrdreg $0xFFFFFFFF;
	(pc) =	sbr.abs _section_cstart, $3  }
0xcf: {  	[dreg:$0x1] =	wrdreg $0xFFFFFFFF  }
0xd0: {  	_ =	task.clear_ibuf [dreg:s22], $0x2FFFF;
	_ =	strace $0x9FFFFFFF  }
0xd1: {  	(tm) =	ssettm $0x7FFFFFFF  }
tec
execute0_lowered:
.L_overlay_start_1:
0x0: {  	(tag) =	ssettag $0x1  }
0x1: {  	s1 =	rddreg [dreg:$0x0]  }
0x2: {  	s0 =	srdreg.scid;
	s2 =	rddreg [dreg:$0x1];
	s3 =	simm.s32 $0x0  }
0x3: {  	s11 =	stileid.u32;
	s0 =	sand.u32 $0x1, s0;
	[smem:$0x7FF] =	sst s3  }
0x4: {  	s6 =	smul.u32 $0x4E000, s11;
	s7 =	sadd.s32 $0x17800, s1;
	s9 =	sadd.s32 $0x66200, s1  }
0x5: {  	s13 =	smul.u32 $0x270, s11;
	p0 =	seq.s32 s11, $0xF;
	s29 =	sadd.s32 $0x12C800, s2  }
0x6: {  	s30 =	sadd.s32 $0x130800, s2;
	s31 =	sadd.s32 $0x134800, s2;
	s4 =	sshll.u32 s0, $0x4  }
0x7: {  	_ =	strace $0x8000004A;
	s5 =	smul.u32 $0x27100, s0;
	[dreg:$0x3] =	wrdreg s7  }
0x8: {  	s0 =	ssub.s32 $0x2, s0;
	[dreg:$0x4] =	wrdreg s9;
	s4 =	sor.u32 s11, s4  }
0x9: {  	s10 =	sshrl.u32 s0, $0x1;
	s12 =	sshrl.u32 s6, $0x2;
	s17 =	sadd.s32 $0x68, s13  }
0xa: {  	s21 =	sadd.s32 $0xD0, s13;
	s9 =	sadd.s32 $0x138, s13;
	s25 =	sadd.s32 $0x208, s13  }
0xb: {  	s4 =	smul.u32 $0x500, s4;
	s0 =	ssub.s32 s0, s10;
	s7 =	sadd.s32 s12, s2  }
0xc: {  	s20 =	sshll.u32 s17, $0x7;
	s22 =	sshll.u32 s21, $0x7;
	s23 =	sshll.u32 s9, $0x7  }
0xd: {  	s10 =	sadd.s32 $0x1A0, s13;
	s9 =	sshll.u32 s9, $0x4;
	s0 =	smax.u32 s0, $0x1  }
0xe: {  	s26 =	sshll.u32 s25, $0x7;
	s14 =	sadd.s32 $0x3400, s7;
	[dreg:$0x6] =	wrdreg s0  }
0xf: {  	s15 =	sadd.s32 $0x6800, s7;
	s16 =	sadd.s32 $0x9C00, s7;
	[dreg:$0x7] =	wrdreg s14  }
0x10: {  	s18 =	sadd.s32 $0xD000, s7;
	s19 =	sadd.s32 $0x10400, s7;
	[dreg:$0x8] =	wrdreg s15  }
0x11: {  	s24 =	sshll.u32 s10, $0x7;
	s6 =	sshll.u32 s10, $0x4;
	[dreg:$0x9] =	wrdreg s16  }
0x12: {  	s4 =	sadd.s32 s4, s1;
	s1 =	sadd.s32 s5, s1;
	[dreg:$0xa] =	wrdreg s18  }
0x13: {  	[dreg:$0xb] =	wrdreg s19;
	s15 =	sadd.s32 s20, s2;
	s0 =	sshll.u32 s17, $0x4  }
0x14: {  	s16 =	sadd.s32 s22, s2;
	s17 =	sadd.s32 s23, s2;
	s18 =	sadd.s32 s24, s2  }
0x15: {  	s19 =	sadd.s32 s26, s2;
	s5 =	sshll.u32 s25, $0x4;
	s25 =	sadd.s32 $0x124800, s2  }
0x16: {  	s26 =	sadd.s32 $0x128800, s2;
	s4 =	sadd.s32 $0xD800, s4;
	s8 =	sadd.s32 $0x66A00, s1  }
0x17: {  	s1 =	sshll.u32 s21, $0x4;
	[dreg:$0x5] =	wrdreg s4;
	s4 =	smul.u32 $0x2700, s11  }
0x18: {  	s21 =	sadd.s32 @!p0 s0, s8;
	s22 =	sadd.s32 @!p0 s1, s8;
	s23 =	sadd.s32 @!p0 s9, s8  }
0x19: {  	s24 =	sadd.s32 @!p0 s6, s8;
	s28 =	sadd.s32 @!p0 s5, s8;
	s1 =	simm.s32 $0x3  }
0x1a: {  	s0 =	simm.s32 $0x2800;
	s5 =	simm.s32 $0x1;
	s6 =	simm.s32 $0x2  }
0x1b: {  	s9 =	simm.s32 $0x0;
	s20 =	sadd.s32 @!p0 s4, s8;
	s4 =	simm.s32 $0x80  }
.LBB2_1:
0x1c: {  	s10 =	rddreg [dreg:$0x3];
	s11 =	simm.s32 $0x6800  }
0x1d: {  	[tilespmem:s11], [sflag:$0x3] =	stream.linear.gather [hbm4b:s10+s3], $0x4000, $0x38;
	[tilespmem:$0x1E480] =	vst v63  }
0x1e: {  	_ =	swait.ge [sflag:s1], $0x4000  }
0x1f: {  	[sflag:s1] =	ssyncset.done $0x0  }
0x20: {  	s10 =	simm.s32 @p0 $0x6800;
	s11 =	simm.s32 @p0 $0x3;
	[sflag:s1] =	ssyncadd.s32 $0xFFFFC000  }
0x21: {  	[spmem:s25] =	stream.linear.scatter @p0 [tilespmem:s10], [sflag:$0x3], $0x4000, $0x38;
	[tilespmem:$0x1E480] =	vst v63  }
0x22: {  	_ =	swait.ge @p0 [sflag:s11], $0x4000  }
0x23: {  	[sflag:s11] =	ssyncset.done @p0 $0x0  }
0x24: {  	[sflag:s11] =	ssyncadd.s32 @p0 $0xFFFFC000  }
0x25: {  	[spmem:s26] =	stream.linear.scatter @p0 [tilespmem:s10], [sflag:$0x3], $0x4000, $0x38;
	[tilespmem:$0x1E480] =	vst v63  }
0x26: {  	_ =	swait.ge @p0 [sflag:s11], $0x4000  }
0x27: {  	[sflag:s11] =	ssyncset.done @p0 $0x0  }
0x28: {  	[sflag:s11] =	ssyncadd.s32 @p0 $0xFFFFC000  }
0x29: {  	[spmem:s29] =	stream.linear.scatter @p0 [tilespmem:s10], [sflag:$0x3], $0x4000, $0x38;
	[tilespmem:$0x1E480] =	vst v63  }
0x2a: {  	_ =	swait.ge @p0 [sflag:s11], $0x4000  }
0x2b: {  	[sflag:s11] =	ssyncset.done @p0 $0x0  }
0x2c: {  	[sflag:s11] =	ssyncadd.s32 @p0 $0xFFFFC000  }
0x2d: {  	[spmem:s30] =	stream.linear.scatter @p0 [tilespmem:s10], [sflag:$0x3], $0x4000, $0x38;
	[tilespmem:$0x1E480] =	vst v63  }
0x2e: {  	_ =	swait.ge @p0 [sflag:s11], $0x4000  }
0x2f: {  	[sflag:s11] =	ssyncset.done @p0 $0x0  }
0x30: {  	[sflag:s11] =	ssyncadd.s32 @p0 $0xFFFFC000  }
0x31: {  	[spmem:s31] =	stream.linear.scatter @p0 [tilespmem:s10], [sflag:$0x3], $0x4000, $0x38;
	[tilespmem:$0x1E480] =	vst v63  }
0x32: {  	_ =	swait.ge @p0 [sflag:s11], $0x4000  }
0x33: {  	[sflag:s11] =	ssyncset.done @p0 $0x0  }
0x34: {  	s10 =	simm.s32 @!p0 $0x6800;
	[sflag:s11] =	ssyncadd.s32 @p0 $0xFFFFC000;
	s11 =	simm.s32 @!p0 $0x3  }
0x35: {  	[spmem:s7] =	stream.linear.scatter @!p0 [tilespmem:s10], [sflag:$0x3], $0x3400, $0x38;
	[tilespmem:$0x1E480] =	vst v63  }
0x36: {  	_ =	swait.ge @!p0 [sflag:s11], $0x3400  }
0x37: {  	[sflag:s11] =	ssyncset.done @!p0 $0x0  }
0x38: {  	s12 =	rddreg [dreg:$0x7];
	[sflag:s11] =	ssyncadd.s32 @!p0 $0xFFFFCC00  }
0x39: {  	[spmem:s12] =	stream.linear.scatter @!p0 [tilespmem:s10], [sflag:$0x3], $0x3400, $0x38;
	[tilespmem:$0x1E480] =	vst v63  }
0x3a: {  	_ =	swait.ge @!p0 [sflag:s11], $0x3400  }
0x3b: {  	[sflag:s11] =	ssyncset.done @!p0 $0x0  }
0x3c: {  	s12 =	rddreg [dreg:$0x8];
	[sflag:s11] =	ssyncadd.s32 @!p0 $0xFFFFCC00  }
0x3d: {  	[spmem:s12] =	stream.linear.scatter @!p0 [tilespmem:s10], [sflag:$0x3], $0x3400, $0x38;
	[tilespmem:$0x1E480] =	vst v63  }
0x3e: {  	_ =	swait.ge @!p0 [sflag:s11], $0x3400  }
0x3f: {  	[sflag:s11] =	ssyncset.done @!p0 $0x0  }
0x40: {  	s12 =	rddreg [dreg:$0x9];
	[sflag:s11] =	ssyncadd.s32 @!p0 $0xFFFFCC00  }
0x41: {  	[spmem:s12] =	stream.linear.scatter @!p0 [tilespmem:s10], [sflag:$0x3], $0x3400, $0x38;
	[tilespmem:$0x1E480] =	vst v63  }
0x42: {  	_ =	swait.ge @!p0 [sflag:s11], $0x3400  }
0x43: {  	[sflag:s11] =	ssyncset.done @!p0 $0x0  }
0x44: {  	s12 =	rddreg [dreg:$0xa];
	[sflag:s11] =	ssyncadd.s32 @!p0 $0xFFFFCC00  }
0x45: {  	[spmem:s12] =	stream.linear.scatter @!p0 [tilespmem:s10], [sflag:$0x3], $0x3400, $0x38;
	[tilespmem:$0x1E480] =	vst v63  }
0x46: {  	_ =	swait.ge @!p0 [sflag:s11], $0x3400  }
0x47: {  	[sflag:s11] =	ssyncset.done @!p0 $0x0  }
0x48: {  	s12 =	rddreg [dreg:$0xb];
	[sflag:s11] =	ssyncadd.s32 @!p0 $0xFFFFCC00  }
0x49: {  	[spmem:s12] =	stream.linear.scatter @!p0 [tilespmem:s10], [sflag:$0x3], $0x3400, $0x38;
	[tilespmem:$0x1E480] =	vst v63  }
0x4a: {  	_ =	swait.ge @!p0 [sflag:s11], $0x3400  }
0x4b: {  	[sflag:s11] =	ssyncset.done @!p0 $0x0  }
0x4c: {  	[sflag:s11] =	ssyncadd.s32 @!p0 $0xFFFFCC00;
	s11 =	rddreg [dreg:$0x4]  }
0x4d: {  	[tilespmem:s0], [sflag:$0x3] =	stream.linear.gather [hbm4b:s11+s3], $0x4000, $0x38;
	[tilespmem:$0x1E480] =	vst v63  }
0x4e: {  	_ =	swait.ge [sflag:s1], $0x4000  }
0x4f: {  	[sflag:s1] =	ssyncset.done $0x0  }
0x50: {  	s12 =	rddreg [dreg:$0x5];
	[sflag:s1] =	ssyncadd.s32 $0xFFFFC000  }
0x51: {  	[tilespmem:s3], [sflag:$0x3] =	stream.linear.gather [hbm4b:s12+s3], $0x2800, $0x38;
	[tilespmem:$0x1E480] =	vst v63  }
0x52: {  	_ =	swait.ge [sflag:s1], $0x2800  }
0x53: {  	[sflag:s1] =	ssyncset.done $0x0  }
0x54: {  	[sflag:s1] =	ssyncadd.s32 $0xFFFFD800  }
0x55: {  	[bflag:$0x0] =	sbarrier.arrive $0xFFFF  }
0x56: {  	[spmem:s2] =	stream.indirect.scatter.add.f32 [tilespmem:s0], [sflag:$0x1], $0x80, s3, s4, $0xb8;
	[tilespmem:$0x1E480] =	vst v63  }
0x57: {  	s13 =	simm.s32 $0x80  }
0x58: {  	[spmem:s2] =	stream.indirect.scatter.add.f32 [tilespmem:s0], [sflag:$0x2], $0x80, s13, s4, $0xb8;
	[tilespmem:$0x1E480] =	vst v63  }
0x59: {  	_ =	swait.ge [sflag:s5], $0x4000  }
0x5a: {  	[sflag:s5] =	ssyncset.done $0x0  }
0x5b: {  	s14 =	simm.s32 $0x100;
	[sflag:s5] =	ssyncadd.s32 $0xFFFFC000  }
0x5c: {  	[spmem:s2] =	stream.indirect.scatter.add.f32 [tilespmem:s0], [sflag:$0x1], $0x80, s14, s4, $0xb8;
	[tilespmem:$0x1E480] =	vst v63  }
0x5d: {  	_ =	swait.ge [sflag:s6], $0x4000  }
0x5e: {  	s10 =	simm.s32 $0xFFFFDA00;
	s11 =	simm.s32 $0xFFFF6C00;
	[sflag:s6] =	ssyncset.done $0x0  }
.LBB2_2:
0x5f: {  	s12 =	sadd.s32 $0x2780, s10  }
0x60: {  	[sflag:s6] =	ssyncadd.s32 $0xFFFFC000;
	s13 =	smov.u32 s11;
	s14 =	sadd.s32 $0x400, s11  }
0x61: {  	[spmem:s2] =	stream.indirect.scatter.add.f32 [tilespmem:s0], [sflag:$0x2], $0x80, s12, s4, $0xb8;
	[tilespmem:$0x1E480] =	vst v63  }
0x62: {  	p1 =	sne.s32 s11, $0xFFFFFC00;
	_ =	swait.ge [sflag:s5], $0x4000  }
.Ltmp0:
0x63: {  	[sflag:s5] =	ssyncset.done $0x0;
	(pc) =	sbr.rel @p1 .LBB2_2-.Ltmp0, $4  }
0x64: {  	s10 =	sadd.s32 $0x2800, s10;
	[sflag:s5] =	ssyncadd.s32 $0xFFFFC000  }
0x65: {  	[spmem:s2] =	stream.indirect.scatter.add.f32 [tilespmem:s0], [sflag:$0x1], $0x80, s10, s4, $0xb8;
	[tilespmem:$0x1E480] =	vst v63  }
0x66: {  	_ =	swait.ge [sflag:s6], $0x4000  }
0x67: {  	s11 =	smov.u32 s14;
	s10 =	sshra.s32 s13, $0x2;
	[sflag:s6] =	ssyncset.done $0x0  }
0x68: {  	s11 =	sadd.s32 $0x2780, s10;
	[sflag:s6] =	ssyncadd.s32 $0xFFFFC000  }
0x69: {  	[spmem:s2] =	stream.indirect.scatter.add.f32 [tilespmem:s0], [sflag:$0x2], $0x80, s11, s4, $0xb8;
	[tilespmem:$0x1E480] =	vst v63  }
0x6a: {  	_ =	swait.ge [sflag:s5], $0x4000  }
0x6b: {  	[sflag:s5] =	ssyncset.done $0x0  }
0x6c: {  	s12 =	sadd.s32 $0x2800, s10;
	[sflag:s5] =	ssyncadd.s32 $0xFFFFC000  }
0x6d: {  	[spmem:s2] =	stream.indirect.scatter.add.f32 [tilespmem:s0], [sflag:$0x1], $0x80, s12, s4, $0xb8;
	[tilespmem:$0x1E480] =	vst v63  }
0x6e: {  	_ =	swait.ge [sflag:s6], $0x4000  }
0x6f: {  	[sflag:s6] =	ssyncset.done $0x0  }
0x70: {  	s13 =	simm.s32 $0x2780;
	[sflag:s6] =	ssyncadd.s32 $0xFFFFC000  }
0x71: {  	[spmem:s2] =	stream.indirect.scatter.add.f32 [tilespmem:s0], [sflag:$0x2], $0x80, s13, s4, $0xb8;
	[tilespmem:$0x1E480] =	vst v63  }
0x72: {  	_ =	swait.ge [sflag:s5], $0x4000  }
0x73: {  	[sflag:s5] =	ssyncset.done $0x0  }
0x74: {  	[sflag:s5] =	ssyncadd.s32 $0xFFFFC000  }
0x75: {  	_ =	swait.ge [sflag:s6], $0x4000  }
0x76: {  	[sflag:s6] =	ssyncset.done $0x0  }
0x77: {  	[sflag:s6] =	ssyncadd.s32 $0xFFFFC000  }
0x78: {  	s10 =	simm.s32 @p0 $0x6800;
	s11 =	simm.s32 @p0 $0x3;
	[bflag:$0x0] =	sbarrier.arrive $0xFFFF  }
0x79: {  	[tilespmem:s10], [sflag:$0x3] =	stream.linear.gather @p0 [spmem:s25], $0x4000, $0x38;
	[tilespmem:$0x1E480] =	vst v63  }
0x7a: {  	_ =	swait.ge @p0 [sflag:s11], $0x4000  }
0x7b: {  	[sflag:s11] =	ssyncset.done @p0 $0x0  }
0x7c: {  	s12 =	sadd.s32 @p0 $0x24900, s8;
	s13 =	simm.s32 @p0 $0x0;
	[sflag:s11] =	ssyncadd.s32 @p0 $0xFFFFC000  }
0x7d: {  	[hbm4b:s12+s13] =	stream.linear.scatter @p0 [tilespmem:s10], [sflag:$0x3], $0x4000, $0x38;
	[tilespmem:$0x1E480] =	vst v63  }
0x7e: {  	_ =	swait.ge @p0 [sflag:s11], $0x4000  }
0x7f: {  	[sflag:s11] =	ssyncset.done @p0 $0x0  }
0x80: {  	[sflag:s11] =	ssyncadd.s32 @p0 $0xFFFFC000  }
0x81: {  	[tilespmem:s10], [sflag:$0x3] =	stream.linear.gather @p0 [spmem:s26], $0x4000, $0x38;
	[tilespmem:$0x1E480] =	vst v63  }
0x82: {  	_ =	swait.ge @p0 [sflag:s11], $0x4000  }
0x83: {  	[sflag:s11] =	ssyncset.done @p0 $0x0  }
0x84: {  	s12 =	sadd.s32 @p0 $0x25100, s8;
	[sflag:s11] =	ssyncadd.s32 @p0 $0xFFFFC000  }
0x85: {  	[hbm4b:s12+s13] =	stream.linear.scatter @p0 [tilespmem:s10], [sflag:$0x3], $0x4000, $0x38;
	[tilespmem:$0x1E480] =	vst v63  }
0x86: {  	_ =	swait.ge @p0 [sflag:s11], $0x4000  }
0x87: {  	[sflag:s11] =	ssyncset.done @p0 $0x0  }
0x88: {  	[sflag:s11] =	ssyncadd.s32 @p0 $0xFFFFC000  }
0x89: {  	[tilespmem:s10], [sflag:$0x3] =	stream.linear.gather @p0 [spmem:s29], $0x4000, $0x38;
	[tilespmem:$0x1E480] =	vst v63  }
0x8a: {  	_ =	swait.ge @p0 [sflag:s11], $0x4000  }
0x8b: {  	[sflag:s11] =	ssyncset.done @p0 $0x0  }
0x8c: {  	s12 =	sadd.s32 @p0 $0x25900, s8;
	[sflag:s11] =	ssyncadd.s32 @p0 $0xFFFFC000  }
0x8d: {  	[hbm4b:s12+s13] =	stream.linear.scatter @p0 [tilespmem:s10], [sflag:$0x3], $0x4000, $0x38;
	[tilespmem:$0x1E480] =	vst v63  }
0x8e: {  	_ =	swait.ge @p0 [sflag:s11], $0x4000  }
0x8f: {  	[sflag:s11] =	ssyncset.done @p0 $0x0  }
0x90: {  	[sflag:s11] =	ssyncadd.s32 @p0 $0xFFFFC000  }
0x91: {  	[tilespmem:s10], [sflag:$0x3] =	stream.linear.gather @p0 [spmem:s30], $0x4000, $0x38;
	[tilespmem:$0x1E480] =	vst v63  }
0x92: {  	_ =	swait.ge @p0 [sflag:s11], $0x4000  }
0x93: {  	[sflag:s11] =	ssyncset.done @p0 $0x0  }
0x94: {  	s12 =	sadd.s32 @p0 $0x26100, s8;
	[sflag:s11] =	ssyncadd.s32 @p0 $0xFFFFC000  }
0x95: {  	[hbm4b:s12+s13] =	stream.linear.scatter @p0 [tilespmem:s10], [sflag:$0x3], $0x4000, $0x38;
	[tilespmem:$0x1E480] =	vst v63  }
0x96: {  	_ =	swait.ge @p0 [sflag:s11], $0x4000  }
0x97: {  	[sflag:s11] =	ssyncset.done @p0 $0x0  }
0x98: {  	[sflag:s11] =	ssyncadd.s32 @p0 $0xFFFFC000  }
0x99: {  	[tilespmem:s10], [sflag:$0x3] =	stream.linear.gather @p0 [spmem:s31], $0x4000, $0x38;
	[tilespmem:$0x1E480] =	vst v63  }
0x9a: {  	_ =	swait.ge @p0 [sflag:s11], $0x4000  }
0x9b: {  	[sflag:s11] =	ssyncset.done @p0 $0x0  }
0x9c: {  	s12 =	sadd.s32 @p0 $0x26900, s8;
	[sflag:s11] =	ssyncadd.s32 @p0 $0xFFFFC000  }
0x9d: {  	[hbm4b:s12+s13] =	stream.linear.scatter @p0 [tilespmem:s10], [sflag:$0x3], $0x4000, $0x38;
	[tilespmem:$0x1E480] =	vst v63  }
0x9e: {  	_ =	swait.ge @p0 [sflag:s11], $0x4000  }
0x9f: {  	[sflag:s11] =	ssyncset.done @p0 $0x0  }
0xa0: {  	s10 =	simm.s32 @!p0 $0x6800;
	[sflag:s11] =	ssyncadd.s32 @p0 $0xFFFFC000;
	s11 =	simm.s32 @!p0 $0x3  }
0xa1: {  	[tilespmem:s10], [sflag:$0x3] =	stream.linear.gather @!p0 [spmem:s7], $0x3400, $0x38;
	[tilespmem:$0x1E480] =	vst v63  }
0xa2: {  	_ =	swait.ge @!p0 [sflag:s11], $0x3400  }
0xa3: {  	[sflag:s11] =	ssyncset.done @!p0 $0x0  }
0xa4: {  	s12 =	simm.s32 @!p0 $0x0;
	[sflag:s11] =	ssyncadd.s32 @!p0 $0xFFFFCC00  }
0xa5: {  	[hbm4b:s20+s12] =	stream.linear.scatter @!p0 [tilespmem:s10], [sflag:$0x3], $0x3400, $0x38;
	[tilespmem:$0x1E480] =	vst v63  }
0xa6: {  	_ =	swait.ge @!p0 [sflag:s11], $0x3400  }
0xa7: {  	[sflag:s11] =	ssyncset.done @!p0 $0x0  }
0xa8: {  	[sflag:s11] =	ssyncadd.s32 @!p0 $0xFFFFCC00  }
0xa9: {  	[tilespmem:s10], [sflag:$0x3] =	stream.linear.gather @!p0 [spmem:s15], $0x3400, $0x38;
	[tilespmem:$0x1E480] =	vst v63  }
0xaa: {  	_ =	swait.ge @!p0 [sflag:s11], $0x3400  }
0xab: {  	[sflag:s11] =	ssyncset.done @!p0 $0x0  }
0xac: {  	[sflag:s11] =	ssyncadd.s32 @!p0 $0xFFFFCC00  }
0xad: {  	[hbm4b:s21+s12] =	stream.linear.scatter @!p0 [tilespmem:s10], [sflag:$0x3], $0x3400, $0x38;
	[tilespmem:$0x1E480] =	vst v63  }
0xae: {  	_ =	swait.ge @!p0 [sflag:s11], $0x3400  }
0xaf: {  	[sflag:s11] =	ssyncset.done @!p0 $0x0  }
0xb0: {  	[sflag:s11] =	ssyncadd.s32 @!p0 $0xFFFFCC00  }
0xb1: {  	[tilespmem:s10], [sflag:$0x3] =	stream.linear.gather @!p0 [spmem:s16], $0x3400, $0x38;
	[tilespmem:$0x1E480] =	vst v63  }
0xb2: {  	_ =	swait.ge @!p0 [sflag:s11], $0x3400  }
0xb3: {  	[sflag:s11] =	ssyncset.done @!p0 $0x0  }
0xb4: {  	[sflag:s11] =	ssyncadd.s32 @!p0 $0xFFFFCC00  }
0xb5: {  	[hbm4b:s22+s12] =	stream.linear.scatter @!p0 [tilespmem:s10], [sflag:$0x3], $0x3400, $0x38;
	[tilespmem:$0x1E480] =	vst v63  }
0xb6: {  	_ =	swait.ge @!p0 [sflag:s11], $0x3400  }
0xb7: {  	[sflag:s11] =	ssyncset.done @!p0 $0x0  }
0xb8: {  	[sflag:s11] =	ssyncadd.s32 @!p0 $0xFFFFCC00  }
0xb9: {  	[tilespmem:s10], [sflag:$0x3] =	stream.linear.gather @!p0 [spmem:s17], $0x3400, $0x38;
	[tilespmem:$0x1E480] =	vst v63  }
0xba: {  	_ =	swait.ge @!p0 [sflag:s11], $0x3400  }
0xbb: {  	[sflag:s11] =	ssyncset.done @!p0 $0x0  }
0xbc: {  	[sflag:s11] =	ssyncadd.s32 @!p0 $0xFFFFCC00  }
0xbd: {  	[hbm4b:s23+s12] =	stream.linear.scatter @!p0 [tilespmem:s10], [sflag:$0x3], $0x3400, $0x38;
	[tilespmem:$0x1E480] =	vst v63  }
0xbe: {  	_ =	swait.ge @!p0 [sflag:s11], $0x3400  }
0xbf: {  	[sflag:s11] =	ssyncset.done @!p0 $0x0  }
0xc0: {  	[sflag:s11] =	ssyncadd.s32 @!p0 $0xFFFFCC00  }
0xc1: {  	[tilespmem:s10], [sflag:$0x3] =	stream.linear.gather @!p0 [spmem:s18], $0x3400, $0x38;
	[tilespmem:$0x1E480] =	vst v63  }
0xc2: {  	_ =	swait.ge @!p0 [sflag:s11], $0x3400  }
0xc3: {  	[sflag:s11] =	ssyncset.done @!p0 $0x0  }
0xc4: {  	[sflag:s11] =	ssyncadd.s32 @!p0 $0xFFFFCC00  }
0xc5: {  	[hbm4b:s24+s12] =	stream.linear.scatter @!p0 [tilespmem:s10], [sflag:$0x3], $0x3400, $0x38;
	[tilespmem:$0x1E480] =	vst v63  }
0xc6: {  	_ =	swait.ge @!p0 [sflag:s11], $0x3400  }
0xc7: {  	[sflag:s11] =	ssyncset.done @!p0 $0x0  }
0xc8: {  	[sflag:s11] =	ssyncadd.s32 @!p0 $0xFFFFCC00  }
0xc9: {  	[tilespmem:s10], [sflag:$0x3] =	stream.linear.gather @!p0 [spmem:s19], $0x3400, $0x38;
	[tilespmem:$0x1E480] =	vst v63  }
0xca: {  	_ =	swait.ge @!p0 [sflag:s11], $0x3400  }
0xcb: {  	[sflag:s11] =	ssyncset.done @!p0 $0x0  }
0xcc: {  	[sflag:s11] =	ssyncadd.s32 @!p0 $0xFFFFCC00  }
0xcd: {  	[hbm4b:s28+s12] =	stream.linear.scatter @!p0 [tilespmem:s10], [sflag:$0x3], $0x3400, $0x38;
	[tilespmem:$0x1E480] =	vst v63  }
0xce: {  	_ =	swait.ge @!p0 [sflag:s11], $0x3400  }
0xcf: {  	s9 =	sadd.s32 $0x1, s9;
	s14 =	rddreg [dreg:$0x6]  }
0xd0: {  	p1 =	sne.s32 s9, s14  }
.Ltmp1:
0xd1: {  	_ = 	snop;
	(pc) =	sbr.rel @p1 .LBB2_1-.Ltmp1, $3  }
0xd2: {  	_ =	sdelay $0x1  }
0xd3: {  	[sflag:s11] =	ssyncset.done @!p0 $0x0  }
0xd4: {  	[sflag:s11] =	ssyncadd.s32 @!p0 $0xFFFFCC00  }
0xd5: {  	_ =	sfence.sel $0x180000  }
0xd6: {  	[bflag:$0x0] =	sbarrier.arrive $0xFFFF  }
0xd7: {  	_ =	strace $0x9000004A  }
0xd8: {  	s0 =	stileid.u32;
	[bflag:$0x2] =	sbarrier.arrive $0xFFFF  }
0xd9: {  	p0 =	sne.s32 s0, $0x0;
	s0 =	rddreg [dreg:$0x2]  }
0xda: {  	s0 =	sadd.s32 @!p0 $0x100000, s0  }
0xdb: {  	[sflag:s0] =	ssyncadd.tile.s32 @!p0 $0x1;
	_ =	shalt  }
.Lfunc_end2:
_tile_overlayer_lowered:
.L_overlay_start_2:
0xdc: {  	(tag) =	ssettag $0x2  }
0xdd: {  	s0 =	rddreg [dreg:$0x0];
	s2 =	stileid.u32  }
0xde: {  	s1 =	rddreg [dreg:$0x1];
	p0 =	sne.s32 s2, $0x0  }
0xdf: {  	s3 =	rddreg [dreg:$0x2];
	[bflag:$0x3] =	sbarrier.arrive $0xFFFF;
	s2 =	simm.s32 @!p0 $0x1C03  }
0xe0: {  	[timem:s3], [sflag:s2] =	dma.local @!p0 [hbm:s0], s1  }
0xe1: {  	s0 =	simm.s32 @!p0 $0x3  }
0xe2: {  	_ =	swait.ge @!p0 [sflag:s0], s1  }
0xe3: {  	s1 =	ssub.s32 @!p0 $0x0, s1;
	[sflag:s0] =	ssyncset.done @!p0 $0x0  }
0xe4: {  	[sflag:s0] =	ssyncadd.s32 @!p0 s1  }
0xe5: {  	[bflag:$0x3] =	sbarrier.arrive $0xFFFF  }
0xe6: {  	_ =	shalt  }

</sc_bundles>
